<compile_context>
chip_gen: v7x
topology: tpu7x:2x2x1
jax: 0.10.2.dev20260603
libtpu: 0.0.44.dev20260713+nightly
codegen_flags: <defaults>
</compile_context>

<pallas_src>
import functools
import jax
import jax.numpy as jnp
from jax import lax
from jax.experimental import pallas as pl
from jax.experimental.pallas import tpu as pltpu
from jax.experimental.pallas import tpu_sc as plsc

BATCH = 4096
SEQ = 200
DIM = 32
NW = 32
BPW = BATCH // NW
NBUF = 8
G = 6
NOBUF = 4


def _body(x_hbm, tok_hbm, pos_hbm, out_hbm, idx_v, pos_v, buf_v, obuf_v,
          gsem, ssem):
  cid = lax.axis_index("c")
  sid = lax.axis_index("s")
  wid = sid * 2 + cid

  pltpu.sync_copy(x_hbm.at[:, wid], idx_v)
  pltpu.sync_copy(pos_hbm, pos_v)

  def start_gather(m, b):
    pltpu.async_copy(tok_hbm.at[idx_v.at[m // 8, m % 8]], buf_v.at[b],
                     gsem.at[b])

  def wait_gather(m, b):
    pltpu.make_async_copy(tok_hbm.at[idx_v.at[m // 8, m % 8]], buf_v.at[b],
                          gsem.at[b]).wait()

  def out_slice(l):
    return out_hbm.at[l, :, wid]

  lane = lax.iota(jnp.int32, 16)
  trv0 = lax.shift_right_logical(lane, 3)
  trv1 = trv0 + 2
  sv = lane & 7

  for j in range(G):
    start_gather(j, j)

  @pl.loop(0, SEQ, step=NBUF)
  def _outer(l0):
    for j in range(NBUF):
      l = l0 + j
      b = j
      wait_gather(l, b)

      p0 = pos_v[l, 0:16]
      p1 = pos_v[l, 16:32]

      ob = l % NOBUF

      @pl.when(l >= NOBUF)
      def _():
        pltpu.make_async_copy(obuf_v.at[ob, :, :, pl.ds(0, BPW)],
                              out_slice(l - NOBUF), ssem.at[ob]).wait()

      @plsc.parallel_loop(0, BPW, unroll=8)
      def _r_loop(r):
        jsplat = lane * 0 + r
        v0 = buf_v[b, r, 0:16] + p0
        v1 = buf_v[b, r, 16:32] + p1
        plsc.store_scatter(obuf_v.at[ob], [trv0, sv, jsplat], v0)
        plsc.store_scatter(obuf_v.at[ob], [trv1, sv, jsplat], v1)

      pltpu.async_copy(obuf_v.at[ob, :, :, pl.ds(0, BPW)], out_slice(l),
                       ssem.at[ob])

      m = l + G

      @pl.when(m < SEQ)
      def _():
        start_gather(m, (j + G) % NBUF)

  for j in range(NOBUF):
    pltpu.make_async_copy(obuf_v.at[j, :, :, pl.ds(0, BPW)],
                          out_slice(SEQ - NOBUF + j), ssem.at[j]).wait()


def kernel(x, token_table, pos_table):
  xq = (x.astype(jnp.int32).T
        .reshape(SEQ // 8, 8, NW, BPW)
        .transpose(0, 2, 1, 3))
  mesh = plsc.VectorSubcoreMesh(core_axis_name="c", subcore_axis_name="s")
  run = pl.kernel(
      _body,
      out_type=jax.ShapeDtypeStruct((SEQ, DIM // 8, NW, 8, BPW),
                                    jnp.float32),
      mesh=mesh,
      compiler_params=pltpu.CompilerParams(use_tc_tiling_on_sc=False,
                                           needs_layout_passes=False),
      scratch_types=[
          pltpu.VMEM((SEQ // 8, 8, BPW), jnp.int32),
          pltpu.VMEM((SEQ, DIM), jnp.float32),
          pltpu.VMEM((NBUF, BPW, DIM), jnp.float32),
          pltpu.VMEM((NOBUF, DIM // 8, 8, BPW + 1), jnp.float32),
          pltpu.SemaphoreType.DMA((NBUF,)),
          pltpu.SemaphoreType.DMA((NOBUF,)),
      ],
  )
  out5 = run(xq, token_table, pos_table)
  return out5.transpose(2, 4, 0, 1, 3).reshape(BATCH, SEQ, DIM)

# --- scband reference (transcript-rebuilt; emitter-appended) ---
"""Pipeline reference for scband-token-and-position-embedding-28810640621698 (READ-ONLY COPY).

The authoritative reference and input builder live on the scoring server;
editing this copy changes nothing except your own understanding.
"""

import jax, jax.numpy as jnp
import numpy as np

MAX_LEN = 200
VOCAB_SIZE = 1000000
EMBED_DIM = 32
BATCH = 4096
SEQ_LEN = 200

def setup_inputs(seed: int = 0) -> dict:
    key = jax.random.key(seed)
    k1, k2, k3 = jax.random.split(key, 3)
    x = jax.random.randint(k1, (BATCH, SEQ_LEN), 0, VOCAB_SIZE, dtype=jnp.int64 if jax.config.jax_enable_x64 else jnp.int32)
    token_table = jax.random.normal(k2, (VOCAB_SIZE, EMBED_DIM), dtype=jnp.float32) * 0.05
    pos_table = jax.random.normal(k3, (MAX_LEN, EMBED_DIM), dtype=jnp.float32) * 0.05
    return {"x": x, "token_table": token_table, "pos_table": pos_table}

def reference(x, token_table, pos_table):
    # TokenAndPositionEmbedding.call
    seq_len = x.shape[-1]
    positions = jnp.arange(0, seq_len)
    pos_embedded = jnp.take(pos_table, positions, axis=0)        # [L, D]
    tok_embedded = jnp.take(token_table, x, axis=0)              # [B, L, D]
    return tok_embedded + pos_embedded

if __name__ == "__main__":
    import jax
    _d = setup_inputs()
    print(jax.jit(kernel)(*tuple(_d.values())))

</pallas_src>

<mosaic_0001>
#map = affine_map<(d0, d1) -> (0, 0, 0, 0)>
#map1 = affine_map<(d0, d1) -> (0, 0)>
#map2 = affine_map<(d0, d1) -> (0, 0, 0, 0, 0)>
module attributes {stable_mosaic.version = 14 : i64} {
  func.func @_body(%arg0: i32, %arg1: i32, %arg2: memref<25x32x8x128xi32, #tpu.memory_space<hbm>>, %arg3: memref<1000000x32xf32, #tpu.memory_space<hbm>>, %arg4: memref<200x32xf32, #tpu.memory_space<hbm>>, %arg5: memref<200x4x32x8x128xf32, #tpu.memory_space<hbm>>, %arg6: memref<25x8x128xi32, #tpu.memory_space<vmem>>, %arg7: memref<200x32xf32, #tpu.memory_space<vmem>>, %arg8: memref<8x128x32xf32, #tpu.memory_space<vmem>>, %arg9: memref<4x4x8x129xf32, #tpu.memory_space<vmem>>, %arg10: memref<8x!tpu.dma_semaphore, #tpu.memory_space<semaphore_mem>>, %arg11: memref<4x!tpu.dma_semaphore, #tpu.memory_space<semaphore_mem>>) attributes {dimension_semantics = [#tpu.dimension_semantics<core_parallel>, #tpu.dimension_semantics<subcore_parallel>], iteration_bounds = array<i64: 2, 16>, scalar_prefetch = 0 : i64, scratch_operands = 6 : i64, tpu.core_type = #tpu.core_type<sc_vector_subcore>, window_params = [{transform_indices = #map}, {transform_indices = #map1}, {transform_indices = #map1}, {transform_indices = #map2}]} {
    %mul3A = arith.constant 2 : i32
    %mul3A_0 = arith.muli %arg1, %mul3A : i32
    %add3A = arith.addi %mul3A_0, %arg0 : i32
    "tpu.region"() ({
      %run_scoped3A = tpu.sem_alloc : memref<!tpu.dma_semaphore, #tpu.memory_space<semaphore_mem>>
      %dma_start3A_206 = arith.constant 0 : i32
      %dma_start3A_207 = arith.constant 0 : i32
      %dma_start3A_208 = arith.constant 0 : i32
      %dma_start3A_209 = tpu.memref_slice %arg2[%dma_start3A_206, %add3A, %dma_start3A_207, %dma_start3A_208] : memref<25x32x8x128xi32, #tpu.memory_space<hbm>> -> memref<25x1x8x128xi32, #tpu.memory_space<hbm>>
      %dma_start3A_210 = tpu.memref_squeeze %dma_start3A_209 : memref<25x1x8x128xi32, #tpu.memory_space<hbm>> -> memref<25x8x128xi32, #tpu.memory_space<hbm>>
      %dma_start3A_211 = arith.constant 0 : i32
      %dma_start3A_212 = arith.constant 0 : i32
      %dma_start3A_213 = arith.constant 0 : i32
      %dma_start3A_214 = tpu.memref_slice %arg2[%dma_start3A_211, %add3A, %dma_start3A_212, %dma_start3A_213] : memref<25x32x8x128xi32, #tpu.memory_space<hbm>> -> memref<25x1x8x128xi32, #tpu.memory_space<hbm>>
      %dma_start3A_215 = tpu.memref_squeeze %dma_start3A_214 : memref<25x1x8x128xi32, #tpu.memory_space<hbm>> -> memref<25x8x128xi32, #tpu.memory_space<hbm>>
      tpu.enqueue_dma source(%dma_start3A_215 : memref<25x8x128xi32, #tpu.memory_space<hbm>>) target(%arg6 : memref<25x8x128xi32, #tpu.memory_space<vmem>>) target_semaphore(%run_scoped3A : memref<!tpu.dma_semaphore, #tpu.memory_space<semaphore_mem>>)
      %dma_wait3A_216 = arith.constant 0 : i32
      %dma_wait3A_217 = arith.constant 0 : i32
      %dma_wait3A_218 = arith.constant 0 : i32
      %dma_wait3A_219 = tpu.memref_slice %arg2[%dma_wait3A_216, %add3A, %dma_wait3A_217, %dma_wait3A_218] : memref<25x32x8x128xi32, #tpu.memory_space<hbm>> -> memref<25x1x8x128xi32, #tpu.memory_space<hbm>>
      %dma_wait3A_220 = tpu.memref_squeeze %dma_wait3A_219 : memref<25x1x8x128xi32, #tpu.memory_space<hbm>> -> memref<25x8x128xi32, #tpu.memory_space<hbm>>
      %dma_wait3A_221 = arith.constant 0 : i32
      %dma_wait3A_222 = arith.constant 0 : i32
      %dma_wait3A_223 = arith.constant 0 : i32
      %dma_wait3A_224 = tpu.memref_slice %arg2[%dma_wait3A_221, %add3A, %dma_wait3A_222, %dma_wait3A_223] : memref<25x32x8x128xi32, #tpu.memory_space<hbm>> -> memref<25x1x8x128xi32, #tpu.memory_space<hbm>>
      %dma_wait3A_225 = tpu.memref_squeeze %dma_wait3A_224 : memref<25x1x8x128xi32, #tpu.memory_space<hbm>> -> memref<25x8x128xi32, #tpu.memory_space<hbm>>
      tpu.wait_dma2 semaphore(%run_scoped3A : memref<!tpu.dma_semaphore, #tpu.memory_space<semaphore_mem>>) src(%dma_wait3A_225 : memref<25x8x128xi32, #tpu.memory_space<hbm>>) dst(%arg6 : memref<25x8x128xi32, #tpu.memory_space<vmem>>)
      tpu.yield
    }) : () -> ()
    "tpu.region"() ({
      %run_scoped3A = tpu.sem_alloc : memref<!tpu.dma_semaphore, #tpu.memory_space<semaphore_mem>>
      tpu.enqueue_dma source(%arg4 : memref<200x32xf32, #tpu.memory_space<hbm>>) target(%arg7 : memref<200x32xf32, #tpu.memory_space<vmem>>) target_semaphore(%run_scoped3A : memref<!tpu.dma_semaphore, #tpu.memory_space<semaphore_mem>>)
      tpu.wait_dma2 semaphore(%run_scoped3A : memref<!tpu.dma_semaphore, #tpu.memory_space<semaphore_mem>>) src(%arg4 : memref<200x32xf32, #tpu.memory_space<hbm>>) dst(%arg7 : memref<200x32xf32, #tpu.memory_space<vmem>>)
      tpu.yield
    }) : () -> ()
    %iota3A = tpu.iota {dimensions = array<i32: 0>} : vector<16xi32>
    %shift_right_logical3A = arith.constant 3 : i32
    %shift_right_logical3A_1 = vector.broadcast %shift_right_logical3A : i32 to vector<16xi32>
    %shift_right_logical3A_2 = arith.shrui %iota3A, %shift_right_logical3A_1 : vector<16xi32>
    %add3A_3 = arith.constant 2 : i32
    %add3A_4 = vector.broadcast %add3A_3 : i32 to vector<16xi32>
    %add3A_5 = arith.addi %shift_right_logical3A_2, %add3A_4 : vector<16xi32>
    %and3A = arith.constant 7 : i32
    %and3A_6 = vector.broadcast %and3A : i32 to vector<16xi32>
    %and3A_7 = arith.andi %iota3A, %and3A_6 : vector<16xi32>
    %dma_start3A = arith.constant 0 : i32
    %dma_start3A_8 = arith.constant 0 : i32
    %dma_start3A_9 = arith.constant 0 : i32
    %dma_start3A_10 = arith.constant 0 : i32
    %dma_start3A_11 = arith.constant 0 : i32
    %dma_start3A_12 = arith.constant 0 : i32
    %dma_start3A_13 = tpu.memref_slice %arg8[%dma_start3A_9, %dma_start3A_11, %dma_start3A_12] : memref<8x128x32xf32, #tpu.memory_space<vmem>> -> memref<1x128x32xf32, #tpu.memory_space<vmem>>
    %dma_start3A_14 = tpu.memref_squeeze %dma_start3A_13 : memref<1x128x32xf32, #tpu.memory_space<vmem>> -> memref<128x32xf32, #tpu.memory_space<vmem>>
    %dma_start3A_15 = arith.constant 0 : i32
    %dma_start3A_16 = tpu.memref_slice %arg6[%dma_start3A, %dma_start3A_8, %dma_start3A_15] : memref<25x8x128xi32, #tpu.memory_space<vmem>> -> memref<1x1x128xi32, #tpu.memory_space<vmem>>
    %dma_start3A_17 = tpu.memref_squeeze %dma_start3A_16 : memref<1x1x128xi32, #tpu.memory_space<vmem>> -> memref<128xi32, #tpu.memory_space<vmem>>
    %dma_start3A_18 = arith.constant 0 : i32
    %dma_start3A_19 = arith.constant 0 : i32
    %dma_start3A_20 = tpu.memref_slice %arg3[%dma_start3A_18, %dma_start3A_19] : memref<1000000x32xf32, #tpu.memory_space<hbm>> -> memref<1000000x32xf32, #tpu.memory_space<hbm>>
    %dma_start3A_21 = tpu.memref_slice %arg10[%dma_start3A_10] : memref<8x!tpu.dma_semaphore, #tpu.memory_space<semaphore_mem>> -> memref<1x!tpu.dma_semaphore, #tpu.memory_space<semaphore_mem>>
    %dma_start3A_22 = tpu.memref_squeeze %dma_start3A_21 : memref<1x!tpu.dma_semaphore, #tpu.memory_space<semaphore_mem>> -> memref<!tpu.dma_semaphore, #tpu.memory_space<semaphore_mem>>
    tpu.enqueue_indirect_dma source(%dma_start3A_20 : memref<1000000x32xf32, #tpu.memory_space<hbm>>) target(%dma_start3A_14 : memref<128x32xf32, #tpu.memory_space<vmem>>) offsets(%dma_start3A_17 : memref<128xi32, #tpu.memory_space<vmem>>) semaphore(%dma_start3A_22 : memref<!tpu.dma_semaphore, #tpu.memory_space<semaphore_mem>>)
    %dma_start3A_23 = arith.constant 0 : i32
    %dma_start3A_24 = arith.constant 1 : i32
    %dma_start3A_25 = arith.constant 1 : i32
    %dma_start3A_26 = arith.constant 1 : i32
    %dma_start3A_27 = arith.constant 0 : i32
    %dma_start3A_28 = arith.constant 0 : i32
    %dma_start3A_29 = tpu.memref_slice %arg8[%dma_start3A_25, %dma_start3A_27, %dma_start3A_28] : memref<8x128x32xf32, #tpu.memory_space<vmem>> -> memref<1x128x32xf32, #tpu.memory_space<vmem>>
    %dma_start3A_30 = tpu.memref_squeeze %dma_start3A_29 : memref<1x128x32xf32, #tpu.memory_space<vmem>> -> memref<128x32xf32, #tpu.memory_space<vmem>>
    %dma_start3A_31 = arith.constant 0 : i32
    %dma_start3A_32 = tpu.memref_slice %arg6[%dma_start3A_23, %dma_start3A_24, %dma_start3A_31] : memref<25x8x128xi32, #tpu.memory_space<vmem>> -> memref<1x1x128xi32, #tpu.memory_space<vmem>>
    %dma_start3A_33 = tpu.memref_squeeze %dma_start3A_32 : memref<1x1x128xi32, #tpu.memory_space<vmem>> -> memref<128xi32, #tpu.memory_space<vmem>>
    %dma_start3A_34 = arith.constant 0 : i32
    %dma_start3A_35 = arith.constant 0 : i32
    %dma_start3A_36 = tpu.memref_slice %arg3[%dma_start3A_34, %dma_start3A_35] : memref<1000000x32xf32, #tpu.memory_space<hbm>> -> memref<1000000x32xf32, #tpu.memory_space<hbm>>
    %dma_start3A_37 = tpu.memref_slice %arg10[%dma_start3A_26] : memref<8x!tpu.dma_semaphore, #tpu.memory_space<semaphore_mem>> -> memref<1x!tpu.dma_semaphore, #tpu.memory_space<semaphore_mem>>
    %dma_start3A_38 = tpu.memref_squeeze %dma_start3A_37 : memref<1x!tpu.dma_semaphore, #tpu.memory_space<semaphore_mem>> -> memref<!tpu.dma_semaphore, #tpu.memory_space<semaphore_mem>>
    tpu.enqueue_indirect_dma source(%dma_start3A_36 : memref<1000000x32xf32, #tpu.memory_space<hbm>>) target(%dma_start3A_30 : memref<128x32xf32, #tpu.memory_space<vmem>>) offsets(%dma_start3A_33 : memref<128xi32, #tpu.memory_space<vmem>>) semaphore(%dma_start3A_38 : memref<!tpu.dma_semaphore, #tpu.memory_space<semaphore_mem>>)
    %dma_start3A_39 = arith.constant 0 : i32
    %dma_start3A_40 = arith.constant 2 : i32
    %dma_start3A_41 = arith.constant 2 : i32
    %dma_start3A_42 = arith.constant 2 : i32
    %dma_start3A_43 = arith.constant 0 : i32
    %dma_start3A_44 = arith.constant 0 : i32
    %dma_start3A_45 = tpu.memref_slice %arg8[%dma_start3A_41, %dma_start3A_43, %dma_start3A_44] : memref<8x128x32xf32, #tpu.memory_space<vmem>> -> memref<1x128x32xf32, #tpu.memory_space<vmem>>
    %dma_start3A_46 = tpu.memref_squeeze %dma_start3A_45 : memref<1x128x32xf32, #tpu.memory_space<vmem>> -> memref<128x32xf32, #tpu.memory_space<vmem>>
    %dma_start3A_47 = arith.constant 0 : i32
    %dma_start3A_48 = tpu.memref_slice %arg6[%dma_start3A_39, %dma_start3A_40, %dma_start3A_47] : memref<25x8x128xi32, #tpu.memory_space<vmem>> -> memref<1x1x128xi32, #tpu.memory_space<vmem>>
    %dma_start3A_49 = tpu.memref_squeeze %dma_start3A_48 : memref<1x1x128xi32, #tpu.memory_space<vmem>> -> memref<128xi32, #tpu.memory_space<vmem>>
    %dma_start3A_50 = arith.constant 0 : i32
    %dma_start3A_51 = arith.constant 0 : i32
    %dma_start3A_52 = tpu.memref_slice %arg3[%dma_start3A_50, %dma_start3A_51] : memref<1000000x32xf32, #tpu.memory_space<hbm>> -> memref<1000000x32xf32, #tpu.memory_space<hbm>>
    %dma_start3A_53 = tpu.memref_slice %arg10[%dma_start3A_42] : memref<8x!tpu.dma_semaphore, #tpu.memory_space<semaphore_mem>> -> memref<1x!tpu.dma_semaphore, #tpu.memory_space<semaphore_mem>>
    %dma_start3A_54 = tpu.memref_squeeze %dma_start3A_53 : memref<1x!tpu.dma_semaphore, #tpu.memory_space<semaphore_mem>> -> memref<!tpu.dma_semaphore, #tpu.memory_space<semaphore_mem>>
    tpu.enqueue_indirect_dma source(%dma_start3A_52 : memref<1000000x32xf32, #tpu.memory_space<hbm>>) target(%dma_start3A_46 : memref<128x32xf32, #tpu.memory_space<vmem>>) offsets(%dma_start3A_49 : memref<128xi32, #tpu.memory_space<vmem>>) semaphore(%dma_start3A_54 : memref<!tpu.dma_semaphore, #tpu.memory_space<semaphore_mem>>)
    %dma_start3A_55 = arith.constant 0 : i32
    %dma_start3A_56 = arith.constant 3 : i32
    %dma_start3A_57 = arith.constant 3 : i32
    %dma_start3A_58 = arith.constant 3 : i32
    %dma_start3A_59 = arith.constant 0 : i32
    %dma_start3A_60 = arith.constant 0 : i32
    %dma_start3A_61 = tpu.memref_slice %arg8[%dma_start3A_57, %dma_start3A_59, %dma_start3A_60] : memref<8x128x32xf32, #tpu.memory_space<vmem>> -> memref<1x128x32xf32, #tpu.memory_space<vmem>>
    %dma_start3A_62 = tpu.memref_squeeze %dma_start3A_61 : memref<1x128x32xf32, #tpu.memory_space<vmem>> -> memref<128x32xf32, #tpu.memory_space<vmem>>
    %dma_start3A_63 = arith.constant 0 : i32
    %dma_start3A_64 = tpu.memref_slice %arg6[%dma_start3A_55, %dma_start3A_56, %dma_start3A_63] : memref<25x8x128xi32, #tpu.memory_space<vmem>> -> memref<1x1x128xi32, #tpu.memory_space<vmem>>
    %dma_start3A_65 = tpu.memref_squeeze %dma_start3A_64 : memref<1x1x128xi32, #tpu.memory_space<vmem>> -> memref<128xi32, #tpu.memory_space<vmem>>
    %dma_start3A_66 = arith.constant 0 : i32
    %dma_start3A_67 = arith.constant 0 : i32
    %dma_start3A_68 = tpu.memref_slice %arg3[%dma_start3A_66, %dma_start3A_67] : memref<1000000x32xf32, #tpu.memory_space<hbm>> -> memref<1000000x32xf32, #tpu.memory_space<hbm>>
    %dma_start3A_69 = tpu.memref_slice %arg10[%dma_start3A_58] : memref<8x!tpu.dma_semaphore, #tpu.memory_space<semaphore_mem>> -> memref<1x!tpu.dma_semaphore, #tpu.memory_space<semaphore_mem>>
    %dma_start3A_70 = tpu.memref_squeeze %dma_start3A_69 : memref<1x!tpu.dma_semaphore, #tpu.memory_space<semaphore_mem>> -> memref<!tpu.dma_semaphore, #tpu.memory_space<semaphore_mem>>
    tpu.enqueue_indirect_dma source(%dma_start3A_68 : memref<1000000x32xf32, #tpu.memory_space<hbm>>) target(%dma_start3A_62 : memref<128x32xf32, #tpu.memory_space<vmem>>) offsets(%dma_start3A_65 : memref<128xi32, #tpu.memory_space<vmem>>) semaphore(%dma_start3A_70 : memref<!tpu.dma_semaphore, #tpu.memory_space<semaphore_mem>>)
    %dma_start3A_71 = arith.constant 0 : i32
    %dma_start3A_72 = arith.constant 4 : i32
    %dma_start3A_73 = arith.constant 4 : i32
    %dma_start3A_74 = arith.constant 4 : i32
    %dma_start3A_75 = arith.constant 0 : i32
    %dma_start3A_76 = arith.constant 0 : i32
    %dma_start3A_77 = tpu.memref_slice %arg8[%dma_start3A_73, %dma_start3A_75, %dma_start3A_76] : memref<8x128x32xf32, #tpu.memory_space<vmem>> -> memref<1x128x32xf32, #tpu.memory_space<vmem>>
    %dma_start3A_78 = tpu.memref_squeeze %dma_start3A_77 : memref<1x128x32xf32, #tpu.memory_space<vmem>> -> memref<128x32xf32, #tpu.memory_space<vmem>>
    %dma_start3A_79 = arith.constant 0 : i32
    %dma_start3A_80 = tpu.memref_slice %arg6[%dma_start3A_71, %dma_start3A_72, %dma_start3A_79] : memref<25x8x128xi32, #tpu.memory_space<vmem>> -> memref<1x1x128xi32, #tpu.memory_space<vmem>>
    %dma_start3A_81 = tpu.memref_squeeze %dma_start3A_80 : memref<1x1x128xi32, #tpu.memory_space<vmem>> -> memref<128xi32, #tpu.memory_space<vmem>>
    %dma_start3A_82 = arith.constant 0 : i32
    %dma_start3A_83 = arith.constant 0 : i32
    %dma_start3A_84 = tpu.memref_slice %arg3[%dma_start3A_82, %dma_start3A_83] : memref<1000000x32xf32, #tpu.memory_space<hbm>> -> memref<1000000x32xf32, #tpu.memory_space<hbm>>
    %dma_start3A_85 = tpu.memref_slice %arg10[%dma_start3A_74] : memref<8x!tpu.dma_semaphore, #tpu.memory_space<semaphore_mem>> -> memref<1x!tpu.dma_semaphore, #tpu.memory_space<semaphore_mem>>
    %dma_start3A_86 = tpu.memref_squeeze %dma_start3A_85 : memref<1x!tpu.dma_semaphore, #tpu.memory_space<semaphore_mem>> -> memref<!tpu.dma_semaphore, #tpu.memory_space<semaphore_mem>>
    tpu.enqueue_indirect_dma source(%dma_start3A_84 : memref<1000000x32xf32, #tpu.memory_space<hbm>>) target(%dma_start3A_78 : memref<128x32xf32, #tpu.memory_space<vmem>>) offsets(%dma_start3A_81 : memref<128xi32, #tpu.memory_space<vmem>>) semaphore(%dma_start3A_86 : memref<!tpu.dma_semaphore, #tpu.memory_space<semaphore_mem>>)
    %dma_start3A_87 = arith.constant 0 : i32
    %dma_start3A_88 = arith.constant 5 : i32
    %dma_start3A_89 = arith.constant 5 : i32
    %dma_start3A_90 = arith.constant 5 : i32
    %dma_start3A_91 = arith.constant 0 : i32
    %dma_start3A_92 = arith.constant 0 : i32
    %dma_start3A_93 = tpu.memref_slice %arg8[%dma_start3A_89, %dma_start3A_91, %dma_start3A_92] : memref<8x128x32xf32, #tpu.memory_space<vmem>> -> memref<1x128x32xf32, #tpu.memory_space<vmem>>
    %dma_start3A_94 = tpu.memref_squeeze %dma_start3A_93 : memref<1x128x32xf32, #tpu.memory_space<vmem>> -> memref<128x32xf32, #tpu.memory_space<vmem>>
    %dma_start3A_95 = arith.constant 0 : i32
    %dma_start3A_96 = tpu.memref_slice %arg6[%dma_start3A_87, %dma_start3A_88, %dma_start3A_95] : memref<25x8x128xi32, #tpu.memory_space<vmem>> -> memref<1x1x128xi32, #tpu.memory_space<vmem>>
    %dma_start3A_97 = tpu.memref_squeeze %dma_start3A_96 : memref<1x1x128xi32, #tpu.memory_space<vmem>> -> memref<128xi32, #tpu.memory_space<vmem>>
    %dma_start3A_98 = arith.constant 0 : i32
    %dma_start3A_99 = arith.constant 0 : i32
    %dma_start3A_100 = tpu.memref_slice %arg3[%dma_start3A_98, %dma_start3A_99] : memref<1000000x32xf32, #tpu.memory_space<hbm>> -> memref<1000000x32xf32, #tpu.memory_space<hbm>>
    %dma_start3A_101 = tpu.memref_slice %arg10[%dma_start3A_90] : memref<8x!tpu.dma_semaphore, #tpu.memory_space<semaphore_mem>> -> memref<1x!tpu.dma_semaphore, #tpu.memory_space<semaphore_mem>>
    %dma_start3A_102 = tpu.memref_squeeze %dma_start3A_101 : memref<1x!tpu.dma_semaphore, #tpu.memory_space<semaphore_mem>> -> memref<!tpu.dma_semaphore, #tpu.memory_space<semaphore_mem>>
    tpu.enqueue_indirect_dma source(%dma_start3A_100 : memref<1000000x32xf32, #tpu.memory_space<hbm>>) target(%dma_start3A_94 : memref<128x32xf32, #tpu.memory_space<vmem>>) offsets(%dma_start3A_97 : memref<128xi32, #tpu.memory_space<vmem>>) semaphore(%dma_start3A_102 : memref<!tpu.dma_semaphore, #tpu.memory_space<semaphore_mem>>)
    %scan3A = arith.constant 0 : i32
    %scan3A_103 = arith.constant 25 : i32
    %scan3A_104 = arith.addi %scan3A, %scan3A_103 : i32
    %scan3A_105 = arith.constant 1 : i32
    scf.for %scan3A_206 = %scan3A to %scan3A_104 step %scan3A_105  : i32 {
      %mul3A_207 = arith.constant 8 : i32
      %mul3A_208 = arith.muli %scan3A_206, %mul3A_207 : i32
      %add3A_209 = arith.constant 0 : i32
      %add3A_210 = arith.addi %add3A_209, %mul3A_208 : i32
      %add3A_211 = arith.constant 0 : i32
      %add3A_212 = arith.addi %add3A_210, %add3A_211 : i32
      %jit3A = arith.constant 8 : i32
      %div3A = arith.divsi %add3A_212, %jit3A : i32
      %sign3A = arith.constant 0 : i32
      %sign3A_213 = arith.cmpi sgt, %add3A_212, %sign3A : i32
      %sign3A_214 = arith.extui %sign3A_213 : i1 to i32
      %sign3A_215 = arith.constant 0 : i32
      %sign3A_216 = arith.cmpi slt, %add3A_212, %sign3A_215 : i32
      %sign3A_217 = arith.extui %sign3A_216 : i1 to i32
      %sign3A_218 = arith.subi %sign3A_214, %sign3A_217 : i32
      %sign3A_219 = arith.constant 0 : i32
      %sign3A_220 = arith.cmpi sgt, %jit3A, %sign3A_219 : i32
      %sign3A_221 = arith.extui %sign3A_220 : i1 to i32
      %sign3A_222 = arith.constant 0 : i32
      %sign3A_223 = arith.cmpi slt, %jit3A, %sign3A_222 : i32
      %sign3A_224 = arith.extui %sign3A_223 : i1 to i32
      %sign3A_225 = arith.subi %sign3A_221, %sign3A_224 : i32
      %ne3A = arith.cmpi ne, %sign3A_218, %sign3A_225 : i32
      %rem3A = arith.remsi %add3A_212, %jit3A : i32
      %ne3A_226 = arith.constant 0 : i32
      %ne3A_227 = arith.cmpi ne, %rem3A, %ne3A_226 : i32
      %and3A_228 = arith.andi %ne3A, %ne3A_227 : i1
      %sub3A = arith.constant 1 : i32
      %sub3A_229 = arith.subi %div3A, %sub3A : i32
      %select_n3A = arith.select %and3A_228, %sub3A_229, %div3A : i32
      %jit3A_230 = arith.constant 8 : i32
      %eq3A = arith.constant 0 : i32
      %eq3A_231 = arith.cmpi eq, %jit3A_230, %eq3A : i32
      %jit3A_232 = arith.constant 1 : i32
      %select_n3A_233 = arith.select %eq3A_231, %jit3A_232, %jit3A_230 : i32
      %rem3A_234 = arith.remsi %add3A_212, %select_n3A_233 : i32
      %ne3A_235 = arith.constant 0 : i32
      %ne3A_236 = arith.cmpi ne, %rem3A_234, %ne3A_235 : i32
      %lt3A = arith.constant 0 : i32
      %lt3A_237 = arith.cmpi slt, %rem3A_234, %lt3A : i32
      %lt3A_238 = arith.constant 0 : i32
      %lt3A_239 = arith.cmpi slt, %select_n3A_233, %lt3A_238 : i32
      %ne3A_240 = arith.xori %lt3A_237, %lt3A_239 : i1
      %and3A_241 = arith.andi %ne3A_240, %ne3A_236 : i1
      %add3A_242 = arith.addi %rem3A_234, %select_n3A_233 : i32
      %select_n3A_243 = arith.select %and3A_241, %add3A_242, %rem3A_234 : i32
      %dma_wait3A_244 = arith.constant 0 : i32
      %dma_wait3A_245 = arith.constant 0 : i32
      %dma_wait3A_246 = arith.constant 0 : i32
      %dma_wait3A_247 = arith.constant 0 : i32
      %dma_wait3A_248 = tpu.memref_slice %arg8[%dma_wait3A_244, %dma_wait3A_246, %dma_wait3A_247] : memref<8x128x32xf32, #tpu.memory_space<vmem>> -> memref<1x128x32xf32, #tpu.memory_space<vmem>>
      %dma_wait3A_249 = tpu.memref_squeeze %dma_wait3A_248 : memref<1x128x32xf32, #tpu.memory_space<vmem>> -> memref<128x32xf32, #tpu.memory_space<vmem>>
      %dma_wait3A_250 = arith.constant 0 : i32
      %dma_wait3A_251 = tpu.memref_slice %arg6[%select_n3A, %select_n3A_243, %dma_wait3A_250] : memref<25x8x128xi32, #tpu.memory_space<vmem>> -> memref<1x1x128xi32, #tpu.memory_space<vmem>>
      %dma_wait3A_252 = tpu.memref_squeeze %dma_wait3A_251 : memref<1x1x128xi32, #tpu.memory_space<vmem>> -> memref<128xi32, #tpu.memory_space<vmem>>
      %dma_wait3A_253 = arith.constant 0 : i32
      %dma_wait3A_254 = arith.constant 0 : i32
      %dma_wait3A_255 = tpu.memref_slice %arg3[%dma_wait3A_253, %dma_wait3A_254] : memref<1000000x32xf32, #tpu.memory_space<hbm>> -> memref<1000000x32xf32, #tpu.memory_space<hbm>>
      %dma_wait3A_256 = tpu.memref_slice %arg10[%dma_wait3A_245] : memref<8x!tpu.dma_semaphore, #tpu.memory_space<semaphore_mem>> -> memref<1x!tpu.dma_semaphore, #tpu.memory_space<semaphore_mem>>
      %dma_wait3A_257 = tpu.memref_squeeze %dma_wait3A_256 : memref<1x!tpu.dma_semaphore, #tpu.memory_space<semaphore_mem>> -> memref<!tpu.dma_semaphore, #tpu.memory_space<semaphore_mem>>
      tpu.wait_indirect_dma semaphore(%dma_wait3A_257 : memref<!tpu.dma_semaphore, #tpu.memory_space<semaphore_mem>>) src(%dma_wait3A_255 : memref<1000000x32xf32, #tpu.memory_space<hbm>>) dst(%dma_wait3A_249 : memref<128x32xf32, #tpu.memory_space<vmem>>)
      %get3A = arith.index_cast %add3A_212 : i32 to index
      %get3A_258 = arith.constant 0 : index
      %get3A_259 = tpu.vector_load %arg7[%get3A, %get3A_258] {strides = array<i32>} : memref<200x32xf32, #tpu.memory_space<vmem>>, vector<16xf32>,
      %get3A_260 = arith.index_cast %add3A_212 : i32 to index
      %get3A_261 = arith.constant 16 : index
      %get3A_262 = tpu.vector_load %arg7[%get3A_260, %get3A_261] {strides = array<i32>} : memref<200x32xf32, #tpu.memory_space<vmem>>, vector<16xf32>,
      %jit3A_263 = arith.constant 4 : i32
      %eq3A_264 = arith.constant 0 : i32
      %eq3A_265 = arith.cmpi eq, %jit3A_263, %eq3A_264 : i32
      %jit3A_266 = arith.constant 1 : i32
      %select_n3A_267 = arith.select %eq3A_265, %jit3A_266, %jit3A_263 : i32
      %rem3A_268 = arith.remsi %add3A_212, %select_n3A_267 : i32
      %ne3A_269 = arith.constant 0 : i32
      %ne3A_270 = arith.cmpi ne, %rem3A_268, %ne3A_269 : i32
      %lt3A_271 = arith.constant 0 : i32
      %lt3A_272 = arith.cmpi slt, %rem3A_268, %lt3A_271 : i32
      %lt3A_273 = arith.constant 0 : i32
      %lt3A_274 = arith.cmpi slt, %select_n3A_267, %lt3A_273 : i32
      %ne3A_275 = arith.xori %lt3A_272, %lt3A_274 : i1
      %and3A_276 = arith.andi %ne3A_275, %ne3A_270 : i1
      %add3A_277 = arith.addi %rem3A_268, %select_n3A_267 : i32
      %select_n3A_278 = arith.select %and3A_276, %add3A_277, %rem3A_268 : i32
      %ge3A = arith.constant 4 : i32
      %ge3A_279 = arith.cmpi sge, %add3A_212, %ge3A : i32
      %convert_element_type3A = arith.extui %ge3A_279 : i1 to i32
      %cond3A = arith.constant 0 : i32
      %cond3A_280 = arith.cmpi ne, %convert_element_type3A, %cond3A : i32
      scf.if %cond3A_280 {
        %sub3A_1117 = arith.constant 4 : i32
        %sub3A_1118 = arith.subi %add3A_212, %sub3A_1117 : i32
        %dma_wait3A_1119 = arith.constant 0 : i32
        %dma_wait3A_1120 = arith.constant 0 : i32
        %dma_wait3A_1121 = arith.constant 0 : i32
        %dma_wait3A_1122 = tpu.memref_slice %arg9[%select_n3A_278, %dma_wait3A_1119, %dma_wait3A_1120, %dma_wait3A_1121] : memref<4x4x8x129xf32, #tpu.memory_space<vmem>> -> memref<1x4x8x128xf32, #tpu.memory_space<vmem>>
        %dma_wait3A_1123 = tpu.memref_squeeze %dma_wait3A_1122 : memref<1x4x8x128xf32, #tpu.memory_space<vmem>> -> memref<4x8x128xf32, #tpu.memory_space<vmem>>
        %dma_wait3A_1124 = arith.constant 0 : i32
        %dma_wait3A_1125 = arith.constant 0 : i32
        %dma_wait3A_1126 = arith.constant 0 : i32
        %dma_wait3A_1127 = tpu.memref_slice %arg5[%sub3A_1118, %dma_wait3A_1124, %add3A, %dma_wait3A_1125, %dma_wait3A_1126] : memref<200x4x32x8x128xf32, #tpu.memory_space<hbm>> -> memref<1x4x1x8x128xf32, #tpu.memory_space<hbm>>
        %dma_wait3A_1128 = tpu.memref_squeeze %dma_wait3A_1127 : memref<1x4x1x8x128xf32, #tpu.memory_space<hbm>> -> memref<4x8x128xf32, #tpu.memory_space<hbm>>
        %dma_wait3A_1129 = tpu.memref_slice %arg11[%select_n3A_278] : memref<4x!tpu.dma_semaphore, #tpu.memory_space<semaphore_mem>> -> memref<1x!tpu.dma_semaphore, #tpu.memory_space<semaphore_mem>>
        %dma_wait3A_1130 = tpu.memref_squeeze %dma_wait3A_1129 : memref<1x!tpu.dma_semaphore, #tpu.memory_space<semaphore_mem>> -> memref<!tpu.dma_semaphore, #tpu.memory_space<semaphore_mem>>
        %dma_wait3A_1131 = arith.constant 0 : i32
        %dma_wait3A_1132 = arith.constant 0 : i32
        %dma_wait3A_1133 = arith.constant 0 : i32
        %dma_wait3A_1134 = tpu.memref_slice %arg5[%sub3A_1118, %dma_wait3A_1131, %add3A, %dma_wait3A_1132, %dma_wait3A_1133] : memref<200x4x32x8x128xf32, #tpu.memory_space<hbm>> -> memref<1x4x1x8x128xf32, #tpu.memory_space<hbm>>
        %dma_wait3A_1135 = tpu.memref_squeeze %dma_wait3A_1134 : memref<1x4x1x8x128xf32, #tpu.memory_space<hbm>> -> memref<4x8x128xf32, #tpu.memory_space<hbm>>
        %dma_wait3A_1136 = arith.constant 0 : i32
        %dma_wait3A_1137 = arith.constant 0 : i32
        %dma_wait3A_1138 = arith.constant 0 : i32
        %dma_wait3A_1139 = tpu.memref_slice %arg9[%select_n3A_278, %dma_wait3A_1136, %dma_wait3A_1137, %dma_wait3A_1138] : memref<4x4x8x129xf32, #tpu.memory_space<vmem>> -> memref<1x4x8x128xf32, #tpu.memory_space<vmem>>
        %dma_wait3A_1140 = tpu.memref_squeeze %dma_wait3A_1139 : memref<1x4x8x128xf32, #tpu.memory_space<vmem>> -> memref<4x8x128xf32, #tpu.memory_space<vmem>>
        tpu.wait_dma2 semaphore(%dma_wait3A_1130 : memref<!tpu.dma_semaphore, #tpu.memory_space<semaphore_mem>>) src(%dma_wait3A_1140 : memref<4x8x128xf32, #tpu.memory_space<vmem>>) dst(%dma_wait3A_1135 : memref<4x8x128xf32, #tpu.memory_space<hbm>>)
      } else {
      }
      %parallel_loop3A = arith.constant 0 : i32
      %parallel_loop3A_281 = arith.constant 128 : i32
      %parallel_loop3A_282 = arith.constant 1 : i32
      scf.for %parallel_loop3A_1117 = %parallel_loop3A to %parallel_loop3A_281 step %parallel_loop3A_282  : i32 {
        %parallel_loop3A_1118 = arith.constant 0 : i32
        %parallel_loop3A_1119 = vector.broadcast %parallel_loop3A_1118 : i32 to vector<16xi32>
        %parallel_loop3A_1120 = arith.muli %iota3A, %parallel_loop3A_1119 : vector<16xi32>
        %parallel_loop3A_1121 = vector.broadcast %parallel_loop3A_1117 : i32 to vector<16xi32>
        %parallel_loop3A_1122 = arith.addi %parallel_loop3A_1120, %parallel_loop3A_1121 : vector<16xi32>
        %parallel_loop3A_1123 = arith.constant 0 : i32
        %parallel_loop3A_1124 = arith.index_cast %parallel_loop3A_1123 : i32 to index
        %parallel_loop3A_1125 = arith.index_cast %parallel_loop3A_1117 : i32 to index
        %parallel_loop3A_1126 = arith.constant 0 : index
        %parallel_loop3A_1127 = tpu.vector_load %arg8[%parallel_loop3A_1124, %parallel_loop3A_1125, %parallel_loop3A_1126] {strides = array<i32>} : memref<8x128x32xf32, #tpu.memory_space<vmem>>, vector<16xf32>,
        %parallel_loop3A_1128 = arith.addf %parallel_loop3A_1127, %get3A_259 : vector<16xf32>
        %parallel_loop3A_1129 = arith.constant 0 : i32
        %parallel_loop3A_1130 = arith.index_cast %parallel_loop3A_1129 : i32 to index
        %parallel_loop3A_1131 = arith.index_cast %parallel_loop3A_1117 : i32 to index
        %parallel_loop3A_1132 = arith.constant 16 : index
        %parallel_loop3A_1133 = tpu.vector_load %arg8[%parallel_loop3A_1130, %parallel_loop3A_1131, %parallel_loop3A_1132] {strides = array<i32>} : memref<8x128x32xf32, #tpu.memory_space<vmem>>, vector<16xf32>,
        %parallel_loop3A_1134 = arith.addf %parallel_loop3A_1133, %get3A_262 : vector<16xf32>
        %parallel_loop3A_1135 = arith.constant 0 : i32
        %parallel_loop3A_1136 = arith.constant 0 : i32
        %parallel_loop3A_1137 = arith.constant 0 : i32
        %parallel_loop3A_1138 = tpu.memref_slice %arg9[%select_n3A_278, %parallel_loop3A_1135, %parallel_loop3A_1136, %parallel_loop3A_1137] : memref<4x4x8x129xf32, #tpu.memory_space<vmem>> -> memref<1x4x8x129xf32, #tpu.memory_space<vmem>>
        %parallel_loop3A_1139 = tpu.memref_squeeze %parallel_loop3A_1138 : memref<1x4x8x129xf32, #tpu.memory_space<vmem>> -> memref<4x8x129xf32, #tpu.memory_space<vmem>>
        tpu.vector_store_idx %parallel_loop3A_1139[%shift_right_logical3A_2, %and3A_7, %parallel_loop3A_1122], %parallel_loop3A_1128 : memref<4x8x129xf32, #tpu.memory_space<vmem>>[vector<16xi32>, vector<16xi32>, vector<16xi32>], vector<16xf32>,
        %parallel_loop3A_1140 = arith.constant 0 : i32
        %parallel_loop3A_1141 = arith.constant 0 : i32
        %parallel_loop3A_1142 = arith.constant 0 : i32
        %parallel_loop3A_1143 = tpu.memref_slice %arg9[%select_n3A_278, %parallel_loop3A_1140, %parallel_loop3A_1141, %parallel_loop3A_1142] : memref<4x4x8x129xf32, #tpu.memory_space<vmem>> -> memref<1x4x8x129xf32, #tpu.memory_space<vmem>>
        %parallel_loop3A_1144 = tpu.memref_squeeze %parallel_loop3A_1143 : memref<1x4x8x129xf32, #tpu.memory_space<vmem>> -> memref<4x8x129xf32, #tpu.memory_space<vmem>>
        tpu.vector_store_idx %parallel_loop3A_1144[%add3A_5, %and3A_7, %parallel_loop3A_1122], %parallel_loop3A_1134 : memref<4x8x129xf32, #tpu.memory_space<vmem>>[vector<16xi32>, vector<16xi32>, vector<16xi32>], vector<16xf32>,
      } {sc.loop_unroll_factor = 8 : i64, sc.parallel_access}
      %dma_start3A_283 = arith.constant 0 : i32
      %dma_start3A_284 = arith.constant 0 : i32
      %dma_start3A_285 = arith.constant 0 : i32
      %dma_start3A_286 = tpu.memref_slice %arg9[%select_n3A_278, %dma_start3A_283, %dma_start3A_284, %dma_start3A_285] : memref<4x4x8x129xf32, #tpu.memory_space<vmem>> -> memref<1x4x8x128xf32, #tpu.memory_space<vmem>>
      %dma_start3A_287 = tpu.memref_squeeze %dma_start3A_286 : memref<1x4x8x128xf32, #tpu.memory_space<vmem>> -> memref<4x8x128xf32, #tpu.memory_space<vmem>>
      %dma_start3A_288 = arith.constant 0 : i32
      %dma_start3A_289 = arith.constant 0 : i32
      %dma_start3A_290 = arith.constant 0 : i32
      %dma_start3A_291 = tpu.memref_slice %arg5[%add3A_212, %dma_start3A_288, %add3A, %dma_start3A_289, %dma_start3A_290] : memref<200x4x32x8x128xf32, #tpu.memory_space<hbm>> -> memref<1x4x1x8x128xf32, #tpu.memory_space<hbm>>
      %dma_start3A_292 = tpu.memref_squeeze %dma_start3A_291 : memref<1x4x1x8x128xf32, #tpu.memory_space<hbm>> -> memref<4x8x128xf32, #tpu.memory_space<hbm>>
      %dma_start3A_293 = tpu.memref_slice %arg11[%select_n3A_278] : memref<4x!tpu.dma_semaphore, #tpu.memory_space<semaphore_mem>> -> memref<1x!tpu.dma_semaphore, #tpu.memory_space<semaphore_mem>>
      %dma_start3A_294 = tpu.memref_squeeze %dma_start3A_293 : memref<1x!tpu.dma_semaphore, #tpu.memory_space<semaphore_mem>> -> memref<!tpu.dma_semaphore, #tpu.memory_space<semaphore_mem>>
      %dma_start3A_295 = arith.constant 0 : i32
      %dma_start3A_296 = arith.constant 0 : i32
      %dma_start3A_297 = arith.constant 0 : i32
      %dma_start3A_298 = tpu.memref_slice %arg5[%add3A_212, %dma_start3A_295, %add3A, %dma_start3A_296, %dma_start3A_297] : memref<200x4x32x8x128xf32, #tpu.memory_space<hbm>> -> memref<1x4x1x8x128xf32, #tpu.memory_space<hbm>>
      %dma_start3A_299 = tpu.memref_squeeze %dma_start3A_298 : memref<1x4x1x8x128xf32, #tpu.memory_space<hbm>> -> memref<4x8x128xf32, #tpu.memory_space<hbm>>
      %dma_start3A_300 = arith.constant 0 : i32
      %dma_start3A_301 = arith.constant 0 : i32
      %dma_start3A_302 = arith.constant 0 : i32
      %dma_start3A_303 = tpu.memref_slice %arg9[%select_n3A_278, %dma_start3A_300, %dma_start3A_301, %dma_start3A_302] : memref<4x4x8x129xf32, #tpu.memory_space<vmem>> -> memref<1x4x8x128xf32, #tpu.memory_space<vmem>>
      %dma_start3A_304 = tpu.memref_squeeze %dma_start3A_303 : memref<1x4x8x128xf32, #tpu.memory_space<vmem>> -> memref<4x8x128xf32, #tpu.memory_space<vmem>>
      tpu.enqueue_dma source(%dma_start3A_304 : memref<4x8x128xf32, #tpu.memory_space<vmem>>) target(%dma_start3A_299 : memref<4x8x128xf32, #tpu.memory_space<hbm>>) target_semaphore(%dma_start3A_294 : memref<!tpu.dma_semaphore, #tpu.memory_space<semaphore_mem>>)
      %add3A_305 = arith.constant 6 : i32
      %add3A_306 = arith.addi %add3A_212, %add3A_305 : i32
      %lt3A_307 = arith.constant 200 : i32
      %lt3A_308 = arith.cmpi slt, %add3A_306, %lt3A_307 : i32
      %convert_element_type3A_309 = arith.extui %lt3A_308 : i1 to i32
      %cond3A_310 = arith.constant 0 : i32
      %cond3A_311 = arith.cmpi ne, %convert_element_type3A_309, %cond3A_310 : i32
      scf.if %cond3A_311 {
        %jit3A_1117 = arith.constant 8 : i32
        %div3A_1118 = arith.divsi %add3A_306, %jit3A_1117 : i32
        %sign3A_1119 = arith.constant 0 : i32
        %sign3A_1120 = arith.cmpi sgt, %add3A_306, %sign3A_1119 : i32
        %sign3A_1121 = arith.extui %sign3A_1120 : i1 to i32
        %sign3A_1122 = arith.constant 0 : i32
        %sign3A_1123 = arith.cmpi slt, %add3A_306, %sign3A_1122 : i32
        %sign3A_1124 = arith.extui %sign3A_1123 : i1 to i32
        %sign3A_1125 = arith.subi %sign3A_1121, %sign3A_1124 : i32
        %sign3A_1126 = arith.constant 0 : i32
        %sign3A_1127 = arith.cmpi sgt, %jit3A_1117, %sign3A_1126 : i32
        %sign3A_1128 = arith.extui %sign3A_1127 : i1 to i32
        %sign3A_1129 = arith.constant 0 : i32
        %sign3A_1130 = arith.cmpi slt, %jit3A_1117, %sign3A_1129 : i32
        %sign3A_1131 = arith.extui %sign3A_1130 : i1 to i32
        %sign3A_1132 = arith.subi %sign3A_1128, %sign3A_1131 : i32
        %ne3A_1133 = arith.cmpi ne, %sign3A_1125, %sign3A_1132 : i32
        %rem3A_1134 = arith.remsi %add3A_306, %jit3A_1117 : i32
        %ne3A_1135 = arith.constant 0 : i32
        %ne3A_1136 = arith.cmpi ne, %rem3A_1134, %ne3A_1135 : i32
        %and3A_1137 = arith.andi %ne3A_1133, %ne3A_1136 : i1
        %sub3A_1138 = arith.constant 1 : i32
        %sub3A_1139 = arith.subi %div3A_1118, %sub3A_1138 : i32
        %select_n3A_1140 = arith.select %and3A_1137, %sub3A_1139, %div3A_1118 : i32
        %jit3A_1141 = arith.constant 8 : i32
        %eq3A_1142 = arith.constant 0 : i32
        %eq3A_1143 = arith.cmpi eq, %jit3A_1141, %eq3A_1142 : i32
        %jit3A_1144 = arith.constant 1 : i32
        %select_n3A_1145 = arith.select %eq3A_1143, %jit3A_1144, %jit3A_1141 : i32
        %rem3A_1146 = arith.remsi %add3A_306, %select_n3A_1145 : i32
        %ne3A_1147 = arith.constant 0 : i32
        %ne3A_1148 = arith.cmpi ne, %rem3A_1146, %ne3A_1147 : i32
        %lt3A_1149 = arith.constant 0 : i32
        %lt3A_1150 = arith.cmpi slt, %rem3A_1146, %lt3A_1149 : i32
        %lt3A_1151 = arith.constant 0 : i32
        %lt3A_1152 = arith.cmpi slt, %select_n3A_1145, %lt3A_1151 : i32
        %ne3A_1153 = arith.xori %lt3A_1150, %lt3A_1152 : i1
        %and3A_1154 = arith.andi %ne3A_1153, %ne3A_1148 : i1
        %add3A_1155 = arith.addi %rem3A_1146, %select_n3A_1145 : i32
        %select_n3A_1156 = arith.select %and3A_1154, %add3A_1155, %rem3A_1146 : i32
        %dma_start3A_1157 = arith.constant 6 : i32
        %dma_start3A_1158 = arith.constant 6 : i32
        %dma_start3A_1159 = arith.constant 0 : i32
        %dma_start3A_1160 = arith.constant 0 : i32
        %dma_start3A_1161 = tpu.memref_slice %arg8[%dma_start3A_1157, %dma_start3A_1159, %dma_start3A_1160] : memref<8x128x32xf32, #tpu.memory_space<vmem>> -> memref<1x128x32xf32, #tpu.memory_space<vmem>>
        %dma_start3A_1162 = tpu.memref_squeeze %dma_start3A_1161 : memref<1x128x32xf32, #tpu.memory_space<vmem>> -> memref<128x32xf32, #tpu.memory_space<vmem>>
        %dma_start3A_1163 = arith.constant 0 : i32
        %dma_start3A_1164 = tpu.memref_slice %arg6[%select_n3A_1140, %select_n3A_1156, %dma_start3A_1163] : memref<25x8x128xi32, #tpu.memory_space<vmem>> -> memref<1x1x128xi32, #tpu.memory_space<vmem>>
        %dma_start3A_1165 = tpu.memref_squeeze %dma_start3A_1164 : memref<1x1x128xi32, #tpu.memory_space<vmem>> -> memref<128xi32, #tpu.memory_space<vmem>>
        %dma_start3A_1166 = arith.constant 0 : i32
        %dma_start3A_1167 = arith.constant 0 : i32
        %dma_start3A_1168 = tpu.memref_slice %arg3[%dma_start3A_1166, %dma_start3A_1167] : memref<1000000x32xf32, #tpu.memory_space<hbm>> -> memref<1000000x32xf32, #tpu.memory_space<hbm>>
        %dma_start3A_1169 = tpu.memref_slice %arg10[%dma_start3A_1158] : memref<8x!tpu.dma_semaphore, #tpu.memory_space<semaphore_mem>> -> memref<1x!tpu.dma_semaphore, #tpu.memory_space<semaphore_mem>>
        %dma_start3A_1170 = tpu.memref_squeeze %dma_start3A_1169 : memref<1x!tpu.dma_semaphore, #tpu.memory_space<semaphore_mem>> -> memref<!tpu.dma_semaphore, #tpu.memory_space<semaphore_mem>>
        tpu.enqueue_indirect_dma source(%dma_start3A_1168 : memref<1000000x32xf32, #tpu.memory_space<hbm>>) target(%dma_start3A_1162 : memref<128x32xf32, #tpu.memory_space<vmem>>) offsets(%dma_start3A_1165 : memref<128xi32, #tpu.memory_space<vmem>>) semaphore(%dma_start3A_1170 : memref<!tpu.dma_semaphore, #tpu.memory_space<semaphore_mem>>)
      } else {
      }
      %add3A_312 = arith.constant 1 : i32
      %add3A_313 = arith.addi %add3A_210, %add3A_312 : i32
      %jit3A_314 = arith.constant 8 : i32
      %div3A_315 = arith.divsi %add3A_313, %jit3A_314 : i32
      %sign3A_316 = arith.constant 0 : i32
      %sign3A_317 = arith.cmpi sgt, %add3A_313, %sign3A_316 : i32
      %sign3A_318 = arith.extui %sign3A_317 : i1 to i32
      %sign3A_319 = arith.constant 0 : i32
      %sign3A_320 = arith.cmpi slt, %add3A_313, %sign3A_319 : i32
      %sign3A_321 = arith.extui %sign3A_320 : i1 to i32
      %sign3A_322 = arith.subi %sign3A_318, %sign3A_321 : i32
      %sign3A_323 = arith.constant 0 : i32
      %sign3A_324 = arith.cmpi sgt, %jit3A_314, %sign3A_323 : i32
      %sign3A_325 = arith.extui %sign3A_324 : i1 to i32
      %sign3A_326 = arith.constant 0 : i32
      %sign3A_327 = arith.cmpi slt, %jit3A_314, %sign3A_326 : i32
      %sign3A_328 = arith.extui %sign3A_327 : i1 to i32
      %sign3A_329 = arith.subi %sign3A_325, %sign3A_328 : i32
      %ne3A_330 = arith.cmpi ne, %sign3A_322, %sign3A_329 : i32
      %rem3A_331 = arith.remsi %add3A_313, %jit3A_314 : i32
      %ne3A_332 = arith.constant 0 : i32
      %ne3A_333 = arith.cmpi ne, %rem3A_331, %ne3A_332 : i32
      %and3A_334 = arith.andi %ne3A_330, %ne3A_333 : i1
      %sub3A_335 = arith.constant 1 : i32
      %sub3A_336 = arith.subi %div3A_315, %sub3A_335 : i32
      %select_n3A_337 = arith.select %and3A_334, %sub3A_336, %div3A_315 : i32
      %jit3A_338 = arith.constant 8 : i32
      %eq3A_339 = arith.constant 0 : i32
      %eq3A_340 = arith.cmpi eq, %jit3A_338, %eq3A_339 : i32
      %jit3A_341 = arith.constant 1 : i32
      %select_n3A_342 = arith.select %eq3A_340, %jit3A_341, %jit3A_338 : i32
      %rem3A_343 = arith.remsi %add3A_313, %select_n3A_342 : i32
      %ne3A_344 = arith.constant 0 : i32
      %ne3A_345 = arith.cmpi ne, %rem3A_343, %ne3A_344 : i32
      %lt3A_346 = arith.constant 0 : i32
      %lt3A_347 = arith.cmpi slt, %rem3A_343, %lt3A_346 : i32
      %lt3A_348 = arith.constant 0 : i32
      %lt3A_349 = arith.cmpi slt, %select_n3A_342, %lt3A_348 : i32
      %ne3A_350 = arith.xori %lt3A_347, %lt3A_349 : i1
      %and3A_351 = arith.andi %ne3A_350, %ne3A_345 : i1
      %add3A_352 = arith.addi %rem3A_343, %select_n3A_342 : i32
      %select_n3A_353 = arith.select %and3A_351, %add3A_352, %rem3A_343 : i32
      %dma_wait3A_354 = arith.constant 1 : i32
      %dma_wait3A_355 = arith.constant 1 : i32
      %dma_wait3A_356 = arith.constant 0 : i32
      %dma_wait3A_357 = arith.constant 0 : i32
      %dma_wait3A_358 = tpu.memref_slice %arg8[%dma_wait3A_354, %dma_wait3A_356, %dma_wait3A_357] : memref<8x128x32xf32, #tpu.memory_space<vmem>> -> memref<1x128x32xf32, #tpu.memory_space<vmem>>
      %dma_wait3A_359 = tpu.memref_squeeze %dma_wait3A_358 : memref<1x128x32xf32, #tpu.memory_space<vmem>> -> memref<128x32xf32, #tpu.memory_space<vmem>>
      %dma_wait3A_360 = arith.constant 0 : i32
      %dma_wait3A_361 = tpu.memref_slice %arg6[%select_n3A_337, %select_n3A_353, %dma_wait3A_360] : memref<25x8x128xi32, #tpu.memory_space<vmem>> -> memref<1x1x128xi32, #tpu.memory_space<vmem>>
      %dma_wait3A_362 = tpu.memref_squeeze %dma_wait3A_361 : memref<1x1x128xi32, #tpu.memory_space<vmem>> -> memref<128xi32, #tpu.memory_space<vmem>>
      %dma_wait3A_363 = arith.constant 0 : i32
      %dma_wait3A_364 = arith.constant 0 : i32
      %dma_wait3A_365 = tpu.memref_slice %arg3[%dma_wait3A_363, %dma_wait3A_364] : memref<1000000x32xf32, #tpu.memory_space<hbm>> -> memref<1000000x32xf32, #tpu.memory_space<hbm>>
      %dma_wait3A_366 = tpu.memref_slice %arg10[%dma_wait3A_355] : memref<8x!tpu.dma_semaphore, #tpu.memory_space<semaphore_mem>> -> memref<1x!tpu.dma_semaphore, #tpu.memory_space<semaphore_mem>>
      %dma_wait3A_367 = tpu.memref_squeeze %dma_wait3A_366 : memref<1x!tpu.dma_semaphore, #tpu.memory_space<semaphore_mem>> -> memref<!tpu.dma_semaphore, #tpu.memory_space<semaphore_mem>>
      tpu.wait_indirect_dma semaphore(%dma_wait3A_367 : memref<!tpu.dma_semaphore, #tpu.memory_space<semaphore_mem>>) src(%dma_wait3A_365 : memref<1000000x32xf32, #tpu.memory_space<hbm>>) dst(%dma_wait3A_359 : memref<128x32xf32, #tpu.memory_space<vmem>>)
      %get3A_368 = arith.index_cast %add3A_313 : i32 to index
      %get3A_369 = arith.constant 0 : index
      %get3A_370 = tpu.vector_load %arg7[%get3A_368, %get3A_369] {strides = array<i32>} : memref<200x32xf32, #tpu.memory_space<vmem>>, vector<16xf32>,
      %get3A_371 = arith.index_cast %add3A_313 : i32 to index
      %get3A_372 = arith.constant 16 : index
      %get3A_373 = tpu.vector_load %arg7[%get3A_371, %get3A_372] {strides = array<i32>} : memref<200x32xf32, #tpu.memory_space<vmem>>, vector<16xf32>,
      %jit3A_374 = arith.constant 4 : i32
      %eq3A_375 = arith.constant 0 : i32
      %eq3A_376 = arith.cmpi eq, %jit3A_374, %eq3A_375 : i32
      %jit3A_377 = arith.constant 1 : i32
      %select_n3A_378 = arith.select %eq3A_376, %jit3A_377, %jit3A_374 : i32
      %rem3A_379 = arith.remsi %add3A_313, %select_n3A_378 : i32
      %ne3A_380 = arith.constant 0 : i32
      %ne3A_381 = arith.cmpi ne, %rem3A_379, %ne3A_380 : i32
      %lt3A_382 = arith.constant 0 : i32
      %lt3A_383 = arith.cmpi slt, %rem3A_379, %lt3A_382 : i32
      %lt3A_384 = arith.constant 0 : i32
      %lt3A_385 = arith.cmpi slt, %select_n3A_378, %lt3A_384 : i32
      %ne3A_386 = arith.xori %lt3A_383, %lt3A_385 : i1
      %and3A_387 = arith.andi %ne3A_386, %ne3A_381 : i1
      %add3A_388 = arith.addi %rem3A_379, %select_n3A_378 : i32
      %select_n3A_389 = arith.select %and3A_387, %add3A_388, %rem3A_379 : i32
      %ge3A_390 = arith.constant 4 : i32
      %ge3A_391 = arith.cmpi sge, %add3A_313, %ge3A_390 : i32
      %convert_element_type3A_392 = arith.extui %ge3A_391 : i1 to i32
      %cond3A_393 = arith.constant 0 : i32
      %cond3A_394 = arith.cmpi ne, %convert_element_type3A_392, %cond3A_393 : i32
      scf.if %cond3A_394 {
        %sub3A_1117 = arith.constant 4 : i32
        %sub3A_1118 = arith.subi %add3A_313, %sub3A_1117 : i32
        %dma_wait3A_1119 = arith.constant 0 : i32
        %dma_wait3A_1120 = arith.constant 0 : i32
        %dma_wait3A_1121 = arith.constant 0 : i32
        %dma_wait3A_1122 = tpu.memref_slice %arg9[%select_n3A_389, %dma_wait3A_1119, %dma_wait3A_1120, %dma_wait3A_1121] : memref<4x4x8x129xf32, #tpu.memory_space<vmem>> -> memref<1x4x8x128xf32, #tpu.memory_space<vmem>>
        %dma_wait3A_1123 = tpu.memref_squeeze %dma_wait3A_1122 : memref<1x4x8x128xf32, #tpu.memory_space<vmem>> -> memref<4x8x128xf32, #tpu.memory_space<vmem>>
        %dma_wait3A_1124 = arith.constant 0 : i32
        %dma_wait3A_1125 = arith.constant 0 : i32
        %dma_wait3A_1126 = arith.constant 0 : i32
        %dma_wait3A_1127 = tpu.memref_slice %arg5[%sub3A_1118, %dma_wait3A_1124, %add3A, %dma_wait3A_1125, %dma_wait3A_1126] : memref<200x4x32x8x128xf32, #tpu.memory_space<hbm>> -> memref<1x4x1x8x128xf32, #tpu.memory_space<hbm>>
        %dma_wait3A_1128 = tpu.memref_squeeze %dma_wait3A_1127 : memref<1x4x1x8x128xf32, #tpu.memory_space<hbm>> -> memref<4x8x128xf32, #tpu.memory_space<hbm>>
        %dma_wait3A_1129 = tpu.memref_slice %arg11[%select_n3A_389] : memref<4x!tpu.dma_semaphore, #tpu.memory_space<semaphore_mem>> -> memref<1x!tpu.dma_semaphore, #tpu.memory_space<semaphore_mem>>
        %dma_wait3A_1130 = tpu.memref_squeeze %dma_wait3A_1129 : memref<1x!tpu.dma_semaphore, #tpu.memory_space<semaphore_mem>> -> memref<!tpu.dma_semaphore, #tpu.memory_space<semaphore_mem>>
        %dma_wait3A_1131 = arith.constant 0 : i32
        %dma_wait3A_1132 = arith.constant 0 : i32
        %dma_wait3A_1133 = arith.constant 0 : i32
        %dma_wait3A_1134 = tpu.memref_slice %arg5[%sub3A_1118, %dma_wait3A_1131, %add3A, %dma_wait3A_1132, %dma_wait3A_1133] : memref<200x4x32x8x128xf32, #tpu.memory_space<hbm>> -> memref<1x4x1x8x128xf32, #tpu.memory_space<hbm>>
        %dma_wait3A_1135 = tpu.memref_squeeze %dma_wait3A_1134 : memref<1x4x1x8x128xf32, #tpu.memory_space<hbm>> -> memref<4x8x128xf32, #tpu.memory_space<hbm>>
        %dma_wait3A_1136 = arith.constant 0 : i32
        %dma_wait3A_1137 = arith.constant 0 : i32
        %dma_wait3A_1138 = arith.constant 0 : i32
        %dma_wait3A_1139 = tpu.memref_slice %arg9[%select_n3A_389, %dma_wait3A_1136, %dma_wait3A_1137, %dma_wait3A_1138] : memref<4x4x8x129xf32, #tpu.memory_space<vmem>> -> memref<1x4x8x128xf32, #tpu.memory_space<vmem>>
        %dma_wait3A_1140 = tpu.memref_squeeze %dma_wait3A_1139 : memref<1x4x8x128xf32, #tpu.memory_space<vmem>> -> memref<4x8x128xf32, #tpu.memory_space<vmem>>
        tpu.wait_dma2 semaphore(%dma_wait3A_1130 : memref<!tpu.dma_semaphore, #tpu.memory_space<semaphore_mem>>) src(%dma_wait3A_1140 : memref<4x8x128xf32, #tpu.memory_space<vmem>>) dst(%dma_wait3A_1135 : memref<4x8x128xf32, #tpu.memory_space<hbm>>)
      } else {
      }
      %parallel_loop3A_395 = arith.constant 0 : i32
      %parallel_loop3A_396 = arith.constant 128 : i32
      %parallel_loop3A_397 = arith.constant 1 : i32
      scf.for %parallel_loop3A_1117 = %parallel_loop3A_395 to %parallel_loop3A_396 step %parallel_loop3A_397  : i32 {
        %parallel_loop3A_1118 = arith.constant 0 : i32
        %parallel_loop3A_1119 = vector.broadcast %parallel_loop3A_1118 : i32 to vector<16xi32>
        %parallel_loop3A_1120 = arith.muli %iota3A, %parallel_loop3A_1119 : vector<16xi32>
        %parallel_loop3A_1121 = vector.broadcast %parallel_loop3A_1117 : i32 to vector<16xi32>
        %parallel_loop3A_1122 = arith.addi %parallel_loop3A_1120, %parallel_loop3A_1121 : vector<16xi32>
        %parallel_loop3A_1123 = arith.constant 1 : i32
        %parallel_loop3A_1124 = arith.index_cast %parallel_loop3A_1123 : i32 to index
        %parallel_loop3A_1125 = arith.index_cast %parallel_loop3A_1117 : i32 to index
        %parallel_loop3A_1126 = arith.constant 0 : index
        %parallel_loop3A_1127 = tpu.vector_load %arg8[%parallel_loop3A_1124, %parallel_loop3A_1125, %parallel_loop3A_1126] {strides = array<i32>} : memref<8x128x32xf32, #tpu.memory_space<vmem>>, vector<16xf32>,
        %parallel_loop3A_1128 = arith.addf %parallel_loop3A_1127, %get3A_370 : vector<16xf32>
        %parallel_loop3A_1129 = arith.constant 1 : i32
        %parallel_loop3A_1130 = arith.index_cast %parallel_loop3A_1129 : i32 to index
        %parallel_loop3A_1131 = arith.index_cast %parallel_loop3A_1117 : i32 to index
        %parallel_loop3A_1132 = arith.constant 16 : index
        %parallel_loop3A_1133 = tpu.vector_load %arg8[%parallel_loop3A_1130, %parallel_loop3A_1131, %parallel_loop3A_1132] {strides = array<i32>} : memref<8x128x32xf32, #tpu.memory_space<vmem>>, vector<16xf32>,
        %parallel_loop3A_1134 = arith.addf %parallel_loop3A_1133, %get3A_373 : vector<16xf32>
        %parallel_loop3A_1135 = arith.constant 0 : i32
        %parallel_loop3A_1136 = arith.constant 0 : i32
        %parallel_loop3A_1137 = arith.constant 0 : i32
        %parallel_loop3A_1138 = tpu.memref_slice %arg9[%select_n3A_389, %parallel_loop3A_1135, %parallel_loop3A_1136, %parallel_loop3A_1137] : memref<4x4x8x129xf32, #tpu.memory_space<vmem>> -> memref<1x4x8x129xf32, #tpu.memory_space<vmem>>
        %parallel_loop3A_1139 = tpu.memref_squeeze %parallel_loop3A_1138 : memref<1x4x8x129xf32, #tpu.memory_space<vmem>> -> memref<4x8x129xf32, #tpu.memory_space<vmem>>
        tpu.vector_store_idx %parallel_loop3A_1139[%shift_right_logical3A_2, %and3A_7, %parallel_loop3A_1122], %parallel_loop3A_1128 : memref<4x8x129xf32, #tpu.memory_space<vmem>>[vector<16xi32>, vector<16xi32>, vector<16xi32>], vector<16xf32>,
        %parallel_loop3A_1140 = arith.constant 0 : i32
        %parallel_loop3A_1141 = arith.constant 0 : i32
        %parallel_loop3A_1142 = arith.constant 0 : i32
        %parallel_loop3A_1143 = tpu.memref_slice %arg9[%select_n3A_389, %parallel_loop3A_1140, %parallel_loop3A_1141, %parallel_loop3A_1142] : memref<4x4x8x129xf32, #tpu.memory_space<vmem>> -> memref<1x4x8x129xf32, #tpu.memory_space<vmem>>
        %parallel_loop3A_1144 = tpu.memref_squeeze %parallel_loop3A_1143 : memref<1x4x8x129xf32, #tpu.memory_space<vmem>> -> memref<4x8x129xf32, #tpu.memory_space<vmem>>
        tpu.vector_store_idx %parallel_loop3A_1144[%add3A_5, %and3A_7, %parallel_loop3A_1122], %parallel_loop3A_1134 : memref<4x8x129xf32, #tpu.memory_space<vmem>>[vector<16xi32>, vector<16xi32>, vector<16xi32>], vector<16xf32>,
      } {sc.loop_unroll_factor = 8 : i64, sc.parallel_access}
      %dma_start3A_398 = arith.constant 0 : i32
      %dma_start3A_399 = arith.constant 0 : i32
      %dma_start3A_400 = arith.constant 0 : i32
      %dma_start3A_401 = tpu.memref_slice %arg9[%select_n3A_389, %dma_start3A_398, %dma_start3A_399, %dma_start3A_400] : memref<4x4x8x129xf32, #tpu.memory_space<vmem>> -> memref<1x4x8x128xf32, #tpu.memory_space<vmem>>
      %dma_start3A_402 = tpu.memref_squeeze %dma_start3A_401 : memref<1x4x8x128xf32, #tpu.memory_space<vmem>> -> memref<4x8x128xf32, #tpu.memory_space<vmem>>
      %dma_start3A_403 = arith.constant 0 : i32
      %dma_start3A_404 = arith.constant 0 : i32
      %dma_start3A_405 = arith.constant 0 : i32
      %dma_start3A_406 = tpu.memref_slice %arg5[%add3A_313, %dma_start3A_403, %add3A, %dma_start3A_404, %dma_start3A_405] : memref<200x4x32x8x128xf32, #tpu.memory_space<hbm>> -> memref<1x4x1x8x128xf32, #tpu.memory_space<hbm>>
      %dma_start3A_407 = tpu.memref_squeeze %dma_start3A_406 : memref<1x4x1x8x128xf32, #tpu.memory_space<hbm>> -> memref<4x8x128xf32, #tpu.memory_space<hbm>>
      %dma_start3A_408 = tpu.memref_slice %arg11[%select_n3A_389] : memref<4x!tpu.dma_semaphore, #tpu.memory_space<semaphore_mem>> -> memref<1x!tpu.dma_semaphore, #tpu.memory_space<semaphore_mem>>
      %dma_start3A_409 = tpu.memref_squeeze %dma_start3A_408 : memref<1x!tpu.dma_semaphore, #tpu.memory_space<semaphore_mem>> -> memref<!tpu.dma_semaphore, #tpu.memory_space<semaphore_mem>>
      %dma_start3A_410 = arith.constant 0 : i32
      %dma_start3A_411 = arith.constant 0 : i32
      %dma_start3A_412 = arith.constant 0 : i32
      %dma_start3A_413 = tpu.memref_slice %arg5[%add3A_313, %dma_start3A_410, %add3A, %dma_start3A_411, %dma_start3A_412] : memref<200x4x32x8x128xf32, #tpu.memory_space<hbm>> -> memref<1x4x1x8x128xf32, #tpu.memory_space<hbm>>
      %dma_start3A_414 = tpu.memref_squeeze %dma_start3A_413 : memref<1x4x1x8x128xf32, #tpu.memory_space<hbm>> -> memref<4x8x128xf32, #tpu.memory_space<hbm>>
      %dma_start3A_415 = arith.constant 0 : i32
      %dma_start3A_416 = arith.constant 0 : i32
      %dma_start3A_417 = arith.constant 0 : i32
      %dma_start3A_418 = tpu.memref_slice %arg9[%select_n3A_389, %dma_start3A_415, %dma_start3A_416, %dma_start3A_417] : memref<4x4x8x129xf32, #tpu.memory_space<vmem>> -> memref<1x4x8x128xf32, #tpu.memory_space<vmem>>
      %dma_start3A_419 = tpu.memref_squeeze %dma_start3A_418 : memref<1x4x8x128xf32, #tpu.memory_space<vmem>> -> memref<4x8x128xf32, #tpu.memory_space<vmem>>
      tpu.enqueue_dma source(%dma_start3A_419 : memref<4x8x128xf32, #tpu.memory_space<vmem>>) target(%dma_start3A_414 : memref<4x8x128xf32, #tpu.memory_space<hbm>>) target_semaphore(%dma_start3A_409 : memref<!tpu.dma_semaphore, #tpu.memory_space<semaphore_mem>>)
      %add3A_420 = arith.constant 6 : i32
      %add3A_421 = arith.addi %add3A_313, %add3A_420 : i32
      %lt3A_422 = arith.constant 200 : i32
      %lt3A_423 = arith.cmpi slt, %add3A_421, %lt3A_422 : i32
      %convert_element_type3A_424 = arith.extui %lt3A_423 : i1 to i32
      %cond3A_425 = arith.constant 0 : i32
      %cond3A_426 = arith.cmpi ne, %convert_element_type3A_424, %cond3A_425 : i32
      scf.if %cond3A_426 {
        %jit3A_1117 = arith.constant 8 : i32
        %div3A_1118 = arith.divsi %add3A_421, %jit3A_1117 : i32
        %sign3A_1119 = arith.constant 0 : i32
        %sign3A_1120 = arith.cmpi sgt, %add3A_421, %sign3A_1119 : i32
        %sign3A_1121 = arith.extui %sign3A_1120 : i1 to i32
        %sign3A_1122 = arith.constant 0 : i32
        %sign3A_1123 = arith.cmpi slt, %add3A_421, %sign3A_1122 : i32
        %sign3A_1124 = arith.extui %sign3A_1123 : i1 to i32
        %sign3A_1125 = arith.subi %sign3A_1121, %sign3A_1124 : i32
        %sign3A_1126 = arith.constant 0 : i32
        %sign3A_1127 = arith.cmpi sgt, %jit3A_1117, %sign3A_1126 : i32
        %sign3A_1128 = arith.extui %sign3A_1127 : i1 to i32
        %sign3A_1129 = arith.constant 0 : i32
        %sign3A_1130 = arith.cmpi slt, %jit3A_1117, %sign3A_1129 : i32
        %sign3A_1131 = arith.extui %sign3A_1130 : i1 to i32
        %sign3A_1132 = arith.subi %sign3A_1128, %sign3A_1131 : i32
        %ne3A_1133 = arith.cmpi ne, %sign3A_1125, %sign3A_1132 : i32
        %rem3A_1134 = arith.remsi %add3A_421, %jit3A_1117 : i32
        %ne3A_1135 = arith.constant 0 : i32
        %ne3A_1136 = arith.cmpi ne, %rem3A_1134, %ne3A_1135 : i32
        %and3A_1137 = arith.andi %ne3A_1133, %ne3A_1136 : i1
        %sub3A_1138 = arith.constant 1 : i32
        %sub3A_1139 = arith.subi %div3A_1118, %sub3A_1138 : i32
        %select_n3A_1140 = arith.select %and3A_1137, %sub3A_1139, %div3A_1118 : i32
        %jit3A_1141 = arith.constant 8 : i32
        %eq3A_1142 = arith.constant 0 : i32
        %eq3A_1143 = arith.cmpi eq, %jit3A_1141, %eq3A_1142 : i32
        %jit3A_1144 = arith.constant 1 : i32
        %select_n3A_1145 = arith.select %eq3A_1143, %jit3A_1144, %jit3A_1141 : i32
        %rem3A_1146 = arith.remsi %add3A_421, %select_n3A_1145 : i32
        %ne3A_1147 = arith.constant 0 : i32
        %ne3A_1148 = arith.cmpi ne, %rem3A_1146, %ne3A_1147 : i32
        %lt3A_1149 = arith.constant 0 : i32
        %lt3A_1150 = arith.cmpi slt, %rem3A_1146, %lt3A_1149 : i32
        %lt3A_1151 = arith.constant 0 : i32
        %lt3A_1152 = arith.cmpi slt, %select_n3A_1145, %lt3A_1151 : i32
        %ne3A_1153 = arith.xori %lt3A_1150, %lt3A_1152 : i1
        %and3A_1154 = arith.andi %ne3A_1153, %ne3A_1148 : i1
        %add3A_1155 = arith.addi %rem3A_1146, %select_n3A_1145 : i32
        %select_n3A_1156 = arith.select %and3A_1154, %add3A_1155, %rem3A_1146 : i32
        %dma_start3A_1157 = arith.constant 7 : i32
        %dma_start3A_1158 = arith.constant 7 : i32
        %dma_start3A_1159 = arith.constant 0 : i32
        %dma_start3A_1160 = arith.constant 0 : i32
        %dma_start3A_1161 = tpu.memref_slice %arg8[%dma_start3A_1157, %dma_start3A_1159, %dma_start3A_1160] : memref<8x128x32xf32, #tpu.memory_space<vmem>> -> memref<1x128x32xf32, #tpu.memory_space<vmem>>
        %dma_start3A_1162 = tpu.memref_squeeze %dma_start3A_1161 : memref<1x128x32xf32, #tpu.memory_space<vmem>> -> memref<128x32xf32, #tpu.memory_space<vmem>>
        %dma_start3A_1163 = arith.constant 0 : i32
        %dma_start3A_1164 = tpu.memref_slice %arg6[%select_n3A_1140, %select_n3A_1156, %dma_start3A_1163] : memref<25x8x128xi32, #tpu.memory_space<vmem>> -> memref<1x1x128xi32, #tpu.memory_space<vmem>>
        %dma_start3A_1165 = tpu.memref_squeeze %dma_start3A_1164 : memref<1x1x128xi32, #tpu.memory_space<vmem>> -> memref<128xi32, #tpu.memory_space<vmem>>
        %dma_start3A_1166 = arith.constant 0 : i32
        %dma_start3A_1167 = arith.constant 0 : i32
        %dma_start3A_1168 = tpu.memref_slice %arg3[%dma_start3A_1166, %dma_start3A_1167] : memref<1000000x32xf32, #tpu.memory_space<hbm>> -> memref<1000000x32xf32, #tpu.memory_space<hbm>>
        %dma_start3A_1169 = tpu.memref_slice %arg10[%dma_start3A_1158] : memref<8x!tpu.dma_semaphore, #tpu.memory_space<semaphore_mem>> -> memref<1x!tpu.dma_semaphore, #tpu.memory_space<semaphore_mem>>
        %dma_start3A_1170 = tpu.memref_squeeze %dma_start3A_1169 : memref<1x!tpu.dma_semaphore, #tpu.memory_space<semaphore_mem>> -> memref<!tpu.dma_semaphore, #tpu.memory_space<semaphore_mem>>
        tpu.enqueue_indirect_dma source(%dma_start3A_1168 : memref<1000000x32xf32, #tpu.memory_space<hbm>>) target(%dma_start3A_1162 : memref<128x32xf32, #tpu.memory_space<vmem>>) offsets(%dma_start3A_1165 : memref<128xi32, #tpu.memory_space<vmem>>) semaphore(%dma_start3A_1170 : memref<!tpu.dma_semaphore, #tpu.memory_space<semaphore_mem>>)
      } else {
      }
      %add3A_427 = arith.constant 2 : i32
      %add3A_428 = arith.addi %add3A_210, %add3A_427 : i32
      %jit3A_429 = arith.constant 8 : i32
      %div3A_430 = arith.divsi %add3A_428, %jit3A_429 : i32
      %sign3A_431 = arith.constant 0 : i32
      %sign3A_432 = arith.cmpi sgt, %add3A_428, %sign3A_431 : i32
      %sign3A_433 = arith.extui %sign3A_432 : i1 to i32
      %sign3A_434 = arith.constant 0 : i32
      %sign3A_435 = arith.cmpi slt, %add3A_428, %sign3A_434 : i32
      %sign3A_436 = arith.extui %sign3A_435 : i1 to i32
      %sign3A_437 = arith.subi %sign3A_433, %sign3A_436 : i32
      %sign3A_438 = arith.constant 0 : i32
      %sign3A_439 = arith.cmpi sgt, %jit3A_429, %sign3A_438 : i32
      %sign3A_440 = arith.extui %sign3A_439 : i1 to i32
      %sign3A_441 = arith.constant 0 : i32
      %sign3A_442 = arith.cmpi slt, %jit3A_429, %sign3A_441 : i32
      %sign3A_443 = arith.extui %sign3A_442 : i1 to i32
      %sign3A_444 = arith.subi %sign3A_440, %sign3A_443 : i32
      %ne3A_445 = arith.cmpi ne, %sign3A_437, %sign3A_444 : i32
      %rem3A_446 = arith.remsi %add3A_428, %jit3A_429 : i32
      %ne3A_447 = arith.constant 0 : i32
      %ne3A_448 = arith.cmpi ne, %rem3A_446, %ne3A_447 : i32
      %and3A_449 = arith.andi %ne3A_445, %ne3A_448 : i1
      %sub3A_450 = arith.constant 1 : i32
      %sub3A_451 = arith.subi %div3A_430, %sub3A_450 : i32
      %select_n3A_452 = arith.select %and3A_449, %sub3A_451, %div3A_430 : i32
      %jit3A_453 = arith.constant 8 : i32
      %eq3A_454 = arith.constant 0 : i32
      %eq3A_455 = arith.cmpi eq, %jit3A_453, %eq3A_454 : i32
      %jit3A_456 = arith.constant 1 : i32
      %select_n3A_457 = arith.select %eq3A_455, %jit3A_456, %jit3A_453 : i32
      %rem3A_458 = arith.remsi %add3A_428, %select_n3A_457 : i32
      %ne3A_459 = arith.constant 0 : i32
      %ne3A_460 = arith.cmpi ne, %rem3A_458, %ne3A_459 : i32
      %lt3A_461 = arith.constant 0 : i32
      %lt3A_462 = arith.cmpi slt, %rem3A_458, %lt3A_461 : i32
      %lt3A_463 = arith.constant 0 : i32
      %lt3A_464 = arith.cmpi slt, %select_n3A_457, %lt3A_463 : i32
      %ne3A_465 = arith.xori %lt3A_462, %lt3A_464 : i1
      %and3A_466 = arith.andi %ne3A_465, %ne3A_460 : i1
      %add3A_467 = arith.addi %rem3A_458, %select_n3A_457 : i32
      %select_n3A_468 = arith.select %and3A_466, %add3A_467, %rem3A_458 : i32
      %dma_wait3A_469 = arith.constant 2 : i32
      %dma_wait3A_470 = arith.constant 2 : i32
      %dma_wait3A_471 = arith.constant 0 : i32
      %dma_wait3A_472 = arith.constant 0 : i32
      %dma_wait3A_473 = tpu.memref_slice %arg8[%dma_wait3A_469, %dma_wait3A_471, %dma_wait3A_472] : memref<8x128x32xf32, #tpu.memory_space<vmem>> -> memref<1x128x32xf32, #tpu.memory_space<vmem>>
      %dma_wait3A_474 = tpu.memref_squeeze %dma_wait3A_473 : memref<1x128x32xf32, #tpu.memory_space<vmem>> -> memref<128x32xf32, #tpu.memory_space<vmem>>
      %dma_wait3A_475 = arith.constant 0 : i32
      %dma_wait3A_476 = tpu.memref_slice %arg6[%select_n3A_452, %select_n3A_468, %dma_wait3A_475] : memref<25x8x128xi32, #tpu.memory_space<vmem>> -> memref<1x1x128xi32, #tpu.memory_space<vmem>>
      %dma_wait3A_477 = tpu.memref_squeeze %dma_wait3A_476 : memref<1x1x128xi32, #tpu.memory_space<vmem>> -> memref<128xi32, #tpu.memory_space<vmem>>
      %dma_wait3A_478 = arith.constant 0 : i32
      %dma_wait3A_479 = arith.constant 0 : i32
      %dma_wait3A_480 = tpu.memref_slice %arg3[%dma_wait3A_478, %dma_wait3A_479] : memref<1000000x32xf32, #tpu.memory_space<hbm>> -> memref<1000000x32xf32, #tpu.memory_space<hbm>>
      %dma_wait3A_481 = tpu.memref_slice %arg10[%dma_wait3A_470] : memref<8x!tpu.dma_semaphore, #tpu.memory_space<semaphore_mem>> -> memref<1x!tpu.dma_semaphore, #tpu.memory_space<semaphore_mem>>
      %dma_wait3A_482 = tpu.memref_squeeze %dma_wait3A_481 : memref<1x!tpu.dma_semaphore, #tpu.memory_space<semaphore_mem>> -> memref<!tpu.dma_semaphore, #tpu.memory_space<semaphore_mem>>
      tpu.wait_indirect_dma semaphore(%dma_wait3A_482 : memref<!tpu.dma_semaphore, #tpu.memory_space<semaphore_mem>>) src(%dma_wait3A_480 : memref<1000000x32xf32, #tpu.memory_space<hbm>>) dst(%dma_wait3A_474 : memref<128x32xf32, #tpu.memory_space<vmem>>)
      %get3A_483 = arith.index_cast %add3A_428 : i32 to index
      %get3A_484 = arith.constant 0 : index
      %get3A_485 = tpu.vector_load %arg7[%get3A_483, %get3A_484] {strides = array<i32>} : memref<200x32xf32, #tpu.memory_space<vmem>>, vector<16xf32>,
      %get3A_486 = arith.index_cast %add3A_428 : i32 to index
      %get3A_487 = arith.constant 16 : index
      %get3A_488 = tpu.vector_load %arg7[%get3A_486, %get3A_487] {strides = array<i32>} : memref<200x32xf32, #tpu.memory_space<vmem>>, vector<16xf32>,
      %jit3A_489 = arith.constant 4 : i32
      %eq3A_490 = arith.constant 0 : i32
      %eq3A_491 = arith.cmpi eq, %jit3A_489, %eq3A_490 : i32
      %jit3A_492 = arith.constant 1 : i32
      %select_n3A_493 = arith.select %eq3A_491, %jit3A_492, %jit3A_489 : i32
      %rem3A_494 = arith.remsi %add3A_428, %select_n3A_493 : i32
      %ne3A_495 = arith.constant 0 : i32
      %ne3A_496 = arith.cmpi ne, %rem3A_494, %ne3A_495 : i32
      %lt3A_497 = arith.constant 0 : i32
      %lt3A_498 = arith.cmpi slt, %rem3A_494, %lt3A_497 : i32
      %lt3A_499 = arith.constant 0 : i32
      %lt3A_500 = arith.cmpi slt, %select_n3A_493, %lt3A_499 : i32
      %ne3A_501 = arith.xori %lt3A_498, %lt3A_500 : i1
      %and3A_502 = arith.andi %ne3A_501, %ne3A_496 : i1
      %add3A_503 = arith.addi %rem3A_494, %select_n3A_493 : i32
      %select_n3A_504 = arith.select %and3A_502, %add3A_503, %rem3A_494 : i32
      %ge3A_505 = arith.constant 4 : i32
      %ge3A_506 = arith.cmpi sge, %add3A_428, %ge3A_505 : i32
      %convert_element_type3A_507 = arith.extui %ge3A_506 : i1 to i32
      %cond3A_508 = arith.constant 0 : i32
      %cond3A_509 = arith.cmpi ne, %convert_element_type3A_507, %cond3A_508 : i32
      scf.if %cond3A_509 {
        %sub3A_1117 = arith.constant 4 : i32
        %sub3A_1118 = arith.subi %add3A_428, %sub3A_1117 : i32
        %dma_wait3A_1119 = arith.constant 0 : i32
        %dma_wait3A_1120 = arith.constant 0 : i32
        %dma_wait3A_1121 = arith.constant 0 : i32
        %dma_wait3A_1122 = tpu.memref_slice %arg9[%select_n3A_504, %dma_wait3A_1119, %dma_wait3A_1120, %dma_wait3A_1121] : memref<4x4x8x129xf32, #tpu.memory_space<vmem>> -> memref<1x4x8x128xf32, #tpu.memory_space<vmem>>
        %dma_wait3A_1123 = tpu.memref_squeeze %dma_wait3A_1122 : memref<1x4x8x128xf32, #tpu.memory_space<vmem>> -> memref<4x8x128xf32, #tpu.memory_space<vmem>>
        %dma_wait3A_1124 = arith.constant 0 : i32
        %dma_wait3A_1125 = arith.constant 0 : i32
        %dma_wait3A_1126 = arith.constant 0 : i32
        %dma_wait3A_1127 = tpu.memref_slice %arg5[%sub3A_1118, %dma_wait3A_1124, %add3A, %dma_wait3A_1125, %dma_wait3A_1126] : memref<200x4x32x8x128xf32, #tpu.memory_space<hbm>> -> memref<1x4x1x8x128xf32, #tpu.memory_space<hbm>>
        %dma_wait3A_1128 = tpu.memref_squeeze %dma_wait3A_1127 : memref<1x4x1x8x128xf32, #tpu.memory_space<hbm>> -> memref<4x8x128xf32, #tpu.memory_space<hbm>>
        %dma_wait3A_1129 = tpu.memref_slice %arg11[%select_n3A_504] : memref<4x!tpu.dma_semaphore, #tpu.memory_space<semaphore_mem>> -> memref<1x!tpu.dma_semaphore, #tpu.memory_space<semaphore_mem>>
        %dma_wait3A_1130 = tpu.memref_squeeze %dma_wait3A_1129 : memref<1x!tpu.dma_semaphore, #tpu.memory_space<semaphore_mem>> -> memref<!tpu.dma_semaphore, #tpu.memory_space<semaphore_mem>>
        %dma_wait3A_1131 = arith.constant 0 : i32
        %dma_wait3A_1132 = arith.constant 0 : i32
        %dma_wait3A_1133 = arith.constant 0 : i32
        %dma_wait3A_1134 = tpu.memref_slice %arg5[%sub3A_1118, %dma_wait3A_1131, %add3A, %dma_wait3A_1132, %dma_wait3A_1133] : memref<200x4x32x8x128xf32, #tpu.memory_space<hbm>> -> memref<1x4x1x8x128xf32, #tpu.memory_space<hbm>>
        %dma_wait3A_1135 = tpu.memref_squeeze %dma_wait3A_1134 : memref<1x4x1x8x128xf32, #tpu.memory_space<hbm>> -> memref<4x8x128xf32, #tpu.memory_space<hbm>>
        %dma_wait3A_1136 = arith.constant 0 : i32
        %dma_wait3A_1137 = arith.constant 0 : i32
        %dma_wait3A_1138 = arith.constant 0 : i32
        %dma_wait3A_1139 = tpu.memref_slice %arg9[%select_n3A_504, %dma_wait3A_1136, %dma_wait3A_1137, %dma_wait3A_1138] : memref<4x4x8x129xf32, #tpu.memory_space<vmem>> -> memref<1x4x8x128xf32, #tpu.memory_space<vmem>>
        %dma_wait3A_1140 = tpu.memref_squeeze %dma_wait3A_1139 : memref<1x4x8x128xf32, #tpu.memory_space<vmem>> -> memref<4x8x128xf32, #tpu.memory_space<vmem>>
        tpu.wait_dma2 semaphore(%dma_wait3A_1130 : memref<!tpu.dma_semaphore, #tpu.memory_space<semaphore_mem>>) src(%dma_wait3A_1140 : memref<4x8x128xf32, #tpu.memory_space<vmem>>) dst(%dma_wait3A_1135 : memref<4x8x128xf32, #tpu.memory_space<hbm>>)
      } else {
      }
      %parallel_loop3A_510 = arith.constant 0 : i32
      %parallel_loop3A_511 = arith.constant 128 : i32
      %parallel_loop3A_512 = arith.constant 1 : i32
      scf.for %parallel_loop3A_1117 = %parallel_loop3A_510 to %parallel_loop3A_511 step %parallel_loop3A_512  : i32 {
        %parallel_loop3A_1118 = arith.constant 0 : i32
        %parallel_loop3A_1119 = vector.broadcast %parallel_loop3A_1118 : i32 to vector<16xi32>
        %parallel_loop3A_1120 = arith.muli %iota3A, %parallel_loop3A_1119 : vector<16xi32>
        %parallel_loop3A_1121 = vector.broadcast %parallel_loop3A_1117 : i32 to vector<16xi32>
        %parallel_loop3A_1122 = arith.addi %parallel_loop3A_1120, %parallel_loop3A_1121 : vector<16xi32>
        %parallel_loop3A_1123 = arith.constant 2 : i32
        %parallel_loop3A_1124 = arith.index_cast %parallel_loop3A_1123 : i32 to index
        %parallel_loop3A_1125 = arith.index_cast %parallel_loop3A_1117 : i32 to index
        %parallel_loop3A_1126 = arith.constant 0 : index
        %parallel_loop3A_1127 = tpu.vector_load %arg8[%parallel_loop3A_1124, %parallel_loop3A_1125, %parallel_loop3A_1126] {strides = array<i32>} : memref<8x128x32xf32, #tpu.memory_space<vmem>>, vector<16xf32>,
        %parallel_loop3A_1128 = arith.addf %parallel_loop3A_1127, %get3A_485 : vector<16xf32>
        %parallel_loop3A_1129 = arith.constant 2 : i32
        %parallel_loop3A_1130 = arith.index_cast %parallel_loop3A_1129 : i32 to index
        %parallel_loop3A_1131 = arith.index_cast %parallel_loop3A_1117 : i32 to index
        %parallel_loop3A_1132 = arith.constant 16 : index
        %parallel_loop3A_1133 = tpu.vector_load %arg8[%parallel_loop3A_1130, %parallel_loop3A_1131, %parallel_loop3A_1132] {strides = array<i32>} : memref<8x128x32xf32, #tpu.memory_space<vmem>>, vector<16xf32>,
        %parallel_loop3A_1134 = arith.addf %parallel_loop3A_1133, %get3A_488 : vector<16xf32>
        %parallel_loop3A_1135 = arith.constant 0 : i32
        %parallel_loop3A_1136 = arith.constant 0 : i32
        %parallel_loop3A_1137 = arith.constant 0 : i32
        %parallel_loop3A_1138 = tpu.memref_slice %arg9[%select_n3A_504, %parallel_loop3A_1135, %parallel_loop3A_1136, %parallel_loop3A_1137] : memref<4x4x8x129xf32, #tpu.memory_space<vmem>> -> memref<1x4x8x129xf32, #tpu.memory_space<vmem>>
        %parallel_loop3A_1139 = tpu.memref_squeeze %parallel_loop3A_1138 : memref<1x4x8x129xf32, #tpu.memory_space<vmem>> -> memref<4x8x129xf32, #tpu.memory_space<vmem>>
        tpu.vector_store_idx %parallel_loop3A_1139[%shift_right_logical3A_2, %and3A_7, %parallel_loop3A_1122], %parallel_loop3A_1128 : memref<4x8x129xf32, #tpu.memory_space<vmem>>[vector<16xi32>, vector<16xi32>, vector<16xi32>], vector<16xf32>,
        %parallel_loop3A_1140 = arith.constant 0 : i32
        %parallel_loop3A_1141 = arith.constant 0 : i32
        %parallel_loop3A_1142 = arith.constant 0 : i32
        %parallel_loop3A_1143 = tpu.memref_slice %arg9[%select_n3A_504, %parallel_loop3A_1140, %parallel_loop3A_1141, %parallel_loop3A_1142] : memref<4x4x8x129xf32, #tpu.memory_space<vmem>> -> memref<1x4x8x129xf32, #tpu.memory_space<vmem>>
        %parallel_loop3A_1144 = tpu.memref_squeeze %parallel_loop3A_1143 : memref<1x4x8x129xf32, #tpu.memory_space<vmem>> -> memref<4x8x129xf32, #tpu.memory_space<vmem>>
        tpu.vector_store_idx %parallel_loop3A_1144[%add3A_5, %and3A_7, %parallel_loop3A_1122], %parallel_loop3A_1134 : memref<4x8x129xf32, #tpu.memory_space<vmem>>[vector<16xi32>, vector<16xi32>, vector<16xi32>], vector<16xf32>,
      } {sc.loop_unroll_factor = 8 : i64, sc.parallel_access}
      %dma_start3A_513 = arith.constant 0 : i32
      %dma_start3A_514 = arith.constant 0 : i32
      %dma_start3A_515 = arith.constant 0 : i32
      %dma_start3A_516 = tpu.memref_slice %arg9[%select_n3A_504, %dma_start3A_513, %dma_start3A_514, %dma_start3A_515] : memref<4x4x8x129xf32, #tpu.memory_space<vmem>> -> memref<1x4x8x128xf32, #tpu.memory_space<vmem>>
      %dma_start3A_517 = tpu.memref_squeeze %dma_start3A_516 : memref<1x4x8x128xf32, #tpu.memory_space<vmem>> -> memref<4x8x128xf32, #tpu.memory_space<vmem>>
      %dma_start3A_518 = arith.constant 0 : i32
      %dma_start3A_519 = arith.constant 0 : i32
      %dma_start3A_520 = arith.constant 0 : i32
      %dma_start3A_521 = tpu.memref_slice %arg5[%add3A_428, %dma_start3A_518, %add3A, %dma_start3A_519, %dma_start3A_520] : memref<200x4x32x8x128xf32, #tpu.memory_space<hbm>> -> memref<1x4x1x8x128xf32, #tpu.memory_space<hbm>>
      %dma_start3A_522 = tpu.memref_squeeze %dma_start3A_521 : memref<1x4x1x8x128xf32, #tpu.memory_space<hbm>> -> memref<4x8x128xf32, #tpu.memory_space<hbm>>
      %dma_start3A_523 = tpu.memref_slice %arg11[%select_n3A_504] : memref<4x!tpu.dma_semaphore, #tpu.memory_space<semaphore_mem>> -> memref<1x!tpu.dma_semaphore, #tpu.memory_space<semaphore_mem>>
      %dma_start3A_524 = tpu.memref_squeeze %dma_start3A_523 : memref<1x!tpu.dma_semaphore, #tpu.memory_space<semaphore_mem>> -> memref<!tpu.dma_semaphore, #tpu.memory_space<semaphore_mem>>
      %dma_start3A_525 = arith.constant 0 : i32
      %dma_start3A_526 = arith.constant 0 : i32
      %dma_start3A_527 = arith.constant 0 : i32
      %dma_start3A_528 = tpu.memref_slice %arg5[%add3A_428, %dma_start3A_525, %add3A, %dma_start3A_526, %dma_start3A_527] : memref<200x4x32x8x128xf32, #tpu.memory_space<hbm>> -> memref<1x4x1x8x128xf32, #tpu.memory_space<hbm>>
      %dma_start3A_529 = tpu.memref_squeeze %dma_start3A_528 : memref<1x4x1x8x128xf32, #tpu.memory_space<hbm>> -> memref<4x8x128xf32, #tpu.memory_space<hbm>>
      %dma_start3A_530 = arith.constant 0 : i32
      %dma_start3A_531 = arith.constant 0 : i32
      %dma_start3A_532 = arith.constant 0 : i32
      %dma_start3A_533 = tpu.memref_slice %arg9[%select_n3A_504, %dma_start3A_530, %dma_start3A_531, %dma_start3A_532] : memref<4x4x8x129xf32, #tpu.memory_space<vmem>> -> memref<1x4x8x128xf32, #tpu.memory_space<vmem>>
      %dma_start3A_534 = tpu.memref_squeeze %dma_start3A_533 : memref<1x4x8x128xf32, #tpu.memory_space<vmem>> -> memref<4x8x128xf32, #tpu.memory_space<vmem>>
      tpu.enqueue_dma source(%dma_start3A_534 : memref<4x8x128xf32, #tpu.memory_space<vmem>>) target(%dma_start3A_529 : memref<4x8x128xf32, #tpu.memory_space<hbm>>) target_semaphore(%dma_start3A_524 : memref<!tpu.dma_semaphore, #tpu.memory_space<semaphore_mem>>)
      %add3A_535 = arith.constant 6 : i32
      %add3A_536 = arith.addi %add3A_428, %add3A_535 : i32
      %lt3A_537 = arith.constant 200 : i32
      %lt3A_538 = arith.cmpi slt, %add3A_536, %lt3A_537 : i32
      %convert_element_type3A_539 = arith.extui %lt3A_538 : i1 to i32
      %cond3A_540 = arith.constant 0 : i32
      %cond3A_541 = arith.cmpi ne, %convert_element_type3A_539, %cond3A_540 : i32
      scf.if %cond3A_541 {
        %jit3A_1117 = arith.constant 8 : i32
        %div3A_1118 = arith.divsi %add3A_536, %jit3A_1117 : i32
        %sign3A_1119 = arith.constant 0 : i32
        %sign3A_1120 = arith.cmpi sgt, %add3A_536, %sign3A_1119 : i32
        %sign3A_1121 = arith.extui %sign3A_1120 : i1 to i32
        %sign3A_1122 = arith.constant 0 : i32
        %sign3A_1123 = arith.cmpi slt, %add3A_536, %sign3A_1122 : i32
        %sign3A_1124 = arith.extui %sign3A_1123 : i1 to i32
        %sign3A_1125 = arith.subi %sign3A_1121, %sign3A_1124 : i32
        %sign3A_1126 = arith.constant 0 : i32
        %sign3A_1127 = arith.cmpi sgt, %jit3A_1117, %sign3A_1126 : i32
        %sign3A_1128 = arith.extui %sign3A_1127 : i1 to i32
        %sign3A_1129 = arith.constant 0 : i32
        %sign3A_1130 = arith.cmpi slt, %jit3A_1117, %sign3A_1129 : i32
        %sign3A_1131 = arith.extui %sign3A_1130 : i1 to i32
        %sign3A_1132 = arith.subi %sign3A_1128, %sign3A_1131 : i32
        %ne3A_1133 = arith.cmpi ne, %sign3A_1125, %sign3A_1132 : i32
        %rem3A_1134 = arith.remsi %add3A_536, %jit3A_1117 : i32
        %ne3A_1135 = arith.constant 0 : i32
        %ne3A_1136 = arith.cmpi ne, %rem3A_1134, %ne3A_1135 : i32
        %and3A_1137 = arith.andi %ne3A_1133, %ne3A_1136 : i1
        %sub3A_1138 = arith.constant 1 : i32
        %sub3A_1139 = arith.subi %div3A_1118, %sub3A_1138 : i32
        %select_n3A_1140 = arith.select %and3A_1137, %sub3A_1139, %div3A_1118 : i32
        %jit3A_1141 = arith.constant 8 : i32
        %eq3A_1142 = arith.constant 0 : i32
        %eq3A_1143 = arith.cmpi eq, %jit3A_1141, %eq3A_1142 : i32
        %jit3A_1144 = arith.constant 1 : i32
        %select_n3A_1145 = arith.select %eq3A_1143, %jit3A_1144, %jit3A_1141 : i32
        %rem3A_1146 = arith.remsi %add3A_536, %select_n3A_1145 : i32
        %ne3A_1147 = arith.constant 0 : i32
        %ne3A_1148 = arith.cmpi ne, %rem3A_1146, %ne3A_1147 : i32
        %lt3A_1149 = arith.constant 0 : i32
        %lt3A_1150 = arith.cmpi slt, %rem3A_1146, %lt3A_1149 : i32
        %lt3A_1151 = arith.constant 0 : i32
        %lt3A_1152 = arith.cmpi slt, %select_n3A_1145, %lt3A_1151 : i32
        %ne3A_1153 = arith.xori %lt3A_1150, %lt3A_1152 : i1
        %and3A_1154 = arith.andi %ne3A_1153, %ne3A_1148 : i1
        %add3A_1155 = arith.addi %rem3A_1146, %select_n3A_1145 : i32
        %select_n3A_1156 = arith.select %and3A_1154, %add3A_1155, %rem3A_1146 : i32
        %dma_start3A_1157 = arith.constant 0 : i32
        %dma_start3A_1158 = arith.constant 0 : i32
        %dma_start3A_1159 = arith.constant 0 : i32
        %dma_start3A_1160 = arith.constant 0 : i32
        %dma_start3A_1161 = tpu.memref_slice %arg8[%dma_start3A_1157, %dma_start3A_1159, %dma_start3A_1160] : memref<8x128x32xf32, #tpu.memory_space<vmem>> -> memref<1x128x32xf32, #tpu.memory_space<vmem>>
        %dma_start3A_1162 = tpu.memref_squeeze %dma_start3A_1161 : memref<1x128x32xf32, #tpu.memory_space<vmem>> -> memref<128x32xf32, #tpu.memory_space<vmem>>
        %dma_start3A_1163 = arith.constant 0 : i32
        %dma_start3A_1164 = tpu.memref_slice %arg6[%select_n3A_1140, %select_n3A_1156, %dma_start3A_1163] : memref<25x8x128xi32, #tpu.memory_space<vmem>> -> memref<1x1x128xi32, #tpu.memory_space<vmem>>
        %dma_start3A_1165 = tpu.memref_squeeze %dma_start3A_1164 : memref<1x1x128xi32, #tpu.memory_space<vmem>> -> memref<128xi32, #tpu.memory_space<vmem>>
        %dma_start3A_1166 = arith.constant 0 : i32
        %dma_start3A_1167 = arith.constant 0 : i32
        %dma_start3A_1168 = tpu.memref_slice %arg3[%dma_start3A_1166, %dma_start3A_1167] : memref<1000000x32xf32, #tpu.memory_space<hbm>> -> memref<1000000x32xf32, #tpu.memory_space<hbm>>
        %dma_start3A_1169 = tpu.memref_slice %arg10[%dma_start3A_1158] : memref<8x!tpu.dma_semaphore, #tpu.memory_space<semaphore_mem>> -> memref<1x!tpu.dma_semaphore, #tpu.memory_space<semaphore_mem>>
        %dma_start3A_1170 = tpu.memref_squeeze %dma_start3A_1169 : memref<1x!tpu.dma_semaphore, #tpu.memory_space<semaphore_mem>> -> memref<!tpu.dma_semaphore, #tpu.memory_space<semaphore_mem>>
        tpu.enqueue_indirect_dma source(%dma_start3A_1168 : memref<1000000x32xf32, #tpu.memory_space<hbm>>) target(%dma_start3A_1162 : memref<128x32xf32, #tpu.memory_space<vmem>>) offsets(%dma_start3A_1165 : memref<128xi32, #tpu.memory_space<vmem>>) semaphore(%dma_start3A_1170 : memref<!tpu.dma_semaphore, #tpu.memory_space<semaphore_mem>>)
      } else {
      }
      %add3A_542 = arith.constant 3 : i32
      %add3A_543 = arith.addi %add3A_210, %add3A_542 : i32
      %jit3A_544 = arith.constant 8 : i32
      %div3A_545 = arith.divsi %add3A_543, %jit3A_544 : i32
      %sign3A_546 = arith.constant 0 : i32
      %sign3A_547 = arith.cmpi sgt, %add3A_543, %sign3A_546 : i32
      %sign3A_548 = arith.extui %sign3A_547 : i1 to i32
      %sign3A_549 = arith.constant 0 : i32
      %sign3A_550 = arith.cmpi slt, %add3A_543, %sign3A_549 : i32
      %sign3A_551 = arith.extui %sign3A_550 : i1 to i32
      %sign3A_552 = arith.subi %sign3A_548, %sign3A_551 : i32
      %sign3A_553 = arith.constant 0 : i32
      %sign3A_554 = arith.cmpi sgt, %jit3A_544, %sign3A_553 : i32
      %sign3A_555 = arith.extui %sign3A_554 : i1 to i32
      %sign3A_556 = arith.constant 0 : i32
      %sign3A_557 = arith.cmpi slt, %jit3A_544, %sign3A_556 : i32
      %sign3A_558 = arith.extui %sign3A_557 : i1 to i32
      %sign3A_559 = arith.subi %sign3A_555, %sign3A_558 : i32
      %ne3A_560 = arith.cmpi ne, %sign3A_552, %sign3A_559 : i32
      %rem3A_561 = arith.remsi %add3A_543, %jit3A_544 : i32
      %ne3A_562 = arith.constant 0 : i32
      %ne3A_563 = arith.cmpi ne, %rem3A_561, %ne3A_562 : i32
      %and3A_564 = arith.andi %ne3A_560, %ne3A_563 : i1
      %sub3A_565 = arith.constant 1 : i32
      %sub3A_566 = arith.subi %div3A_545, %sub3A_565 : i32
      %select_n3A_567 = arith.select %and3A_564, %sub3A_566, %div3A_545 : i32
      %jit3A_568 = arith.constant 8 : i32
      %eq3A_569 = arith.constant 0 : i32
      %eq3A_570 = arith.cmpi eq, %jit3A_568, %eq3A_569 : i32
      %jit3A_571 = arith.constant 1 : i32
      %select_n3A_572 = arith.select %eq3A_570, %jit3A_571, %jit3A_568 : i32
      %rem3A_573 = arith.remsi %add3A_543, %select_n3A_572 : i32
      %ne3A_574 = arith.constant 0 : i32
      %ne3A_575 = arith.cmpi ne, %rem3A_573, %ne3A_574 : i32
      %lt3A_576 = arith.constant 0 : i32
      %lt3A_577 = arith.cmpi slt, %rem3A_573, %lt3A_576 : i32
      %lt3A_578 = arith.constant 0 : i32
      %lt3A_579 = arith.cmpi slt, %select_n3A_572, %lt3A_578 : i32
      %ne3A_580 = arith.xori %lt3A_577, %lt3A_579 : i1
      %and3A_581 = arith.andi %ne3A_580, %ne3A_575 : i1
      %add3A_582 = arith.addi %rem3A_573, %select_n3A_572 : i32
      %select_n3A_583 = arith.select %and3A_581, %add3A_582, %rem3A_573 : i32
      %dma_wait3A_584 = arith.constant 3 : i32
      %dma_wait3A_585 = arith.constant 3 : i32
      %dma_wait3A_586 = arith.constant 0 : i32
      %dma_wait3A_587 = arith.constant 0 : i32
      %dma_wait3A_588 = tpu.memref_slice %arg8[%dma_wait3A_584, %dma_wait3A_586, %dma_wait3A_587] : memref<8x128x32xf32, #tpu.memory_space<vmem>> -> memref<1x128x32xf32, #tpu.memory_space<vmem>>
      %dma_wait3A_589 = tpu.memref_squeeze %dma_wait3A_588 : memref<1x128x32xf32, #tpu.memory_space<vmem>> -> memref<128x32xf32, #tpu.memory_space<vmem>>
      %dma_wait3A_590 = arith.constant 0 : i32
      %dma_wait3A_591 = tpu.memref_slice %arg6[%select_n3A_567, %select_n3A_583, %dma_wait3A_590] : memref<25x8x128xi32, #tpu.memory_space<vmem>> -> memref<1x1x128xi32, #tpu.memory_space<vmem>>
      %dma_wait3A_592 = tpu.memref_squeeze %dma_wait3A_591 : memref<1x1x128xi32, #tpu.memory_space<vmem>> -> memref<128xi32, #tpu.memory_space<vmem>>
      %dma_wait3A_593 = arith.constant 0 : i32
      %dma_wait3A_594 = arith.constant 0 : i32
      %dma_wait3A_595 = tpu.memref_slice %arg3[%dma_wait3A_593, %dma_wait3A_594] : memref<1000000x32xf32, #tpu.memory_space<hbm>> -> memref<1000000x32xf32, #tpu.memory_space<hbm>>
      %dma_wait3A_596 = tpu.memref_slice %arg10[%dma_wait3A_585] : memref<8x!tpu.dma_semaphore, #tpu.memory_space<semaphore_mem>> -> memref<1x!tpu.dma_semaphore, #tpu.memory_space<semaphore_mem>>
      %dma_wait3A_597 = tpu.memref_squeeze %dma_wait3A_596 : memref<1x!tpu.dma_semaphore, #tpu.memory_space<semaphore_mem>> -> memref<!tpu.dma_semaphore, #tpu.memory_space<semaphore_mem>>
      tpu.wait_indirect_dma semaphore(%dma_wait3A_597 : memref<!tpu.dma_semaphore, #tpu.memory_space<semaphore_mem>>) src(%dma_wait3A_595 : memref<1000000x32xf32, #tpu.memory_space<hbm>>) dst(%dma_wait3A_589 : memref<128x32xf32, #tpu.memory_space<vmem>>)
      %get3A_598 = arith.index_cast %add3A_543 : i32 to index
      %get3A_599 = arith.constant 0 : index
      %get3A_600 = tpu.vector_load %arg7[%get3A_598, %get3A_599] {strides = array<i32>} : memref<200x32xf32, #tpu.memory_space<vmem>>, vector<16xf32>,
      %get3A_601 = arith.index_cast %add3A_543 : i32 to index
      %get3A_602 = arith.constant 16 : index
      %get3A_603 = tpu.vector_load %arg7[%get3A_601, %get3A_602] {strides = array<i32>} : memref<200x32xf32, #tpu.memory_space<vmem>>, vector<16xf32>,
      %jit3A_604 = arith.constant 4 : i32
      %eq3A_605 = arith.constant 0 : i32
      %eq3A_606 = arith.cmpi eq, %jit3A_604, %eq3A_605 : i32
      %jit3A_607 = arith.constant 1 : i32
      %select_n3A_608 = arith.select %eq3A_606, %jit3A_607, %jit3A_604 : i32
      %rem3A_609 = arith.remsi %add3A_543, %select_n3A_608 : i32
      %ne3A_610 = arith.constant 0 : i32
      %ne3A_611 = arith.cmpi ne, %rem3A_609, %ne3A_610 : i32
      %lt3A_612 = arith.constant 0 : i32
      %lt3A_613 = arith.cmpi slt, %rem3A_609, %lt3A_612 : i32
      %lt3A_614 = arith.constant 0 : i32
      %lt3A_615 = arith.cmpi slt, %select_n3A_608, %lt3A_614 : i32
      %ne3A_616 = arith.xori %lt3A_613, %lt3A_615 : i1
      %and3A_617 = arith.andi %ne3A_616, %ne3A_611 : i1
      %add3A_618 = arith.addi %rem3A_609, %select_n3A_608 : i32
      %select_n3A_619 = arith.select %and3A_617, %add3A_618, %rem3A_609 : i32
      %ge3A_620 = arith.constant 4 : i32
      %ge3A_621 = arith.cmpi sge, %add3A_543, %ge3A_620 : i32
      %convert_element_type3A_622 = arith.extui %ge3A_621 : i1 to i32
      %cond3A_623 = arith.constant 0 : i32
      %cond3A_624 = arith.cmpi ne, %convert_element_type3A_622, %cond3A_623 : i32
      scf.if %cond3A_624 {
        %sub3A_1117 = arith.constant 4 : i32
        %sub3A_1118 = arith.subi %add3A_543, %sub3A_1117 : i32
        %dma_wait3A_1119 = arith.constant 0 : i32
        %dma_wait3A_1120 = arith.constant 0 : i32
        %dma_wait3A_1121 = arith.constant 0 : i32
        %dma_wait3A_1122 = tpu.memref_slice %arg9[%select_n3A_619, %dma_wait3A_1119, %dma_wait3A_1120, %dma_wait3A_1121] : memref<4x4x8x129xf32, #tpu.memory_space<vmem>> -> memref<1x4x8x128xf32, #tpu.memory_space<vmem>>
        %dma_wait3A_1123 = tpu.memref_squeeze %dma_wait3A_1122 : memref<1x4x8x128xf32, #tpu.memory_space<vmem>> -> memref<4x8x128xf32, #tpu.memory_space<vmem>>
        %dma_wait3A_1124 = arith.constant 0 : i32
        %dma_wait3A_1125 = arith.constant 0 : i32
        %dma_wait3A_1126 = arith.constant 0 : i32
        %dma_wait3A_1127 = tpu.memref_slice %arg5[%sub3A_1118, %dma_wait3A_1124, %add3A, %dma_wait3A_1125, %dma_wait3A_1126] : memref<200x4x32x8x128xf32, #tpu.memory_space<hbm>> -> memref<1x4x1x8x128xf32, #tpu.memory_space<hbm>>
        %dma_wait3A_1128 = tpu.memref_squeeze %dma_wait3A_1127 : memref<1x4x1x8x128xf32, #tpu.memory_space<hbm>> -> memref<4x8x128xf32, #tpu.memory_space<hbm>>
        %dma_wait3A_1129 = tpu.memref_slice %arg11[%select_n3A_619] : memref<4x!tpu.dma_semaphore, #tpu.memory_space<semaphore_mem>> -> memref<1x!tpu.dma_semaphore, #tpu.memory_space<semaphore_mem>>
        %dma_wait3A_1130 = tpu.memref_squeeze %dma_wait3A_1129 : memref<1x!tpu.dma_semaphore, #tpu.memory_space<semaphore_mem>> -> memref<!tpu.dma_semaphore, #tpu.memory_space<semaphore_mem>>
        %dma_wait3A_1131 = arith.constant 0 : i32
        %dma_wait3A_1132 = arith.constant 0 : i32
        %dma_wait3A_1133 = arith.constant 0 : i32
        %dma_wait3A_1134 = tpu.memref_slice %arg5[%sub3A_1118, %dma_wait3A_1131, %add3A, %dma_wait3A_1132, %dma_wait3A_1133] : memref<200x4x32x8x128xf32, #tpu.memory_space<hbm>> -> memref<1x4x1x8x128xf32, #tpu.memory_space<hbm>>
        %dma_wait3A_1135 = tpu.memref_squeeze %dma_wait3A_1134 : memref<1x4x1x8x128xf32, #tpu.memory_space<hbm>> -> memref<4x8x128xf32, #tpu.memory_space<hbm>>
        %dma_wait3A_1136 = arith.constant 0 : i32
        %dma_wait3A_1137 = arith.constant 0 : i32
        %dma_wait3A_1138 = arith.constant 0 : i32
        %dma_wait3A_1139 = tpu.memref_slice %arg9[%select_n3A_619, %dma_wait3A_1136, %dma_wait3A_1137, %dma_wait3A_1138] : memref<4x4x8x129xf32, #tpu.memory_space<vmem>> -> memref<1x4x8x128xf32, #tpu.memory_space<vmem>>
        %dma_wait3A_1140 = tpu.memref_squeeze %dma_wait3A_1139 : memref<1x4x8x128xf32, #tpu.memory_space<vmem>> -> memref<4x8x128xf32, #tpu.memory_space<vmem>>
        tpu.wait_dma2 semaphore(%dma_wait3A_1130 : memref<!tpu.dma_semaphore, #tpu.memory_space<semaphore_mem>>) src(%dma_wait3A_1140 : memref<4x8x128xf32, #tpu.memory_space<vmem>>) dst(%dma_wait3A_1135 : memref<4x8x128xf32, #tpu.memory_space<hbm>>)
      } else {
      }
      %parallel_loop3A_625 = arith.constant 0 : i32
      %parallel_loop3A_626 = arith.constant 128 : i32
      %parallel_loop3A_627 = arith.constant 1 : i32
      scf.for %parallel_loop3A_1117 = %parallel_loop3A_625 to %parallel_loop3A_626 step %parallel_loop3A_627  : i32 {
        %parallel_loop3A_1118 = arith.constant 0 : i32
        %parallel_loop3A_1119 = vector.broadcast %parallel_loop3A_1118 : i32 to vector<16xi32>
        %parallel_loop3A_1120 = arith.muli %iota3A, %parallel_loop3A_1119 : vector<16xi32>
        %parallel_loop3A_1121 = vector.broadcast %parallel_loop3A_1117 : i32 to vector<16xi32>
        %parallel_loop3A_1122 = arith.addi %parallel_loop3A_1120, %parallel_loop3A_1121 : vector<16xi32>
        %parallel_loop3A_1123 = arith.constant 3 : i32
        %parallel_loop3A_1124 = arith.index_cast %parallel_loop3A_1123 : i32 to index
        %parallel_loop3A_1125 = arith.index_cast %parallel_loop3A_1117 : i32 to index
        %parallel_loop3A_1126 = arith.constant 0 : index
        %parallel_loop3A_1127 = tpu.vector_load %arg8[%parallel_loop3A_1124, %parallel_loop3A_1125, %parallel_loop3A_1126] {strides = array<i32>} : memref<8x128x32xf32, #tpu.memory_space<vmem>>, vector<16xf32>,
        %parallel_loop3A_1128 = arith.addf %parallel_loop3A_1127, %get3A_600 : vector<16xf32>
        %parallel_loop3A_1129 = arith.constant 3 : i32
        %parallel_loop3A_1130 = arith.index_cast %parallel_loop3A_1129 : i32 to index
        %parallel_loop3A_1131 = arith.index_cast %parallel_loop3A_1117 : i32 to index
        %parallel_loop3A_1132 = arith.constant 16 : index
        %parallel_loop3A_1133 = tpu.vector_load %arg8[%parallel_loop3A_1130, %parallel_loop3A_1131, %parallel_loop3A_1132] {strides = array<i32>} : memref<8x128x32xf32, #tpu.memory_space<vmem>>, vector<16xf32>,
        %parallel_loop3A_1134 = arith.addf %parallel_loop3A_1133, %get3A_603 : vector<16xf32>
        %parallel_loop3A_1135 = arith.constant 0 : i32
        %parallel_loop3A_1136 = arith.constant 0 : i32
        %parallel_loop3A_1137 = arith.constant 0 : i32
        %parallel_loop3A_1138 = tpu.memref_slice %arg9[%select_n3A_619, %parallel_loop3A_1135, %parallel_loop3A_1136, %parallel_loop3A_1137] : memref<4x4x8x129xf32, #tpu.memory_space<vmem>> -> memref<1x4x8x129xf32, #tpu.memory_space<vmem>>
        %parallel_loop3A_1139 = tpu.memref_squeeze %parallel_loop3A_1138 : memref<1x4x8x129xf32, #tpu.memory_space<vmem>> -> memref<4x8x129xf32, #tpu.memory_space<vmem>>
        tpu.vector_store_idx %parallel_loop3A_1139[%shift_right_logical3A_2, %and3A_7, %parallel_loop3A_1122], %parallel_loop3A_1128 : memref<4x8x129xf32, #tpu.memory_space<vmem>>[vector<16xi32>, vector<16xi32>, vector<16xi32>], vector<16xf32>,
        %parallel_loop3A_1140 = arith.constant 0 : i32
        %parallel_loop3A_1141 = arith.constant 0 : i32
        %parallel_loop3A_1142 = arith.constant 0 : i32
        %parallel_loop3A_1143 = tpu.memref_slice %arg9[%select_n3A_619, %parallel_loop3A_1140, %parallel_loop3A_1141, %parallel_loop3A_1142] : memref<4x4x8x129xf32, #tpu.memory_space<vmem>> -> memref<1x4x8x129xf32, #tpu.memory_space<vmem>>
        %parallel_loop3A_1144 = tpu.memref_squeeze %parallel_loop3A_1143 : memref<1x4x8x129xf32, #tpu.memory_space<vmem>> -> memref<4x8x129xf32, #tpu.memory_space<vmem>>
        tpu.vector_store_idx %parallel_loop3A_1144[%add3A_5, %and3A_7, %parallel_loop3A_1122], %parallel_loop3A_1134 : memref<4x8x129xf32, #tpu.memory_space<vmem>>[vector<16xi32>, vector<16xi32>, vector<16xi32>], vector<16xf32>,
      } {sc.loop_unroll_factor = 8 : i64, sc.parallel_access}
      %dma_start3A_628 = arith.constant 0 : i32
      %dma_start3A_629 = arith.constant 0 : i32
      %dma_start3A_630 = arith.constant 0 : i32
      %dma_start3A_631 = tpu.memref_slice %arg9[%select_n3A_619, %dma_start3A_628, %dma_start3A_629, %dma_start3A_630] : memref<4x4x8x129xf32, #tpu.memory_space<vmem>> -> memref<1x4x8x128xf32, #tpu.memory_space<vmem>>
      %dma_start3A_632 = tpu.memref_squeeze %dma_start3A_631 : memref<1x4x8x128xf32, #tpu.memory_space<vmem>> -> memref<4x8x128xf32, #tpu.memory_space<vmem>>
      %dma_start3A_633 = arith.constant 0 : i32
      %dma_start3A_634 = arith.constant 0 : i32
      %dma_start3A_635 = arith.constant 0 : i32
      %dma_start3A_636 = tpu.memref_slice %arg5[%add3A_543, %dma_start3A_633, %add3A, %dma_start3A_634, %dma_start3A_635] : memref<200x4x32x8x128xf32, #tpu.memory_space<hbm>> -> memref<1x4x1x8x128xf32, #tpu.memory_space<hbm>>
      %dma_start3A_637 = tpu.memref_squeeze %dma_start3A_636 : memref<1x4x1x8x128xf32, #tpu.memory_space<hbm>> -> memref<4x8x128xf32, #tpu.memory_space<hbm>>
      %dma_start3A_638 = tpu.memref_slice %arg11[%select_n3A_619] : memref<4x!tpu.dma_semaphore, #tpu.memory_space<semaphore_mem>> -> memref<1x!tpu.dma_semaphore, #tpu.memory_space<semaphore_mem>>
      %dma_start3A_639 = tpu.memref_squeeze %dma_start3A_638 : memref<1x!tpu.dma_semaphore, #tpu.memory_space<semaphore_mem>> -> memref<!tpu.dma_semaphore, #tpu.memory_space<semaphore_mem>>
      %dma_start3A_640 = arith.constant 0 : i32
      %dma_start3A_641 = arith.constant 0 : i32
      %dma_start3A_642 = arith.constant 0 : i32
      %dma_start3A_643 = tpu.memref_slice %arg5[%add3A_543, %dma_start3A_640, %add3A, %dma_start3A_641, %dma_start3A_642] : memref<200x4x32x8x128xf32, #tpu.memory_space<hbm>> -> memref<1x4x1x8x128xf32, #tpu.memory_space<hbm>>
      %dma_start3A_644 = tpu.memref_squeeze %dma_start3A_643 : memref<1x4x1x8x128xf32, #tpu.memory_space<hbm>> -> memref<4x8x128xf32, #tpu.memory_space<hbm>>
      %dma_start3A_645 = arith.constant 0 : i32
      %dma_start3A_646 = arith.constant 0 : i32
      %dma_start3A_647 = arith.constant 0 : i32
      %dma_start3A_648 = tpu.memref_slice %arg9[%select_n3A_619, %dma_start3A_645, %dma_start3A_646, %dma_start3A_647] : memref<4x4x8x129xf32, #tpu.memory_space<vmem>> -> memref<1x4x8x128xf32, #tpu.memory_space<vmem>>
      %dma_start3A_649 = tpu.memref_squeeze %dma_start3A_648 : memref<1x4x8x128xf32, #tpu.memory_space<vmem>> -> memref<4x8x128xf32, #tpu.memory_space<vmem>>
      tpu.enqueue_dma source(%dma_start3A_649 : memref<4x8x128xf32, #tpu.memory_space<vmem>>) target(%dma_start3A_644 : memref<4x8x128xf32, #tpu.memory_space<hbm>>) target_semaphore(%dma_start3A_639 : memref<!tpu.dma_semaphore, #tpu.memory_space<semaphore_mem>>)
      %add3A_650 = arith.constant 6 : i32
      %add3A_651 = arith.addi %add3A_543, %add3A_650 : i32
      %lt3A_652 = arith.constant 200 : i32
      %lt3A_653 = arith.cmpi slt, %add3A_651, %lt3A_652 : i32
      %convert_element_type3A_654 = arith.extui %lt3A_653 : i1 to i32
      %cond3A_655 = arith.constant 0 : i32
      %cond3A_656 = arith.cmpi ne, %convert_element_type3A_654, %cond3A_655 : i32
      scf.if %cond3A_656 {
        %jit3A_1117 = arith.constant 8 : i32
        %div3A_1118 = arith.divsi %add3A_651, %jit3A_1117 : i32
        %sign3A_1119 = arith.constant 0 : i32
        %sign3A_1120 = arith.cmpi sgt, %add3A_651, %sign3A_1119 : i32
        %sign3A_1121 = arith.extui %sign3A_1120 : i1 to i32
        %sign3A_1122 = arith.constant 0 : i32
        %sign3A_1123 = arith.cmpi slt, %add3A_651, %sign3A_1122 : i32
        %sign3A_1124 = arith.extui %sign3A_1123 : i1 to i32
        %sign3A_1125 = arith.subi %sign3A_1121, %sign3A_1124 : i32
        %sign3A_1126 = arith.constant 0 : i32
        %sign3A_1127 = arith.cmpi sgt, %jit3A_1117, %sign3A_1126 : i32
        %sign3A_1128 = arith.extui %sign3A_1127 : i1 to i32
        %sign3A_1129 = arith.constant 0 : i32
        %sign3A_1130 = arith.cmpi slt, %jit3A_1117, %sign3A_1129 : i32
        %sign3A_1131 = arith.extui %sign3A_1130 : i1 to i32
        %sign3A_1132 = arith.subi %sign3A_1128, %sign3A_1131 : i32
        %ne3A_1133 = arith.cmpi ne, %sign3A_1125, %sign3A_1132 : i32
        %rem3A_1134 = arith.remsi %add3A_651, %jit3A_1117 : i32
        %ne3A_1135 = arith.constant 0 : i32
        %ne3A_1136 = arith.cmpi ne, %rem3A_1134, %ne3A_1135 : i32
        %and3A_1137 = arith.andi %ne3A_1133, %ne3A_1136 : i1
        %sub3A_1138 = arith.constant 1 : i32
        %sub3A_1139 = arith.subi %div3A_1118, %sub3A_1138 : i32
        %select_n3A_1140 = arith.select %and3A_1137, %sub3A_1139, %div3A_1118 : i32
        %jit3A_1141 = arith.constant 8 : i32
        %eq3A_1142 = arith.constant 0 : i32
        %eq3A_1143 = arith.cmpi eq, %jit3A_1141, %eq3A_1142 : i32
        %jit3A_1144 = arith.constant 1 : i32
        %select_n3A_1145 = arith.select %eq3A_1143, %jit3A_1144, %jit3A_1141 : i32
        %rem3A_1146 = arith.remsi %add3A_651, %select_n3A_1145 : i32
        %ne3A_1147 = arith.constant 0 : i32
        %ne3A_1148 = arith.cmpi ne, %rem3A_1146, %ne3A_1147 : i32
        %lt3A_1149 = arith.constant 0 : i32
        %lt3A_1150 = arith.cmpi slt, %rem3A_1146, %lt3A_1149 : i32
        %lt3A_1151 = arith.constant 0 : i32
        %lt3A_1152 = arith.cmpi slt, %select_n3A_1145, %lt3A_1151 : i32
        %ne3A_1153 = arith.xori %lt3A_1150, %lt3A_1152 : i1
        %and3A_1154 = arith.andi %ne3A_1153, %ne3A_1148 : i1
        %add3A_1155 = arith.addi %rem3A_1146, %select_n3A_1145 : i32
        %select_n3A_1156 = arith.select %and3A_1154, %add3A_1155, %rem3A_1146 : i32
        %dma_start3A_1157 = arith.constant 1 : i32
        %dma_start3A_1158 = arith.constant 1 : i32
        %dma_start3A_1159 = arith.constant 0 : i32
        %dma_start3A_1160 = arith.constant 0 : i32
        %dma_start3A_1161 = tpu.memref_slice %arg8[%dma_start3A_1157, %dma_start3A_1159, %dma_start3A_1160] : memref<8x128x32xf32, #tpu.memory_space<vmem>> -> memref<1x128x32xf32, #tpu.memory_space<vmem>>
        %dma_start3A_1162 = tpu.memref_squeeze %dma_start3A_1161 : memref<1x128x32xf32, #tpu.memory_space<vmem>> -> memref<128x32xf32, #tpu.memory_space<vmem>>
        %dma_start3A_1163 = arith.constant 0 : i32
        %dma_start3A_1164 = tpu.memref_slice %arg6[%select_n3A_1140, %select_n3A_1156, %dma_start3A_1163] : memref<25x8x128xi32, #tpu.memory_space<vmem>> -> memref<1x1x128xi32, #tpu.memory_space<vmem>>
        %dma_start3A_1165 = tpu.memref_squeeze %dma_start3A_1164 : memref<1x1x128xi32, #tpu.memory_space<vmem>> -> memref<128xi32, #tpu.memory_space<vmem>>
        %dma_start3A_1166 = arith.constant 0 : i32
        %dma_start3A_1167 = arith.constant 0 : i32
        %dma_start3A_1168 = tpu.memref_slice %arg3[%dma_start3A_1166, %dma_start3A_1167] : memref<1000000x32xf32, #tpu.memory_space<hbm>> -> memref<1000000x32xf32, #tpu.memory_space<hbm>>
        %dma_start3A_1169 = tpu.memref_slice %arg10[%dma_start3A_1158] : memref<8x!tpu.dma_semaphore, #tpu.memory_space<semaphore_mem>> -> memref<1x!tpu.dma_semaphore, #tpu.memory_space<semaphore_mem>>
        %dma_start3A_1170 = tpu.memref_squeeze %dma_start3A_1169 : memref<1x!tpu.dma_semaphore, #tpu.memory_space<semaphore_mem>> -> memref<!tpu.dma_semaphore, #tpu.memory_space<semaphore_mem>>
        tpu.enqueue_indirect_dma source(%dma_start3A_1168 : memref<1000000x32xf32, #tpu.memory_space<hbm>>) target(%dma_start3A_1162 : memref<128x32xf32, #tpu.memory_space<vmem>>) offsets(%dma_start3A_1165 : memref<128xi32, #tpu.memory_space<vmem>>) semaphore(%dma_start3A_1170 : memref<!tpu.dma_semaphore, #tpu.memory_space<semaphore_mem>>)
      } else {
      }
      %add3A_657 = arith.constant 4 : i32
      %add3A_658 = arith.addi %add3A_210, %add3A_657 : i32
      %jit3A_659 = arith.constant 8 : i32
      %div3A_660 = arith.divsi %add3A_658, %jit3A_659 : i32
      %sign3A_661 = arith.constant 0 : i32
      %sign3A_662 = arith.cmpi sgt, %add3A_658, %sign3A_661 : i32
      %sign3A_663 = arith.extui %sign3A_662 : i1 to i32
      %sign3A_664 = arith.constant 0 : i32
      %sign3A_665 = arith.cmpi slt, %add3A_658, %sign3A_664 : i32
      %sign3A_666 = arith.extui %sign3A_665 : i1 to i32
      %sign3A_667 = arith.subi %sign3A_663, %sign3A_666 : i32
      %sign3A_668 = arith.constant 0 : i32
      %sign3A_669 = arith.cmpi sgt, %jit3A_659, %sign3A_668 : i32
      %sign3A_670 = arith.extui %sign3A_669 : i1 to i32
      %sign3A_671 = arith.constant 0 : i32
      %sign3A_672 = arith.cmpi slt, %jit3A_659, %sign3A_671 : i32
      %sign3A_673 = arith.extui %sign3A_672 : i1 to i32
      %sign3A_674 = arith.subi %sign3A_670, %sign3A_673 : i32
      %ne3A_675 = arith.cmpi ne, %sign3A_667, %sign3A_674 : i32
      %rem3A_676 = arith.remsi %add3A_658, %jit3A_659 : i32
      %ne3A_677 = arith.constant 0 : i32
      %ne3A_678 = arith.cmpi ne, %rem3A_676, %ne3A_677 : i32
      %and3A_679 = arith.andi %ne3A_675, %ne3A_678 : i1
      %sub3A_680 = arith.constant 1 : i32
      %sub3A_681 = arith.subi %div3A_660, %sub3A_680 : i32
      %select_n3A_682 = arith.select %and3A_679, %sub3A_681, %div3A_660 : i32
      %jit3A_683 = arith.constant 8 : i32
      %eq3A_684 = arith.constant 0 : i32
      %eq3A_685 = arith.cmpi eq, %jit3A_683, %eq3A_684 : i32
      %jit3A_686 = arith.constant 1 : i32
      %select_n3A_687 = arith.select %eq3A_685, %jit3A_686, %jit3A_683 : i32
      %rem3A_688 = arith.remsi %add3A_658, %select_n3A_687 : i32
      %ne3A_689 = arith.constant 0 : i32
      %ne3A_690 = arith.cmpi ne, %rem3A_688, %ne3A_689 : i32
      %lt3A_691 = arith.constant 0 : i32
      %lt3A_692 = arith.cmpi slt, %rem3A_688, %lt3A_691 : i32
      %lt3A_693 = arith.constant 0 : i32
      %lt3A_694 = arith.cmpi slt, %select_n3A_687, %lt3A_693 : i32
      %ne3A_695 = arith.xori %lt3A_692, %lt3A_694 : i1
      %and3A_696 = arith.andi %ne3A_695, %ne3A_690 : i1
      %add3A_697 = arith.addi %rem3A_688, %select_n3A_687 : i32
      %select_n3A_698 = arith.select %and3A_696, %add3A_697, %rem3A_688 : i32
      %dma_wait3A_699 = arith.constant 4 : i32
      %dma_wait3A_700 = arith.constant 4 : i32
      %dma_wait3A_701 = arith.constant 0 : i32
      %dma_wait3A_702 = arith.constant 0 : i32
      %dma_wait3A_703 = tpu.memref_slice %arg8[%dma_wait3A_699, %dma_wait3A_701, %dma_wait3A_702] : memref<8x128x32xf32, #tpu.memory_space<vmem>> -> memref<1x128x32xf32, #tpu.memory_space<vmem>>
      %dma_wait3A_704 = tpu.memref_squeeze %dma_wait3A_703 : memref<1x128x32xf32, #tpu.memory_space<vmem>> -> memref<128x32xf32, #tpu.memory_space<vmem>>
      %dma_wait3A_705 = arith.constant 0 : i32
      %dma_wait3A_706 = tpu.memref_slice %arg6[%select_n3A_682, %select_n3A_698, %dma_wait3A_705] : memref<25x8x128xi32, #tpu.memory_space<vmem>> -> memref<1x1x128xi32, #tpu.memory_space<vmem>>
      %dma_wait3A_707 = tpu.memref_squeeze %dma_wait3A_706 : memref<1x1x128xi32, #tpu.memory_space<vmem>> -> memref<128xi32, #tpu.memory_space<vmem>>
      %dma_wait3A_708 = arith.constant 0 : i32
      %dma_wait3A_709 = arith.constant 0 : i32
      %dma_wait3A_710 = tpu.memref_slice %arg3[%dma_wait3A_708, %dma_wait3A_709] : memref<1000000x32xf32, #tpu.memory_space<hbm>> -> memref<1000000x32xf32, #tpu.memory_space<hbm>>
      %dma_wait3A_711 = tpu.memref_slice %arg10[%dma_wait3A_700] : memref<8x!tpu.dma_semaphore, #tpu.memory_space<semaphore_mem>> -> memref<1x!tpu.dma_semaphore, #tpu.memory_space<semaphore_mem>>
      %dma_wait3A_712 = tpu.memref_squeeze %dma_wait3A_711 : memref<1x!tpu.dma_semaphore, #tpu.memory_space<semaphore_mem>> -> memref<!tpu.dma_semaphore, #tpu.memory_space<semaphore_mem>>
      tpu.wait_indirect_dma semaphore(%dma_wait3A_712 : memref<!tpu.dma_semaphore, #tpu.memory_space<semaphore_mem>>) src(%dma_wait3A_710 : memref<1000000x32xf32, #tpu.memory_space<hbm>>) dst(%dma_wait3A_704 : memref<128x32xf32, #tpu.memory_space<vmem>>)
      %get3A_713 = arith.index_cast %add3A_658 : i32 to index
      %get3A_714 = arith.constant 0 : index
      %get3A_715 = tpu.vector_load %arg7[%get3A_713, %get3A_714] {strides = array<i32>} : memref<200x32xf32, #tpu.memory_space<vmem>>, vector<16xf32>,
      %get3A_716 = arith.index_cast %add3A_658 : i32 to index
      %get3A_717 = arith.constant 16 : index
      %get3A_718 = tpu.vector_load %arg7[%get3A_716, %get3A_717] {strides = array<i32>} : memref<200x32xf32, #tpu.memory_space<vmem>>, vector<16xf32>,
      %jit3A_719 = arith.constant 4 : i32
      %eq3A_720 = arith.constant 0 : i32
      %eq3A_721 = arith.cmpi eq, %jit3A_719, %eq3A_720 : i32
      %jit3A_722 = arith.constant 1 : i32
      %select_n3A_723 = arith.select %eq3A_721, %jit3A_722, %jit3A_719 : i32
      %rem3A_724 = arith.remsi %add3A_658, %select_n3A_723 : i32
      %ne3A_725 = arith.constant 0 : i32
      %ne3A_726 = arith.cmpi ne, %rem3A_724, %ne3A_725 : i32
      %lt3A_727 = arith.constant 0 : i32
      %lt3A_728 = arith.cmpi slt, %rem3A_724, %lt3A_727 : i32
      %lt3A_729 = arith.constant 0 : i32
      %lt3A_730 = arith.cmpi slt, %select_n3A_723, %lt3A_729 : i32
      %ne3A_731 = arith.xori %lt3A_728, %lt3A_730 : i1
      %and3A_732 = arith.andi %ne3A_731, %ne3A_726 : i1
      %add3A_733 = arith.addi %rem3A_724, %select_n3A_723 : i32
      %select_n3A_734 = arith.select %and3A_732, %add3A_733, %rem3A_724 : i32
      %ge3A_735 = arith.constant 4 : i32
      %ge3A_736 = arith.cmpi sge, %add3A_658, %ge3A_735 : i32
      %convert_element_type3A_737 = arith.extui %ge3A_736 : i1 to i32
      %cond3A_738 = arith.constant 0 : i32
      %cond3A_739 = arith.cmpi ne, %convert_element_type3A_737, %cond3A_738 : i32
      scf.if %cond3A_739 {
        %sub3A_1117 = arith.constant 4 : i32
        %sub3A_1118 = arith.subi %add3A_658, %sub3A_1117 : i32
        %dma_wait3A_1119 = arith.constant 0 : i32
        %dma_wait3A_1120 = arith.constant 0 : i32
        %dma_wait3A_1121 = arith.constant 0 : i32
        %dma_wait3A_1122 = tpu.memref_slice %arg9[%select_n3A_734, %dma_wait3A_1119, %dma_wait3A_1120, %dma_wait3A_1121] : memref<4x4x8x129xf32, #tpu.memory_space<vmem>> -> memref<1x4x8x128xf32, #tpu.memory_space<vmem>>
        %dma_wait3A_1123 = tpu.memref_squeeze %dma_wait3A_1122 : memref<1x4x8x128xf32, #tpu.memory_space<vmem>> -> memref<4x8x128xf32, #tpu.memory_space<vmem>>
        %dma_wait3A_1124 = arith.constant 0 : i32
        %dma_wait3A_1125 = arith.constant 0 : i32
        %dma_wait3A_1126 = arith.constant 0 : i32
        %dma_wait3A_1127 = tpu.memref_slice %arg5[%sub3A_1118, %dma_wait3A_1124, %add3A, %dma_wait3A_1125, %dma_wait3A_1126] : memref<200x4x32x8x128xf32, #tpu.memory_space<hbm>> -> memref<1x4x1x8x128xf32, #tpu.memory_space<hbm>>
        %dma_wait3A_1128 = tpu.memref_squeeze %dma_wait3A_1127 : memref<1x4x1x8x128xf32, #tpu.memory_space<hbm>> -> memref<4x8x128xf32, #tpu.memory_space<hbm>>
        %dma_wait3A_1129 = tpu.memref_slice %arg11[%select_n3A_734] : memref<4x!tpu.dma_semaphore, #tpu.memory_space<semaphore_mem>> -> memref<1x!tpu.dma_semaphore, #tpu.memory_space<semaphore_mem>>
        %dma_wait3A_1130 = tpu.memref_squeeze %dma_wait3A_1129 : memref<1x!tpu.dma_semaphore, #tpu.memory_space<semaphore_mem>> -> memref<!tpu.dma_semaphore, #tpu.memory_space<semaphore_mem>>
        %dma_wait3A_1131 = arith.constant 0 : i32
        %dma_wait3A_1132 = arith.constant 0 : i32
        %dma_wait3A_1133 = arith.constant 0 : i32
        %dma_wait3A_1134 = tpu.memref_slice %arg5[%sub3A_1118, %dma_wait3A_1131, %add3A, %dma_wait3A_1132, %dma_wait3A_1133] : memref<200x4x32x8x128xf32, #tpu.memory_space<hbm>> -> memref<1x4x1x8x128xf32, #tpu.memory_space<hbm>>
        %dma_wait3A_1135 = tpu.memref_squeeze %dma_wait3A_1134 : memref<1x4x1x8x128xf32, #tpu.memory_space<hbm>> -> memref<4x8x128xf32, #tpu.memory_space<hbm>>
        %dma_wait3A_1136 = arith.constant 0 : i32
        %dma_wait3A_1137 = arith.constant 0 : i32
        %dma_wait3A_1138 = arith.constant 0 : i32
        %dma_wait3A_1139 = tpu.memref_slice %arg9[%select_n3A_734, %dma_wait3A_1136, %dma_wait3A_1137, %dma_wait3A_1138] : memref<4x4x8x129xf32, #tpu.memory_space<vmem>> -> memref<1x4x8x128xf32, #tpu.memory_space<vmem>>
        %dma_wait3A_1140 = tpu.memref_squeeze %dma_wait3A_1139 : memref<1x4x8x128xf32, #tpu.memory_space<vmem>> -> memref<4x8x128xf32, #tpu.memory_space<vmem>>
        tpu.wait_dma2 semaphore(%dma_wait3A_1130 : memref<!tpu.dma_semaphore, #tpu.memory_space<semaphore_mem>>) src(%dma_wait3A_1140 : memref<4x8x128xf32, #tpu.memory_space<vmem>>) dst(%dma_wait3A_1135 : memref<4x8x128xf32, #tpu.memory_space<hbm>>)
      } else {
      }
      %parallel_loop3A_740 = arith.constant 0 : i32
      %parallel_loop3A_741 = arith.constant 128 : i32
      %parallel_loop3A_742 = arith.constant 1 : i32
      scf.for %parallel_loop3A_1117 = %parallel_loop3A_740 to %parallel_loop3A_741 step %parallel_loop3A_742  : i32 {
        %parallel_loop3A_1118 = arith.constant 0 : i32
        %parallel_loop3A_1119 = vector.broadcast %parallel_loop3A_1118 : i32 to vector<16xi32>
        %parallel_loop3A_1120 = arith.muli %iota3A, %parallel_loop3A_1119 : vector<16xi32>
        %parallel_loop3A_1121 = vector.broadcast %parallel_loop3A_1117 : i32 to vector<16xi32>
        %parallel_loop3A_1122 = arith.addi %parallel_loop3A_1120, %parallel_loop3A_1121 : vector<16xi32>
        %parallel_loop3A_1123 = arith.constant 4 : i32
        %parallel_loop3A_1124 = arith.index_cast %parallel_loop3A_1123 : i32 to index
        %parallel_loop3A_1125 = arith.index_cast %parallel_loop3A_1117 : i32 to index
        %parallel_loop3A_1126 = arith.constant 0 : index
        %parallel_loop3A_1127 = tpu.vector_load %arg8[%parallel_loop3A_1124, %parallel_loop3A_1125, %parallel_loop3A_1126] {strides = array<i32>} : memref<8x128x32xf32, #tpu.memory_space<vmem>>, vector<16xf32>,
        %parallel_loop3A_1128 = arith.addf %parallel_loop3A_1127, %get3A_715 : vector<16xf32>
        %parallel_loop3A_1129 = arith.constant 4 : i32
        %parallel_loop3A_1130 = arith.index_cast %parallel_loop3A_1129 : i32 to index
        %parallel_loop3A_1131 = arith.index_cast %parallel_loop3A_1117 : i32 to index
        %parallel_loop3A_1132 = arith.constant 16 : index
        %parallel_loop3A_1133 = tpu.vector_load %arg8[%parallel_loop3A_1130, %parallel_loop3A_1131, %parallel_loop3A_1132] {strides = array<i32>} : memref<8x128x32xf32, #tpu.memory_space<vmem>>, vector<16xf32>,
        %parallel_loop3A_1134 = arith.addf %parallel_loop3A_1133, %get3A_718 : vector<16xf32>
        %parallel_loop3A_1135 = arith.constant 0 : i32
        %parallel_loop3A_1136 = arith.constant 0 : i32
        %parallel_loop3A_1137 = arith.constant 0 : i32
        %parallel_loop3A_1138 = tpu.memref_slice %arg9[%select_n3A_734, %parallel_loop3A_1135, %parallel_loop3A_1136, %parallel_loop3A_1137] : memref<4x4x8x129xf32, #tpu.memory_space<vmem>> -> memref<1x4x8x129xf32, #tpu.memory_space<vmem>>
        %parallel_loop3A_1139 = tpu.memref_squeeze %parallel_loop3A_1138 : memref<1x4x8x129xf32, #tpu.memory_space<vmem>> -> memref<4x8x129xf32, #tpu.memory_space<vmem>>
        tpu.vector_store_idx %parallel_loop3A_1139[%shift_right_logical3A_2, %and3A_7, %parallel_loop3A_1122], %parallel_loop3A_1128 : memref<4x8x129xf32, #tpu.memory_space<vmem>>[vector<16xi32>, vector<16xi32>, vector<16xi32>], vector<16xf32>,
        %parallel_loop3A_1140 = arith.constant 0 : i32
        %parallel_loop3A_1141 = arith.constant 0 : i32
        %parallel_loop3A_1142 = arith.constant 0 : i32
        %parallel_loop3A_1143 = tpu.memref_slice %arg9[%select_n3A_734, %parallel_loop3A_1140, %parallel_loop3A_1141, %parallel_loop3A_1142] : memref<4x4x8x129xf32, #tpu.memory_space<vmem>> -> memref<1x4x8x129xf32, #tpu.memory_space<vmem>>
        %parallel_loop3A_1144 = tpu.memref_squeeze %parallel_loop3A_1143 : memref<1x4x8x129xf32, #tpu.memory_space<vmem>> -> memref<4x8x129xf32, #tpu.memory_space<vmem>>
        tpu.vector_store_idx %parallel_loop3A_1144[%add3A_5, %and3A_7, %parallel_loop3A_1122], %parallel_loop3A_1134 : memref<4x8x129xf32, #tpu.memory_space<vmem>>[vector<16xi32>, vector<16xi32>, vector<16xi32>], vector<16xf32>,
      } {sc.loop_unroll_factor = 8 : i64, sc.parallel_access}
      %dma_start3A_743 = arith.constant 0 : i32
      %dma_start3A_744 = arith.constant 0 : i32
      %dma_start3A_745 = arith.constant 0 : i32
      %dma_start3A_746 = tpu.memref_slice %arg9[%select_n3A_734, %dma_start3A_743, %dma_start3A_744, %dma_start3A_745] : memref<4x4x8x129xf32, #tpu.memory_space<vmem>> -> memref<1x4x8x128xf32, #tpu.memory_space<vmem>>
      %dma_start3A_747 = tpu.memref_squeeze %dma_start3A_746 : memref<1x4x8x128xf32, #tpu.memory_space<vmem>> -> memref<4x8x128xf32, #tpu.memory_space<vmem>>
      %dma_start3A_748 = arith.constant 0 : i32
      %dma_start3A_749 = arith.constant 0 : i32
      %dma_start3A_750 = arith.constant 0 : i32
      %dma_start3A_751 = tpu.memref_slice %arg5[%add3A_658, %dma_start3A_748, %add3A, %dma_start3A_749, %dma_start3A_750] : memref<200x4x32x8x128xf32, #tpu.memory_space<hbm>> -> memref<1x4x1x8x128xf32, #tpu.memory_space<hbm>>
      %dma_start3A_752 = tpu.memref_squeeze %dma_start3A_751 : memref<1x4x1x8x128xf32, #tpu.memory_space<hbm>> -> memref<4x8x128xf32, #tpu.memory_space<hbm>>
      %dma_start3A_753 = tpu.memref_slice %arg11[%select_n3A_734] : memref<4x!tpu.dma_semaphore, #tpu.memory_space<semaphore_mem>> -> memref<1x!tpu.dma_semaphore, #tpu.memory_space<semaphore_mem>>
      %dma_start3A_754 = tpu.memref_squeeze %dma_start3A_753 : memref<1x!tpu.dma_semaphore, #tpu.memory_space<semaphore_mem>> -> memref<!tpu.dma_semaphore, #tpu.memory_space<semaphore_mem>>
      %dma_start3A_755 = arith.constant 0 : i32
      %dma_start3A_756 = arith.constant 0 : i32
      %dma_start3A_757 = arith.constant 0 : i32
      %dma_start3A_758 = tpu.memref_slice %arg5[%add3A_658, %dma_start3A_755, %add3A, %dma_start3A_756, %dma_start3A_757] : memref<200x4x32x8x128xf32, #tpu.memory_space<hbm>> -> memref<1x4x1x8x128xf32, #tpu.memory_space<hbm>>
      %dma_start3A_759 = tpu.memref_squeeze %dma_start3A_758 : memref<1x4x1x8x128xf32, #tpu.memory_space<hbm>> -> memref<4x8x128xf32, #tpu.memory_space<hbm>>
      %dma_start3A_760 = arith.constant 0 : i32
      %dma_start3A_761 = arith.constant 0 : i32
      %dma_start3A_762 = arith.constant 0 : i32
      %dma_start3A_763 = tpu.memref_slice %arg9[%select_n3A_734, %dma_start3A_760, %dma_start3A_761, %dma_start3A_762] : memref<4x4x8x129xf32, #tpu.memory_space<vmem>> -> memref<1x4x8x128xf32, #tpu.memory_space<vmem>>
      %dma_start3A_764 = tpu.memref_squeeze %dma_start3A_763 : memref<1x4x8x128xf32, #tpu.memory_space<vmem>> -> memref<4x8x128xf32, #tpu.memory_space<vmem>>
      tpu.enqueue_dma source(%dma_start3A_764 : memref<4x8x128xf32, #tpu.memory_space<vmem>>) target(%dma_start3A_759 : memref<4x8x128xf32, #tpu.memory_space<hbm>>) target_semaphore(%dma_start3A_754 : memref<!tpu.dma_semaphore, #tpu.memory_space<semaphore_mem>>)
      %add3A_765 = arith.constant 6 : i32
      %add3A_766 = arith.addi %add3A_658, %add3A_765 : i32
      %lt3A_767 = arith.constant 200 : i32
      %lt3A_768 = arith.cmpi slt, %add3A_766, %lt3A_767 : i32
      %convert_element_type3A_769 = arith.extui %lt3A_768 : i1 to i32
      %cond3A_770 = arith.constant 0 : i32
      %cond3A_771 = arith.cmpi ne, %convert_element_type3A_769, %cond3A_770 : i32
      scf.if %cond3A_771 {
        %jit3A_1117 = arith.constant 8 : i32
        %div3A_1118 = arith.divsi %add3A_766, %jit3A_1117 : i32
        %sign3A_1119 = arith.constant 0 : i32
        %sign3A_1120 = arith.cmpi sgt, %add3A_766, %sign3A_1119 : i32
        %sign3A_1121 = arith.extui %sign3A_1120 : i1 to i32
        %sign3A_1122 = arith.constant 0 : i32
        %sign3A_1123 = arith.cmpi slt, %add3A_766, %sign3A_1122 : i32
        %sign3A_1124 = arith.extui %sign3A_1123 : i1 to i32
        %sign3A_1125 = arith.subi %sign3A_1121, %sign3A_1124 : i32
        %sign3A_1126 = arith.constant 0 : i32
        %sign3A_1127 = arith.cmpi sgt, %jit3A_1117, %sign3A_1126 : i32
        %sign3A_1128 = arith.extui %sign3A_1127 : i1 to i32
        %sign3A_1129 = arith.constant 0 : i32
        %sign3A_1130 = arith.cmpi slt, %jit3A_1117, %sign3A_1129 : i32
        %sign3A_1131 = arith.extui %sign3A_1130 : i1 to i32
        %sign3A_1132 = arith.subi %sign3A_1128, %sign3A_1131 : i32
        %ne3A_1133 = arith.cmpi ne, %sign3A_1125, %sign3A_1132 : i32
        %rem3A_1134 = arith.remsi %add3A_766, %jit3A_1117 : i32
        %ne3A_1135 = arith.constant 0 : i32
        %ne3A_1136 = arith.cmpi ne, %rem3A_1134, %ne3A_1135 : i32
        %and3A_1137 = arith.andi %ne3A_1133, %ne3A_1136 : i1
        %sub3A_1138 = arith.constant 1 : i32
        %sub3A_1139 = arith.subi %div3A_1118, %sub3A_1138 : i32
        %select_n3A_1140 = arith.select %and3A_1137, %sub3A_1139, %div3A_1118 : i32
        %jit3A_1141 = arith.constant 8 : i32
        %eq3A_1142 = arith.constant 0 : i32
        %eq3A_1143 = arith.cmpi eq, %jit3A_1141, %eq3A_1142 : i32
        %jit3A_1144 = arith.constant 1 : i32
        %select_n3A_1145 = arith.select %eq3A_1143, %jit3A_1144, %jit3A_1141 : i32
        %rem3A_1146 = arith.remsi %add3A_766, %select_n3A_1145 : i32
        %ne3A_1147 = arith.constant 0 : i32
        %ne3A_1148 = arith.cmpi ne, %rem3A_1146, %ne3A_1147 : i32
        %lt3A_1149 = arith.constant 0 : i32
        %lt3A_1150 = arith.cmpi slt, %rem3A_1146, %lt3A_1149 : i32
        %lt3A_1151 = arith.constant 0 : i32
        %lt3A_1152 = arith.cmpi slt, %select_n3A_1145, %lt3A_1151 : i32
        %ne3A_1153 = arith.xori %lt3A_1150, %lt3A_1152 : i1
        %and3A_1154 = arith.andi %ne3A_1153, %ne3A_1148 : i1
        %add3A_1155 = arith.addi %rem3A_1146, %select_n3A_1145 : i32
        %select_n3A_1156 = arith.select %and3A_1154, %add3A_1155, %rem3A_1146 : i32
        %dma_start3A_1157 = arith.constant 2 : i32
        %dma_start3A_1158 = arith.constant 2 : i32
        %dma_start3A_1159 = arith.constant 0 : i32
        %dma_start3A_1160 = arith.constant 0 : i32
        %dma_start3A_1161 = tpu.memref_slice %arg8[%dma_start3A_1157, %dma_start3A_1159, %dma_start3A_1160] : memref<8x128x32xf32, #tpu.memory_space<vmem>> -> memref<1x128x32xf32, #tpu.memory_space<vmem>>
        %dma_start3A_1162 = tpu.memref_squeeze %dma_start3A_1161 : memref<1x128x32xf32, #tpu.memory_space<vmem>> -> memref<128x32xf32, #tpu.memory_space<vmem>>
        %dma_start3A_1163 = arith.constant 0 : i32
        %dma_start3A_1164 = tpu.memref_slice %arg6[%select_n3A_1140, %select_n3A_1156, %dma_start3A_1163] : memref<25x8x128xi32, #tpu.memory_space<vmem>> -> memref<1x1x128xi32, #tpu.memory_space<vmem>>
        %dma_start3A_1165 = tpu.memref_squeeze %dma_start3A_1164 : memref<1x1x128xi32, #tpu.memory_space<vmem>> -> memref<128xi32, #tpu.memory_space<vmem>>
        %dma_start3A_1166 = arith.constant 0 : i32
        %dma_start3A_1167 = arith.constant 0 : i32
        %dma_start3A_1168 = tpu.memref_slice %arg3[%dma_start3A_1166, %dma_start3A_1167] : memref<1000000x32xf32, #tpu.memory_space<hbm>> -> memref<1000000x32xf32, #tpu.memory_space<hbm>>
        %dma_start3A_1169 = tpu.memref_slice %arg10[%dma_start3A_1158] : memref<8x!tpu.dma_semaphore, #tpu.memory_space<semaphore_mem>> -> memref<1x!tpu.dma_semaphore, #tpu.memory_space<semaphore_mem>>
        %dma_start3A_1170 = tpu.memref_squeeze %dma_start3A_1169 : memref<1x!tpu.dma_semaphore, #tpu.memory_space<semaphore_mem>> -> memref<!tpu.dma_semaphore, #tpu.memory_space<semaphore_mem>>
        tpu.enqueue_indirect_dma source(%dma_start3A_1168 : memref<1000000x32xf32, #tpu.memory_space<hbm>>) target(%dma_start3A_1162 : memref<128x32xf32, #tpu.memory_space<vmem>>) offsets(%dma_start3A_1165 : memref<128xi32, #tpu.memory_space<vmem>>) semaphore(%dma_start3A_1170 : memref<!tpu.dma_semaphore, #tpu.memory_space<semaphore_mem>>)
      } else {
      }
      %add3A_772 = arith.constant 5 : i32
      %add3A_773 = arith.addi %add3A_210, %add3A_772 : i32
      %jit3A_774 = arith.constant 8 : i32
      %div3A_775 = arith.divsi %add3A_773, %jit3A_774 : i32
      %sign3A_776 = arith.constant 0 : i32
      %sign3A_777 = arith.cmpi sgt, %add3A_773, %sign3A_776 : i32
      %sign3A_778 = arith.extui %sign3A_777 : i1 to i32
      %sign3A_779 = arith.constant 0 : i32
      %sign3A_780 = arith.cmpi slt, %add3A_773, %sign3A_779 : i32
      %sign3A_781 = arith.extui %sign3A_780 : i1 to i32
      %sign3A_782 = arith.subi %sign3A_778, %sign3A_781 : i32
      %sign3A_783 = arith.constant 0 : i32
      %sign3A_784 = arith.cmpi sgt, %jit3A_774, %sign3A_783 : i32
      %sign3A_785 = arith.extui %sign3A_784 : i1 to i32
      %sign3A_786 = arith.constant 0 : i32
      %sign3A_787 = arith.cmpi slt, %jit3A_774, %sign3A_786 : i32
      %sign3A_788 = arith.extui %sign3A_787 : i1 to i32
      %sign3A_789 = arith.subi %sign3A_785, %sign3A_788 : i32
      %ne3A_790 = arith.cmpi ne, %sign3A_782, %sign3A_789 : i32
      %rem3A_791 = arith.remsi %add3A_773, %jit3A_774 : i32
      %ne3A_792 = arith.constant 0 : i32
      %ne3A_793 = arith.cmpi ne, %rem3A_791, %ne3A_792 : i32
      %and3A_794 = arith.andi %ne3A_790, %ne3A_793 : i1
      %sub3A_795 = arith.constant 1 : i32
      %sub3A_796 = arith.subi %div3A_775, %sub3A_795 : i32
      %select_n3A_797 = arith.select %and3A_794, %sub3A_796, %div3A_775 : i32
      %jit3A_798 = arith.constant 8 : i32
      %eq3A_799 = arith.constant 0 : i32
      %eq3A_800 = arith.cmpi eq, %jit3A_798, %eq3A_799 : i32
      %jit3A_801 = arith.constant 1 : i32
      %select_n3A_802 = arith.select %eq3A_800, %jit3A_801, %jit3A_798 : i32
      %rem3A_803 = arith.remsi %add3A_773, %select_n3A_802 : i32
      %ne3A_804 = arith.constant 0 : i32
      %ne3A_805 = arith.cmpi ne, %rem3A_803, %ne3A_804 : i32
      %lt3A_806 = arith.constant 0 : i32
      %lt3A_807 = arith.cmpi slt, %rem3A_803, %lt3A_806 : i32
      %lt3A_808 = arith.constant 0 : i32
      %lt3A_809 = arith.cmpi slt, %select_n3A_802, %lt3A_808 : i32
      %ne3A_810 = arith.xori %lt3A_807, %lt3A_809 : i1
      %and3A_811 = arith.andi %ne3A_810, %ne3A_805 : i1
      %add3A_812 = arith.addi %rem3A_803, %select_n3A_802 : i32
      %select_n3A_813 = arith.select %and3A_811, %add3A_812, %rem3A_803 : i32
      %dma_wait3A_814 = arith.constant 5 : i32
      %dma_wait3A_815 = arith.constant 5 : i32
      %dma_wait3A_816 = arith.constant 0 : i32
      %dma_wait3A_817 = arith.constant 0 : i32
      %dma_wait3A_818 = tpu.memref_slice %arg8[%dma_wait3A_814, %dma_wait3A_816, %dma_wait3A_817] : memref<8x128x32xf32, #tpu.memory_space<vmem>> -> memref<1x128x32xf32, #tpu.memory_space<vmem>>
      %dma_wait3A_819 = tpu.memref_squeeze %dma_wait3A_818 : memref<1x128x32xf32, #tpu.memory_space<vmem>> -> memref<128x32xf32, #tpu.memory_space<vmem>>
      %dma_wait3A_820 = arith.constant 0 : i32
      %dma_wait3A_821 = tpu.memref_slice %arg6[%select_n3A_797, %select_n3A_813, %dma_wait3A_820] : memref<25x8x128xi32, #tpu.memory_space<vmem>> -> memref<1x1x128xi32, #tpu.memory_space<vmem>>
      %dma_wait3A_822 = tpu.memref_squeeze %dma_wait3A_821 : memref<1x1x128xi32, #tpu.memory_space<vmem>> -> memref<128xi32, #tpu.memory_space<vmem>>
      %dma_wait3A_823 = arith.constant 0 : i32
      %dma_wait3A_824 = arith.constant 0 : i32
      %dma_wait3A_825 = tpu.memref_slice %arg3[%dma_wait3A_823, %dma_wait3A_824] : memref<1000000x32xf32, #tpu.memory_space<hbm>> -> memref<1000000x32xf32, #tpu.memory_space<hbm>>
      %dma_wait3A_826 = tpu.memref_slice %arg10[%dma_wait3A_815] : memref<8x!tpu.dma_semaphore, #tpu.memory_space<semaphore_mem>> -> memref<1x!tpu.dma_semaphore, #tpu.memory_space<semaphore_mem>>
      %dma_wait3A_827 = tpu.memref_squeeze %dma_wait3A_826 : memref<1x!tpu.dma_semaphore, #tpu.memory_space<semaphore_mem>> -> memref<!tpu.dma_semaphore, #tpu.memory_space<semaphore_mem>>
      tpu.wait_indirect_dma semaphore(%dma_wait3A_827 : memref<!tpu.dma_semaphore, #tpu.memory_space<semaphore_mem>>) src(%dma_wait3A_825 : memref<1000000x32xf32, #tpu.memory_space<hbm>>) dst(%dma_wait3A_819 : memref<128x32xf32, #tpu.memory_space<vmem>>)
      %get3A_828 = arith.index_cast %add3A_773 : i32 to index
      %get3A_829 = arith.constant 0 : index
      %get3A_830 = tpu.vector_load %arg7[%get3A_828, %get3A_829] {strides = array<i32>} : memref<200x32xf32, #tpu.memory_space<vmem>>, vector<16xf32>,
      %get3A_831 = arith.index_cast %add3A_773 : i32 to index
      %get3A_832 = arith.constant 16 : index
      %get3A_833 = tpu.vector_load %arg7[%get3A_831, %get3A_832] {strides = array<i32>} : memref<200x32xf32, #tpu.memory_space<vmem>>, vector<16xf32>,
      %jit3A_834 = arith.constant 4 : i32
      %eq3A_835 = arith.constant 0 : i32
      %eq3A_836 = arith.cmpi eq, %jit3A_834, %eq3A_835 : i32
      %jit3A_837 = arith.constant 1 : i32
      %select_n3A_838 = arith.select %eq3A_836, %jit3A_837, %jit3A_834 : i32
      %rem3A_839 = arith.remsi %add3A_773, %select_n3A_838 : i32
      %ne3A_840 = arith.constant 0 : i32
      %ne3A_841 = arith.cmpi ne, %rem3A_839, %ne3A_840 : i32
      %lt3A_842 = arith.constant 0 : i32
      %lt3A_843 = arith.cmpi slt, %rem3A_839, %lt3A_842 : i32
      %lt3A_844 = arith.constant 0 : i32
      %lt3A_845 = arith.cmpi slt, %select_n3A_838, %lt3A_844 : i32
      %ne3A_846 = arith.xori %lt3A_843, %lt3A_845 : i1
      %and3A_847 = arith.andi %ne3A_846, %ne3A_841 : i1
      %add3A_848 = arith.addi %rem3A_839, %select_n3A_838 : i32
      %select_n3A_849 = arith.select %and3A_847, %add3A_848, %rem3A_839 : i32
      %ge3A_850 = arith.constant 4 : i32
      %ge3A_851 = arith.cmpi sge, %add3A_773, %ge3A_850 : i32
      %convert_element_type3A_852 = arith.extui %ge3A_851 : i1 to i32
      %cond3A_853 = arith.constant 0 : i32
      %cond3A_854 = arith.cmpi ne, %convert_element_type3A_852, %cond3A_853 : i32
      scf.if %cond3A_854 {
        %sub3A_1117 = arith.constant 4 : i32
        %sub3A_1118 = arith.subi %add3A_773, %sub3A_1117 : i32
        %dma_wait3A_1119 = arith.constant 0 : i32
        %dma_wait3A_1120 = arith.constant 0 : i32
        %dma_wait3A_1121 = arith.constant 0 : i32
        %dma_wait3A_1122 = tpu.memref_slice %arg9[%select_n3A_849, %dma_wait3A_1119, %dma_wait3A_1120, %dma_wait3A_1121] : memref<4x4x8x129xf32, #tpu.memory_space<vmem>> -> memref<1x4x8x128xf32, #tpu.memory_space<vmem>>
        %dma_wait3A_1123 = tpu.memref_squeeze %dma_wait3A_1122 : memref<1x4x8x128xf32, #tpu.memory_space<vmem>> -> memref<4x8x128xf32, #tpu.memory_space<vmem>>
        %dma_wait3A_1124 = arith.constant 0 : i32
        %dma_wait3A_1125 = arith.constant 0 : i32
        %dma_wait3A_1126 = arith.constant 0 : i32
        %dma_wait3A_1127 = tpu.memref_slice %arg5[%sub3A_1118, %dma_wait3A_1124, %add3A, %dma_wait3A_1125, %dma_wait3A_1126] : memref<200x4x32x8x128xf32, #tpu.memory_space<hbm>> -> memref<1x4x1x8x128xf32, #tpu.memory_space<hbm>>
        %dma_wait3A_1128 = tpu.memref_squeeze %dma_wait3A_1127 : memref<1x4x1x8x128xf32, #tpu.memory_space<hbm>> -> memref<4x8x128xf32, #tpu.memory_space<hbm>>
        %dma_wait3A_1129 = tpu.memref_slice %arg11[%select_n3A_849] : memref<4x!tpu.dma_semaphore, #tpu.memory_space<semaphore_mem>> -> memref<1x!tpu.dma_semaphore, #tpu.memory_space<semaphore_mem>>
        %dma_wait3A_1130 = tpu.memref_squeeze %dma_wait3A_1129 : memref<1x!tpu.dma_semaphore, #tpu.memory_space<semaphore_mem>> -> memref<!tpu.dma_semaphore, #tpu.memory_space<semaphore_mem>>
        %dma_wait3A_1131 = arith.constant 0 : i32
        %dma_wait3A_1132 = arith.constant 0 : i32
        %dma_wait3A_1133 = arith.constant 0 : i32
        %dma_wait3A_1134 = tpu.memref_slice %arg5[%sub3A_1118, %dma_wait3A_1131, %add3A, %dma_wait3A_1132, %dma_wait3A_1133] : memref<200x4x32x8x128xf32, #tpu.memory_space<hbm>> -> memref<1x4x1x8x128xf32, #tpu.memory_space<hbm>>
        %dma_wait3A_1135 = tpu.memref_squeeze %dma_wait3A_1134 : memref<1x4x1x8x128xf32, #tpu.memory_space<hbm>> -> memref<4x8x128xf32, #tpu.memory_space<hbm>>
        %dma_wait3A_1136 = arith.constant 0 : i32
        %dma_wait3A_1137 = arith.constant 0 : i32
        %dma_wait3A_1138 = arith.constant 0 : i32
        %dma_wait3A_1139 = tpu.memref_slice %arg9[%select_n3A_849, %dma_wait3A_1136, %dma_wait3A_1137, %dma_wait3A_1138] : memref<4x4x8x129xf32, #tpu.memory_space<vmem>> -> memref<1x4x8x128xf32, #tpu.memory_space<vmem>>
        %dma_wait3A_1140 = tpu.memref_squeeze %dma_wait3A_1139 : memref<1x4x8x128xf32, #tpu.memory_space<vmem>> -> memref<4x8x128xf32, #tpu.memory_space<vmem>>
        tpu.wait_dma2 semaphore(%dma_wait3A_1130 : memref<!tpu.dma_semaphore, #tpu.memory_space<semaphore_mem>>) src(%dma_wait3A_1140 : memref<4x8x128xf32, #tpu.memory_space<vmem>>) dst(%dma_wait3A_1135 : memref<4x8x128xf32, #tpu.memory_space<hbm>>)
      } else {
      }
      %parallel_loop3A_855 = arith.constant 0 : i32
      %parallel_loop3A_856 = arith.constant 128 : i32
      %parallel_loop3A_857 = arith.constant 1 : i32
      scf.for %parallel_loop3A_1117 = %parallel_loop3A_855 to %parallel_loop3A_856 step %parallel_loop3A_857  : i32 {
        %parallel_loop3A_1118 = arith.constant 0 : i32
        %parallel_loop3A_1119 = vector.broadcast %parallel_loop3A_1118 : i32 to vector<16xi32>
        %parallel_loop3A_1120 = arith.muli %iota3A, %parallel_loop3A_1119 : vector<16xi32>
        %parallel_loop3A_1121 = vector.broadcast %parallel_loop3A_1117 : i32 to vector<16xi32>
        %parallel_loop3A_1122 = arith.addi %parallel_loop3A_1120, %parallel_loop3A_1121 : vector<16xi32>
        %parallel_loop3A_1123 = arith.constant 5 : i32
        %parallel_loop3A_1124 = arith.index_cast %parallel_loop3A_1123 : i32 to index
        %parallel_loop3A_1125 = arith.index_cast %parallel_loop3A_1117 : i32 to index
        %parallel_loop3A_1126 = arith.constant 0 : index
        %parallel_loop3A_1127 = tpu.vector_load %arg8[%parallel_loop3A_1124, %parallel_loop3A_1125, %parallel_loop3A_1126] {strides = array<i32>} : memref<8x128x32xf32, #tpu.memory_space<vmem>>, vector<16xf32>,
        %parallel_loop3A_1128 = arith.addf %parallel_loop3A_1127, %get3A_830 : vector<16xf32>
        %parallel_loop3A_1129 = arith.constant 5 : i32
        %parallel_loop3A_1130 = arith.index_cast %parallel_loop3A_1129 : i32 to index
        %parallel_loop3A_1131 = arith.index_cast %parallel_loop3A_1117 : i32 to index
        %parallel_loop3A_1132 = arith.constant 16 : index
        %parallel_loop3A_1133 = tpu.vector_load %arg8[%parallel_loop3A_1130, %parallel_loop3A_1131, %parallel_loop3A_1132] {strides = array<i32>} : memref<8x128x32xf32, #tpu.memory_space<vmem>>, vector<16xf32>,
        %parallel_loop3A_1134 = arith.addf %parallel_loop3A_1133, %get3A_833 : vector<16xf32>
        %parallel_loop3A_1135 = arith.constant 0 : i32
        %parallel_loop3A_1136 = arith.constant 0 : i32
        %parallel_loop3A_1137 = arith.constant 0 : i32
        %parallel_loop3A_1138 = tpu.memref_slice %arg9[%select_n3A_849, %parallel_loop3A_1135, %parallel_loop3A_1136, %parallel_loop3A_1137] : memref<4x4x8x129xf32, #tpu.memory_space<vmem>> -> memref<1x4x8x129xf32, #tpu.memory_space<vmem>>
        %parallel_loop3A_1139 = tpu.memref_squeeze %parallel_loop3A_1138 : memref<1x4x8x129xf32, #tpu.memory_space<vmem>> -> memref<4x8x129xf32, #tpu.memory_space<vmem>>
        tpu.vector_store_idx %parallel_loop3A_1139[%shift_right_logical3A_2, %and3A_7, %parallel_loop3A_1122], %parallel_loop3A_1128 : memref<4x8x129xf32, #tpu.memory_space<vmem>>[vector<16xi32>, vector<16xi32>, vector<16xi32>], vector<16xf32>,
        %parallel_loop3A_1140 = arith.constant 0 : i32
        %parallel_loop3A_1141 = arith.constant 0 : i32
        %parallel_loop3A_1142 = arith.constant 0 : i32
        %parallel_loop3A_1143 = tpu.memref_slice %arg9[%select_n3A_849, %parallel_loop3A_1140, %parallel_loop3A_1141, %parallel_loop3A_1142] : memref<4x4x8x129xf32, #tpu.memory_space<vmem>> -> memref<1x4x8x129xf32, #tpu.memory_space<vmem>>
        %parallel_loop3A_1144 = tpu.memref_squeeze %parallel_loop3A_1143 : memref<1x4x8x129xf32, #tpu.memory_space<vmem>> -> memref<4x8x129xf32, #tpu.memory_space<vmem>>
        tpu.vector_store_idx %parallel_loop3A_1144[%add3A_5, %and3A_7, %parallel_loop3A_1122], %parallel_loop3A_1134 : memref<4x8x129xf32, #tpu.memory_space<vmem>>[vector<16xi32>, vector<16xi32>, vector<16xi32>], vector<16xf32>,
      } {sc.loop_unroll_factor = 8 : i64, sc.parallel_access}
      %dma_start3A_858 = arith.constant 0 : i32
      %dma_start3A_859 = arith.constant 0 : i32
      %dma_start3A_860 = arith.constant 0 : i32
      %dma_start3A_861 = tpu.memref_slice %arg9[%select_n3A_849, %dma_start3A_858, %dma_start3A_859, %dma_start3A_860] : memref<4x4x8x129xf32, #tpu.memory_space<vmem>> -> memref<1x4x8x128xf32, #tpu.memory_space<vmem>>
      %dma_start3A_862 = tpu.memref_squeeze %dma_start3A_861 : memref<1x4x8x128xf32, #tpu.memory_space<vmem>> -> memref<4x8x128xf32, #tpu.memory_space<vmem>>
      %dma_start3A_863 = arith.constant 0 : i32
      %dma_start3A_864 = arith.constant 0 : i32
      %dma_start3A_865 = arith.constant 0 : i32
      %dma_start3A_866 = tpu.memref_slice %arg5[%add3A_773, %dma_start3A_863, %add3A, %dma_start3A_864, %dma_start3A_865] : memref<200x4x32x8x128xf32, #tpu.memory_space<hbm>> -> memref<1x4x1x8x128xf32, #tpu.memory_space<hbm>>
      %dma_start3A_867 = tpu.memref_squeeze %dma_start3A_866 : memref<1x4x1x8x128xf32, #tpu.memory_space<hbm>> -> memref<4x8x128xf32, #tpu.memory_space<hbm>>
      %dma_start3A_868 = tpu.memref_slice %arg11[%select_n3A_849] : memref<4x!tpu.dma_semaphore, #tpu.memory_space<semaphore_mem>> -> memref<1x!tpu.dma_semaphore, #tpu.memory_space<semaphore_mem>>
      %dma_start3A_869 = tpu.memref_squeeze %dma_start3A_868 : memref<1x!tpu.dma_semaphore, #tpu.memory_space<semaphore_mem>> -> memref<!tpu.dma_semaphore, #tpu.memory_space<semaphore_mem>>
      %dma_start3A_870 = arith.constant 0 : i32
      %dma_start3A_871 = arith.constant 0 : i32
      %dma_start3A_872 = arith.constant 0 : i32
      %dma_start3A_873 = tpu.memref_slice %arg5[%add3A_773, %dma_start3A_870, %add3A, %dma_start3A_871, %dma_start3A_872] : memref<200x4x32x8x128xf32, #tpu.memory_space<hbm>> -> memref<1x4x1x8x128xf32, #tpu.memory_space<hbm>>
      %dma_start3A_874 = tpu.memref_squeeze %dma_start3A_873 : memref<1x4x1x8x128xf32, #tpu.memory_space<hbm>> -> memref<4x8x128xf32, #tpu.memory_space<hbm>>
      %dma_start3A_875 = arith.constant 0 : i32
      %dma_start3A_876 = arith.constant 0 : i32
      %dma_start3A_877 = arith.constant 0 : i32
      %dma_start3A_878 = tpu.memref_slice %arg9[%select_n3A_849, %dma_start3A_875, %dma_start3A_876, %dma_start3A_877] : memref<4x4x8x129xf32, #tpu.memory_space<vmem>> -> memref<1x4x8x128xf32, #tpu.memory_space<vmem>>
      %dma_start3A_879 = tpu.memref_squeeze %dma_start3A_878 : memref<1x4x8x128xf32, #tpu.memory_space<vmem>> -> memref<4x8x128xf32, #tpu.memory_space<vmem>>
      tpu.enqueue_dma source(%dma_start3A_879 : memref<4x8x128xf32, #tpu.memory_space<vmem>>) target(%dma_start3A_874 : memref<4x8x128xf32, #tpu.memory_space<hbm>>) target_semaphore(%dma_start3A_869 : memref<!tpu.dma_semaphore, #tpu.memory_space<semaphore_mem>>)
      %add3A_880 = arith.constant 6 : i32
      %add3A_881 = arith.addi %add3A_773, %add3A_880 : i32
      %lt3A_882 = arith.constant 200 : i32
      %lt3A_883 = arith.cmpi slt, %add3A_881, %lt3A_882 : i32
      %convert_element_type3A_884 = arith.extui %lt3A_883 : i1 to i32
      %cond3A_885 = arith.constant 0 : i32
      %cond3A_886 = arith.cmpi ne, %convert_element_type3A_884, %cond3A_885 : i32
      scf.if %cond3A_886 {
        %jit3A_1117 = arith.constant 8 : i32
        %div3A_1118 = arith.divsi %add3A_881, %jit3A_1117 : i32
        %sign3A_1119 = arith.constant 0 : i32
        %sign3A_1120 = arith.cmpi sgt, %add3A_881, %sign3A_1119 : i32
        %sign3A_1121 = arith.extui %sign3A_1120 : i1 to i32
        %sign3A_1122 = arith.constant 0 : i32
        %sign3A_1123 = arith.cmpi slt, %add3A_881, %sign3A_1122 : i32
        %sign3A_1124 = arith.extui %sign3A_1123 : i1 to i32
        %sign3A_1125 = arith.subi %sign3A_1121, %sign3A_1124 : i32
        %sign3A_1126 = arith.constant 0 : i32
        %sign3A_1127 = arith.cmpi sgt, %jit3A_1117, %sign3A_1126 : i32
        %sign3A_1128 = arith.extui %sign3A_1127 : i1 to i32
        %sign3A_1129 = arith.constant 0 : i32
        %sign3A_1130 = arith.cmpi slt, %jit3A_1117, %sign3A_1129 : i32
        %sign3A_1131 = arith.extui %sign3A_1130 : i1 to i32
        %sign3A_1132 = arith.subi %sign3A_1128, %sign3A_1131 : i32
        %ne3A_1133 = arith.cmpi ne, %sign3A_1125, %sign3A_1132 : i32
        %rem3A_1134 = arith.remsi %add3A_881, %jit3A_1117 : i32
        %ne3A_1135 = arith.constant 0 : i32
        %ne3A_1136 = arith.cmpi ne, %rem3A_1134, %ne3A_1135 : i32
        %and3A_1137 = arith.andi %ne3A_1133, %ne3A_1136 : i1
        %sub3A_1138 = arith.constant 1 : i32
        %sub3A_1139 = arith.subi %div3A_1118, %sub3A_1138 : i32
        %select_n3A_1140 = arith.select %and3A_1137, %sub3A_1139, %div3A_1118 : i32
        %jit3A_1141 = arith.constant 8 : i32
        %eq3A_1142 = arith.constant 0 : i32
        %eq3A_1143 = arith.cmpi eq, %jit3A_1141, %eq3A_1142 : i32
        %jit3A_1144 = arith.constant 1 : i32
        %select_n3A_1145 = arith.select %eq3A_1143, %jit3A_1144, %jit3A_1141 : i32
        %rem3A_1146 = arith.remsi %add3A_881, %select_n3A_1145 : i32
        %ne3A_1147 = arith.constant 0 : i32
        %ne3A_1148 = arith.cmpi ne, %rem3A_1146, %ne3A_1147 : i32
        %lt3A_1149 = arith.constant 0 : i32
        %lt3A_1150 = arith.cmpi slt, %rem3A_1146, %lt3A_1149 : i32
        %lt3A_1151 = arith.constant 0 : i32
        %lt3A_1152 = arith.cmpi slt, %select_n3A_1145, %lt3A_1151 : i32
        %ne3A_1153 = arith.xori %lt3A_1150, %lt3A_1152 : i1
        %and3A_1154 = arith.andi %ne3A_1153, %ne3A_1148 : i1
        %add3A_1155 = arith.addi %rem3A_1146, %select_n3A_1145 : i32
        %select_n3A_1156 = arith.select %and3A_1154, %add3A_1155, %rem3A_1146 : i32
        %dma_start3A_1157 = arith.constant 3 : i32
        %dma_start3A_1158 = arith.constant 3 : i32
        %dma_start3A_1159 = arith.constant 0 : i32
        %dma_start3A_1160 = arith.constant 0 : i32
        %dma_start3A_1161 = tpu.memref_slice %arg8[%dma_start3A_1157, %dma_start3A_1159, %dma_start3A_1160] : memref<8x128x32xf32, #tpu.memory_space<vmem>> -> memref<1x128x32xf32, #tpu.memory_space<vmem>>
        %dma_start3A_1162 = tpu.memref_squeeze %dma_start3A_1161 : memref<1x128x32xf32, #tpu.memory_space<vmem>> -> memref<128x32xf32, #tpu.memory_space<vmem>>
        %dma_start3A_1163 = arith.constant 0 : i32
        %dma_start3A_1164 = tpu.memref_slice %arg6[%select_n3A_1140, %select_n3A_1156, %dma_start3A_1163] : memref<25x8x128xi32, #tpu.memory_space<vmem>> -> memref<1x1x128xi32, #tpu.memory_space<vmem>>
        %dma_start3A_1165 = tpu.memref_squeeze %dma_start3A_1164 : memref<1x1x128xi32, #tpu.memory_space<vmem>> -> memref<128xi32, #tpu.memory_space<vmem>>
        %dma_start3A_1166 = arith.constant 0 : i32
        %dma_start3A_1167 = arith.constant 0 : i32
        %dma_start3A_1168 = tpu.memref_slice %arg3[%dma_start3A_1166, %dma_start3A_1167] : memref<1000000x32xf32, #tpu.memory_space<hbm>> -> memref<1000000x32xf32, #tpu.memory_space<hbm>>
        %dma_start3A_1169 = tpu.memref_slice %arg10[%dma_start3A_1158] : memref<8x!tpu.dma_semaphore, #tpu.memory_space<semaphore_mem>> -> memref<1x!tpu.dma_semaphore, #tpu.memory_space<semaphore_mem>>
        %dma_start3A_1170 = tpu.memref_squeeze %dma_start3A_1169 : memref<1x!tpu.dma_semaphore, #tpu.memory_space<semaphore_mem>> -> memref<!tpu.dma_semaphore, #tpu.memory_space<semaphore_mem>>
        tpu.enqueue_indirect_dma source(%dma_start3A_1168 : memref<1000000x32xf32, #tpu.memory_space<hbm>>) target(%dma_start3A_1162 : memref<128x32xf32, #tpu.memory_space<vmem>>) offsets(%dma_start3A_1165 : memref<128xi32, #tpu.memory_space<vmem>>) semaphore(%dma_start3A_1170 : memref<!tpu.dma_semaphore, #tpu.memory_space<semaphore_mem>>)
      } else {
      }
      %add3A_887 = arith.constant 6 : i32
      %add3A_888 = arith.addi %add3A_210, %add3A_887 : i32
      %jit3A_889 = arith.constant 8 : i32
      %div3A_890 = arith.divsi %add3A_888, %jit3A_889 : i32
      %sign3A_891 = arith.constant 0 : i32
      %sign3A_892 = arith.cmpi sgt, %add3A_888, %sign3A_891 : i32
      %sign3A_893 = arith.extui %sign3A_892 : i1 to i32
      %sign3A_894 = arith.constant 0 : i32
      %sign3A_895 = arith.cmpi slt, %add3A_888, %sign3A_894 : i32
      %sign3A_896 = arith.extui %sign3A_895 : i1 to i32
      %sign3A_897 = arith.subi %sign3A_893, %sign3A_896 : i32
      %sign3A_898 = arith.constant 0 : i32
      %sign3A_899 = arith.cmpi sgt, %jit3A_889, %sign3A_898 : i32
      %sign3A_900 = arith.extui %sign3A_899 : i1 to i32
      %sign3A_901 = arith.constant 0 : i32
      %sign3A_902 = arith.cmpi slt, %jit3A_889, %sign3A_901 : i32
      %sign3A_903 = arith.extui %sign3A_902 : i1 to i32
      %sign3A_904 = arith.subi %sign3A_900, %sign3A_903 : i32
      %ne3A_905 = arith.cmpi ne, %sign3A_897, %sign3A_904 : i32
      %rem3A_906 = arith.remsi %add3A_888, %jit3A_889 : i32
      %ne3A_907 = arith.constant 0 : i32
      %ne3A_908 = arith.cmpi ne, %rem3A_906, %ne3A_907 : i32
      %and3A_909 = arith.andi %ne3A_905, %ne3A_908 : i1
      %sub3A_910 = arith.constant 1 : i32
      %sub3A_911 = arith.subi %div3A_890, %sub3A_910 : i32
      %select_n3A_912 = arith.select %and3A_909, %sub3A_911, %div3A_890 : i32
      %jit3A_913 = arith.constant 8 : i32
      %eq3A_914 = arith.constant 0 : i32
      %eq3A_915 = arith.cmpi eq, %jit3A_913, %eq3A_914 : i32
      %jit3A_916 = arith.constant 1 : i32
      %select_n3A_917 = arith.select %eq3A_915, %jit3A_916, %jit3A_913 : i32
      %rem3A_918 = arith.remsi %add3A_888, %select_n3A_917 : i32
      %ne3A_919 = arith.constant 0 : i32
      %ne3A_920 = arith.cmpi ne, %rem3A_918, %ne3A_919 : i32
      %lt3A_921 = arith.constant 0 : i32
      %lt3A_922 = arith.cmpi slt, %rem3A_918, %lt3A_921 : i32
      %lt3A_923 = arith.constant 0 : i32
      %lt3A_924 = arith.cmpi slt, %select_n3A_917, %lt3A_923 : i32
      %ne3A_925 = arith.xori %lt3A_922, %lt3A_924 : i1
      %and3A_926 = arith.andi %ne3A_925, %ne3A_920 : i1
      %add3A_927 = arith.addi %rem3A_918, %select_n3A_917 : i32
      %select_n3A_928 = arith.select %and3A_926, %add3A_927, %rem3A_918 : i32
      %dma_wait3A_929 = arith.constant 6 : i32
      %dma_wait3A_930 = arith.constant 6 : i32
      %dma_wait3A_931 = arith.constant 0 : i32
      %dma_wait3A_932 = arith.constant 0 : i32
      %dma_wait3A_933 = tpu.memref_slice %arg8[%dma_wait3A_929, %dma_wait3A_931, %dma_wait3A_932] : memref<8x128x32xf32, #tpu.memory_space<vmem>> -> memref<1x128x32xf32, #tpu.memory_space<vmem>>
      %dma_wait3A_934 = tpu.memref_squeeze %dma_wait3A_933 : memref<1x128x32xf32, #tpu.memory_space<vmem>> -> memref<128x32xf32, #tpu.memory_space<vmem>>
      %dma_wait3A_935 = arith.constant 0 : i32
      %dma_wait3A_936 = tpu.memref_slice %arg6[%select_n3A_912, %select_n3A_928, %dma_wait3A_935] : memref<25x8x128xi32, #tpu.memory_space<vmem>> -> memref<1x1x128xi32, #tpu.memory_space<vmem>>
      %dma_wait3A_937 = tpu.memref_squeeze %dma_wait3A_936 : memref<1x1x128xi32, #tpu.memory_space<vmem>> -> memref<128xi32, #tpu.memory_space<vmem>>
      %dma_wait3A_938 = arith.constant 0 : i32
      %dma_wait3A_939 = arith.constant 0 : i32
      %dma_wait3A_940 = tpu.memref_slice %arg3[%dma_wait3A_938, %dma_wait3A_939] : memref<1000000x32xf32, #tpu.memory_space<hbm>> -> memref<1000000x32xf32, #tpu.memory_space<hbm>>
      %dma_wait3A_941 = tpu.memref_slice %arg10[%dma_wait3A_930] : memref<8x!tpu.dma_semaphore, #tpu.memory_space<semaphore_mem>> -> memref<1x!tpu.dma_semaphore, #tpu.memory_space<semaphore_mem>>
      %dma_wait3A_942 = tpu.memref_squeeze %dma_wait3A_941 : memref<1x!tpu.dma_semaphore, #tpu.memory_space<semaphore_mem>> -> memref<!tpu.dma_semaphore, #tpu.memory_space<semaphore_mem>>
      tpu.wait_indirect_dma semaphore(%dma_wait3A_942 : memref<!tpu.dma_semaphore, #tpu.memory_space<semaphore_mem>>) src(%dma_wait3A_940 : memref<1000000x32xf32, #tpu.memory_space<hbm>>) dst(%dma_wait3A_934 : memref<128x32xf32, #tpu.memory_space<vmem>>)
      %get3A_943 = arith.index_cast %add3A_888 : i32 to index
      %get3A_944 = arith.constant 0 : index
      %get3A_945 = tpu.vector_load %arg7[%get3A_943, %get3A_944] {strides = array<i32>} : memref<200x32xf32, #tpu.memory_space<vmem>>, vector<16xf32>,
      %get3A_946 = arith.index_cast %add3A_888 : i32 to index
      %get3A_947 = arith.constant 16 : index
      %get3A_948 = tpu.vector_load %arg7[%get3A_946, %get3A_947] {strides = array<i32>} : memref<200x32xf32, #tpu.memory_space<vmem>>, vector<16xf32>,
      %jit3A_949 = arith.constant 4 : i32
      %eq3A_950 = arith.constant 0 : i32
      %eq3A_951 = arith.cmpi eq, %jit3A_949, %eq3A_950 : i32
      %jit3A_952 = arith.constant 1 : i32
      %select_n3A_953 = arith.select %eq3A_951, %jit3A_952, %jit3A_949 : i32
      %rem3A_954 = arith.remsi %add3A_888, %select_n3A_953 : i32
      %ne3A_955 = arith.constant 0 : i32
      %ne3A_956 = arith.cmpi ne, %rem3A_954, %ne3A_955 : i32
      %lt3A_957 = arith.constant 0 : i32
      %lt3A_958 = arith.cmpi slt, %rem3A_954, %lt3A_957 : i32
      %lt3A_959 = arith.constant 0 : i32
      %lt3A_960 = arith.cmpi slt, %select_n3A_953, %lt3A_959 : i32
      %ne3A_961 = arith.xori %lt3A_958, %lt3A_960 : i1
      %and3A_962 = arith.andi %ne3A_961, %ne3A_956 : i1
      %add3A_963 = arith.addi %rem3A_954, %select_n3A_953 : i32
      %select_n3A_964 = arith.select %and3A_962, %add3A_963, %rem3A_954 : i32
      %ge3A_965 = arith.constant 4 : i32
      %ge3A_966 = arith.cmpi sge, %add3A_888, %ge3A_965 : i32
      %convert_element_type3A_967 = arith.extui %ge3A_966 : i1 to i32
      %cond3A_968 = arith.constant 0 : i32
      %cond3A_969 = arith.cmpi ne, %convert_element_type3A_967, %cond3A_968 : i32
      scf.if %cond3A_969 {
        %sub3A_1117 = arith.constant 4 : i32
        %sub3A_1118 = arith.subi %add3A_888, %sub3A_1117 : i32
        %dma_wait3A_1119 = arith.constant 0 : i32
        %dma_wait3A_1120 = arith.constant 0 : i32
        %dma_wait3A_1121 = arith.constant 0 : i32
        %dma_wait3A_1122 = tpu.memref_slice %arg9[%select_n3A_964, %dma_wait3A_1119, %dma_wait3A_1120, %dma_wait3A_1121] : memref<4x4x8x129xf32, #tpu.memory_space<vmem>> -> memref<1x4x8x128xf32, #tpu.memory_space<vmem>>
        %dma_wait3A_1123 = tpu.memref_squeeze %dma_wait3A_1122 : memref<1x4x8x128xf32, #tpu.memory_space<vmem>> -> memref<4x8x128xf32, #tpu.memory_space<vmem>>
        %dma_wait3A_1124 = arith.constant 0 : i32
        %dma_wait3A_1125 = arith.constant 0 : i32
        %dma_wait3A_1126 = arith.constant 0 : i32
        %dma_wait3A_1127 = tpu.memref_slice %arg5[%sub3A_1118, %dma_wait3A_1124, %add3A, %dma_wait3A_1125, %dma_wait3A_1126] : memref<200x4x32x8x128xf32, #tpu.memory_space<hbm>> -> memref<1x4x1x8x128xf32, #tpu.memory_space<hbm>>
        %dma_wait3A_1128 = tpu.memref_squeeze %dma_wait3A_1127 : memref<1x4x1x8x128xf32, #tpu.memory_space<hbm>> -> memref<4x8x128xf32, #tpu.memory_space<hbm>>
        %dma_wait3A_1129 = tpu.memref_slice %arg11[%select_n3A_964] : memref<4x!tpu.dma_semaphore, #tpu.memory_space<semaphore_mem>> -> memref<1x!tpu.dma_semaphore, #tpu.memory_space<semaphore_mem>>
        %dma_wait3A_1130 = tpu.memref_squeeze %dma_wait3A_1129 : memref<1x!tpu.dma_semaphore, #tpu.memory_space<semaphore_mem>> -> memref<!tpu.dma_semaphore, #tpu.memory_space<semaphore_mem>>
        %dma_wait3A_1131 = arith.constant 0 : i32
        %dma_wait3A_1132 = arith.constant 0 : i32
        %dma_wait3A_1133 = arith.constant 0 : i32
        %dma_wait3A_1134 = tpu.memref_slice %arg5[%sub3A_1118, %dma_wait3A_1131, %add3A, %dma_wait3A_1132, %dma_wait3A_1133] : memref<200x4x32x8x128xf32, #tpu.memory_space<hbm>> -> memref<1x4x1x8x128xf32, #tpu.memory_space<hbm>>
        %dma_wait3A_1135 = tpu.memref_squeeze %dma_wait3A_1134 : memref<1x4x1x8x128xf32, #tpu.memory_space<hbm>> -> memref<4x8x128xf32, #tpu.memory_space<hbm>>
        %dma_wait3A_1136 = arith.constant 0 : i32
        %dma_wait3A_1137 = arith.constant 0 : i32
        %dma_wait3A_1138 = arith.constant 0 : i32
        %dma_wait3A_1139 = tpu.memref_slice %arg9[%select_n3A_964, %dma_wait3A_1136, %dma_wait3A_1137, %dma_wait3A_1138] : memref<4x4x8x129xf32, #tpu.memory_space<vmem>> -> memref<1x4x8x128xf32, #tpu.memory_space<vmem>>
        %dma_wait3A_1140 = tpu.memref_squeeze %dma_wait3A_1139 : memref<1x4x8x128xf32, #tpu.memory_space<vmem>> -> memref<4x8x128xf32, #tpu.memory_space<vmem>>
        tpu.wait_dma2 semaphore(%dma_wait3A_1130 : memref<!tpu.dma_semaphore, #tpu.memory_space<semaphore_mem>>) src(%dma_wait3A_1140 : memref<4x8x128xf32, #tpu.memory_space<vmem>>) dst(%dma_wait3A_1135 : memref<4x8x128xf32, #tpu.memory_space<hbm>>)
      } else {
      }
      %parallel_loop3A_970 = arith.constant 0 : i32
      %parallel_loop3A_971 = arith.constant 128 : i32
      %parallel_loop3A_972 = arith.constant 1 : i32
      scf.for %parallel_loop3A_1117 = %parallel_loop3A_970 to %parallel_loop3A_971 step %parallel_loop3A_972  : i32 {
        %parallel_loop3A_1118 = arith.constant 0 : i32
        %parallel_loop3A_1119 = vector.broadcast %parallel_loop3A_1118 : i32 to vector<16xi32>
        %parallel_loop3A_1120 = arith.muli %iota3A, %parallel_loop3A_1119 : vector<16xi32>
        %parallel_loop3A_1121 = vector.broadcast %parallel_loop3A_1117 : i32 to vector<16xi32>
        %parallel_loop3A_1122 = arith.addi %parallel_loop3A_1120, %parallel_loop3A_1121 : vector<16xi32>
        %parallel_loop3A_1123 = arith.constant 6 : i32
        %parallel_loop3A_1124 = arith.index_cast %parallel_loop3A_1123 : i32 to index
        %parallel_loop3A_1125 = arith.index_cast %parallel_loop3A_1117 : i32 to index
        %parallel_loop3A_1126 = arith.constant 0 : index
        %parallel_loop3A_1127 = tpu.vector_load %arg8[%parallel_loop3A_1124, %parallel_loop3A_1125, %parallel_loop3A_1126] {strides = array<i32>} : memref<8x128x32xf32, #tpu.memory_space<vmem>>, vector<16xf32>,
        %parallel_loop3A_1128 = arith.addf %parallel_loop3A_1127, %get3A_945 : vector<16xf32>
        %parallel_loop3A_1129 = arith.constant 6 : i32
        %parallel_loop3A_1130 = arith.index_cast %parallel_loop3A_1129 : i32 to index
        %parallel_loop3A_1131 = arith.index_cast %parallel_loop3A_1117 : i32 to index
        %parallel_loop3A_1132 = arith.constant 16 : index
        %parallel_loop3A_1133 = tpu.vector_load %arg8[%parallel_loop3A_1130, %parallel_loop3A_1131, %parallel_loop3A_1132] {strides = array<i32>} : memref<8x128x32xf32, #tpu.memory_space<vmem>>, vector<16xf32>,
        %parallel_loop3A_1134 = arith.addf %parallel_loop3A_1133, %get3A_948 : vector<16xf32>
        %parallel_loop3A_1135 = arith.constant 0 : i32
        %parallel_loop3A_1136 = arith.constant 0 : i32
        %parallel_loop3A_1137 = arith.constant 0 : i32
        %parallel_loop3A_1138 = tpu.memref_slice %arg9[%select_n3A_964, %parallel_loop3A_1135, %parallel_loop3A_1136, %parallel_loop3A_1137] : memref<4x4x8x129xf32, #tpu.memory_space<vmem>> -> memref<1x4x8x129xf32, #tpu.memory_space<vmem>>
        %parallel_loop3A_1139 = tpu.memref_squeeze %parallel_loop3A_1138 : memref<1x4x8x129xf32, #tpu.memory_space<vmem>> -> memref<4x8x129xf32, #tpu.memory_space<vmem>>
        tpu.vector_store_idx %parallel_loop3A_1139[%shift_right_logical3A_2, %and3A_7, %parallel_loop3A_1122], %parallel_loop3A_1128 : memref<4x8x129xf32, #tpu.memory_space<vmem>>[vector<16xi32>, vector<16xi32>, vector<16xi32>], vector<16xf32>,
        %parallel_loop3A_1140 = arith.constant 0 : i32
        %parallel_loop3A_1141 = arith.constant 0 : i32
        %parallel_loop3A_1142 = arith.constant 0 : i32
        %parallel_loop3A_1143 = tpu.memref_slice %arg9[%select_n3A_964, %parallel_loop3A_1140, %parallel_loop3A_1141, %parallel_loop3A_1142] : memref<4x4x8x129xf32, #tpu.memory_space<vmem>> -> memref<1x4x8x129xf32, #tpu.memory_space<vmem>>
        %parallel_loop3A_1144 = tpu.memref_squeeze %parallel_loop3A_1143 : memref<1x4x8x129xf32, #tpu.memory_space<vmem>> -> memref<4x8x129xf32, #tpu.memory_space<vmem>>
        tpu.vector_store_idx %parallel_loop3A_1144[%add3A_5, %and3A_7, %parallel_loop3A_1122], %parallel_loop3A_1134 : memref<4x8x129xf32, #tpu.memory_space<vmem>>[vector<16xi32>, vector<16xi32>, vector<16xi32>], vector<16xf32>,
      } {sc.loop_unroll_factor = 8 : i64, sc.parallel_access}
      %dma_start3A_973 = arith.constant 0 : i32
      %dma_start3A_974 = arith.constant 0 : i32
      %dma_start3A_975 = arith.constant 0 : i32
      %dma_start3A_976 = tpu.memref_slice %arg9[%select_n3A_964, %dma_start3A_973, %dma_start3A_974, %dma_start3A_975] : memref<4x4x8x129xf32, #tpu.memory_space<vmem>> -> memref<1x4x8x128xf32, #tpu.memory_space<vmem>>
      %dma_start3A_977 = tpu.memref_squeeze %dma_start3A_976 : memref<1x4x8x128xf32, #tpu.memory_space<vmem>> -> memref<4x8x128xf32, #tpu.memory_space<vmem>>
      %dma_start3A_978 = arith.constant 0 : i32
      %dma_start3A_979 = arith.constant 0 : i32
      %dma_start3A_980 = arith.constant 0 : i32
      %dma_start3A_981 = tpu.memref_slice %arg5[%add3A_888, %dma_start3A_978, %add3A, %dma_start3A_979, %dma_start3A_980] : memref<200x4x32x8x128xf32, #tpu.memory_space<hbm>> -> memref<1x4x1x8x128xf32, #tpu.memory_space<hbm>>
      %dma_start3A_982 = tpu.memref_squeeze %dma_start3A_981 : memref<1x4x1x8x128xf32, #tpu.memory_space<hbm>> -> memref<4x8x128xf32, #tpu.memory_space<hbm>>
      %dma_start3A_983 = tpu.memref_slice %arg11[%select_n3A_964] : memref<4x!tpu.dma_semaphore, #tpu.memory_space<semaphore_mem>> -> memref<1x!tpu.dma_semaphore, #tpu.memory_space<semaphore_mem>>
      %dma_start3A_984 = tpu.memref_squeeze %dma_start3A_983 : memref<1x!tpu.dma_semaphore, #tpu.memory_space<semaphore_mem>> -> memref<!tpu.dma_semaphore, #tpu.memory_space<semaphore_mem>>
      %dma_start3A_985 = arith.constant 0 : i32
      %dma_start3A_986 = arith.constant 0 : i32
      %dma_start3A_987 = arith.constant 0 : i32
      %dma_start3A_988 = tpu.memref_slice %arg5[%add3A_888, %dma_start3A_985, %add3A, %dma_start3A_986, %dma_start3A_987] : memref<200x4x32x8x128xf32, #tpu.memory_space<hbm>> -> memref<1x4x1x8x128xf32, #tpu.memory_space<hbm>>
      %dma_start3A_989 = tpu.memref_squeeze %dma_start3A_988 : memref<1x4x1x8x128xf32, #tpu.memory_space<hbm>> -> memref<4x8x128xf32, #tpu.memory_space<hbm>>
      %dma_start3A_990 = arith.constant 0 : i32
      %dma_start3A_991 = arith.constant 0 : i32
      %dma_start3A_992 = arith.constant 0 : i32
      %dma_start3A_993 = tpu.memref_slice %arg9[%select_n3A_964, %dma_start3A_990, %dma_start3A_991, %dma_start3A_992] : memref<4x4x8x129xf32, #tpu.memory_space<vmem>> -> memref<1x4x8x128xf32, #tpu.memory_space<vmem>>
      %dma_start3A_994 = tpu.memref_squeeze %dma_start3A_993 : memref<1x4x8x128xf32, #tpu.memory_space<vmem>> -> memref<4x8x128xf32, #tpu.memory_space<vmem>>
      tpu.enqueue_dma source(%dma_start3A_994 : memref<4x8x128xf32, #tpu.memory_space<vmem>>) target(%dma_start3A_989 : memref<4x8x128xf32, #tpu.memory_space<hbm>>) target_semaphore(%dma_start3A_984 : memref<!tpu.dma_semaphore, #tpu.memory_space<semaphore_mem>>)
      %add3A_995 = arith.constant 6 : i32
      %add3A_996 = arith.addi %add3A_888, %add3A_995 : i32
      %lt3A_997 = arith.constant 200 : i32
      %lt3A_998 = arith.cmpi slt, %add3A_996, %lt3A_997 : i32
      %convert_element_type3A_999 = arith.extui %lt3A_998 : i1 to i32
      %cond3A_1000 = arith.constant 0 : i32
      %cond3A_1001 = arith.cmpi ne, %convert_element_type3A_999, %cond3A_1000 : i32
      scf.if %cond3A_1001 {
        %jit3A_1117 = arith.constant 8 : i32
        %div3A_1118 = arith.divsi %add3A_996, %jit3A_1117 : i32
        %sign3A_1119 = arith.constant 0 : i32
        %sign3A_1120 = arith.cmpi sgt, %add3A_996, %sign3A_1119 : i32
        %sign3A_1121 = arith.extui %sign3A_1120 : i1 to i32
        %sign3A_1122 = arith.constant 0 : i32
        %sign3A_1123 = arith.cmpi slt, %add3A_996, %sign3A_1122 : i32
        %sign3A_1124 = arith.extui %sign3A_1123 : i1 to i32
        %sign3A_1125 = arith.subi %sign3A_1121, %sign3A_1124 : i32
        %sign3A_1126 = arith.constant 0 : i32
        %sign3A_1127 = arith.cmpi sgt, %jit3A_1117, %sign3A_1126 : i32
        %sign3A_1128 = arith.extui %sign3A_1127 : i1 to i32
        %sign3A_1129 = arith.constant 0 : i32
        %sign3A_1130 = arith.cmpi slt, %jit3A_1117, %sign3A_1129 : i32
        %sign3A_1131 = arith.extui %sign3A_1130 : i1 to i32
        %sign3A_1132 = arith.subi %sign3A_1128, %sign3A_1131 : i32
        %ne3A_1133 = arith.cmpi ne, %sign3A_1125, %sign3A_1132 : i32
        %rem3A_1134 = arith.remsi %add3A_996, %jit3A_1117 : i32
        %ne3A_1135 = arith.constant 0 : i32
        %ne3A_1136 = arith.cmpi ne, %rem3A_1134, %ne3A_1135 : i32
        %and3A_1137 = arith.andi %ne3A_1133, %ne3A_1136 : i1
        %sub3A_1138 = arith.constant 1 : i32
        %sub3A_1139 = arith.subi %div3A_1118, %sub3A_1138 : i32
        %select_n3A_1140 = arith.select %and3A_1137, %sub3A_1139, %div3A_1118 : i32
        %jit3A_1141 = arith.constant 8 : i32
        %eq3A_1142 = arith.constant 0 : i32
        %eq3A_1143 = arith.cmpi eq, %jit3A_1141, %eq3A_1142 : i32
        %jit3A_1144 = arith.constant 1 : i32
        %select_n3A_1145 = arith.select %eq3A_1143, %jit3A_1144, %jit3A_1141 : i32
        %rem3A_1146 = arith.remsi %add3A_996, %select_n3A_1145 : i32
        %ne3A_1147 = arith.constant 0 : i32
        %ne3A_1148 = arith.cmpi ne, %rem3A_1146, %ne3A_1147 : i32
        %lt3A_1149 = arith.constant 0 : i32
        %lt3A_1150 = arith.cmpi slt, %rem3A_1146, %lt3A_1149 : i32
        %lt3A_1151 = arith.constant 0 : i32
        %lt3A_1152 = arith.cmpi slt, %select_n3A_1145, %lt3A_1151 : i32
        %ne3A_1153 = arith.xori %lt3A_1150, %lt3A_1152 : i1
        %and3A_1154 = arith.andi %ne3A_1153, %ne3A_1148 : i1
        %add3A_1155 = arith.addi %rem3A_1146, %select_n3A_1145 : i32
        %select_n3A_1156 = arith.select %and3A_1154, %add3A_1155, %rem3A_1146 : i32
        %dma_start3A_1157 = arith.constant 4 : i32
        %dma_start3A_1158 = arith.constant 4 : i32
        %dma_start3A_1159 = arith.constant 0 : i32
        %dma_start3A_1160 = arith.constant 0 : i32
        %dma_start3A_1161 = tpu.memref_slice %arg8[%dma_start3A_1157, %dma_start3A_1159, %dma_start3A_1160] : memref<8x128x32xf32, #tpu.memory_space<vmem>> -> memref<1x128x32xf32, #tpu.memory_space<vmem>>
        %dma_start3A_1162 = tpu.memref_squeeze %dma_start3A_1161 : memref<1x128x32xf32, #tpu.memory_space<vmem>> -> memref<128x32xf32, #tpu.memory_space<vmem>>
        %dma_start3A_1163 = arith.constant 0 : i32
        %dma_start3A_1164 = tpu.memref_slice %arg6[%select_n3A_1140, %select_n3A_1156, %dma_start3A_1163] : memref<25x8x128xi32, #tpu.memory_space<vmem>> -> memref<1x1x128xi32, #tpu.memory_space<vmem>>
        %dma_start3A_1165 = tpu.memref_squeeze %dma_start3A_1164 : memref<1x1x128xi32, #tpu.memory_space<vmem>> -> memref<128xi32, #tpu.memory_space<vmem>>
        %dma_start3A_1166 = arith.constant 0 : i32
        %dma_start3A_1167 = arith.constant 0 : i32
        %dma_start3A_1168 = tpu.memref_slice %arg3[%dma_start3A_1166, %dma_start3A_1167] : memref<1000000x32xf32, #tpu.memory_space<hbm>> -> memref<1000000x32xf32, #tpu.memory_space<hbm>>
        %dma_start3A_1169 = tpu.memref_slice %arg10[%dma_start3A_1158] : memref<8x!tpu.dma_semaphore, #tpu.memory_space<semaphore_mem>> -> memref<1x!tpu.dma_semaphore, #tpu.memory_space<semaphore_mem>>
        %dma_start3A_1170 = tpu.memref_squeeze %dma_start3A_1169 : memref<1x!tpu.dma_semaphore, #tpu.memory_space<semaphore_mem>> -> memref<!tpu.dma_semaphore, #tpu.memory_space<semaphore_mem>>
        tpu.enqueue_indirect_dma source(%dma_start3A_1168 : memref<1000000x32xf32, #tpu.memory_space<hbm>>) target(%dma_start3A_1162 : memref<128x32xf32, #tpu.memory_space<vmem>>) offsets(%dma_start3A_1165 : memref<128xi32, #tpu.memory_space<vmem>>) semaphore(%dma_start3A_1170 : memref<!tpu.dma_semaphore, #tpu.memory_space<semaphore_mem>>)
      } else {
      }
      %add3A_1002 = arith.constant 7 : i32
      %add3A_1003 = arith.addi %add3A_210, %add3A_1002 : i32
      %jit3A_1004 = arith.constant 8 : i32
      %div3A_1005 = arith.divsi %add3A_1003, %jit3A_1004 : i32
      %sign3A_1006 = arith.constant 0 : i32
      %sign3A_1007 = arith.cmpi sgt, %add3A_1003, %sign3A_1006 : i32
      %sign3A_1008 = arith.extui %sign3A_1007 : i1 to i32
      %sign3A_1009 = arith.constant 0 : i32
      %sign3A_1010 = arith.cmpi slt, %add3A_1003, %sign3A_1009 : i32
      %sign3A_1011 = arith.extui %sign3A_1010 : i1 to i32
      %sign3A_1012 = arith.subi %sign3A_1008, %sign3A_1011 : i32
      %sign3A_1013 = arith.constant 0 : i32
      %sign3A_1014 = arith.cmpi sgt, %jit3A_1004, %sign3A_1013 : i32
      %sign3A_1015 = arith.extui %sign3A_1014 : i1 to i32
      %sign3A_1016 = arith.constant 0 : i32
      %sign3A_1017 = arith.cmpi slt, %jit3A_1004, %sign3A_1016 : i32
      %sign3A_1018 = arith.extui %sign3A_1017 : i1 to i32
      %sign3A_1019 = arith.subi %sign3A_1015, %sign3A_1018 : i32
      %ne3A_1020 = arith.cmpi ne, %sign3A_1012, %sign3A_1019 : i32
      %rem3A_1021 = arith.remsi %add3A_1003, %jit3A_1004 : i32
      %ne3A_1022 = arith.constant 0 : i32
      %ne3A_1023 = arith.cmpi ne, %rem3A_1021, %ne3A_1022 : i32
      %and3A_1024 = arith.andi %ne3A_1020, %ne3A_1023 : i1
      %sub3A_1025 = arith.constant 1 : i32
      %sub3A_1026 = arith.subi %div3A_1005, %sub3A_1025 : i32
      %select_n3A_1027 = arith.select %and3A_1024, %sub3A_1026, %div3A_1005 : i32
      %jit3A_1028 = arith.constant 8 : i32
      %eq3A_1029 = arith.constant 0 : i32
      %eq3A_1030 = arith.cmpi eq, %jit3A_1028, %eq3A_1029 : i32
      %jit3A_1031 = arith.constant 1 : i32
      %select_n3A_1032 = arith.select %eq3A_1030, %jit3A_1031, %jit3A_1028 : i32
      %rem3A_1033 = arith.remsi %add3A_1003, %select_n3A_1032 : i32
      %ne3A_1034 = arith.constant 0 : i32
      %ne3A_1035 = arith.cmpi ne, %rem3A_1033, %ne3A_1034 : i32
      %lt3A_1036 = arith.constant 0 : i32
      %lt3A_1037 = arith.cmpi slt, %rem3A_1033, %lt3A_1036 : i32
      %lt3A_1038 = arith.constant 0 : i32
      %lt3A_1039 = arith.cmpi slt, %select_n3A_1032, %lt3A_1038 : i32
      %ne3A_1040 = arith.xori %lt3A_1037, %lt3A_1039 : i1
      %and3A_1041 = arith.andi %ne3A_1040, %ne3A_1035 : i1
      %add3A_1042 = arith.addi %rem3A_1033, %select_n3A_1032 : i32
      %select_n3A_1043 = arith.select %and3A_1041, %add3A_1042, %rem3A_1033 : i32
      %dma_wait3A_1044 = arith.constant 7 : i32
      %dma_wait3A_1045 = arith.constant 7 : i32
      %dma_wait3A_1046 = arith.constant 0 : i32
      %dma_wait3A_1047 = arith.constant 0 : i32
      %dma_wait3A_1048 = tpu.memref_slice %arg8[%dma_wait3A_1044, %dma_wait3A_1046, %dma_wait3A_1047] : memref<8x128x32xf32, #tpu.memory_space<vmem>> -> memref<1x128x32xf32, #tpu.memory_space<vmem>>
      %dma_wait3A_1049 = tpu.memref_squeeze %dma_wait3A_1048 : memref<1x128x32xf32, #tpu.memory_space<vmem>> -> memref<128x32xf32, #tpu.memory_space<vmem>>
      %dma_wait3A_1050 = arith.constant 0 : i32
      %dma_wait3A_1051 = tpu.memref_slice %arg6[%select_n3A_1027, %select_n3A_1043, %dma_wait3A_1050] : memref<25x8x128xi32, #tpu.memory_space<vmem>> -> memref<1x1x128xi32, #tpu.memory_space<vmem>>
      %dma_wait3A_1052 = tpu.memref_squeeze %dma_wait3A_1051 : memref<1x1x128xi32, #tpu.memory_space<vmem>> -> memref<128xi32, #tpu.memory_space<vmem>>
      %dma_wait3A_1053 = arith.constant 0 : i32
      %dma_wait3A_1054 = arith.constant 0 : i32
      %dma_wait3A_1055 = tpu.memref_slice %arg3[%dma_wait3A_1053, %dma_wait3A_1054] : memref<1000000x32xf32, #tpu.memory_space<hbm>> -> memref<1000000x32xf32, #tpu.memory_space<hbm>>
      %dma_wait3A_1056 = tpu.memref_slice %arg10[%dma_wait3A_1045] : memref<8x!tpu.dma_semaphore, #tpu.memory_space<semaphore_mem>> -> memref<1x!tpu.dma_semaphore, #tpu.memory_space<semaphore_mem>>
      %dma_wait3A_1057 = tpu.memref_squeeze %dma_wait3A_1056 : memref<1x!tpu.dma_semaphore, #tpu.memory_space<semaphore_mem>> -> memref<!tpu.dma_semaphore, #tpu.memory_space<semaphore_mem>>
      tpu.wait_indirect_dma semaphore(%dma_wait3A_1057 : memref<!tpu.dma_semaphore, #tpu.memory_space<semaphore_mem>>) src(%dma_wait3A_1055 : memref<1000000x32xf32, #tpu.memory_space<hbm>>) dst(%dma_wait3A_1049 : memref<128x32xf32, #tpu.memory_space<vmem>>)
      %get3A_1058 = arith.index_cast %add3A_1003 : i32 to index
      %get3A_1059 = arith.constant 0 : index
      %get3A_1060 = tpu.vector_load %arg7[%get3A_1058, %get3A_1059] {strides = array<i32>} : memref<200x32xf32, #tpu.memory_space<vmem>>, vector<16xf32>,
      %get3A_1061 = arith.index_cast %add3A_1003 : i32 to index
      %get3A_1062 = arith.constant 16 : index
      %get3A_1063 = tpu.vector_load %arg7[%get3A_1061, %get3A_1062] {strides = array<i32>} : memref<200x32xf32, #tpu.memory_space<vmem>>, vector<16xf32>,
      %jit3A_1064 = arith.constant 4 : i32
      %eq3A_1065 = arith.constant 0 : i32
      %eq3A_1066 = arith.cmpi eq, %jit3A_1064, %eq3A_1065 : i32
      %jit3A_1067 = arith.constant 1 : i32
      %select_n3A_1068 = arith.select %eq3A_1066, %jit3A_1067, %jit3A_1064 : i32
      %rem3A_1069 = arith.remsi %add3A_1003, %select_n3A_1068 : i32
      %ne3A_1070 = arith.constant 0 : i32
      %ne3A_1071 = arith.cmpi ne, %rem3A_1069, %ne3A_1070 : i32
      %lt3A_1072 = arith.constant 0 : i32
      %lt3A_1073 = arith.cmpi slt, %rem3A_1069, %lt3A_1072 : i32
      %lt3A_1074 = arith.constant 0 : i32
      %lt3A_1075 = arith.cmpi slt, %select_n3A_1068, %lt3A_1074 : i32
      %ne3A_1076 = arith.xori %lt3A_1073, %lt3A_1075 : i1
      %and3A_1077 = arith.andi %ne3A_1076, %ne3A_1071 : i1
      %add3A_1078 = arith.addi %rem3A_1069, %select_n3A_1068 : i32
      %select_n3A_1079 = arith.select %and3A_1077, %add3A_1078, %rem3A_1069 : i32
      %ge3A_1080 = arith.constant 4 : i32
      %ge3A_1081 = arith.cmpi sge, %add3A_1003, %ge3A_1080 : i32
      %convert_element_type3A_1082 = arith.extui %ge3A_1081 : i1 to i32
      %cond3A_1083 = arith.constant 0 : i32
      %cond3A_1084 = arith.cmpi ne, %convert_element_type3A_1082, %cond3A_1083 : i32
      scf.if %cond3A_1084 {
        %sub3A_1117 = arith.constant 4 : i32
        %sub3A_1118 = arith.subi %add3A_1003, %sub3A_1117 : i32
        %dma_wait3A_1119 = arith.constant 0 : i32
        %dma_wait3A_1120 = arith.constant 0 : i32
        %dma_wait3A_1121 = arith.constant 0 : i32
        %dma_wait3A_1122 = tpu.memref_slice %arg9[%select_n3A_1079, %dma_wait3A_1119, %dma_wait3A_1120, %dma_wait3A_1121] : memref<4x4x8x129xf32, #tpu.memory_space<vmem>> -> memref<1x4x8x128xf32, #tpu.memory_space<vmem>>
        %dma_wait3A_1123 = tpu.memref_squeeze %dma_wait3A_1122 : memref<1x4x8x128xf32, #tpu.memory_space<vmem>> -> memref<4x8x128xf32, #tpu.memory_space<vmem>>
        %dma_wait3A_1124 = arith.constant 0 : i32
        %dma_wait3A_1125 = arith.constant 0 : i32
        %dma_wait3A_1126 = arith.constant 0 : i32
        %dma_wait3A_1127 = tpu.memref_slice %arg5[%sub3A_1118, %dma_wait3A_1124, %add3A, %dma_wait3A_1125, %dma_wait3A_1126] : memref<200x4x32x8x128xf32, #tpu.memory_space<hbm>> -> memref<1x4x1x8x128xf32, #tpu.memory_space<hbm>>
        %dma_wait3A_1128 = tpu.memref_squeeze %dma_wait3A_1127 : memref<1x4x1x8x128xf32, #tpu.memory_space<hbm>> -> memref<4x8x128xf32, #tpu.memory_space<hbm>>
        %dma_wait3A_1129 = tpu.memref_slice %arg11[%select_n3A_1079] : memref<4x!tpu.dma_semaphore, #tpu.memory_space<semaphore_mem>> -> memref<1x!tpu.dma_semaphore, #tpu.memory_space<semaphore_mem>>
        %dma_wait3A_1130 = tpu.memref_squeeze %dma_wait3A_1129 : memref<1x!tpu.dma_semaphore, #tpu.memory_space<semaphore_mem>> -> memref<!tpu.dma_semaphore, #tpu.memory_space<semaphore_mem>>
        %dma_wait3A_1131 = arith.constant 0 : i32
        %dma_wait3A_1132 = arith.constant 0 : i32
        %dma_wait3A_1133 = arith.constant 0 : i32
        %dma_wait3A_1134 = tpu.memref_slice %arg5[%sub3A_1118, %dma_wait3A_1131, %add3A, %dma_wait3A_1132, %dma_wait3A_1133] : memref<200x4x32x8x128xf32, #tpu.memory_space<hbm>> -> memref<1x4x1x8x128xf32, #tpu.memory_space<hbm>>
        %dma_wait3A_1135 = tpu.memref_squeeze %dma_wait3A_1134 : memref<1x4x1x8x128xf32, #tpu.memory_space<hbm>> -> memref<4x8x128xf32, #tpu.memory_space<hbm>>
        %dma_wait3A_1136 = arith.constant 0 : i32
        %dma_wait3A_1137 = arith.constant 0 : i32
        %dma_wait3A_1138 = arith.constant 0 : i32
        %dma_wait3A_1139 = tpu.memref_slice %arg9[%select_n3A_1079, %dma_wait3A_1136, %dma_wait3A_1137, %dma_wait3A_1138] : memref<4x4x8x129xf32, #tpu.memory_space<vmem>> -> memref<1x4x8x128xf32, #tpu.memory_space<vmem>>
        %dma_wait3A_1140 = tpu.memref_squeeze %dma_wait3A_1139 : memref<1x4x8x128xf32, #tpu.memory_space<vmem>> -> memref<4x8x128xf32, #tpu.memory_space<vmem>>
        tpu.wait_dma2 semaphore(%dma_wait3A_1130 : memref<!tpu.dma_semaphore, #tpu.memory_space<semaphore_mem>>) src(%dma_wait3A_1140 : memref<4x8x128xf32, #tpu.memory_space<vmem>>) dst(%dma_wait3A_1135 : memref<4x8x128xf32, #tpu.memory_space<hbm>>)
      } else {
      }
      %parallel_loop3A_1085 = arith.constant 0 : i32
      %parallel_loop3A_1086 = arith.constant 128 : i32
      %parallel_loop3A_1087 = arith.constant 1 : i32
      scf.for %parallel_loop3A_1117 = %parallel_loop3A_1085 to %parallel_loop3A_1086 step %parallel_loop3A_1087  : i32 {
        %parallel_loop3A_1118 = arith.constant 0 : i32
        %parallel_loop3A_1119 = vector.broadcast %parallel_loop3A_1118 : i32 to vector<16xi32>
        %parallel_loop3A_1120 = arith.muli %iota3A, %parallel_loop3A_1119 : vector<16xi32>
        %parallel_loop3A_1121 = vector.broadcast %parallel_loop3A_1117 : i32 to vector<16xi32>
        %parallel_loop3A_1122 = arith.addi %parallel_loop3A_1120, %parallel_loop3A_1121 : vector<16xi32>
        %parallel_loop3A_1123 = arith.constant 7 : i32
        %parallel_loop3A_1124 = arith.index_cast %parallel_loop3A_1123 : i32 to index
        %parallel_loop3A_1125 = arith.index_cast %parallel_loop3A_1117 : i32 to index
        %parallel_loop3A_1126 = arith.constant 0 : index
        %parallel_loop3A_1127 = tpu.vector_load %arg8[%parallel_loop3A_1124, %parallel_loop3A_1125, %parallel_loop3A_1126] {strides = array<i32>} : memref<8x128x32xf32, #tpu.memory_space<vmem>>, vector<16xf32>,
        %parallel_loop3A_1128 = arith.addf %parallel_loop3A_1127, %get3A_1060 : vector<16xf32>
        %parallel_loop3A_1129 = arith.constant 7 : i32
        %parallel_loop3A_1130 = arith.index_cast %parallel_loop3A_1129 : i32 to index
        %parallel_loop3A_1131 = arith.index_cast %parallel_loop3A_1117 : i32 to index
        %parallel_loop3A_1132 = arith.constant 16 : index
        %parallel_loop3A_1133 = tpu.vector_load %arg8[%parallel_loop3A_1130, %parallel_loop3A_1131, %parallel_loop3A_1132] {strides = array<i32>} : memref<8x128x32xf32, #tpu.memory_space<vmem>>, vector<16xf32>,
        %parallel_loop3A_1134 = arith.addf %parallel_loop3A_1133, %get3A_1063 : vector<16xf32>
        %parallel_loop3A_1135 = arith.constant 0 : i32
        %parallel_loop3A_1136 = arith.constant 0 : i32
        %parallel_loop3A_1137 = arith.constant 0 : i32
        %parallel_loop3A_1138 = tpu.memref_slice %arg9[%select_n3A_1079, %parallel_loop3A_1135, %parallel_loop3A_1136, %parallel_loop3A_1137] : memref<4x4x8x129xf32, #tpu.memory_space<vmem>> -> memref<1x4x8x129xf32, #tpu.memory_space<vmem>>
        %parallel_loop3A_1139 = tpu.memref_squeeze %parallel_loop3A_1138 : memref<1x4x8x129xf32, #tpu.memory_space<vmem>> -> memref<4x8x129xf32, #tpu.memory_space<vmem>>
        tpu.vector_store_idx %parallel_loop3A_1139[%shift_right_logical3A_2, %and3A_7, %parallel_loop3A_1122], %parallel_loop3A_1128 : memref<4x8x129xf32, #tpu.memory_space<vmem>>[vector<16xi32>, vector<16xi32>, vector<16xi32>], vector<16xf32>,
        %parallel_loop3A_1140 = arith.constant 0 : i32
        %parallel_loop3A_1141 = arith.constant 0 : i32
        %parallel_loop3A_1142 = arith.constant 0 : i32
        %parallel_loop3A_1143 = tpu.memref_slice %arg9[%select_n3A_1079, %parallel_loop3A_1140, %parallel_loop3A_1141, %parallel_loop3A_1142] : memref<4x4x8x129xf32, #tpu.memory_space<vmem>> -> memref<1x4x8x129xf32, #tpu.memory_space<vmem>>
        %parallel_loop3A_1144 = tpu.memref_squeeze %parallel_loop3A_1143 : memref<1x4x8x129xf32, #tpu.memory_space<vmem>> -> memref<4x8x129xf32, #tpu.memory_space<vmem>>
        tpu.vector_store_idx %parallel_loop3A_1144[%add3A_5, %and3A_7, %parallel_loop3A_1122], %parallel_loop3A_1134 : memref<4x8x129xf32, #tpu.memory_space<vmem>>[vector<16xi32>, vector<16xi32>, vector<16xi32>], vector<16xf32>,
      } {sc.loop_unroll_factor = 8 : i64, sc.parallel_access}
      %dma_start3A_1088 = arith.constant 0 : i32
      %dma_start3A_1089 = arith.constant 0 : i32
      %dma_start3A_1090 = arith.constant 0 : i32
      %dma_start3A_1091 = tpu.memref_slice %arg9[%select_n3A_1079, %dma_start3A_1088, %dma_start3A_1089, %dma_start3A_1090] : memref<4x4x8x129xf32, #tpu.memory_space<vmem>> -> memref<1x4x8x128xf32, #tpu.memory_space<vmem>>
      %dma_start3A_1092 = tpu.memref_squeeze %dma_start3A_1091 : memref<1x4x8x128xf32, #tpu.memory_space<vmem>> -> memref<4x8x128xf32, #tpu.memory_space<vmem>>
      %dma_start3A_1093 = arith.constant 0 : i32
      %dma_start3A_1094 = arith.constant 0 : i32
      %dma_start3A_1095 = arith.constant 0 : i32
      %dma_start3A_1096 = tpu.memref_slice %arg5[%add3A_1003, %dma_start3A_1093, %add3A, %dma_start3A_1094, %dma_start3A_1095] : memref<200x4x32x8x128xf32, #tpu.memory_space<hbm>> -> memref<1x4x1x8x128xf32, #tpu.memory_space<hbm>>
      %dma_start3A_1097 = tpu.memref_squeeze %dma_start3A_1096 : memref<1x4x1x8x128xf32, #tpu.memory_space<hbm>> -> memref<4x8x128xf32, #tpu.memory_space<hbm>>
      %dma_start3A_1098 = tpu.memref_slice %arg11[%select_n3A_1079] : memref<4x!tpu.dma_semaphore, #tpu.memory_space<semaphore_mem>> -> memref<1x!tpu.dma_semaphore, #tpu.memory_space<semaphore_mem>>
      %dma_start3A_1099 = tpu.memref_squeeze %dma_start3A_1098 : memref<1x!tpu.dma_semaphore, #tpu.memory_space<semaphore_mem>> -> memref<!tpu.dma_semaphore, #tpu.memory_space<semaphore_mem>>
      %dma_start3A_1100 = arith.constant 0 : i32
      %dma_start3A_1101 = arith.constant 0 : i32
      %dma_start3A_1102 = arith.constant 0 : i32
      %dma_start3A_1103 = tpu.memref_slice %arg5[%add3A_1003, %dma_start3A_1100, %add3A, %dma_start3A_1101, %dma_start3A_1102] : memref<200x4x32x8x128xf32, #tpu.memory_space<hbm>> -> memref<1x4x1x8x128xf32, #tpu.memory_space<hbm>>
      %dma_start3A_1104 = tpu.memref_squeeze %dma_start3A_1103 : memref<1x4x1x8x128xf32, #tpu.memory_space<hbm>> -> memref<4x8x128xf32, #tpu.memory_space<hbm>>
      %dma_start3A_1105 = arith.constant 0 : i32
      %dma_start3A_1106 = arith.constant 0 : i32
      %dma_start3A_1107 = arith.constant 0 : i32
      %dma_start3A_1108 = tpu.memref_slice %arg9[%select_n3A_1079, %dma_start3A_1105, %dma_start3A_1106, %dma_start3A_1107] : memref<4x4x8x129xf32, #tpu.memory_space<vmem>> -> memref<1x4x8x128xf32, #tpu.memory_space<vmem>>
      %dma_start3A_1109 = tpu.memref_squeeze %dma_start3A_1108 : memref<1x4x8x128xf32, #tpu.memory_space<vmem>> -> memref<4x8x128xf32, #tpu.memory_space<vmem>>
      tpu.enqueue_dma source(%dma_start3A_1109 : memref<4x8x128xf32, #tpu.memory_space<vmem>>) target(%dma_start3A_1104 : memref<4x8x128xf32, #tpu.memory_space<hbm>>) target_semaphore(%dma_start3A_1099 : memref<!tpu.dma_semaphore, #tpu.memory_space<semaphore_mem>>)
      %add3A_1110 = arith.constant 6 : i32
      %add3A_1111 = arith.addi %add3A_1003, %add3A_1110 : i32
      %lt3A_1112 = arith.constant 200 : i32
      %lt3A_1113 = arith.cmpi slt, %add3A_1111, %lt3A_1112 : i32
      %convert_element_type3A_1114 = arith.extui %lt3A_1113 : i1 to i32
      %cond3A_1115 = arith.constant 0 : i32
      %cond3A_1116 = arith.cmpi ne, %convert_element_type3A_1114, %cond3A_1115 : i32
      scf.if %cond3A_1116 {
        %jit3A_1117 = arith.constant 8 : i32
        %div3A_1118 = arith.divsi %add3A_1111, %jit3A_1117 : i32
        %sign3A_1119 = arith.constant 0 : i32
        %sign3A_1120 = arith.cmpi sgt, %add3A_1111, %sign3A_1119 : i32
        %sign3A_1121 = arith.extui %sign3A_1120 : i1 to i32
        %sign3A_1122 = arith.constant 0 : i32
        %sign3A_1123 = arith.cmpi slt, %add3A_1111, %sign3A_1122 : i32
        %sign3A_1124 = arith.extui %sign3A_1123 : i1 to i32
        %sign3A_1125 = arith.subi %sign3A_1121, %sign3A_1124 : i32
        %sign3A_1126 = arith.constant 0 : i32
        %sign3A_1127 = arith.cmpi sgt, %jit3A_1117, %sign3A_1126 : i32
        %sign3A_1128 = arith.extui %sign3A_1127 : i1 to i32
        %sign3A_1129 = arith.constant 0 : i32
        %sign3A_1130 = arith.cmpi slt, %jit3A_1117, %sign3A_1129 : i32
        %sign3A_1131 = arith.extui %sign3A_1130 : i1 to i32
        %sign3A_1132 = arith.subi %sign3A_1128, %sign3A_1131 : i32
        %ne3A_1133 = arith.cmpi ne, %sign3A_1125, %sign3A_1132 : i32
        %rem3A_1134 = arith.remsi %add3A_1111, %jit3A_1117 : i32
        %ne3A_1135 = arith.constant 0 : i32
        %ne3A_1136 = arith.cmpi ne, %rem3A_1134, %ne3A_1135 : i32
        %and3A_1137 = arith.andi %ne3A_1133, %ne3A_1136 : i1
        %sub3A_1138 = arith.constant 1 : i32
        %sub3A_1139 = arith.subi %div3A_1118, %sub3A_1138 : i32
        %select_n3A_1140 = arith.select %and3A_1137, %sub3A_1139, %div3A_1118 : i32
        %jit3A_1141 = arith.constant 8 : i32
        %eq3A_1142 = arith.constant 0 : i32
        %eq3A_1143 = arith.cmpi eq, %jit3A_1141, %eq3A_1142 : i32
        %jit3A_1144 = arith.constant 1 : i32
        %select_n3A_1145 = arith.select %eq3A_1143, %jit3A_1144, %jit3A_1141 : i32
        %rem3A_1146 = arith.remsi %add3A_1111, %select_n3A_1145 : i32
        %ne3A_1147 = arith.constant 0 : i32
        %ne3A_1148 = arith.cmpi ne, %rem3A_1146, %ne3A_1147 : i32
        %lt3A_1149 = arith.constant 0 : i32
        %lt3A_1150 = arith.cmpi slt, %rem3A_1146, %lt3A_1149 : i32
        %lt3A_1151 = arith.constant 0 : i32
        %lt3A_1152 = arith.cmpi slt, %select_n3A_1145, %lt3A_1151 : i32
        %ne3A_1153 = arith.xori %lt3A_1150, %lt3A_1152 : i1
        %and3A_1154 = arith.andi %ne3A_1153, %ne3A_1148 : i1
        %add3A_1155 = arith.addi %rem3A_1146, %select_n3A_1145 : i32
        %select_n3A_1156 = arith.select %and3A_1154, %add3A_1155, %rem3A_1146 : i32
        %dma_start3A_1157 = arith.constant 5 : i32
        %dma_start3A_1158 = arith.constant 5 : i32
        %dma_start3A_1159 = arith.constant 0 : i32
        %dma_start3A_1160 = arith.constant 0 : i32
        %dma_start3A_1161 = tpu.memref_slice %arg8[%dma_start3A_1157, %dma_start3A_1159, %dma_start3A_1160] : memref<8x128x32xf32, #tpu.memory_space<vmem>> -> memref<1x128x32xf32, #tpu.memory_space<vmem>>
        %dma_start3A_1162 = tpu.memref_squeeze %dma_start3A_1161 : memref<1x128x32xf32, #tpu.memory_space<vmem>> -> memref<128x32xf32, #tpu.memory_space<vmem>>
        %dma_start3A_1163 = arith.constant 0 : i32
        %dma_start3A_1164 = tpu.memref_slice %arg6[%select_n3A_1140, %select_n3A_1156, %dma_start3A_1163] : memref<25x8x128xi32, #tpu.memory_space<vmem>> -> memref<1x1x128xi32, #tpu.memory_space<vmem>>
        %dma_start3A_1165 = tpu.memref_squeeze %dma_start3A_1164 : memref<1x1x128xi32, #tpu.memory_space<vmem>> -> memref<128xi32, #tpu.memory_space<vmem>>
        %dma_start3A_1166 = arith.constant 0 : i32
        %dma_start3A_1167 = arith.constant 0 : i32
        %dma_start3A_1168 = tpu.memref_slice %arg3[%dma_start3A_1166, %dma_start3A_1167] : memref<1000000x32xf32, #tpu.memory_space<hbm>> -> memref<1000000x32xf32, #tpu.memory_space<hbm>>
        %dma_start3A_1169 = tpu.memref_slice %arg10[%dma_start3A_1158] : memref<8x!tpu.dma_semaphore, #tpu.memory_space<semaphore_mem>> -> memref<1x!tpu.dma_semaphore, #tpu.memory_space<semaphore_mem>>
        %dma_start3A_1170 = tpu.memref_squeeze %dma_start3A_1169 : memref<1x!tpu.dma_semaphore, #tpu.memory_space<semaphore_mem>> -> memref<!tpu.dma_semaphore, #tpu.memory_space<semaphore_mem>>
        tpu.enqueue_indirect_dma source(%dma_start3A_1168 : memref<1000000x32xf32, #tpu.memory_space<hbm>>) target(%dma_start3A_1162 : memref<128x32xf32, #tpu.memory_space<vmem>>) offsets(%dma_start3A_1165 : memref<128xi32, #tpu.memory_space<vmem>>) semaphore(%dma_start3A_1170 : memref<!tpu.dma_semaphore, #tpu.memory_space<semaphore_mem>>)
      } else {
      }
    }
    %scan3A_106 = arith.constant 25 : i32
    %dma_wait3A = arith.constant 0 : i32
    %dma_wait3A_107 = arith.constant 196 : i32
    %dma_wait3A_108 = arith.constant 0 : i32
    %dma_wait3A_109 = arith.constant 0 : i32
    %dma_wait3A_110 = arith.constant 0 : i32
    %dma_wait3A_111 = arith.constant 0 : i32
    %dma_wait3A_112 = tpu.memref_slice %arg9[%dma_wait3A, %dma_wait3A_109, %dma_wait3A_110, %dma_wait3A_111] : memref<4x4x8x129xf32, #tpu.memory_space<vmem>> -> memref<1x4x8x128xf32, #tpu.memory_space<vmem>>
    %dma_wait3A_113 = tpu.memref_squeeze %dma_wait3A_112 : memref<1x4x8x128xf32, #tpu.memory_space<vmem>> -> memref<4x8x128xf32, #tpu.memory_space<vmem>>
    %dma_wait3A_114 = arith.constant 0 : i32
    %dma_wait3A_115 = arith.constant 0 : i32
    %dma_wait3A_116 = arith.constant 0 : i32
    %dma_wait3A_117 = tpu.memref_slice %arg5[%dma_wait3A_107, %dma_wait3A_114, %add3A, %dma_wait3A_115, %dma_wait3A_116] : memref<200x4x32x8x128xf32, #tpu.memory_space<hbm>> -> memref<1x4x1x8x128xf32, #tpu.memory_space<hbm>>
    %dma_wait3A_118 = tpu.memref_squeeze %dma_wait3A_117 : memref<1x4x1x8x128xf32, #tpu.memory_space<hbm>> -> memref<4x8x128xf32, #tpu.memory_space<hbm>>
    %dma_wait3A_119 = tpu.memref_slice %arg11[%dma_wait3A_108] : memref<4x!tpu.dma_semaphore, #tpu.memory_space<semaphore_mem>> -> memref<1x!tpu.dma_semaphore, #tpu.memory_space<semaphore_mem>>
    %dma_wait3A_120 = tpu.memref_squeeze %dma_wait3A_119 : memref<1x!tpu.dma_semaphore, #tpu.memory_space<semaphore_mem>> -> memref<!tpu.dma_semaphore, #tpu.memory_space<semaphore_mem>>
    %dma_wait3A_121 = arith.constant 0 : i32
    %dma_wait3A_122 = arith.constant 0 : i32
    %dma_wait3A_123 = arith.constant 0 : i32
    %dma_wait3A_124 = tpu.memref_slice %arg5[%dma_wait3A_107, %dma_wait3A_121, %add3A, %dma_wait3A_122, %dma_wait3A_123] : memref<200x4x32x8x128xf32, #tpu.memory_space<hbm>> -> memref<1x4x1x8x128xf32, #tpu.memory_space<hbm>>
    %dma_wait3A_125 = tpu.memref_squeeze %dma_wait3A_124 : memref<1x4x1x8x128xf32, #tpu.memory_space<hbm>> -> memref<4x8x128xf32, #tpu.memory_space<hbm>>
    %dma_wait3A_126 = arith.constant 0 : i32
    %dma_wait3A_127 = arith.constant 0 : i32
    %dma_wait3A_128 = arith.constant 0 : i32
    %dma_wait3A_129 = tpu.memref_slice %arg9[%dma_wait3A, %dma_wait3A_126, %dma_wait3A_127, %dma_wait3A_128] : memref<4x4x8x129xf32, #tpu.memory_space<vmem>> -> memref<1x4x8x128xf32, #tpu.memory_space<vmem>>
    %dma_wait3A_130 = tpu.memref_squeeze %dma_wait3A_129 : memref<1x4x8x128xf32, #tpu.memory_space<vmem>> -> memref<4x8x128xf32, #tpu.memory_space<vmem>>
    tpu.wait_dma2 semaphore(%dma_wait3A_120 : memref<!tpu.dma_semaphore, #tpu.memory_space<semaphore_mem>>) src(%dma_wait3A_130 : memref<4x8x128xf32, #tpu.memory_space<vmem>>) dst(%dma_wait3A_125 : memref<4x8x128xf32, #tpu.memory_space<hbm>>)
    %dma_wait3A_131 = arith.constant 1 : i32
    %dma_wait3A_132 = arith.constant 197 : i32
    %dma_wait3A_133 = arith.constant 1 : i32
    %dma_wait3A_134 = arith.constant 0 : i32
    %dma_wait3A_135 = arith.constant 0 : i32
    %dma_wait3A_136 = arith.constant 0 : i32
    %dma_wait3A_137 = tpu.memref_slice %arg9[%dma_wait3A_131, %dma_wait3A_134, %dma_wait3A_135, %dma_wait3A_136] : memref<4x4x8x129xf32, #tpu.memory_space<vmem>> -> memref<1x4x8x128xf32, #tpu.memory_space<vmem>>
    %dma_wait3A_138 = tpu.memref_squeeze %dma_wait3A_137 : memref<1x4x8x128xf32, #tpu.memory_space<vmem>> -> memref<4x8x128xf32, #tpu.memory_space<vmem>>
    %dma_wait3A_139 = arith.constant 0 : i32
    %dma_wait3A_140 = arith.constant 0 : i32
    %dma_wait3A_141 = arith.constant 0 : i32
    %dma_wait3A_142 = tpu.memref_slice %arg5[%dma_wait3A_132, %dma_wait3A_139, %add3A, %dma_wait3A_140, %dma_wait3A_141] : memref<200x4x32x8x128xf32, #tpu.memory_space<hbm>> -> memref<1x4x1x8x128xf32, #tpu.memory_space<hbm>>
    %dma_wait3A_143 = tpu.memref_squeeze %dma_wait3A_142 : memref<1x4x1x8x128xf32, #tpu.memory_space<hbm>> -> memref<4x8x128xf32, #tpu.memory_space<hbm>>
    %dma_wait3A_144 = tpu.memref_slice %arg11[%dma_wait3A_133] : memref<4x!tpu.dma_semaphore, #tpu.memory_space<semaphore_mem>> -> memref<1x!tpu.dma_semaphore, #tpu.memory_space<semaphore_mem>>
    %dma_wait3A_145 = tpu.memref_squeeze %dma_wait3A_144 : memref<1x!tpu.dma_semaphore, #tpu.memory_space<semaphore_mem>> -> memref<!tpu.dma_semaphore, #tpu.memory_space<semaphore_mem>>
    %dma_wait3A_146 = arith.constant 0 : i32
    %dma_wait3A_147 = arith.constant 0 : i32
    %dma_wait3A_148 = arith.constant 0 : i32
    %dma_wait3A_149 = tpu.memref_slice %arg5[%dma_wait3A_132, %dma_wait3A_146, %add3A, %dma_wait3A_147, %dma_wait3A_148] : memref<200x4x32x8x128xf32, #tpu.memory_space<hbm>> -> memref<1x4x1x8x128xf32, #tpu.memory_space<hbm>>
    %dma_wait3A_150 = tpu.memref_squeeze %dma_wait3A_149 : memref<1x4x1x8x128xf32, #tpu.memory_space<hbm>> -> memref<4x8x128xf32, #tpu.memory_space<hbm>>
    %dma_wait3A_151 = arith.constant 0 : i32
    %dma_wait3A_152 = arith.constant 0 : i32
    %dma_wait3A_153 = arith.constant 0 : i32
    %dma_wait3A_154 = tpu.memref_slice %arg9[%dma_wait3A_131, %dma_wait3A_151, %dma_wait3A_152, %dma_wait3A_153] : memref<4x4x8x129xf32, #tpu.memory_space<vmem>> -> memref<1x4x8x128xf32, #tpu.memory_space<vmem>>
    %dma_wait3A_155 = tpu.memref_squeeze %dma_wait3A_154 : memref<1x4x8x128xf32, #tpu.memory_space<vmem>> -> memref<4x8x128xf32, #tpu.memory_space<vmem>>
    tpu.wait_dma2 semaphore(%dma_wait3A_145 : memref<!tpu.dma_semaphore, #tpu.memory_space<semaphore_mem>>) src(%dma_wait3A_155 : memref<4x8x128xf32, #tpu.memory_space<vmem>>) dst(%dma_wait3A_150 : memref<4x8x128xf32, #tpu.memory_space<hbm>>)
    %dma_wait3A_156 = arith.constant 2 : i32
    %dma_wait3A_157 = arith.constant 198 : i32
    %dma_wait3A_158 = arith.constant 2 : i32
    %dma_wait3A_159 = arith.constant 0 : i32
    %dma_wait3A_160 = arith.constant 0 : i32
    %dma_wait3A_161 = arith.constant 0 : i32
    %dma_wait3A_162 = tpu.memref_slice %arg9[%dma_wait3A_156, %dma_wait3A_159, %dma_wait3A_160, %dma_wait3A_161] : memref<4x4x8x129xf32, #tpu.memory_space<vmem>> -> memref<1x4x8x128xf32, #tpu.memory_space<vmem>>
    %dma_wait3A_163 = tpu.memref_squeeze %dma_wait3A_162 : memref<1x4x8x128xf32, #tpu.memory_space<vmem>> -> memref<4x8x128xf32, #tpu.memory_space<vmem>>
    %dma_wait3A_164 = arith.constant 0 : i32
    %dma_wait3A_165 = arith.constant 0 : i32
    %dma_wait3A_166 = arith.constant 0 : i32
    %dma_wait3A_167 = tpu.memref_slice %arg5[%dma_wait3A_157, %dma_wait3A_164, %add3A, %dma_wait3A_165, %dma_wait3A_166] : memref<200x4x32x8x128xf32, #tpu.memory_space<hbm>> -> memref<1x4x1x8x128xf32, #tpu.memory_space<hbm>>
    %dma_wait3A_168 = tpu.memref_squeeze %dma_wait3A_167 : memref<1x4x1x8x128xf32, #tpu.memory_space<hbm>> -> memref<4x8x128xf32, #tpu.memory_space<hbm>>
    %dma_wait3A_169 = tpu.memref_slice %arg11[%dma_wait3A_158] : memref<4x!tpu.dma_semaphore, #tpu.memory_space<semaphore_mem>> -> memref<1x!tpu.dma_semaphore, #tpu.memory_space<semaphore_mem>>
    %dma_wait3A_170 = tpu.memref_squeeze %dma_wait3A_169 : memref<1x!tpu.dma_semaphore, #tpu.memory_space<semaphore_mem>> -> memref<!tpu.dma_semaphore, #tpu.memory_space<semaphore_mem>>
    %dma_wait3A_171 = arith.constant 0 : i32
    %dma_wait3A_172 = arith.constant 0 : i32
    %dma_wait3A_173 = arith.constant 0 : i32
    %dma_wait3A_174 = tpu.memref_slice %arg5[%dma_wait3A_157, %dma_wait3A_171, %add3A, %dma_wait3A_172, %dma_wait3A_173] : memref<200x4x32x8x128xf32, #tpu.memory_space<hbm>> -> memref<1x4x1x8x128xf32, #tpu.memory_space<hbm>>
    %dma_wait3A_175 = tpu.memref_squeeze %dma_wait3A_174 : memref<1x4x1x8x128xf32, #tpu.memory_space<hbm>> -> memref<4x8x128xf32, #tpu.memory_space<hbm>>
    %dma_wait3A_176 = arith.constant 0 : i32
    %dma_wait3A_177 = arith.constant 0 : i32
    %dma_wait3A_178 = arith.constant 0 : i32
    %dma_wait3A_179 = tpu.memref_slice %arg9[%dma_wait3A_156, %dma_wait3A_176, %dma_wait3A_177, %dma_wait3A_178] : memref<4x4x8x129xf32, #tpu.memory_space<vmem>> -> memref<1x4x8x128xf32, #tpu.memory_space<vmem>>
    %dma_wait3A_180 = tpu.memref_squeeze %dma_wait3A_179 : memref<1x4x8x128xf32, #tpu.memory_space<vmem>> -> memref<4x8x128xf32, #tpu.memory_space<vmem>>
    tpu.wait_dma2 semaphore(%dma_wait3A_170 : memref<!tpu.dma_semaphore, #tpu.memory_space<semaphore_mem>>) src(%dma_wait3A_180 : memref<4x8x128xf32, #tpu.memory_space<vmem>>) dst(%dma_wait3A_175 : memref<4x8x128xf32, #tpu.memory_space<hbm>>)
    %dma_wait3A_181 = arith.constant 3 : i32
    %dma_wait3A_182 = arith.constant 199 : i32
    %dma_wait3A_183 = arith.constant 3 : i32
    %dma_wait3A_184 = arith.constant 0 : i32
    %dma_wait3A_185 = arith.constant 0 : i32
    %dma_wait3A_186 = arith.constant 0 : i32
    %dma_wait3A_187 = tpu.memref_slice %arg9[%dma_wait3A_181, %dma_wait3A_184, %dma_wait3A_185, %dma_wait3A_186] : memref<4x4x8x129xf32, #tpu.memory_space<vmem>> -> memref<1x4x8x128xf32, #tpu.memory_space<vmem>>
    %dma_wait3A_188 = tpu.memref_squeeze %dma_wait3A_187 : memref<1x4x8x128xf32, #tpu.memory_space<vmem>> -> memref<4x8x128xf32, #tpu.memory_space<vmem>>
    %dma_wait3A_189 = arith.constant 0 : i32
    %dma_wait3A_190 = arith.constant 0 : i32
    %dma_wait3A_191 = arith.constant 0 : i32
    %dma_wait3A_192 = tpu.memref_slice %arg5[%dma_wait3A_182, %dma_wait3A_189, %add3A, %dma_wait3A_190, %dma_wait3A_191] : memref<200x4x32x8x128xf32, #tpu.memory_space<hbm>> -> memref<1x4x1x8x128xf32, #tpu.memory_space<hbm>>
    %dma_wait3A_193 = tpu.memref_squeeze %dma_wait3A_192 : memref<1x4x1x8x128xf32, #tpu.memory_space<hbm>> -> memref<4x8x128xf32, #tpu.memory_space<hbm>>
    %dma_wait3A_194 = tpu.memref_slice %arg11[%dma_wait3A_183] : memref<4x!tpu.dma_semaphore, #tpu.memory_space<semaphore_mem>> -> memref<1x!tpu.dma_semaphore, #tpu.memory_space<semaphore_mem>>
    %dma_wait3A_195 = tpu.memref_squeeze %dma_wait3A_194 : memref<1x!tpu.dma_semaphore, #tpu.memory_space<semaphore_mem>> -> memref<!tpu.dma_semaphore, #tpu.memory_space<semaphore_mem>>
    %dma_wait3A_196 = arith.constant 0 : i32
    %dma_wait3A_197 = arith.constant 0 : i32
    %dma_wait3A_198 = arith.constant 0 : i32
    %dma_wait3A_199 = tpu.memref_slice %arg5[%dma_wait3A_182, %dma_wait3A_196, %add3A, %dma_wait3A_197, %dma_wait3A_198] : memref<200x4x32x8x128xf32, #tpu.memory_space<hbm>> -> memref<1x4x1x8x128xf32, #tpu.memory_space<hbm>>
    %dma_wait3A_200 = tpu.memref_squeeze %dma_wait3A_199 : memref<1x4x1x8x128xf32, #tpu.memory_space<hbm>> -> memref<4x8x128xf32, #tpu.memory_space<hbm>>
    %dma_wait3A_201 = arith.constant 0 : i32
    %dma_wait3A_202 = arith.constant 0 : i32
    %dma_wait3A_203 = arith.constant 0 : i32
    %dma_wait3A_204 = tpu.memref_slice %arg9[%dma_wait3A_181, %dma_wait3A_201, %dma_wait3A_202, %dma_wait3A_203] : memref<4x4x8x129xf32, #tpu.memory_space<vmem>> -> memref<1x4x8x128xf32, #tpu.memory_space<vmem>>
    %dma_wait3A_205 = tpu.memref_squeeze %dma_wait3A_204 : memref<1x4x8x128xf32, #tpu.memory_space<vmem>> -> memref<4x8x128xf32, #tpu.memory_space<vmem>>
    tpu.wait_dma2 semaphore(%dma_wait3A_195 : memref<!tpu.dma_semaphore, #tpu.memory_space<semaphore_mem>>) src(%dma_wait3A_205 : memref<4x8x128xf32, #tpu.memory_space<vmem>>) dst(%dma_wait3A_200 : memref<4x8x128xf32, #tpu.memory_space<hbm>>)
    return
  }
}

</mosaic_0001>

<sc_bundles>
// kernel: kernel.3.cloned.1.call-start
scs
__scs_entry_jumppad:
0x0: {  	(pc) =	sbr.rel $0x88, $3  }
0x1: {  	(tag) =	ssettag $0x0;
	lr =	simm.s32 $0x1  }
0x2: {  	[smem:$0x3F9E] =	sst lr;
	_ =	strace $0xD0000000  }
0x3: {  	_ = 	snop  }
0x4: {  	_ = 	snop  }
0x5: {  	_ = 	snop  }
0x6: {  	_ = 	snop  }
0x7: {  	_ = 	snop  }
__scs_overlays_trampoline_lowered:
0x8: {  	[smem:$0x3FAD] =	sst s0  }
0x9: {  	[smem:$0x3FAE] =	sst s1  }
0xa: {  	[smem:$0x3FAF] =	sst s2  }
0xb: {  	[smem:$0x3FB0] =	sst s3  }
0xc: {  	[smem:$0x3FB1] =	sst s4  }
0xd: {  	[smem:$0x3FB2] =	sst s5  }
0xe: {  	[smem:$0x3FB3] =	sst s6  }
0xf: {  	[smem:$0x3FB4] =	sst s7  }
0x10: {  	[smem:$0x3FB5] =	sst s8  }
0x11: {  	[smem:$0x3FB6] =	sst s9;
	s0 =	simm.s32 @!p0 $0x0  }
0x12: {  	s1 =	sld [smem:$0x3F9C];
	s0 =	simm.s32 @p0 $0x1  }
0x13: {  	[smem:$0x3FB7] =	sst s0;
	s0 =	simm.s32 @!p1 $0x0  }
0x14: {  	s2 =	sld [smem:$0x3F9B];
	s0 =	simm.s32 @p1 $0x1  }
0x15: {  	[smem:$0x3FB8] =	sst s0;
	s0 =	simm.s32 @!p2 $0x0  }
0x16: {  	s3 =	sld [smem:$0x3FDB];
	s0 =	simm.s32 @p2 $0x1  }
0x17: {  	s4 =	simm.s32 $0x1BF5;
	[smem:$0x3FBA] =	sst s0  }
0x18: {  	s0 =	sld [smem:$0x3F9D];
	_ =	swait.ge [sflag:s4], $0x0  }
0x19: {  	s7 =	sld [smem:$0x3F9E]  }
0x1a: {  	s8 =	sadd.s32 $0xFFFFE003, lr  }
0x1b: {  	s9 =	sadd.s32 $0xFFFFFEF7, lr;
	s5 =	simm.s32 $0xFFFFFFFF;
	p2 =	slt.u32 s8, $0xFFFFF086  }
0x1c: {  	p1 =	slt.u32 s9, $0xF7A;
	s5 =	simm.s32 @!p2 $0x0  }
0x1d: {  	s5 =	simm.s32 @p1 $0x1;
	p0 =	seq.s32 s7, s2  }
0x1e: {  	s7 =	smul.u32 @!p0 $0xF7A, s2;
	p2 =	seq.s32 @!p0 s5, $0x0  }
0x1f: {  	s9 =	smul.u32 $0xF7A, s1;
	s8 =	simm.s32 @!p0 $0x1BF5;
	p2 =	por !p2, p0  }
0x20: {  	[sflag:s8] =	ssyncset.s32 @!p0 $0xFFFFF086;
	s6 =	sadd.s32 @!p0 s3, s7;
	s7 =	simm.s32 @!p0 $0x108  }
0x21: {  	s3 =	sadd.s32 s3, s9;
	s6 =	sadd.s32 @!p0 $0x88, s6;
	s7 =	simm.s32 @p2 $0x1082  }
0x22: {  	[simem:s7], [sflag:s8] =	dma.local @!p0 [hbm:s6], $0xF7A  }
0x23: {  	s9 =	sor.u32 $0xD0000000, s2;
	s6 =	simm.s32 $0x108;
	_ =	swait.ge @!p0 [sflag:s8], $0x0  }
0x24: {  	s3 =	sadd.s32 $0x88, s3;
	s6 =	simm.s32 @!p1 $0x1082;
	[sflag:s4] =	ssyncset.s32 $0xFFFFF086  }
0x25: {  	[simem:s6], [sflag:s4] =	dma.local [hbm:s3], $0xF7A  }
0x26: {  	[smem:$0x3F9E] =	sst s1;
	(tag) =	ssettag s2;
	_ =	strace s9  }
0x27: {  	s1 =	sld [smem:$0x3FAE]  }
0x28: {  	s2 =	sld [smem:$0x3FAF]  }
0x29: {  	s4 =	sld [smem:$0x3FB1]  }
0x2a: {  	p0 =	seq.s32 s5, $0x0;
	s5 =	sld [smem:$0x3FB2]  }
0x2b: {  	s6 =	sld [smem:$0x3FB3]  }
0x2c: {  	s7 =	sld [smem:$0x3FB4]  }
0x2d: {  	s3 =	simm.s32 $0x108;
	s8 =	sld [smem:$0x3FB5]  }
0x2e: {  	s3 =	simm.s32 @!p0 $0x1082;
	s9 =	sld [smem:$0x3FB6]  }
0x2f: {  	lr =	sadd.s32 s0, s3;
	s0 =	sld [smem:$0x3FAD]  }
0x30: {  	s3 =	sld [smem:$0x3FB0]  }
0x31: {  	[smem:$0x3FB9] =	sst s10  }
0x32: {  	s10 =	sld [smem:$0x3FB7];
	_ =	sdelay $0x3  }
0x33: {  	p0 =	seq.s32 s10, $0x1;
	s10 =	sld [smem:$0x3FB9];
	_ =	sdelay $0x3  }
0x34: {  	[smem:$0x3FB9] =	sst s10  }
0x35: {  	s10 =	sld [smem:$0x3FB8];
	_ =	sdelay $0x3  }
0x36: {  	p1 =	seq.s32 s10, $0x1;
	s10 =	sld [smem:$0x3FB9];
	_ =	sdelay $0x3  }
0x37: {  	[smem:$0x3FB9] =	sst s10  }
0x38: {  	s10 =	sld [smem:$0x3FBA]  }
0x39: {  	_ = 	snop;
	(pc) =	sbr.ind lr, $3  }
0x3a: {  	_ = 	snop  }
0x3b: {  	_ = 	snop  }
0x3c: {  	p2 =	seq.s32 s10, $0x1;
	s10 =	sld [smem:$0x3FB9]  }
0x3d: {  	_ =	shalt  }
0x3e: {  	_ =	shalt  }
0x3f: {  	_ =	shalt  }
0x40: {  	_ =	shalt  }
0x41: {  	_ =	shalt  }
0x42: {  	_ =	shalt  }
0x43: {  	_ =	shalt  }
0x44: {  	_ =	shalt  }
0x45: {  	_ =	shalt  }
0x46: {  	_ =	shalt  }
0x47: {  	_ =	shalt  }
0x48: {  	_ =	shalt  }
0x49: {  	_ =	shalt  }
0x4a: {  	_ =	shalt  }
0x4b: {  	_ =	shalt  }
0x4c: {  	_ =	shalt  }
0x4d: {  	_ =	shalt  }
0x4e: {  	_ =	shalt  }
0x4f: {  	_ =	shalt  }
0x50: {  	_ =	shalt  }
0x51: {  	_ =	shalt  }
0x52: {  	_ =	shalt  }
0x53: {  	_ =	shalt  }
0x54: {  	_ =	shalt  }
0x55: {  	_ =	shalt  }
0x56: {  	_ =	shalt  }
0x57: {  	_ =	shalt  }
0x58: {  	_ =	shalt  }
0x59: {  	_ =	shalt  }
0x5a: {  	_ =	shalt  }
0x5b: {  	_ =	shalt  }
0x5c: {  	_ =	shalt  }
0x5d: {  	_ =	shalt  }
0x5e: {  	_ =	shalt  }
0x5f: {  	_ =	shalt  }
0x60: {  	_ =	shalt  }
0x61: {  	_ =	shalt  }
0x62: {  	_ =	shalt  }
0x63: {  	_ =	shalt  }
0x64: {  	_ =	shalt  }
0x65: {  	_ =	shalt  }
0x66: {  	_ =	shalt  }
0x67: {  	_ =	shalt  }
0x68: {  	_ =	shalt  }
0x69: {  	_ =	shalt  }
0x6a: {  	_ =	shalt  }
0x6b: {  	_ =	shalt  }
0x6c: {  	_ =	shalt  }
0x6d: {  	_ =	shalt  }
0x6e: {  	_ =	shalt  }
0x6f: {  	_ =	shalt  }
0x70: {  	_ =	shalt  }
0x71: {  	_ =	shalt  }
0x72: {  	_ =	shalt  }
0x73: {  	_ =	shalt  }
0x74: {  	_ =	shalt  }
0x75: {  	_ =	shalt  }
0x76: {  	_ =	shalt  }
0x77: {  	_ =	shalt  }
0x78: {  	_ =	shalt  }
0x79: {  	_ =	shalt  }
0x7a: {  	_ =	shalt  }
0x7b: {  	_ =	shalt  }
0x7c: {  	_ =	shalt  }
0x7d: {  	_ =	shalt  }
0x7e: {  	_ =	shalt  }
0x7f: {  	_ =	shalt  }
0x80: {  	_ =	shalt  }
0x81: {  	_ =	shalt  }
0x82: {  	_ =	shalt  }
0x83: {  	_ =	shalt  }
0x84: {  	_ =	shalt  }
0x85: {  	_ =	shalt  }
0x86: {  	_ =	shalt  }
0x87: {  	_ =	shalt  }
.Lfunc_end0:
.L_simem_size_0:
called_computation_lowered:
.L_overlay_start_0:
0x88: {  	s2 =	sld [smem:$0x3FD9]  }
0x89: {  	s3 =	sld [smem:$0x3FFE];
	_ =	sdelay $0x1  }
0x8a: {  	s1 =	srdreg.scid  }
0x8b: {  	s0 =	sand.u32 $0x1, s1  }
0x8c: {  	s17 =	sshll.u32 s0, $0xA;
	s2 =	sadd.s32 s3, s2  }
0x8d: {  	s2 =	sadd.s32 s2, s17  }
0x8e: {  	[smem:$0x3FC5] =	sst s2  }
0x8f: {  	_ = 	snop  }
0x90: {  	s2 =	sld [smem:$0x3FC9]  }
0x91: {  	s18 =	sld [smem:$0x3FD0];
	(tm) =	ssettm $0x1  }
0x92: {  	s4 =	sld [smem:$0x3FFB];
	_ =	sdelay $0x3  }
0x93: {  	_ =	strace s4  }
0x94: {  	s4 =	sld [smem:$0x3FFC];
	_ =	sdelay $0x3  }
0x95: {  	_ =	strace s4  }
0x96: {  	s4 =	sld [smem:$0x3FFD];
	_ =	sdelay $0x3  }
0x97: {  	_ =	strace s4  }
0x98: {  	_ =	strace $0x8FFFFFFF  }
0x99: {  	s19 =	sld [smem:$0x3FDB];
	_ =	sdelay $0x1  }
0x9a: {  	s5 =	simm.s32 $_scs_section_size  }
0x9b: {  	s6 =	simm.s32 $_size__tile_overlayer_lowered;
	s7 =	simm.s32 $_tile_overlayer_lowered  }
0x9c: {  	s22 =	simm.s32 $0x1BFF;
	s21 =	sshll.u32 s7, $0x1;
	s4 =	sadd.s32 s5, s19  }
0x9d: {  	s8 =	simm.s32 $0x0;
	s20 =	sshll.u32 s6, $0x1;
	s6 =	sadd.s32 s21, s4  }
0x9e: {  	[timem:s8], [sflag:s22] =	dma.local [hbm:s6], s20  }
0x9f: {  	_ =	swait.ge [sflag:s22], s20  }
0xa0: {  	s5 =	ssub.s32 $0x0, s20;
	[sflag:s22] =	ssyncset.done $0x0  }
0xa1: {  	[sflag:s22] =	ssyncadd.s32 s5;
	_ =	sdelay $0x1  }
0xa2: {  	s23 =	simm.s32 $0x1B8B  }
0xa3: {  	_ =	swait.ge [sflag:s23], $0x1  }
0xa4: {  	[sflag:s23] =	ssyncset.done $0x0  }
0xa5: {  	s25 =	simm.s32 $0x1B8E;
	s24 =	sld [smem:$0x3FFE];
	[sflag:s23] =	ssyncadd.s32 $0xFFFFFFFF  }
0xa6: {  	s26 =	simm.s32 $execute0_lowered;
	[smem:$0x3FD2] =	sst s25  }
0xa7: {  	s6 =	sshll.u32 s26, $0x1;
	_ =	strace $0x80000046;
	[dreg:$0x1] =	wrdreg $0xFFFFFFFF  }
0xa8: {  	s28 =	simm.s32 $_size_execute0_lowered;
	s4 =	sadd.s32 s4, s6;
	[dreg:$0x0] =	wrdreg $0x0  }
0xa9: {  	s6 =	sshll.u32 s28, $0x1;
	[dreg:$0x2] =	wrdreg s4  }
0xaa: {  	[dreg:$0x3] =	wrdreg s6  }
0xab: {  	[dreg:$0x4] =	wrdreg $0xC0  }
0xac: {  	_ =	task [dreg:s8], $0x5FFFF  }
0xad: {  	[dreg:$0x1] =	wrdreg $0xFFFFFFFF  }
0xae: {  	[dreg:$0x0] =	wrdreg $0x60  }
0xaf: {  	[dreg:$0x2] =	wrdreg s2  }
0xb0: {  	[dreg:$0x3] =	wrdreg s24  }
0xb1: {  	[dreg:$0x4] =	wrdreg s18  }
0xb2: {  	[dreg:$0x5] =	wrdreg $0x9  }
0xb3: {  	_ =	task.clear_ibuf [dreg:s8], $0x6FFFF;
	_ =	strace $0x90000046  }
0xb4: {  	s29 =	simm.s32 $0x9;
	_ =	strace $0x80000048  }
0xb5: {  	_ =	swait.ge [sflag:s29], $0x1  }
0xb6: {  	[sflag:s29] =	ssyncadd.s32 $0xFFFFFFFF  }
0xb7: {  	_ =	strace $0x90000048  }
0xb8: {  	_ =	sfence  }
0xb9: {  	s30 =	sld [smem:$0x0];
	_ =	sdelay $0x2  }
0xba: {  	s31 =	sshll.u32 s1, $0xD;
	s1 =	sshrl.u32 s1, $0x2  }
0xbb: {  	s3 =	sand.u32 $0x4000, s31;
	s1 =	sadd.s32 s1, s30  }
0xbc: {  	s0 =	sor.u32 s3, s0;
	s1 =	sshll.u32 s1, $0x11  }
0xbd: {  	s0 =	sor.u32 s1, s0  }
0xbe: {  	s0 =	sadd.s32 $0x8F2B, s0  }
0xbf: {  	[sflag:s0] =	ssyncadd.remote.s32 $0x1  }
0xc0: {  	_ =	sfence.sel $0xFFFF  }
0xc1: {  	[dreg:$0x0] =	wrdreg $0xFFFFFFFF;
	(pc) =	sbr.abs _section_cstart, $3  }
0xc2: {  	[dreg:$0x1] =	wrdreg $0xFFFFFFFF  }
0xc3: {  	_ =	task.clear_ibuf [dreg:s8], $0x2FFFF;
	_ =	strace $0x9FFFFFFF  }
0xc4: {  	(tm) =	ssettm $0x7FFFFFFF  }
0xc5: {  	_ =	shalt  }
tec
execute0_lowered:
.L_overlay_start_1:
0x0: {  	(tag) =	ssettag $0x1  }
0x1: {  	s0 =	rddreg [dreg:$0x0]  }
0x2: {  	s1 =	rddreg [dreg:$0x1]  }
0x3: {  	s2 =	rddreg [dreg:$0x2];
	s4 =	srdreg.scid  }
0x4: {  	s3 =	simm.s32 $0x0;
	s5 =	stileid.u32;
	s13 =	simm.s32 $0x80  }
0x5: {  	s28 =	simm.s32 $0xFD88;
	s9 =	simm.s32 $0x2;
	s10 =	simm.s32 $0x10E00  }
0x6: {  	s22 =	simm.s32 $0x3;
	s12 =	simm.s32 $0x4;
	s14 =	simm.s32 $0x13000  }
0x7: {  	s29 =	simm.s32 $0x5;
	s30 =	simm.s32 $0x9;
	s31 =	simm.s32 $0x6  }
0x8: {  	s15 =	simm.s32 $0xB;
	s16 =	simm.s32 $0x8;
	s17 =	simm.s32 $0xC  }
0x9: {  	v0 =	vlaneseq.u32;
	s4 =	sand.u32 $0x1, s4;
	[smem:$0x7FF] =	sst s3;
	s5 =	sshll.u32 s5, $0xB  }
0xa: {  	v1 =	vimm.s32 $0x0;
	vm0 =	vcmask $0x300;
	v0 =	vmul.u32 $0x88, v0;
	s6 =	sshll.u32 s4, $0xA;
	_ =	strace $0x80000047;
	s7 =	ssub.s32 $0x2, s4  }
0xb: {  	v1 =	vsel vm0, $0x3, v1;
	s4 =	sor.u32 s6, s5;
	s5 =	sadd.s32 $0xF42A00, s1;
	s24 =	sshrl.u32 s7, $0x1  }
.Ltmp0:
0xc: {  	s1 =	sadd.s32 $0x600, s1;
	s6 =	simm.s32 $0x11F00;
	v2 =	vadd.s32 $0x880, v0;
	v3 =	vor.u32 $0x1, v0;
	v4 =	vadd.s32 $0x881, v0;
	(pc) =	sbr.rel .LBB2_1-.Ltmp0, $4  }
0xd: {  	v5 =	vor.u32 $0x2, v0;
	v6 =	vadd.s32 $0x882, v0;
	v7 =	vor.u32 $0x3, v0;
	s8 =	sshrl.u32 s4, $0x3;
	[dreg:$0x4] =	wrdreg s1;
	s25 =	ssub.s32 s7, s24  }
0xe: {  	v8 =	vadd.s32 $0x883, v0;
	v9 =	vor.u32 $0x4, v0;
	v10 =	vadd.s32 $0x884, v0;
	s24 =	simm.s32 $0x1;
	s1 =	simm.s32 $0x7;
	s0 =	sadd.s32 s0, s8  }
0xf: {  	v11 =	vor.u32 $0x5, v0;
	v12 =	vadd.s32 $0x885, v0;
	v13 =	vor.u32 $0x6, v0;
	s26 =	smax.u32 s25, $0x1;
	s25 =	simm.s32 $0xFD00;
	[dreg:$0x5] =	wrdreg s0  }
0x10: {  	v14 =	vadd.s32 $0x886, v0;
	v15 =	vor.u32 $0x7, v0;
	v16 =	vadd.s32 $0x887, v0;
	s8 =	simm.s32 $0x0;
	[dreg:$0x6] =	wrdreg s26;
	s0 =	simm.s32 $0xA  }
.LBB2_20:
0x11: {  	_ =	swait.ge [sflag:s30], $0x1000  }
0x12: {  	[sflag:s30] =	ssyncset.done $0x0  }
0x13: {  	[sflag:s30] =	ssyncadd.s32 $0xFFFFF000  }
0x14: {  	_ =	swait.ge [sflag:s0], $0x1000  }
0x15: {  	[sflag:s0] =	ssyncset.done $0x0  }
0x16: {  	[sflag:s0] =	ssyncadd.s32 $0xFFFFF000  }
0x17: {  	_ =	swait.ge [sflag:s15], $0x1000  }
0x18: {  	[sflag:s15] =	ssyncset.done $0x0  }
0x19: {  	[sflag:s15] =	ssyncadd.s32 $0xFFFFF000  }
0x1a: {  	_ =	swait.ge [sflag:s17], $0x1000  }
0x1b: {  	s8 =	rddreg [dreg:$0x7]  }
0x1c: {  	s7 =	rddreg [dreg:$0x6];
	s8 =	sadd.s32 $0x1, s8  }
0x1d: {  	p0 =	sne.s32 s8, s7  }
.Ltmp1:
0x1e: {  	_ = 	snop;
	(pc) =	sbr.rel @!p0 .LBB2_21-.Ltmp1, $3  }
0x1f: {  	_ =	sdelay $0x1  }
0x20: {  	[sflag:s17] =	ssyncset.done $0x0  }
0x21: {  	[sflag:s17] =	ssyncadd.s32 $0xFFFFF000  }
.LBB2_1:
0x22: {  	[dreg:$0x7] =	wrdreg s8  }
0x23: {  	s7 =	rddreg [dreg:$0x5]  }
0x24: {  	s18 =	simm.s32 $0x400;
	s11 =	simm.s32 $0x8000;
	s19 =	simm.s32 $0xD  }
0x25: {  	[tilespmem:s3], [sflag:$0xD] =	stream.strided.gather [hbm4b:s7+s18], $0x6400, s11, s18, $0x38;
	[tilespmem:$0x14100] =	vst v63  }
0x26: {  	_ =	swait.ge [sflag:s19], $0x6400  }
0x27: {  	[sflag:s19] =	ssyncset.done $0x0  }
0x28: {  	s21 =	simm.s32 $0x6400;
	s20 =	rddreg [dreg:$0x4];
	[sflag:s19] =	ssyncadd.s32 $0xFFFF9C00  }
0x29: {  	[tilespmem:s21], [sflag:$0xD] =	stream.linear.gather [hbm4b:s20+s3], $0x1900, $0x38;
	[tilespmem:$0x14100] =	vst v63  }
0x2a: {  	_ =	swait.ge [sflag:s19], $0x1900  }
0x2b: {  	[sflag:s19] =	ssyncset.done $0x0  }
0x2c: {  	s23 =	simm.s32 $0x7D00;
	[sflag:s19] =	ssyncadd.s32 $0xFFFFE700  }
0x2d: {  	[tilespmem:s23], [sflag:$0x1] =	stream.indirect.gather [hbm4b:s5+s13], $0x20, s3, s13, $0xb8;
	[tilespmem:$0x14100] =	vst v63  }
0x2e: {  	s26 =	simm.s32 $0x8D00  }
0x2f: {  	[tilespmem:s26], [sflag:$0x2] =	stream.indirect.gather [hbm4b:s5+s13], $0x20, s13, s13, $0xb8;
	[tilespmem:$0x14100] =	vst v63  }
0x30: {  	s8 =	simm.s32 $0x100;
	s11 =	simm.s32 $0x9D00  }
0x31: {  	[tilespmem:s11], [sflag:$0x3] =	stream.indirect.gather [hbm4b:s5+s13], $0x20, s8, s13, $0xb8;
	[tilespmem:$0x14100] =	vst v63  }
0x32: {  	s18 =	simm.s32 $0x180;
	s19 =	simm.s32 $0xAD00  }
0x33: {  	[tilespmem:s19], [sflag:$0x4] =	stream.indirect.gather [hbm4b:s5+s13], $0x20, s18, s13, $0xb8;
	[tilespmem:$0x14100] =	vst v63  }
0x34: {  	s20 =	simm.s32 $0x200;
	s21 =	simm.s32 $0xBD00  }
0x35: {  	[tilespmem:s21], [sflag:$0x5] =	stream.indirect.gather [hbm4b:s5+s13], $0x20, s20, s13, $0xb8;
	[tilespmem:$0x14100] =	vst v63  }
0x36: {  	s23 =	simm.s32 $0x280;
	s26 =	simm.s32 $0xCD00;
	s18 =	simm.s32 $0x0  }
0x37: {  	[tilespmem:s26], [sflag:$0x6] =	stream.indirect.gather [hbm4b:s5+s13], $0x20, s23, s13, $0xb8;
	[tilespmem:$0x14100] =	vst v63  }
.LBB2_2:
0x38: {  	_ =	swait.ge [sflag:s24], $0x1000  }
0x39: {  	s7 =	sshll.u32 s18, $0x8;
	p1 =	seq.s32 s18, $0x0;
	s8 =	simm.s32 $0x0  }
0x3a: {  	s26 =	simm.s32 $0x1;
	s19 =	simm.s32 $0x2;
	[sflag:s24] =	ssyncset.done $0x0  }
0x3b: {  	s20 =	simm.s32 $0x3;
	s7 =	sand.u32 $0x3FFFFF00, s7;
	v18 =	vmov s8;
	[sflag:s24] =	ssyncadd.s32 $0xFFFFF000  }
0x3c: {  	s21 =	simm.s32 $0x6;
	s11 =	simm.s32 @!p1 $0x9;
	v20 =	vmov s26;
	v21 =	vmov s19;
	v22 =	vmov s20;
	s8 =	simm.s32 $0x4;
	v17 =	vld [tilespmem:s7+$0x6400]  }
0x3d: {  	s19 =	simm.s32 $0x5;
	s20 =	simm.s32 $0x7;
	v26 =	vmov s21;
	v19 =	vshrl.u32 v18, $0x3;
	v23 =	vmov s8;
	v18 =	vld [tilespmem:s7+$0x6410];
	_ =	swait.ge @!p1 [sflag:s11], $0x1000  }
0x3e: {  	v24 =	vmov s19;
	v25 =	vmov s20;
	v20 =	vshrl.u32 v20, $0x3;
	[sflag:s11] =	ssyncset.done @!p1 $0x0  }
0x3f: {  	s8 =	simm.s32 $0x7D80;
	v21 =	vshrl.u32 v21, $0x3;
	v22 =	vshrl.u32 v22, $0x3;
	v25 =	vshrl.u32 v25, $0x3;
	[sflag:s11] =	ssyncadd.s32 @!p1 $0xFFFFF000  }
0x40: {  	v26 =	vshrl.u32 v26, $0x3;
	v19 =	vshll.u32 v19, v1;
	v25 =	vshll.u32 v25, v1;
	v27 =	vld [tilespmem:s8+$0x60]  }
0x41: {  	v23 =	vshrl.u32 v23, $0x3;
	v24 =	vshrl.u32 v24, $0x3;
	v25 =	vbroadcast v25, $0x0;
	v28 =	vld [tilespmem:s8+$0x70]  }
0x42: {  	v20 =	vshll.u32 v20, v1;
	v21 =	vshll.u32 v21, v1;
	v19 =	vbroadcast v19, $0x0;
	v29 =	vld [tilespmem:s8+$0xFFFFFF80]  }
0x43: {  	v22 =	vshll.u32 v22, v1;
	v26 =	vshll.u32 v26, v1;
	v31 =	vld [tilespmem:s8+$0xFFFFFF90];
	v30 =	vadd.s32 v15, v25  }
0x44: {  	v23 =	vshll.u32 v23, v1;
	v20 =	vbroadcast v20, $0x0;
	v32 =	vadd.s32 v0, v19;
	v33 =	vld [tilespmem:s8+$0xFFFFFFA0]  }
0x45: {  	v24 =	vshll.u32 v24, v1;
	v21 =	vbroadcast v21, $0x0;
	v34 =	vld [tilespmem:s8+$0xFFFFFFB0];
	v25 =	vadd.s32 v16, v25  }
0x46: {  	v22 =	vbroadcast v22, $0x0;
	v19 =	vadd.s32 v2, v19;
	v36 =	vld [tilespmem:s8+$0xFFFFFFC0];
	v27 =	vadd.f32 v27, v17  }
0x47: {  	v35 =	vadd.s32 v3, v20;
	v20 =	vadd.s32 v4, v20;
	v37 =	vld [tilespmem:s8+$0xFFFFFFD0];
	v29 =	vadd.f32 v29, v17  }
0x48: {  	v58 =	vadd.s32 v8, v22;
	v61 =	vld [tilespmem:s8+$0x20];
	v28 =	vadd.f32 v28, v18;
	[tilespmem:v30+s25+$0x0] =	vst.idx.msk $0xffff, v27  }
0x49: {  	v27 =	vadd.f32 v31, v18;
	v30 =	vadd.s32 v5, v21;
	v31 =	vld [tilespmem:s8+$0xFFFFFFE0];
	[tilespmem:v32+s25+$0x0] =	vst.idx.msk $0xffff, v29  }
0x4a: {  	v24 =	vbroadcast v24, $0x0;
	v21 =	vadd.s32 v6, v21;
	v29 =	vld [tilespmem:s8+$0x0];
	[tilespmem:v25+s25+$0x0] =	vst.idx.msk $0xffff, v28;
	v25 =	vadd.f32 v33, v17  }
0x4b: {  	v23 =	vbroadcast v23, $0x0;
	v28 =	vld [tilespmem:s8+$0xFFFFFFF0];
	[tilespmem:v19+s25+$0x0] =	vst.idx.msk $0xffff, v27;
	v19 =	vadd.f32 v34, v18;
	v27 =	vadd.s32 v7, v22  }
0x4c: {  	v62 =	vadd.s32 v11, v24;
	[tilespmem:v35+s25+$0x0] =	vst.idx.msk $0xffff, v25;
	v25 =	vadd.f32 v36, v17  }
0x4d: {  	s23 =	simm.s32 $0x8;
	v59 =	vld [tilespmem:s8+$0x10];
	v60 =	vadd.s32 v9, v23;
	[tilespmem:v20+s25+$0x0] =	vst.idx.msk $0xffff, v19;
	v20 =	vadd.f32 v37, v18  }
0x4e: {  	v57 =	vmov s23;
	v63 =	vadd.f32 v61, v17;
	[tilespmem:v30+s25+$0x0] =	vst.idx.msk $0xffff, v25;
	v25 =	vadd.f32 v31, v17;
	v31 =	vld [tilespmem:s8+$0x30]  }
0x4f: {  	s26 =	simm.s32 $0x9;
	v26 =	vbroadcast v26, $0x0;
	v38 =	vld [tilespmem:s8+$0x40];
	v30 =	vadd.s32 v10, v23;
	v23 =	vadd.s32 v12, v24;
	[tilespmem:v21+s25+$0x0] =	vst.idx.msk $0xffff, v20  }
0x50: {  	v22 =	vmov s26;
	s26 =	simm.s32 $0xF;
	v20 =	vadd.f32 v28, v18;
	[tilespmem:v27+s25+$0x0] =	vst.idx.msk $0xffff, v25;
	v27 =	vadd.f32 v29, v17;
	v29 =	vld [tilespmem:s8+$0x50]  }
0x51: {  	s11 =	simm.s32 $0xA;
	v32 =	vmov s26;
	v19 =	vshrl.u32 v57, $0x3;
	[tilespmem:v62+s25+$0x0] =	vst.idx.msk $0xffff, v63;
	v21 =	vadd.s32 v13, v26  }
0x52: {  	s21 =	simm.s32 $0xD;
	s19 =	simm.s32 $0xB;
	v24 =	vmov s11;
	v28 =	vadd.f32 v59, v18;
	[tilespmem:v58+s25+$0x0] =	vst.idx.msk $0xffff, v20;
	v20 =	vadd.s32 v14, v26  }
0x53: {  	s23 =	simm.s32 $0xE;
	s20 =	simm.s32 $0xC;
	v25 =	vmov s19;
	v26 =	vmov s21;
	[tilespmem:v60+s25+$0x0] =	vst.idx.msk $0xffff, v27;
	v31 =	vadd.f32 v31, v18  }
0x54: {  	s7 =	sshll.u32 s18, $0x3;
	s11 =	simm.s32 $0x10;
	v27 =	vmov s20;
	[tilespmem:v30+s25+$0x0] =	vst.idx.msk $0xffff, v28;
	v28 =	vmov s23;
	v30 =	vadd.f32 v38, v17  }
.LBB2_3:
0x55: {  	p0 =	slt.u32 s11, $0x78;
	v19 =	vshll.u32 v19, v1;
	v32 =	vshrl.u32 v32, $0x3;
	[tilespmem:v23+s25+$0x0] =	vst.idx.msk $0xffff, v31;
	v23 =	vadd.f32 v29, v18  }
0x56: {  	v22 =	vshrl.u32 v22, $0x3;
	v24 =	vshrl.u32 v24, $0x3;
	s8 =	sadd.s32 $0x100, s8;
	v29 =	vshll.u32 v32, v1;
	[tilespmem:v21+s25+$0x0] =	vst.idx.msk $0xffff, v30  }
0x57: {  	v21 =	vshrl.u32 v25, $0x3;
	v25 =	vshrl.u32 v27, $0x3;
	v27 =	vld [tilespmem:s8+$0x60];
	v29 =	vbroadcast v29, $0x0;
	[tilespmem:v20+s25+$0x0] =	vst.idx.msk $0xffff, v23  }
0x58: {  	v19 =	vbroadcast v19, $0x0;
	v20 =	vshrl.u32 v26, $0x3;
	v23 =	vshrl.u32 v28, $0x3;
	v26 =	vld [tilespmem:s8+$0x70]  }
0x59: {  	v22 =	vshll.u32 v22, v1;
	v24 =	vshll.u32 v24, v1;
	v28 =	vld [tilespmem:s8+$0xFFFFFF80];
	v30 =	vadd.s32 v15, v29  }
0x5a: {  	v21 =	vshll.u32 v21, v1;
	v25 =	vshll.u32 v25, v1;
	v29 =	vadd.s32 v16, v29;
	v31 =	vld [tilespmem:s8+$0xFFFFFF90]  }
0x5b: {  	v22 =	vbroadcast v22, $0x0;
	v32 =	vadd.s32 v0, v19;
	v20 =	vshll.u32 v20, v1;
	v33 =	vld [tilespmem:s8+$0xFFFFFFA0]  }
0x5c: {  	v19 =	vadd.s32 v2, v19;
	v23 =	vshll.u32 v23, v1;
	v34 =	vld [tilespmem:s8+$0xFFFFFFB0];
	v27 =	vadd.f32 v27, v17  }
0x5d: {  	v24 =	vbroadcast v24, $0x0;
	v35 =	vadd.s32 v3, v22;
	v36 =	vld [tilespmem:s8+$0xFFFFFFC0];
	v26 =	vadd.f32 v26, v18  }
0x5e: {  	v22 =	vadd.s32 v4, v22;
	v28 =	vadd.f32 v28, v17;
	v37 =	vld [tilespmem:s8+$0xFFFFFFD0];
	[tilespmem:v30+s25+$0x0] =	vst.idx.msk $0xffff, v27  }
0x5f: {  	v21 =	vbroadcast v21, $0x0;
	v30 =	vadd.s32 v5, v24;
	v27 =	vadd.f32 v31, v18;
	v31 =	vld [tilespmem:s8+$0xFFFFFFE0];
	[tilespmem:v29+s25+$0x0] =	vst.idx.msk $0xffff, v26  }
0x60: {  	v24 =	vadd.s32 v6, v24;
	[tilespmem:v32+s25+$0x0] =	vst.idx.msk $0xffff, v28;
	v26 =	vadd.f32 v33, v17;
	v28 =	vld [tilespmem:s8+$0xFFFFFFF0]  }
0x61: {  	v25 =	vbroadcast v25, $0x0;
	[tilespmem:v19+s25+$0x0] =	vst.idx.msk $0xffff, v27;
	v19 =	vadd.f32 v34, v18;
	v27 =	vadd.s32 v7, v21;
	v29 =	vld [tilespmem:s8+$0x0]  }
0x62: {  	v32 =	vmov s11;
	v21 =	vadd.s32 v8, v21;
	[tilespmem:v35+s25+$0x0] =	vst.idx.msk $0xffff, v26;
	v26 =	vadd.f32 v36, v17;
	v33 =	vld [tilespmem:s8+$0x10]  }
0x63: {  	v20 =	vbroadcast v20, $0x0;
	v34 =	vadd.s32 v9, v25;
	[tilespmem:v22+s25+$0x0] =	vst.idx.msk $0xffff, v19;
	v22 =	vadd.f32 v37, v18;
	v35 =	vld [tilespmem:s8+$0x20]  }
0x64: {  	v19 =	vshrl.u32 v32, $0x3;
	[tilespmem:v30+s25+$0x0] =	vst.idx.msk $0xffff, v26;
	v26 =	vadd.f32 v31, v17;
	v30 =	vadd.s32 v10, v25;
	v31 =	vld [tilespmem:s8+$0x30]  }
0x65: {  	s19 =	sadd.s32 $0x1, s11;
	v36 =	vadd.s32 v11, v20;
	[tilespmem:v24+s25+$0x0] =	vst.idx.msk $0xffff, v22;
	v25 =	vadd.f32 v28, v18;
	v37 =	vld [tilespmem:s8+$0x40];
	v28 =	vbroadcast v23, $0x0  }
.Ltmp2:
0x66: {  	v22 =	vmov s19;
	s19 =	sadd.s32 $0x2, s11;
	v23 =	vadd.s32 v12, v20;
	[tilespmem:v27+s25+$0x0] =	vst.idx.msk $0xffff, v26;
	v26 =	vadd.f32 v29, v17;
	v29 =	vld [tilespmem:s8+$0x50];
	(pc) =	sbr.rel @p0 .LBB2_3-.Ltmp2, $4  }
0x67: {  	v24 =	vmov s19;
	s19 =	sadd.s32 $0x3, s11;
	[tilespmem:v21+s25+$0x0] =	vst.idx.msk $0xffff, v25;
	v32 =	vadd.f32 v33, v18;
	v21 =	vadd.s32 v13, v28  }
0x68: {  	s20 =	sadd.s32 $0x5, s11;
	v25 =	vmov s19;
	s19 =	sadd.s32 $0x4, s11;
	v20 =	vadd.s32 v14, v28;
	[tilespmem:v34+s25+$0x0] =	vst.idx.msk $0xffff, v26;
	v33 =	vadd.f32 v35, v17  }
0x69: {  	v27 =	vmov s19;
	v26 =	vmov s20;
	s19 =	sadd.s32 $0x6, s11;
	s20 =	sadd.s32 $0x7, s11;
	[tilespmem:v30+s25+$0x0] =	vst.idx.msk $0xffff, v32;
	v31 =	vadd.f32 v31, v18  }
0x6a: {  	s11 =	sadd.s32 $0x8, s11;
	v28 =	vmov s19;
	v32 =	vmov s20;
	[tilespmem:v36+s25+$0x0] =	vst.idx.msk $0xffff, v33;
	v30 =	vadd.f32 v37, v17  }
0x6b: {  	_ =	sdelay $0x1  }
0x6c: {  	v19 =	vshll.u32 v19, v1;
	v32 =	vshrl.u32 v32, $0x3;
	v29 =	vadd.f32 v29, v18  }
0x6d: {  	v22 =	vshrl.u32 v22, $0x3;
	v24 =	vshrl.u32 v24, $0x3;
	s8 =	sadd.s32 $0x100, s8;
	v25 =	vshrl.u32 v25, $0x3  }
0x6e: {  	v27 =	vshrl.u32 v27, $0x3;
	[tilespmem:v23+s25+$0x0] =	vst.idx.msk $0xffff, v31;
	v32 =	vshll.u32 v32, v1;
	v19 =	vbroadcast v19, $0x0;
	v31 =	vld [tilespmem:s8+$0xFFFFFF80]  }
0x6f: {  	v23 =	vshrl.u32 v26, $0x3;
	v33 =	vld [tilespmem:s8+$0x60];
	v22 =	vshll.u32 v22, v1;
	v32 =	vbroadcast v32, $0x0  }
0x70: {  	v26 =	vshrl.u32 v28, $0x3;
	v28 =	vld [tilespmem:s8+$0x70];
	v24 =	vshll.u32 v24, v1;
	[tilespmem:v21+s25+$0x0] =	vst.idx.msk $0xffff, v30;
	v21 =	vadd.s32 v0, v19  }
0x71: {  	v35 =	vld [tilespmem:s8+$0xFFFFFF90];
	v25 =	vshll.u32 v25, v1;
	v27 =	vshll.u32 v27, v1;
	v34 =	vadd.s32 v15, v32  }
0x72: {  	v30 =	vld [tilespmem:s8+$0xFFFFFFA0];
	v23 =	vshll.u32 v23, v1;
	v22 =	vbroadcast v22, $0x0;
	v32 =	vadd.s32 v16, v32  }
0x73: {  	v36 =	vld [tilespmem:s8+$0xFFFFFFB0];
	v26 =	vshll.u32 v26, v1;
	v19 =	vadd.s32 v2, v19;
	v31 =	vadd.f32 v31, v17  }
0x74: {  	[tilespmem:v20+s25+$0x0] =	vst.idx.msk $0xffff, v29;
	v29 =	vld [tilespmem:s8+$0xFFFFFFC0];
	v24 =	vbroadcast v24, $0x0;
	v20 =	vadd.s32 v3, v22;
	v33 =	vadd.f32 v33, v17  }
0x75: {  	v37 =	vld [tilespmem:s8+$0xFFFFFFD0];
	v22 =	vadd.s32 v4, v22;
	v28 =	vadd.f32 v28, v18;
	[tilespmem:v21+s25+$0x0] =	vst.idx.msk $0xffff, v31  }
0x76: {  	v49 =	vld [tilespmem:s8+$0xFFFFFFE0];
	v25 =	vbroadcast v25, $0x0;
	v48 =	vadd.s32 v5, v24;
	v47 =	vadd.f32 v35, v18;
	[tilespmem:v34+s25+$0x0] =	vst.idx.msk $0xffff, v33  }
0x77: {  	v24 =	vadd.s32 v6, v24;
	v21 =	vadd.f32 v30, v17;
	[tilespmem:v32+s25+$0x0] =	vst.idx.msk $0xffff, v28;
	v28 =	vld [tilespmem:s8+$0xFFFFFFF0]  }
0x78: {  	v27 =	vbroadcast v27, $0x0;
	v30 =	vadd.s32 v7, v25;
	v31 =	vld [tilespmem:s8+$0x0];
	[tilespmem:v19+s25+$0x0] =	vst.idx.msk $0xffff, v47;
	v19 =	vadd.f32 v36, v18  }
0x79: {  	[tilespmem:v20+s25+$0x0] =	vst.idx.msk $0xffff, v21;
	v20 =	vadd.f32 v29, v17;
	v21 =	vadd.s32 v8, v25;
	v25 =	vld [tilespmem:s8+$0x10]  }
0x7a: {  	v23 =	vbroadcast v23, $0x0;
	v29 =	vld [tilespmem:s8+$0x20];
	[tilespmem:v22+s25+$0x0] =	vst.idx.msk $0xffff, v19;
	v19 =	vadd.f32 v37, v18;
	v22 =	vadd.s32 v9, v27  }
0x7b: {  	v50 =	vld [tilespmem:s8+$0x30];
	v27 =	vadd.s32 v10, v27;
	[tilespmem:v48+s25+$0x0] =	vst.idx.msk $0xffff, v20;
	v20 =	vadd.f32 v49, v17  }
0x7c: {  	v26 =	vbroadcast v26, $0x0;
	[tilespmem:v24+s25+$0x0] =	vst.idx.msk $0xffff, v19;
	v24 =	vadd.s32 v11, v23;
	v19 =	vadd.f32 v28, v18;
	v28 =	vld [tilespmem:s8+$0x40]  }
0x7d: {  	v23 =	vadd.s32 v12, v23;
	[tilespmem:v30+s25+$0x0] =	vst.idx.msk $0xffff, v20;
	v20 =	vadd.f32 v31, v17;
	v30 =	vld [tilespmem:s8+$0x50]  }
0x7e: {  	[tilespmem:v21+s25+$0x0] =	vst.idx.msk $0xffff, v19;
	v19 =	vadd.f32 v25, v18;
	v21 =	vadd.s32 v13, v26  }
0x7f: {  	[tilespmem:v22+s25+$0x0] =	vst.idx.msk $0xffff, v20;
	v20 =	vadd.f32 v29, v17;
	v22 =	vadd.s32 v14, v26  }
0x80: {  	[tilespmem:v27+s25+$0x0] =	vst.idx.msk $0xffff, v19;
	v19 =	vadd.f32 v50, v18  }
0x81: {  	s26 =	sshll.u32 s18, $0x14;
	[tilespmem:v24+s25+$0x0] =	vst.idx.msk $0xffff, v20;
	v17 =	vadd.f32 v28, v17  }
0x82: {  	s8 =	sor.u32 s4, s26;
	v18 =	vadd.f32 v30, v18;
	[tilespmem:v23+s25+$0x0] =	vst.idx.msk $0xffff, v19  }
0x83: {  	s8 =	sshrl.u32 s8, $0x3;
	[tilespmem:v21+s25+$0x0] =	vst.idx.msk $0xffff, v17  }
0x84: {  	s8 =	sadd.s32 s2, s8;
	[tilespmem:v22+s25+$0x0] =	vst.idx.msk $0xffff, v18  }
0x85: {  	[hbm4b:s8+s3] =	stream.linear.scatter [tilespmem:s25], [sflag:$0x9], $0x80, $0x38;
	[tilespmem:$0x14100] =	vst v63  }
0x86: {  	s11 =	sadd.s32 $0x10, s8  }
0x87: {  	[hbm4b:s11+s3] =	stream.linear.scatter [tilespmem:s28], [sflag:$0x9], $0x80, $0x38;
	[tilespmem:$0x14100] =	vst v63  }
0x88: {  	s19 =	simm.s32 $0xFE10;
	s28 =	sadd.s32 $0x20, s8  }
0x89: {  	[hbm4b:s28+s3] =	stream.linear.scatter [tilespmem:s19], [sflag:$0x9], $0x80, $0x38;
	[tilespmem:$0x14100] =	vst v63  }
0x8a: {  	s20 =	simm.s32 $0xFE98;
	s19 =	sadd.s32 $0x30, s8  }
0x8b: {  	[hbm4b:s19+s3] =	stream.linear.scatter [tilespmem:s20], [sflag:$0x9], $0x80, $0x38;
	[tilespmem:$0x14100] =	vst v63  }
0x8c: {  	s23 =	simm.s32 $0xFF20;
	s21 =	sadd.s32 $0x40, s8  }
0x8d: {  	[hbm4b:s21+s3] =	stream.linear.scatter [tilespmem:s23], [sflag:$0x9], $0x80, $0x38;
	[tilespmem:$0x14100] =	vst v63  }
0x8e: {  	s26 =	sadd.s32 $0x50, s8;
	s28 =	simm.s32 $0xFFA8  }
0x8f: {  	[hbm4b:s26+s3] =	stream.linear.scatter [tilespmem:s28], [sflag:$0x9], $0x80, $0x38;
	[tilespmem:$0x14100] =	vst v63  }
0x90: {  	s19 =	sadd.s32 $0x60, s8;
	s20 =	simm.s32 $0x10030  }
0x91: {  	[hbm4b:s19+s3] =	stream.linear.scatter [tilespmem:s20], [sflag:$0x9], $0x80, $0x38;
	[tilespmem:$0x14100] =	vst v63  }
0x92: {  	s21 =	sadd.s32 $0x70, s8;
	s23 =	simm.s32 $0x100B8  }
0x93: {  	[hbm4b:s21+s3] =	stream.linear.scatter [tilespmem:s23], [sflag:$0x9], $0x80, $0x38;
	[tilespmem:$0x14100] =	vst v63  }
0x94: {  	s26 =	sadd.s32 $0x1000, s8;
	s28 =	simm.s32 $0x10140  }
0x95: {  	[hbm4b:s26+s3] =	stream.linear.scatter [tilespmem:s28], [sflag:$0x9], $0x80, $0x38;
	[tilespmem:$0x14100] =	vst v63  }
0x96: {  	s19 =	sadd.s32 $0x1010, s8;
	s20 =	simm.s32 $0x101C8  }
0x97: {  	[hbm4b:s19+s3] =	stream.linear.scatter [tilespmem:s20], [sflag:$0x9], $0x80, $0x38;
	[tilespmem:$0x14100] =	vst v63  }
0x98: {  	s21 =	sadd.s32 $0x1020, s8;
	s23 =	simm.s32 $0x10250  }
0x99: {  	[hbm4b:s21+s3] =	stream.linear.scatter [tilespmem:s23], [sflag:$0x9], $0x80, $0x38;
	[tilespmem:$0x14100] =	vst v63  }
0x9a: {  	s26 =	sadd.s32 $0x1030, s8;
	s28 =	simm.s32 $0x102D8  }
0x9b: {  	[hbm4b:s26+s3] =	stream.linear.scatter [tilespmem:s28], [sflag:$0x9], $0x80, $0x38;
	[tilespmem:$0x14100] =	vst v63  }
0x9c: {  	s19 =	sadd.s32 $0x1040, s8;
	s20 =	simm.s32 $0x10360  }
0x9d: {  	[hbm4b:s19+s3] =	stream.linear.scatter [tilespmem:s20], [sflag:$0x9], $0x80, $0x38;
	[tilespmem:$0x14100] =	vst v63  }
0x9e: {  	s21 =	sadd.s32 $0x1050, s8;
	s23 =	simm.s32 $0x103E8  }
0x9f: {  	[hbm4b:s21+s3] =	stream.linear.scatter [tilespmem:s23], [sflag:$0x9], $0x80, $0x38;
	[tilespmem:$0x14100] =	vst v63  }
0xa0: {  	s26 =	sadd.s32 $0x1060, s8;
	s28 =	simm.s32 $0x10470  }
0xa1: {  	[hbm4b:s26+s3] =	stream.linear.scatter [tilespmem:s28], [sflag:$0x9], $0x80, $0x38;
	[tilespmem:$0x14100] =	vst v63  }
0xa2: {  	s19 =	sadd.s32 $0x1070, s8;
	s20 =	simm.s32 $0x104F8  }
0xa3: {  	[hbm4b:s19+s3] =	stream.linear.scatter [tilespmem:s20], [sflag:$0x9], $0x80, $0x38;
	[tilespmem:$0x14100] =	vst v63  }
0xa4: {  	s21 =	sadd.s32 $0x2000, s8;
	s23 =	simm.s32 $0x10580  }
0xa5: {  	[hbm4b:s21+s3] =	stream.linear.scatter [tilespmem:s23], [sflag:$0x9], $0x80, $0x38;
	[tilespmem:$0x14100] =	vst v63  }
0xa6: {  	s26 =	sadd.s32 $0x2010, s8;
	s28 =	simm.s32 $0x10608  }
0xa7: {  	[hbm4b:s26+s3] =	stream.linear.scatter [tilespmem:s28], [sflag:$0x9], $0x80, $0x38;
	[tilespmem:$0x14100] =	vst v63  }
0xa8: {  	s19 =	sadd.s32 $0x2020, s8;
	s20 =	simm.s32 $0x10690  }
0xa9: {  	[hbm4b:s19+s3] =	stream.linear.scatter [tilespmem:s20], [sflag:$0x9], $0x80, $0x38;
	[tilespmem:$0x14100] =	vst v63  }
0xaa: {  	s21 =	sadd.s32 $0x2030, s8;
	s23 =	simm.s32 $0x10718  }
0xab: {  	[hbm4b:s21+s3] =	stream.linear.scatter [tilespmem:s23], [sflag:$0x9], $0x80, $0x38;
	[tilespmem:$0x14100] =	vst v63  }
0xac: {  	s26 =	sadd.s32 $0x2040, s8;
	s28 =	simm.s32 $0x107A0  }
0xad: {  	[hbm4b:s26+s3] =	stream.linear.scatter [tilespmem:s28], [sflag:$0x9], $0x80, $0x38;
	[tilespmem:$0x14100] =	vst v63  }
0xae: {  	s19 =	sadd.s32 $0x2050, s8;
	s20 =	simm.s32 $0x10828  }
0xaf: {  	[hbm4b:s19+s3] =	stream.linear.scatter [tilespmem:s20], [sflag:$0x9], $0x80, $0x38;
	[tilespmem:$0x14100] =	vst v63  }
0xb0: {  	s21 =	sadd.s32 $0x2060, s8;
	s23 =	simm.s32 $0x108B0  }
0xb1: {  	[hbm4b:s21+s3] =	stream.linear.scatter [tilespmem:s23], [sflag:$0x9], $0x80, $0x38;
	[tilespmem:$0x14100] =	vst v63  }
0xb2: {  	s26 =	sadd.s32 $0x2070, s8;
	s28 =	simm.s32 $0x10938  }
0xb3: {  	[hbm4b:s26+s3] =	stream.linear.scatter [tilespmem:s28], [sflag:$0x9], $0x80, $0x38;
	[tilespmem:$0x14100] =	vst v63  }
0xb4: {  	s19 =	sadd.s32 $0x3000, s8;
	s20 =	simm.s32 $0x109C0  }
0xb5: {  	[hbm4b:s19+s3] =	stream.linear.scatter [tilespmem:s20], [sflag:$0x9], $0x80, $0x38;
	[tilespmem:$0x14100] =	vst v63  }
0xb6: {  	s21 =	sadd.s32 $0x3010, s8;
	s23 =	simm.s32 $0x10A48  }
0xb7: {  	[hbm4b:s21+s3] =	stream.linear.scatter [tilespmem:s23], [sflag:$0x9], $0x80, $0x38;
	[tilespmem:$0x14100] =	vst v63  }
0xb8: {  	s26 =	sadd.s32 $0x3020, s8;
	s28 =	simm.s32 $0x10AD0  }
0xb9: {  	[hbm4b:s26+s3] =	stream.linear.scatter [tilespmem:s28], [sflag:$0x9], $0x80, $0x38;
	[tilespmem:$0x14100] =	vst v63  }
0xba: {  	s19 =	sadd.s32 $0x3030, s8;
	s20 =	simm.s32 $0x10B58  }
0xbb: {  	[hbm4b:s19+s3] =	stream.linear.scatter [tilespmem:s20], [sflag:$0x9], $0x80, $0x38;
	[tilespmem:$0x14100] =	vst v63  }
0xbc: {  	s21 =	sadd.s32 $0x3040, s8;
	s23 =	simm.s32 $0x10BE0  }
0xbd: {  	[hbm4b:s21+s3] =	stream.linear.scatter [tilespmem:s23], [sflag:$0x9], $0x80, $0x38;
	[tilespmem:$0x14100] =	vst v63  }
0xbe: {  	s26 =	sadd.s32 $0x3050, s8;
	s28 =	simm.s32 $0x10C68  }
0xbf: {  	[hbm4b:s26+s3] =	stream.linear.scatter [tilespmem:s28], [sflag:$0x9], $0x80, $0x38;
	[tilespmem:$0x14100] =	vst v63  }
0xc0: {  	s20 =	sadd.s32 $0x3060, s8;
	s21 =	simm.s32 $0x10CF0;
	s26 =	sshll.u32 s18, $0xA  }
0xc1: {  	[hbm4b:s20+s3] =	stream.linear.scatter [tilespmem:s21], [sflag:$0x9], $0x80, $0x38;
	[tilespmem:$0x14100] =	vst v63  }
0xc2: {  	s8 =	sadd.s32 $0x3070, s8;
	s23 =	simm.s32 $0x10D78;
	s19 =	sand.u32 $0x3FFFFC00, s26  }
0xc3: {  	[hbm4b:s8+s3] =	stream.linear.scatter [tilespmem:s23], [sflag:$0x9], $0x80, $0x38;
	[tilespmem:$0x14100] =	vst v63  }
0xc4: {  	s28 =	simm.s32 $0xDD00;
	s8 =	sor.u32 $0x300, s19  }
0xc5: {  	[tilespmem:s28], [sflag:$0x7] =	stream.indirect.gather [hbm4b:s5+s13], $0x20, s8, s13, $0xb8;
	[tilespmem:$0x14100] =	vst v63  }
0xc6: {  	s21 =	sor.u32 $0x1, s7;
	_ =	swait.ge [sflag:s9], $0x1000  }
0xc7: {  	s20 =	sshll.u32 s21, $0x5;
	[sflag:s9] =	ssyncset.done $0x0  }
0xc8: {  	s26 =	simm.s32 $0x2;
	s8 =	sand.u32 $0x3FFFFFE0, s20;
	[sflag:s9] =	ssyncadd.s32 $0xFFFFF000  }
0xc9: {  	v21 =	vmov s26;
	s26 =	simm.s32 $0x6;
	s23 =	simm.s32 $0x0;
	v17 =	vld [tilespmem:s8+$0x6400]  }
0xca: {  	v26 =	vmov s26;
	v21 =	vshrl.u32 v21, $0x3;
	v19 =	vmov s23;
	s23 =	simm.s32 $0x4;
	v18 =	vld [tilespmem:s8+$0x6410];
	s8 =	simm.s32 @!p1 $0xA  }
0xcb: {  	v26 =	vshrl.u32 v26, $0x3;
	v21 =	vshll.u32 v21, v1;
	v23 =	vmov s23;
	s23 =	simm.s32 $0x7;
	_ =	swait.ge @!p1 [sflag:s8], $0x1000  }
0xcc: {  	v26 =	vshll.u32 v26, v1;
	v21 =	vbroadcast v21, $0x0;
	s20 =	simm.s32 $0x1;
	v25 =	vmov s23;
	[sflag:s8] =	ssyncset.done @!p1 $0x0  }
0xcd: {  	s28 =	simm.s32 $0x3;
	v19 =	vshrl.u32 v19, $0x3;
	v20 =	vmov s20;
	v25 =	vshrl.u32 v25, $0x3;
	[sflag:s8] =	ssyncadd.s32 @!p1 $0xFFFFF000;
	s8 =	simm.s32 $0x8DF0  }
0xce: {  	v22 =	vmov s28;
	s20 =	simm.s32 $0x5;
	v19 =	vshll.u32 v19, v1;
	v25 =	vshll.u32 v25, v1;
	v27 =	vld [tilespmem:s8+$0xFFFFFFF0]  }
0xcf: {  	v23 =	vshrl.u32 v23, $0x3;
	v24 =	vmov s20;
	v25 =	vbroadcast v25, $0x0;
	v28 =	vld [tilespmem:s8+$0x0]  }
0xd0: {  	v20 =	vshrl.u32 v20, $0x3;
	v22 =	vshrl.u32 v22, $0x3;
	v19 =	vbroadcast v19, $0x0;
	v29 =	vld [tilespmem:s8+$0xFFFFFF10]  }
0xd1: {  	v23 =	vshll.u32 v23, v1;
	v24 =	vshrl.u32 v24, $0x3;
	v30 =	vadd.s32 v15, v25;
	v31 =	vld [tilespmem:s8+$0xFFFFFF20]  }
0xd2: {  	v20 =	vshll.u32 v20, v1;
	v22 =	vshll.u32 v22, v1;
	v51 =	vadd.s32 v0, v19;
	v52 =	vld [tilespmem:s8+$0xFFFFFF30]  }
0xd3: {  	v23 =	vbroadcast v23, $0x0;
	v20 =	vbroadcast v20, $0x0;
	v25 =	vadd.s32 v16, v25;
	v53 =	vld [tilespmem:s8+$0xFFFFFF40]  }
0xd4: {  	v24 =	vshll.u32 v24, v1;
	v19 =	vadd.s32 v2, v19;
	v55 =	vld [tilespmem:s8+$0xFFFFFF50];
	v27 =	vadd.f32 v27, v17  }
0xd5: {  	v60 =	vadd.s32 v9, v23;
	v54 =	vadd.s32 v3, v20;
	v56 =	vld [tilespmem:s8+$0xFFFFFF60];
	v29 =	vadd.f32 v29, v17  }
0xd6: {  	v20 =	vadd.s32 v4, v20;
	v61 =	vld [tilespmem:s8+$0xFFFFFFB0];
	v28 =	vadd.f32 v28, v18;
	[tilespmem:v30+s10+$0x0] =	vst.idx.msk $0xffff, v27  }
0xd7: {  	v22 =	vbroadcast v22, $0x0;
	v27 =	vadd.f32 v31, v18;
	v30 =	vadd.s32 v5, v21;
	v31 =	vld [tilespmem:s8+$0xFFFFFF70];
	[tilespmem:v51+s10+$0x0] =	vst.idx.msk $0xffff, v29  }
0xd8: {  	v24 =	vbroadcast v24, $0x0;
	v21 =	vadd.s32 v6, v21;
	v29 =	vld [tilespmem:s8+$0xFFFFFF90];
	[tilespmem:v25+s10+$0x0] =	vst.idx.msk $0xffff, v28;
	v25 =	vadd.f32 v52, v17  }
0xd9: {  	v28 =	vld [tilespmem:s8+$0xFFFFFF80];
	[tilespmem:v19+s10+$0x0] =	vst.idx.msk $0xffff, v27;
	v19 =	vadd.f32 v53, v18;
	v27 =	vadd.s32 v7, v22  }
0xda: {  	v62 =	vadd.s32 v11, v24;
	[tilespmem:v54+s10+$0x0] =	vst.idx.msk $0xffff, v25;
	v25 =	vadd.f32 v55, v17  }
0xdb: {  	v58 =	vadd.s32 v8, v22;
	v59 =	vld [tilespmem:s8+$0xFFFFFFA0];
	[tilespmem:v20+s10+$0x0] =	vst.idx.msk $0xffff, v19;
	v20 =	vadd.f32 v56, v18  }
0xdc: {  	v26 =	vbroadcast v26, $0x0;
	s28 =	simm.s32 $0x8;
	v63 =	vadd.f32 v61, v17;
	[tilespmem:v30+s10+$0x0] =	vst.idx.msk $0xffff, v25;
	v25 =	vadd.f32 v31, v17;
	v31 =	vld [tilespmem:s8+$0xFFFFFFC0]  }
0xdd: {  	v57 =	vmov s28;
	s20 =	simm.s32 $0x9;
	v38 =	vld [tilespmem:s8+$0xFFFFFFD0];
	v30 =	vadd.s32 v10, v23;
	v23 =	vadd.s32 v12, v24;
	[tilespmem:v21+s10+$0x0] =	vst.idx.msk $0xffff, v20  }
0xde: {  	s23 =	simm.s32 $0xA;
	v22 =	vmov s20;
	v20 =	vadd.f32 v28, v18;
	[tilespmem:v27+s10+$0x0] =	vst.idx.msk $0xffff, v25;
	v27 =	vadd.f32 v29, v17;
	v29 =	vld [tilespmem:s8+$0xFFFFFFE0]  }
0xdf: {  	s26 =	simm.s32 $0xB;
	v19 =	vshrl.u32 v57, $0x3;
	v24 =	vmov s23;
	[tilespmem:v62+s10+$0x0] =	vst.idx.msk $0xffff, v63;
	v21 =	vadd.s32 v13, v26  }
0xe0: {  	s28 =	simm.s32 $0xC;
	s23 =	simm.s32 $0xD;
	v28 =	vadd.f32 v59, v18;
	v25 =	vmov s26;
	[tilespmem:v58+s10+$0x0] =	vst.idx.msk $0xffff, v20;
	v20 =	vadd.s32 v14, v26  }
0xe1: {  	s26 =	simm.s32 $0xE;
	v26 =	vmov s23;
	[tilespmem:v60+s10+$0x0] =	vst.idx.msk $0xffff, v27;
	v27 =	vmov s28;
	s28 =	simm.s32 $0xF;
	v31 =	vadd.f32 v31, v18  }
0xe2: {  	s11 =	simm.s32 $0x10;
	s20 =	sor.u32 $0x6, s7;
	[tilespmem:v30+s10+$0x0] =	vst.idx.msk $0xffff, v28;
	v28 =	vmov s26;
	v32 =	vmov s28;
	v30 =	vadd.f32 v38, v17  }
.LBB2_5:
0xe3: {  	p0 =	slt.u32 s11, $0x78;
	v19 =	vshll.u32 v19, v1;
	v32 =	vshrl.u32 v32, $0x3;
	[tilespmem:v23+s10+$0x0] =	vst.idx.msk $0xffff, v31;
	v23 =	vadd.f32 v29, v18  }
0xe4: {  	v22 =	vshrl.u32 v22, $0x3;
	v24 =	vshrl.u32 v24, $0x3;
	s8 =	sadd.s32 $0x100, s8;
	v29 =	vshll.u32 v32, v1;
	[tilespmem:v21+s10+$0x0] =	vst.idx.msk $0xffff, v30  }
0xe5: {  	v21 =	vshrl.u32 v25, $0x3;
	v25 =	vshrl.u32 v27, $0x3;
	v27 =	vld [tilespmem:s8+$0xFFFFFFF0];
	v29 =	vbroadcast v29, $0x0;
	[tilespmem:v20+s10+$0x0] =	vst.idx.msk $0xffff, v23  }
0xe6: {  	v19 =	vbroadcast v19, $0x0;
	v20 =	vshrl.u32 v26, $0x3;
	v23 =	vshrl.u32 v28, $0x3;
	v26 =	vld [tilespmem:s8+$0x0]  }
0xe7: {  	v22 =	vshll.u32 v22, v1;
	v24 =	vshll.u32 v24, v1;
	v28 =	vld [tilespmem:s8+$0xFFFFFF10];
	v30 =	vadd.s32 v15, v29  }
0xe8: {  	v21 =	vshll.u32 v21, v1;
	v25 =	vshll.u32 v25, v1;
	v29 =	vadd.s32 v16, v29;
	v31 =	vld [tilespmem:s8+$0xFFFFFF20]  }
0xe9: {  	v22 =	vbroadcast v22, $0x0;
	v32 =	vadd.s32 v0, v19;
	v20 =	vshll.u32 v20, v1;
	v33 =	vld [tilespmem:s8+$0xFFFFFF30]  }
0xea: {  	v19 =	vadd.s32 v2, v19;
	v23 =	vshll.u32 v23, v1;
	v34 =	vld [tilespmem:s8+$0xFFFFFF40];
	v27 =	vadd.f32 v27, v17  }
0xeb: {  	v24 =	vbroadcast v24, $0x0;
	v35 =	vadd.s32 v3, v22;
	v36 =	vld [tilespmem:s8+$0xFFFFFF50];
	v26 =	vadd.f32 v26, v18  }
0xec: {  	v22 =	vadd.s32 v4, v22;
	v28 =	vadd.f32 v28, v17;
	v37 =	vld [tilespmem:s8+$0xFFFFFF60];
	[tilespmem:v30+s10+$0x0] =	vst.idx.msk $0xffff, v27  }
0xed: {  	v21 =	vbroadcast v21, $0x0;
	v30 =	vadd.s32 v5, v24;
	v27 =	vadd.f32 v31, v18;
	v31 =	vld [tilespmem:s8+$0xFFFFFF70];
	[tilespmem:v29+s10+$0x0] =	vst.idx.msk $0xffff, v26  }
0xee: {  	v24 =	vadd.s32 v6, v24;
	[tilespmem:v32+s10+$0x0] =	vst.idx.msk $0xffff, v28;
	v26 =	vadd.f32 v33, v17;
	v28 =	vld [tilespmem:s8+$0xFFFFFF80]  }
0xef: {  	v25 =	vbroadcast v25, $0x0;
	[tilespmem:v19+s10+$0x0] =	vst.idx.msk $0xffff, v27;
	v19 =	vadd.f32 v34, v18;
	v27 =	vadd.s32 v7, v21;
	v29 =	vld [tilespmem:s8+$0xFFFFFF90]  }
0xf0: {  	v32 =	vmov s11;
	v21 =	vadd.s32 v8, v21;
	[tilespmem:v35+s10+$0x0] =	vst.idx.msk $0xffff, v26;
	v26 =	vadd.f32 v36, v17;
	v33 =	vld [tilespmem:s8+$0xFFFFFFA0]  }
0xf1: {  	v20 =	vbroadcast v20, $0x0;
	v34 =	vadd.s32 v9, v25;
	[tilespmem:v22+s10+$0x0] =	vst.idx.msk $0xffff, v19;
	v22 =	vadd.f32 v37, v18;
	v35 =	vld [tilespmem:s8+$0xFFFFFFB0]  }
0xf2: {  	v19 =	vshrl.u32 v32, $0x3;
	[tilespmem:v30+s10+$0x0] =	vst.idx.msk $0xffff, v26;
	v26 =	vadd.f32 v31, v17;
	v30 =	vadd.s32 v10, v25;
	v31 =	vld [tilespmem:s8+$0xFFFFFFC0]  }
0xf3: {  	s23 =	sadd.s32 $0x1, s11;
	v36 =	vadd.s32 v11, v20;
	[tilespmem:v24+s10+$0x0] =	vst.idx.msk $0xffff, v22;
	v25 =	vadd.f32 v28, v18;
	v37 =	vld [tilespmem:s8+$0xFFFFFFD0];
	v28 =	vbroadcast v23, $0x0  }
.Ltmp3:
0xf4: {  	v22 =	vmov s23;
	s23 =	sadd.s32 $0x2, s11;
	v23 =	vadd.s32 v12, v20;
	[tilespmem:v27+s10+$0x0] =	vst.idx.msk $0xffff, v26;
	v26 =	vadd.f32 v29, v17;
	v29 =	vld [tilespmem:s8+$0xFFFFFFE0];
	(pc) =	sbr.rel @p0 .LBB2_5-.Ltmp3, $4  }
0xf5: {  	v24 =	vmov s23;
	s23 =	sadd.s32 $0x3, s11;
	[tilespmem:v21+s10+$0x0] =	vst.idx.msk $0xffff, v25;
	v32 =	vadd.f32 v33, v18;
	v21 =	vadd.s32 v13, v28  }
0xf6: {  	s26 =	sadd.s32 $0x5, s11;
	v25 =	vmov s23;
	s23 =	sadd.s32 $0x4, s11;
	v20 =	vadd.s32 v14, v28;
	[tilespmem:v34+s10+$0x0] =	vst.idx.msk $0xffff, v26;
	v33 =	vadd.f32 v35, v17  }
0xf7: {  	v27 =	vmov s23;
	v26 =	vmov s26;
	s23 =	sadd.s32 $0x6, s11;
	s26 =	sadd.s32 $0x7, s11;
	[tilespmem:v30+s10+$0x0] =	vst.idx.msk $0xffff, v32;
	v31 =	vadd.f32 v31, v18  }
0xf8: {  	s11 =	sadd.s32 $0x8, s11;
	v28 =	vmov s23;
	v32 =	vmov s26;
	[tilespmem:v36+s10+$0x0] =	vst.idx.msk $0xffff, v33;
	v30 =	vadd.f32 v37, v17  }
0xf9: {  	_ =	sdelay $0x1  }
0xfa: {  	v19 =	vshll.u32 v19, v1;
	v32 =	vshrl.u32 v32, $0x3;
	v29 =	vadd.f32 v29, v18  }
0xfb: {  	v22 =	vshrl.u32 v22, $0x3;
	v24 =	vshrl.u32 v24, $0x3;
	s8 =	sadd.s32 $0x100, s8;
	v25 =	vshrl.u32 v25, $0x3  }
0xfc: {  	v27 =	vshrl.u32 v27, $0x3;
	[tilespmem:v23+s10+$0x0] =	vst.idx.msk $0xffff, v31;
	v32 =	vshll.u32 v32, v1;
	v19 =	vbroadcast v19, $0x0;
	v31 =	vld [tilespmem:s8+$0xFFFFFF10]  }
0xfd: {  	v23 =	vshrl.u32 v26, $0x3;
	v33 =	vld [tilespmem:s8+$0xFFFFFFF0];
	v22 =	vshll.u32 v22, v1;
	v32 =	vbroadcast v32, $0x0  }
0xfe: {  	v26 =	vshrl.u32 v28, $0x3;
	v28 =	vld [tilespmem:s8+$0x0];
	v24 =	vshll.u32 v24, v1;
	[tilespmem:v21+s10+$0x0] =	vst.idx.msk $0xffff, v30;
	v21 =	vadd.s32 v0, v19  }
0xff: {  	v35 =	vld [tilespmem:s8+$0xFFFFFF20];
	v25 =	vshll.u32 v25, v1;
	v27 =	vshll.u32 v27, v1;
	v34 =	vadd.s32 v15, v32  }
0x100: {  	v30 =	vld [tilespmem:s8+$0xFFFFFF30];
	v23 =	vshll.u32 v23, v1;
	v22 =	vbroadcast v22, $0x0;
	v32 =	vadd.s32 v16, v32  }
0x101: {  	v36 =	vld [tilespmem:s8+$0xFFFFFF40];
	v26 =	vshll.u32 v26, v1;
	v19 =	vadd.s32 v2, v19;
	v31 =	vadd.f32 v31, v17  }
0x102: {  	[tilespmem:v20+s10+$0x0] =	vst.idx.msk $0xffff, v29;
	v29 =	vld [tilespmem:s8+$0xFFFFFF50];
	v24 =	vbroadcast v24, $0x0;
	v20 =	vadd.s32 v3, v22;
	v33 =	vadd.f32 v33, v17  }
0x103: {  	v37 =	vld [tilespmem:s8+$0xFFFFFF60];
	v22 =	vadd.s32 v4, v22;
	v28 =	vadd.f32 v28, v18;
	[tilespmem:v21+s10+$0x0] =	vst.idx.msk $0xffff, v31  }
0x104: {  	v49 =	vld [tilespmem:s8+$0xFFFFFF70];
	v25 =	vbroadcast v25, $0x0;
	v48 =	vadd.s32 v5, v24;
	v47 =	vadd.f32 v35, v18;
	[tilespmem:v34+s10+$0x0] =	vst.idx.msk $0xffff, v33  }
0x105: {  	v24 =	vadd.s32 v6, v24;
	v21 =	vadd.f32 v30, v17;
	[tilespmem:v32+s10+$0x0] =	vst.idx.msk $0xffff, v28;
	v28 =	vld [tilespmem:s8+$0xFFFFFF80]  }
0x106: {  	v27 =	vbroadcast v27, $0x0;
	v30 =	vadd.s32 v7, v25;
	v31 =	vld [tilespmem:s8+$0xFFFFFF90];
	[tilespmem:v19+s10+$0x0] =	vst.idx.msk $0xffff, v47;
	v19 =	vadd.f32 v36, v18  }
0x107: {  	[tilespmem:v20+s10+$0x0] =	vst.idx.msk $0xffff, v21;
	v20 =	vadd.f32 v29, v17;
	v21 =	vadd.s32 v8, v25;
	v25 =	vld [tilespmem:s8+$0xFFFFFFA0]  }
0x108: {  	v23 =	vbroadcast v23, $0x0;
	v29 =	vld [tilespmem:s8+$0xFFFFFFB0];
	[tilespmem:v22+s10+$0x0] =	vst.idx.msk $0xffff, v19;
	v19 =	vadd.f32 v37, v18;
	v22 =	vadd.s32 v9, v27  }
0x109: {  	v50 =	vld [tilespmem:s8+$0xFFFFFFC0];
	v27 =	vadd.s32 v10, v27;
	[tilespmem:v48+s10+$0x0] =	vst.idx.msk $0xffff, v20;
	v20 =	vadd.f32 v49, v17  }
0x10a: {  	v26 =	vbroadcast v26, $0x0;
	[tilespmem:v24+s10+$0x0] =	vst.idx.msk $0xffff, v19;
	v24 =	vadd.s32 v11, v23;
	v19 =	vadd.f32 v28, v18;
	v28 =	vld [tilespmem:s8+$0xFFFFFFD0]  }
0x10b: {  	v23 =	vadd.s32 v12, v23;
	[tilespmem:v30+s10+$0x0] =	vst.idx.msk $0xffff, v20;
	v20 =	vadd.f32 v31, v17;
	v30 =	vld [tilespmem:s8+$0xFFFFFFE0]  }
0x10c: {  	[tilespmem:v21+s10+$0x0] =	vst.idx.msk $0xffff, v19;
	v19 =	vadd.f32 v25, v18;
	v21 =	vadd.s32 v13, v26  }
0x10d: {  	[tilespmem:v22+s10+$0x0] =	vst.idx.msk $0xffff, v20;
	v20 =	vadd.f32 v29, v17;
	v22 =	vadd.s32 v14, v26  }
0x10e: {  	[tilespmem:v27+s10+$0x0] =	vst.idx.msk $0xffff, v19;
	v19 =	vadd.f32 v50, v18  }
0x10f: {  	s26 =	sshll.u32 s21, $0x11;
	[tilespmem:v24+s10+$0x0] =	vst.idx.msk $0xffff, v20;
	v17 =	vadd.f32 v28, v17  }
0x110: {  	s8 =	sor.u32 s4, s26;
	v18 =	vadd.f32 v30, v18;
	[tilespmem:v23+s10+$0x0] =	vst.idx.msk $0xffff, v19  }
0x111: {  	s8 =	sshrl.u32 s8, $0x3;
	[tilespmem:v21+s10+$0x0] =	vst.idx.msk $0xffff, v17  }
0x112: {  	s8 =	sadd.s32 s2, s8;
	[tilespmem:v22+s10+$0x0] =	vst.idx.msk $0xffff, v18  }
0x113: {  	[hbm4b:s8+s3] =	stream.linear.scatter [tilespmem:s10], [sflag:$0xA], $0x80, $0x38;
	[tilespmem:$0x14100] =	vst v63  }
0x114: {  	s28 =	simm.s32 $0x10E88;
	s11 =	sadd.s32 $0x10, s8  }
0x115: {  	[hbm4b:s11+s3] =	stream.linear.scatter [tilespmem:s28], [sflag:$0xA], $0x80, $0x38;
	[tilespmem:$0x14100] =	vst v63  }
0x116: {  	s23 =	simm.s32 $0x10F10;
	s21 =	sadd.s32 $0x20, s8  }
0x117: {  	[hbm4b:s21+s3] =	stream.linear.scatter [tilespmem:s23], [sflag:$0xA], $0x80, $0x38;
	[tilespmem:$0x14100] =	vst v63  }
0x118: {  	s26 =	sadd.s32 $0x30, s8;
	s28 =	simm.s32 $0x10F98  }
0x119: {  	[hbm4b:s26+s3] =	stream.linear.scatter [tilespmem:s28], [sflag:$0xA], $0x80, $0x38;
	[tilespmem:$0x14100] =	vst v63  }
0x11a: {  	s21 =	sadd.s32 $0x40, s8;
	s23 =	simm.s32 $0x11020  }
0x11b: {  	[hbm4b:s21+s3] =	stream.linear.scatter [tilespmem:s23], [sflag:$0xA], $0x80, $0x38;
	[tilespmem:$0x14100] =	vst v63  }
0x11c: {  	s26 =	sadd.s32 $0x50, s8;
	s28 =	simm.s32 $0x110A8  }
0x11d: {  	[hbm4b:s26+s3] =	stream.linear.scatter [tilespmem:s28], [sflag:$0xA], $0x80, $0x38;
	[tilespmem:$0x14100] =	vst v63  }
0x11e: {  	s21 =	sadd.s32 $0x60, s8;
	s23 =	simm.s32 $0x11130  }
0x11f: {  	[hbm4b:s21+s3] =	stream.linear.scatter [tilespmem:s23], [sflag:$0xA], $0x80, $0x38;
	[tilespmem:$0x14100] =	vst v63  }
0x120: {  	s26 =	sadd.s32 $0x70, s8;
	s28 =	simm.s32 $0x111B8  }
0x121: {  	[hbm4b:s26+s3] =	stream.linear.scatter [tilespmem:s28], [sflag:$0xA], $0x80, $0x38;
	[tilespmem:$0x14100] =	vst v63  }
0x122: {  	s21 =	sadd.s32 $0x1000, s8;
	s23 =	simm.s32 $0x11240  }
0x123: {  	[hbm4b:s21+s3] =	stream.linear.scatter [tilespmem:s23], [sflag:$0xA], $0x80, $0x38;
	[tilespmem:$0x14100] =	vst v63  }
0x124: {  	s26 =	sadd.s32 $0x1010, s8;
	s28 =	simm.s32 $0x112C8  }
0x125: {  	[hbm4b:s26+s3] =	stream.linear.scatter [tilespmem:s28], [sflag:$0xA], $0x80, $0x38;
	[tilespmem:$0x14100] =	vst v63  }
0x126: {  	s21 =	sadd.s32 $0x1020, s8;
	s23 =	simm.s32 $0x11350  }
0x127: {  	[hbm4b:s21+s3] =	stream.linear.scatter [tilespmem:s23], [sflag:$0xA], $0x80, $0x38;
	[tilespmem:$0x14100] =	vst v63  }
0x128: {  	s26 =	sadd.s32 $0x1030, s8;
	s28 =	simm.s32 $0x113D8  }
0x129: {  	[hbm4b:s26+s3] =	stream.linear.scatter [tilespmem:s28], [sflag:$0xA], $0x80, $0x38;
	[tilespmem:$0x14100] =	vst v63  }
0x12a: {  	s21 =	sadd.s32 $0x1040, s8;
	s23 =	simm.s32 $0x11460  }
0x12b: {  	[hbm4b:s21+s3] =	stream.linear.scatter [tilespmem:s23], [sflag:$0xA], $0x80, $0x38;
	[tilespmem:$0x14100] =	vst v63  }
0x12c: {  	s26 =	sadd.s32 $0x1050, s8;
	s28 =	simm.s32 $0x114E8  }
0x12d: {  	[hbm4b:s26+s3] =	stream.linear.scatter [tilespmem:s28], [sflag:$0xA], $0x80, $0x38;
	[tilespmem:$0x14100] =	vst v63  }
0x12e: {  	s21 =	sadd.s32 $0x1060, s8;
	s23 =	simm.s32 $0x11570  }
0x12f: {  	[hbm4b:s21+s3] =	stream.linear.scatter [tilespmem:s23], [sflag:$0xA], $0x80, $0x38;
	[tilespmem:$0x14100] =	vst v63  }
0x130: {  	s26 =	sadd.s32 $0x1070, s8;
	s28 =	simm.s32 $0x115F8  }
0x131: {  	[hbm4b:s26+s3] =	stream.linear.scatter [tilespmem:s28], [sflag:$0xA], $0x80, $0x38;
	[tilespmem:$0x14100] =	vst v63  }
0x132: {  	s21 =	sadd.s32 $0x2000, s8;
	s23 =	simm.s32 $0x11680  }
0x133: {  	[hbm4b:s21+s3] =	stream.linear.scatter [tilespmem:s23], [sflag:$0xA], $0x80, $0x38;
	[tilespmem:$0x14100] =	vst v63  }
0x134: {  	s26 =	sadd.s32 $0x2010, s8;
	s28 =	simm.s32 $0x11708  }
0x135: {  	[hbm4b:s26+s3] =	stream.linear.scatter [tilespmem:s28], [sflag:$0xA], $0x80, $0x38;
	[tilespmem:$0x14100] =	vst v63  }
0x136: {  	s21 =	sadd.s32 $0x2020, s8;
	s23 =	simm.s32 $0x11790  }
0x137: {  	[hbm4b:s21+s3] =	stream.linear.scatter [tilespmem:s23], [sflag:$0xA], $0x80, $0x38;
	[tilespmem:$0x14100] =	vst v63  }
0x138: {  	s26 =	sadd.s32 $0x2030, s8;
	s28 =	simm.s32 $0x11818  }
0x139: {  	[hbm4b:s26+s3] =	stream.linear.scatter [tilespmem:s28], [sflag:$0xA], $0x80, $0x38;
	[tilespmem:$0x14100] =	vst v63  }
0x13a: {  	s21 =	sadd.s32 $0x2040, s8;
	s23 =	simm.s32 $0x118A0  }
0x13b: {  	[hbm4b:s21+s3] =	stream.linear.scatter [tilespmem:s23], [sflag:$0xA], $0x80, $0x38;
	[tilespmem:$0x14100] =	vst v63  }
0x13c: {  	s26 =	sadd.s32 $0x2050, s8;
	s28 =	simm.s32 $0x11928  }
0x13d: {  	[hbm4b:s26+s3] =	stream.linear.scatter [tilespmem:s28], [sflag:$0xA], $0x80, $0x38;
	[tilespmem:$0x14100] =	vst v63  }
0x13e: {  	s21 =	sadd.s32 $0x2060, s8;
	s23 =	simm.s32 $0x119B0  }
0x13f: {  	[hbm4b:s21+s3] =	stream.linear.scatter [tilespmem:s23], [sflag:$0xA], $0x80, $0x38;
	[tilespmem:$0x14100] =	vst v63  }
0x140: {  	s26 =	sadd.s32 $0x2070, s8;
	s28 =	simm.s32 $0x11A38  }
0x141: {  	[hbm4b:s26+s3] =	stream.linear.scatter [tilespmem:s28], [sflag:$0xA], $0x80, $0x38;
	[tilespmem:$0x14100] =	vst v63  }
0x142: {  	s21 =	sadd.s32 $0x3000, s8;
	s23 =	simm.s32 $0x11AC0  }
0x143: {  	[hbm4b:s21+s3] =	stream.linear.scatter [tilespmem:s23], [sflag:$0xA], $0x80, $0x38;
	[tilespmem:$0x14100] =	vst v63  }
0x144: {  	s26 =	sadd.s32 $0x3010, s8;
	s28 =	simm.s32 $0x11B48  }
0x145: {  	[hbm4b:s26+s3] =	stream.linear.scatter [tilespmem:s28], [sflag:$0xA], $0x80, $0x38;
	[tilespmem:$0x14100] =	vst v63  }
0x146: {  	s21 =	sadd.s32 $0x3020, s8;
	s23 =	simm.s32 $0x11BD0  }
0x147: {  	[hbm4b:s21+s3] =	stream.linear.scatter [tilespmem:s23], [sflag:$0xA], $0x80, $0x38;
	[tilespmem:$0x14100] =	vst v63  }
0x148: {  	s26 =	sadd.s32 $0x3030, s8;
	s28 =	simm.s32 $0x11C58  }
0x149: {  	[hbm4b:s26+s3] =	stream.linear.scatter [tilespmem:s28], [sflag:$0xA], $0x80, $0x38;
	[tilespmem:$0x14100] =	vst v63  }
0x14a: {  	s21 =	sadd.s32 $0x3040, s8;
	s23 =	simm.s32 $0x11CE0  }
0x14b: {  	[hbm4b:s21+s3] =	stream.linear.scatter [tilespmem:s23], [sflag:$0xA], $0x80, $0x38;
	[tilespmem:$0x14100] =	vst v63  }
0x14c: {  	s26 =	sadd.s32 $0x3050, s8;
	s28 =	simm.s32 $0x11D68  }
0x14d: {  	[hbm4b:s26+s3] =	stream.linear.scatter [tilespmem:s28], [sflag:$0xA], $0x80, $0x38;
	[tilespmem:$0x14100] =	vst v63  }
0x14e: {  	s23 =	sadd.s32 $0x3060, s8;
	s26 =	simm.s32 $0x11DF0  }
0x14f: {  	[hbm4b:s23+s3] =	stream.linear.scatter [tilespmem:s26], [sflag:$0xA], $0x80, $0x38;
	[tilespmem:$0x14100] =	vst v63  }
0x150: {  	s8 =	sadd.s32 $0x3070, s8;
	s28 =	simm.s32 $0x11E78  }
0x151: {  	[hbm4b:s8+s3] =	stream.linear.scatter [tilespmem:s28], [sflag:$0xA], $0x80, $0x38;
	[tilespmem:$0x14100] =	vst v63  }
0x152: {  	s21 =	sadd.s32 $0x380, s19;
	s23 =	simm.s32 $0xED00  }
0x153: {  	[tilespmem:s23], [sflag:$0x8] =	stream.indirect.gather [hbm4b:s5+s13], $0x20, s21, s13, $0xb8;
	[tilespmem:$0x14100] =	vst v63  }
0x154: {  	s8 =	sor.u32 $0x2, s7;
	_ =	swait.ge [sflag:s22], $0x1000  }
0x155: {  	s26 =	sshll.u32 s8, $0x5;
	[sflag:s22] =	ssyncset.done $0x0  }
0x156: {  	s28 =	simm.s32 $0x0;
	s11 =	sand.u32 $0x3FFFFFE0, s26;
	[sflag:s22] =	ssyncadd.s32 $0xFFFFF000  }
0x157: {  	v19 =	vmov s28;
	s28 =	simm.s32 $0x3;
	s23 =	simm.s32 $0x1;
	v17 =	vld [tilespmem:s11+$0x6400]  }
0x158: {  	s26 =	simm.s32 $0x4;
	v22 =	vmov s28;
	v19 =	vshrl.u32 v19, $0x3;
	s28 =	simm.s32 $0x6;
	v20 =	vmov s23;
	v18 =	vld [tilespmem:s11+$0x6410];
	s11 =	simm.s32 @!p1 $0xB  }
0x159: {  	s23 =	simm.s32 $0x2;
	v23 =	vmov s26;
	s26 =	simm.s32 $0x7;
	v26 =	vmov s28;
	v19 =	vshll.u32 v19, v1;
	_ =	swait.ge @!p1 [sflag:s11], $0x1000  }
0x15a: {  	v22 =	vshrl.u32 v22, $0x3;
	v21 =	vmov s23;
	v25 =	vmov s26;
	[sflag:s11] =	ssyncset.done @!p1 $0x0  }
0x15b: {  	v20 =	vshrl.u32 v20, $0x3;
	v23 =	vshrl.u32 v23, $0x3;
	v25 =	vshrl.u32 v25, $0x3;
	[sflag:s11] =	ssyncadd.s32 @!p1 $0xFFFFF000;
	s11 =	simm.s32 $0x9DF0  }
0x15c: {  	s23 =	simm.s32 $0x5;
	v19 =	vbroadcast v19, $0x0;
	v26 =	vshrl.u32 v26, $0x3;
	v25 =	vshll.u32 v25, v1;
	v27 =	vld [tilespmem:s11+$0xFFFFFFF0]  }
0x15d: {  	v22 =	vshll.u32 v22, v1;
	v24 =	vmov s23;
	v25 =	vbroadcast v25, $0x0;
	v28 =	vld [tilespmem:s11+$0x0]  }
0x15e: {  	v21 =	vshrl.u32 v21, $0x3;
	v20 =	vshll.u32 v20, v1;
	v23 =	vshll.u32 v23, v1;
	v29 =	vld [tilespmem:s11+$0xFFFFFF10]  }
0x15f: {  	v26 =	vshll.u32 v26, v1;
	v22 =	vbroadcast v22, $0x0;
	v30 =	vadd.s32 v15, v25;
	v31 =	vld [tilespmem:s11+$0xFFFFFF20]  }
0x160: {  	v24 =	vshrl.u32 v24, $0x3;
	v21 =	vshll.u32 v21, v1;
	v51 =	vadd.s32 v0, v19;
	v52 =	vld [tilespmem:s11+$0xFFFFFF30]  }
0x161: {  	v20 =	vbroadcast v20, $0x0;
	v19 =	vadd.s32 v2, v19;
	v25 =	vadd.s32 v16, v25;
	v53 =	vld [tilespmem:s11+$0xFFFFFF40]  }
0x162: {  	v24 =	vshll.u32 v24, v1;
	v21 =	vbroadcast v21, $0x0;
	v55 =	vld [tilespmem:s11+$0xFFFFFF50];
	v27 =	vadd.f32 v27, v17  }
0x163: {  	v58 =	vadd.s32 v8, v22;
	v54 =	vadd.s32 v3, v20;
	v56 =	vld [tilespmem:s11+$0xFFFFFF60];
	v29 =	vadd.f32 v29, v17  }
0x164: {  	v20 =	vadd.s32 v4, v20;
	v61 =	vld [tilespmem:s11+$0xFFFFFFB0];
	v28 =	vadd.f32 v28, v18;
	[tilespmem:v30+s6+$0x0] =	vst.idx.msk $0xffff, v27  }
0x165: {  	v27 =	vadd.f32 v31, v18;
	v30 =	vadd.s32 v5, v21;
	v31 =	vld [tilespmem:s11+$0xFFFFFF70];
	[tilespmem:v51+s6+$0x0] =	vst.idx.msk $0xffff, v29  }
0x166: {  	v24 =	vbroadcast v24, $0x0;
	v21 =	vadd.s32 v6, v21;
	v29 =	vld [tilespmem:s11+$0xFFFFFF90];
	[tilespmem:v25+s6+$0x0] =	vst.idx.msk $0xffff, v28;
	v25 =	vadd.f32 v52, v17  }
0x167: {  	v23 =	vbroadcast v23, $0x0;
	v28 =	vld [tilespmem:s11+$0xFFFFFF80];
	[tilespmem:v19+s6+$0x0] =	vst.idx.msk $0xffff, v27;
	v19 =	vadd.f32 v53, v18;
	v27 =	vadd.s32 v7, v22  }
0x168: {  	v62 =	vadd.s32 v11, v24;
	[tilespmem:v54+s6+$0x0] =	vst.idx.msk $0xffff, v25;
	v25 =	vadd.f32 v55, v17  }
0x169: {  	s23 =	simm.s32 $0x8;
	v60 =	vadd.s32 v9, v23;
	v59 =	vld [tilespmem:s11+$0xFFFFFFA0];
	[tilespmem:v20+s6+$0x0] =	vst.idx.msk $0xffff, v19;
	v20 =	vadd.f32 v56, v18  }
0x16a: {  	v57 =	vmov s23;
	v63 =	vadd.f32 v61, v17;
	[tilespmem:v30+s6+$0x0] =	vst.idx.msk $0xffff, v25;
	v25 =	vadd.f32 v31, v17;
	v31 =	vld [tilespmem:s11+$0xFFFFFFC0]  }
0x16b: {  	s26 =	simm.s32 $0x9;
	v26 =	vbroadcast v26, $0x0;
	v38 =	vld [tilespmem:s11+$0xFFFFFFD0];
	v30 =	vadd.s32 v10, v23;
	v23 =	vadd.s32 v12, v24;
	[tilespmem:v21+s6+$0x0] =	vst.idx.msk $0xffff, v20  }
0x16c: {  	s28 =	simm.s32 $0xA;
	v22 =	vmov s26;
	v20 =	vadd.f32 v28, v18;
	[tilespmem:v27+s6+$0x0] =	vst.idx.msk $0xffff, v25;
	v27 =	vadd.f32 v29, v17;
	v29 =	vld [tilespmem:s11+$0xFFFFFFE0]  }
0x16d: {  	s23 =	simm.s32 $0xB;
	v19 =	vshrl.u32 v57, $0x3;
	v24 =	vmov s28;
	[tilespmem:v62+s6+$0x0] =	vst.idx.msk $0xffff, v63;
	v21 =	vadd.s32 v13, v26  }
0x16e: {  	s26 =	simm.s32 $0xC;
	s28 =	simm.s32 $0xD;
	v28 =	vadd.f32 v59, v18;
	v25 =	vmov s23;
	[tilespmem:v58+s6+$0x0] =	vst.idx.msk $0xffff, v20;
	v20 =	vadd.s32 v14, v26  }
0x16f: {  	v26 =	vmov s28;
	s28 =	simm.s32 $0xF;
	[tilespmem:v60+s6+$0x0] =	vst.idx.msk $0xffff, v27;
	v27 =	vmov s26;
	s26 =	simm.s32 $0xE;
	v31 =	vadd.f32 v31, v18  }
0x170: {  	s21 =	sor.u32 $0x7, s7;
	s23 =	simm.s32 $0x10;
	v32 =	vmov s28;
	[tilespmem:v30+s6+$0x0] =	vst.idx.msk $0xffff, v28;
	v28 =	vmov s26;
	v30 =	vadd.f32 v38, v17  }
.LBB2_7:
0x171: {  	p0 =	slt.u32 s23, $0x78;
	v19 =	vshll.u32 v19, v1;
	v32 =	vshrl.u32 v32, $0x3;
	[tilespmem:v23+s6+$0x0] =	vst.idx.msk $0xffff, v31;
	v23 =	vadd.f32 v29, v18  }
0x172: {  	v22 =	vshrl.u32 v22, $0x3;
	v24 =	vshrl.u32 v24, $0x3;
	s11 =	sadd.s32 $0x100, s11;
	v29 =	vshll.u32 v32, v1;
	[tilespmem:v21+s6+$0x0] =	vst.idx.msk $0xffff, v30  }
0x173: {  	v21 =	vshrl.u32 v25, $0x3;
	v25 =	vshrl.u32 v27, $0x3;
	v27 =	vld [tilespmem:s11+$0xFFFFFFF0];
	v29 =	vbroadcast v29, $0x0;
	[tilespmem:v20+s6+$0x0] =	vst.idx.msk $0xffff, v23  }
0x174: {  	v19 =	vbroadcast v19, $0x0;
	v20 =	vshrl.u32 v26, $0x3;
	v23 =	vshrl.u32 v28, $0x3;
	v26 =	vld [tilespmem:s11+$0x0]  }
0x175: {  	v22 =	vshll.u32 v22, v1;
	v24 =	vshll.u32 v24, v1;
	v28 =	vld [tilespmem:s11+$0xFFFFFF10];
	v30 =	vadd.s32 v15, v29  }
0x176: {  	v21 =	vshll.u32 v21, v1;
	v25 =	vshll.u32 v25, v1;
	v29 =	vadd.s32 v16, v29;
	v31 =	vld [tilespmem:s11+$0xFFFFFF20]  }
0x177: {  	v22 =	vbroadcast v22, $0x0;
	v32 =	vadd.s32 v0, v19;
	v20 =	vshll.u32 v20, v1;
	v33 =	vld [tilespmem:s11+$0xFFFFFF30]  }
0x178: {  	v19 =	vadd.s32 v2, v19;
	v23 =	vshll.u32 v23, v1;
	v34 =	vld [tilespmem:s11+$0xFFFFFF40];
	v27 =	vadd.f32 v27, v17  }
0x179: {  	v24 =	vbroadcast v24, $0x0;
	v35 =	vadd.s32 v3, v22;
	v36 =	vld [tilespmem:s11+$0xFFFFFF50];
	v26 =	vadd.f32 v26, v18  }
0x17a: {  	v22 =	vadd.s32 v4, v22;
	v28 =	vadd.f32 v28, v17;
	v37 =	vld [tilespmem:s11+$0xFFFFFF60];
	[tilespmem:v30+s6+$0x0] =	vst.idx.msk $0xffff, v27  }
0x17b: {  	v21 =	vbroadcast v21, $0x0;
	v30 =	vadd.s32 v5, v24;
	v27 =	vadd.f32 v31, v18;
	v31 =	vld [tilespmem:s11+$0xFFFFFF70];
	[tilespmem:v29+s6+$0x0] =	vst.idx.msk $0xffff, v26  }
0x17c: {  	v24 =	vadd.s32 v6, v24;
	[tilespmem:v32+s6+$0x0] =	vst.idx.msk $0xffff, v28;
	v26 =	vadd.f32 v33, v17;
	v28 =	vld [tilespmem:s11+$0xFFFFFF80]  }
0x17d: {  	v25 =	vbroadcast v25, $0x0;
	[tilespmem:v19+s6+$0x0] =	vst.idx.msk $0xffff, v27;
	v19 =	vadd.f32 v34, v18;
	v27 =	vadd.s32 v7, v21;
	v29 =	vld [tilespmem:s11+$0xFFFFFF90]  }
0x17e: {  	v32 =	vmov s23;
	v21 =	vadd.s32 v8, v21;
	[tilespmem:v35+s6+$0x0] =	vst.idx.msk $0xffff, v26;
	v26 =	vadd.f32 v36, v17;
	v33 =	vld [tilespmem:s11+$0xFFFFFFA0]  }
0x17f: {  	v20 =	vbroadcast v20, $0x0;
	v34 =	vadd.s32 v9, v25;
	[tilespmem:v22+s6+$0x0] =	vst.idx.msk $0xffff, v19;
	v22 =	vadd.f32 v37, v18;
	v35 =	vld [tilespmem:s11+$0xFFFFFFB0]  }
0x180: {  	v19 =	vshrl.u32 v32, $0x3;
	[tilespmem:v30+s6+$0x0] =	vst.idx.msk $0xffff, v26;
	v26 =	vadd.f32 v31, v17;
	v30 =	vadd.s32 v10, v25;
	v31 =	vld [tilespmem:s11+$0xFFFFFFC0]  }
0x181: {  	s26 =	sadd.s32 $0x1, s23;
	v36 =	vadd.s32 v11, v20;
	[tilespmem:v24+s6+$0x0] =	vst.idx.msk $0xffff, v22;
	v25 =	vadd.f32 v28, v18;
	v37 =	vld [tilespmem:s11+$0xFFFFFFD0];
	v28 =	vbroadcast v23, $0x0  }
.Ltmp4:
0x182: {  	v22 =	vmov s26;
	s26 =	sadd.s32 $0x2, s23;
	v23 =	vadd.s32 v12, v20;
	[tilespmem:v27+s6+$0x0] =	vst.idx.msk $0xffff, v26;
	v26 =	vadd.f32 v29, v17;
	v29 =	vld [tilespmem:s11+$0xFFFFFFE0];
	(pc) =	sbr.rel @p0 .LBB2_7-.Ltmp4, $4  }
0x183: {  	v24 =	vmov s26;
	s26 =	sadd.s32 $0x3, s23;
	[tilespmem:v21+s6+$0x0] =	vst.idx.msk $0xffff, v25;
	v32 =	vadd.f32 v33, v18;
	v21 =	vadd.s32 v13, v28  }
0x184: {  	s28 =	sadd.s32 $0x5, s23;
	v25 =	vmov s26;
	s26 =	sadd.s32 $0x4, s23;
	v20 =	vadd.s32 v14, v28;
	[tilespmem:v34+s6+$0x0] =	vst.idx.msk $0xffff, v26;
	v33 =	vadd.f32 v35, v17  }
0x185: {  	v27 =	vmov s26;
	v26 =	vmov s28;
	s26 =	sadd.s32 $0x6, s23;
	s28 =	sadd.s32 $0x7, s23;
	[tilespmem:v30+s6+$0x0] =	vst.idx.msk $0xffff, v32;
	v31 =	vadd.f32 v31, v18  }
0x186: {  	s23 =	sadd.s32 $0x8, s23;
	v28 =	vmov s26;
	v32 =	vmov s28;
	[tilespmem:v36+s6+$0x0] =	vst.idx.msk $0xffff, v33;
	v30 =	vadd.f32 v37, v17  }
0x187: {  	_ =	sdelay $0x1  }
0x188: {  	v19 =	vshll.u32 v19, v1;
	v32 =	vshrl.u32 v32, $0x3;
	v29 =	vadd.f32 v29, v18  }
0x189: {  	v22 =	vshrl.u32 v22, $0x3;
	v24 =	vshrl.u32 v24, $0x3;
	s11 =	sadd.s32 $0x100, s11;
	v25 =	vshrl.u32 v25, $0x3  }
0x18a: {  	v27 =	vshrl.u32 v27, $0x3;
	[tilespmem:v23+s6+$0x0] =	vst.idx.msk $0xffff, v31;
	v32 =	vshll.u32 v32, v1;
	v19 =	vbroadcast v19, $0x0;
	v31 =	vld [tilespmem:s11+$0xFFFFFF10]  }
0x18b: {  	v23 =	vshrl.u32 v26, $0x3;
	v33 =	vld [tilespmem:s11+$0xFFFFFFF0];
	v22 =	vshll.u32 v22, v1;
	v32 =	vbroadcast v32, $0x0  }
0x18c: {  	v26 =	vshrl.u32 v28, $0x3;
	v28 =	vld [tilespmem:s11+$0x0];
	v24 =	vshll.u32 v24, v1;
	[tilespmem:v21+s6+$0x0] =	vst.idx.msk $0xffff, v30;
	v21 =	vadd.s32 v0, v19  }
0x18d: {  	v35 =	vld [tilespmem:s11+$0xFFFFFF20];
	v25 =	vshll.u32 v25, v1;
	v27 =	vshll.u32 v27, v1;
	v34 =	vadd.s32 v15, v32  }
0x18e: {  	v30 =	vld [tilespmem:s11+$0xFFFFFF30];
	v23 =	vshll.u32 v23, v1;
	v22 =	vbroadcast v22, $0x0;
	v32 =	vadd.s32 v16, v32  }
0x18f: {  	v36 =	vld [tilespmem:s11+$0xFFFFFF40];
	v26 =	vshll.u32 v26, v1;
	v19 =	vadd.s32 v2, v19;
	v31 =	vadd.f32 v31, v17  }
0x190: {  	[tilespmem:v20+s6+$0x0] =	vst.idx.msk $0xffff, v29;
	v29 =	vld [tilespmem:s11+$0xFFFFFF50];
	v24 =	vbroadcast v24, $0x0;
	v20 =	vadd.s32 v3, v22;
	v33 =	vadd.f32 v33, v17  }
0x191: {  	v37 =	vld [tilespmem:s11+$0xFFFFFF60];
	v22 =	vadd.s32 v4, v22;
	v28 =	vadd.f32 v28, v18;
	[tilespmem:v21+s6+$0x0] =	vst.idx.msk $0xffff, v31  }
0x192: {  	v48 =	vld [tilespmem:s11+$0xFFFFFF70];
	v25 =	vbroadcast v25, $0x0;
	v47 =	vadd.s32 v5, v24;
	v46 =	vadd.f32 v35, v18;
	[tilespmem:v34+s6+$0x0] =	vst.idx.msk $0xffff, v33  }
0x193: {  	v24 =	vadd.s32 v6, v24;
	v21 =	vadd.f32 v30, v17;
	[tilespmem:v32+s6+$0x0] =	vst.idx.msk $0xffff, v28;
	v28 =	vld [tilespmem:s11+$0xFFFFFF80]  }
0x194: {  	v27 =	vbroadcast v27, $0x0;
	v30 =	vadd.s32 v7, v25;
	v31 =	vld [tilespmem:s11+$0xFFFFFF90];
	[tilespmem:v19+s6+$0x0] =	vst.idx.msk $0xffff, v46;
	v19 =	vadd.f32 v36, v18  }
0x195: {  	[tilespmem:v20+s6+$0x0] =	vst.idx.msk $0xffff, v21;
	v20 =	vadd.f32 v29, v17;
	v21 =	vadd.s32 v8, v25;
	v25 =	vld [tilespmem:s11+$0xFFFFFFA0]  }
0x196: {  	v23 =	vbroadcast v23, $0x0;
	v29 =	vld [tilespmem:s11+$0xFFFFFFB0];
	[tilespmem:v22+s6+$0x0] =	vst.idx.msk $0xffff, v19;
	v19 =	vadd.f32 v37, v18;
	v22 =	vadd.s32 v9, v27  }
0x197: {  	v49 =	vld [tilespmem:s11+$0xFFFFFFC0];
	v27 =	vadd.s32 v10, v27;
	[tilespmem:v47+s6+$0x0] =	vst.idx.msk $0xffff, v20;
	v20 =	vadd.f32 v48, v17  }
0x198: {  	v26 =	vbroadcast v26, $0x0;
	[tilespmem:v24+s6+$0x0] =	vst.idx.msk $0xffff, v19;
	v24 =	vadd.s32 v11, v23;
	v19 =	vadd.f32 v28, v18;
	v28 =	vld [tilespmem:s11+$0xFFFFFFD0]  }
0x199: {  	v23 =	vadd.s32 v12, v23;
	[tilespmem:v30+s6+$0x0] =	vst.idx.msk $0xffff, v20;
	v20 =	vadd.f32 v31, v17;
	v30 =	vld [tilespmem:s11+$0xFFFFFFE0]  }
0x19a: {  	[tilespmem:v21+s6+$0x0] =	vst.idx.msk $0xffff, v19;
	v19 =	vadd.f32 v25, v18;
	v21 =	vadd.s32 v13, v26  }
0x19b: {  	[tilespmem:v22+s6+$0x0] =	vst.idx.msk $0xffff, v20;
	v20 =	vadd.f32 v29, v17;
	v22 =	vadd.s32 v14, v26  }
0x19c: {  	[tilespmem:v27+s6+$0x0] =	vst.idx.msk $0xffff, v19;
	v19 =	vadd.f32 v49, v18  }
0x19d: {  	s8 =	sshll.u32 s8, $0x11;
	[tilespmem:v24+s6+$0x0] =	vst.idx.msk $0xffff, v20;
	v17 =	vadd.f32 v28, v17  }
0x19e: {  	s8 =	sor.u32 s4, s8;
	v18 =	vadd.f32 v30, v18;
	[tilespmem:v23+s6+$0x0] =	vst.idx.msk $0xffff, v19  }
0x19f: {  	s8 =	sshrl.u32 s8, $0x3;
	[tilespmem:v21+s6+$0x0] =	vst.idx.msk $0xffff, v17  }
0x1a0: {  	s8 =	sadd.s32 s2, s8;
	[tilespmem:v22+s6+$0x0] =	vst.idx.msk $0xffff, v18  }
0x1a1: {  	[hbm4b:s8+s3] =	stream.linear.scatter [tilespmem:s6], [sflag:$0xB], $0x80, $0x38;
	[tilespmem:$0x14100] =	vst v63  }
0x1a2: {  	s23 =	simm.s32 $0x11F88;
	s28 =	sadd.s32 $0x10, s8  }
0x1a3: {  	[hbm4b:s28+s3] =	stream.linear.scatter [tilespmem:s23], [sflag:$0xB], $0x80, $0x38;
	[tilespmem:$0x14100] =	vst v63  }
0x1a4: {  	s26 =	sadd.s32 $0x20, s8;
	s28 =	simm.s32 $0x12010  }
0x1a5: {  	[hbm4b:s26+s3] =	stream.linear.scatter [tilespmem:s28], [sflag:$0xB], $0x80, $0x38;
	[tilespmem:$0x14100] =	vst v63  }
0x1a6: {  	s26 =	sadd.s32 $0x30, s8;
	s28 =	simm.s32 $0x12098  }
0x1a7: {  	[hbm4b:s26+s3] =	stream.linear.scatter [tilespmem:s28], [sflag:$0xB], $0x80, $0x38;
	[tilespmem:$0x14100] =	vst v63  }
0x1a8: {  	s26 =	sadd.s32 $0x40, s8;
	s28 =	simm.s32 $0x12120  }
0x1a9: {  	[hbm4b:s26+s3] =	stream.linear.scatter [tilespmem:s28], [sflag:$0xB], $0x80, $0x38;
	[tilespmem:$0x14100] =	vst v63  }
0x1aa: {  	s26 =	sadd.s32 $0x50, s8;
	s28 =	simm.s32 $0x121A8  }
0x1ab: {  	[hbm4b:s26+s3] =	stream.linear.scatter [tilespmem:s28], [sflag:$0xB], $0x80, $0x38;
	[tilespmem:$0x14100] =	vst v63  }
0x1ac: {  	s26 =	sadd.s32 $0x60, s8;
	s28 =	simm.s32 $0x12230  }
0x1ad: {  	[hbm4b:s26+s3] =	stream.linear.scatter [tilespmem:s28], [sflag:$0xB], $0x80, $0x38;
	[tilespmem:$0x14100] =	vst v63  }
0x1ae: {  	s26 =	sadd.s32 $0x70, s8;
	s28 =	simm.s32 $0x122B8  }
0x1af: {  	[hbm4b:s26+s3] =	stream.linear.scatter [tilespmem:s28], [sflag:$0xB], $0x80, $0x38;
	[tilespmem:$0x14100] =	vst v63  }
0x1b0: {  	s26 =	sadd.s32 $0x1000, s8;
	s28 =	simm.s32 $0x12340  }
0x1b1: {  	[hbm4b:s26+s3] =	stream.linear.scatter [tilespmem:s28], [sflag:$0xB], $0x80, $0x38;
	[tilespmem:$0x14100] =	vst v63  }
0x1b2: {  	s26 =	sadd.s32 $0x1010, s8;
	s28 =	simm.s32 $0x123C8  }
0x1b3: {  	[hbm4b:s26+s3] =	stream.linear.scatter [tilespmem:s28], [sflag:$0xB], $0x80, $0x38;
	[tilespmem:$0x14100] =	vst v63  }
0x1b4: {  	s26 =	sadd.s32 $0x1020, s8;
	s28 =	simm.s32 $0x12450  }
0x1b5: {  	[hbm4b:s26+s3] =	stream.linear.scatter [tilespmem:s28], [sflag:$0xB], $0x80, $0x38;
	[tilespmem:$0x14100] =	vst v63  }
0x1b6: {  	s26 =	sadd.s32 $0x1030, s8;
	s28 =	simm.s32 $0x124D8  }
0x1b7: {  	[hbm4b:s26+s3] =	stream.linear.scatter [tilespmem:s28], [sflag:$0xB], $0x80, $0x38;
	[tilespmem:$0x14100] =	vst v63  }
0x1b8: {  	s26 =	sadd.s32 $0x1040, s8;
	s28 =	simm.s32 $0x12560  }
0x1b9: {  	[hbm4b:s26+s3] =	stream.linear.scatter [tilespmem:s28], [sflag:$0xB], $0x80, $0x38;
	[tilespmem:$0x14100] =	vst v63  }
0x1ba: {  	s26 =	sadd.s32 $0x1050, s8;
	s28 =	simm.s32 $0x125E8  }
0x1bb: {  	[hbm4b:s26+s3] =	stream.linear.scatter [tilespmem:s28], [sflag:$0xB], $0x80, $0x38;
	[tilespmem:$0x14100] =	vst v63  }
0x1bc: {  	s26 =	sadd.s32 $0x1060, s8;
	s28 =	simm.s32 $0x12670  }
0x1bd: {  	[hbm4b:s26+s3] =	stream.linear.scatter [tilespmem:s28], [sflag:$0xB], $0x80, $0x38;
	[tilespmem:$0x14100] =	vst v63  }
0x1be: {  	s26 =	sadd.s32 $0x1070, s8;
	s28 =	simm.s32 $0x126F8  }
0x1bf: {  	[hbm4b:s26+s3] =	stream.linear.scatter [tilespmem:s28], [sflag:$0xB], $0x80, $0x38;
	[tilespmem:$0x14100] =	vst v63  }
0x1c0: {  	s26 =	sadd.s32 $0x2000, s8;
	s28 =	simm.s32 $0x12780  }
0x1c1: {  	[hbm4b:s26+s3] =	stream.linear.scatter [tilespmem:s28], [sflag:$0xB], $0x80, $0x38;
	[tilespmem:$0x14100] =	vst v63  }
0x1c2: {  	s26 =	sadd.s32 $0x2010, s8;
	s28 =	simm.s32 $0x12808  }
0x1c3: {  	[hbm4b:s26+s3] =	stream.linear.scatter [tilespmem:s28], [sflag:$0xB], $0x80, $0x38;
	[tilespmem:$0x14100] =	vst v63  }
0x1c4: {  	s26 =	sadd.s32 $0x2020, s8;
	s28 =	simm.s32 $0x12890  }
0x1c5: {  	[hbm4b:s26+s3] =	stream.linear.scatter [tilespmem:s28], [sflag:$0xB], $0x80, $0x38;
	[tilespmem:$0x14100] =	vst v63  }
0x1c6: {  	s26 =	sadd.s32 $0x2030, s8;
	s28 =	simm.s32 $0x12918  }
0x1c7: {  	[hbm4b:s26+s3] =	stream.linear.scatter [tilespmem:s28], [sflag:$0xB], $0x80, $0x38;
	[tilespmem:$0x14100] =	vst v63  }
0x1c8: {  	s26 =	sadd.s32 $0x2040, s8;
	s28 =	simm.s32 $0x129A0  }
0x1c9: {  	[hbm4b:s26+s3] =	stream.linear.scatter [tilespmem:s28], [sflag:$0xB], $0x80, $0x38;
	[tilespmem:$0x14100] =	vst v63  }
0x1ca: {  	s26 =	sadd.s32 $0x2050, s8;
	s28 =	simm.s32 $0x12A28  }
0x1cb: {  	[hbm4b:s26+s3] =	stream.linear.scatter [tilespmem:s28], [sflag:$0xB], $0x80, $0x38;
	[tilespmem:$0x14100] =	vst v63  }
0x1cc: {  	s26 =	sadd.s32 $0x2060, s8;
	s28 =	simm.s32 $0x12AB0  }
0x1cd: {  	[hbm4b:s26+s3] =	stream.linear.scatter [tilespmem:s28], [sflag:$0xB], $0x80, $0x38;
	[tilespmem:$0x14100] =	vst v63  }
0x1ce: {  	s26 =	sadd.s32 $0x2070, s8;
	s28 =	simm.s32 $0x12B38  }
0x1cf: {  	[hbm4b:s26+s3] =	stream.linear.scatter [tilespmem:s28], [sflag:$0xB], $0x80, $0x38;
	[tilespmem:$0x14100] =	vst v63  }
0x1d0: {  	s26 =	sadd.s32 $0x3000, s8;
	s28 =	simm.s32 $0x12BC0  }
0x1d1: {  	[hbm4b:s26+s3] =	stream.linear.scatter [tilespmem:s28], [sflag:$0xB], $0x80, $0x38;
	[tilespmem:$0x14100] =	vst v63  }
0x1d2: {  	s26 =	sadd.s32 $0x3010, s8;
	s28 =	simm.s32 $0x12C48  }
0x1d3: {  	[hbm4b:s26+s3] =	stream.linear.scatter [tilespmem:s28], [sflag:$0xB], $0x80, $0x38;
	[tilespmem:$0x14100] =	vst v63  }
0x1d4: {  	s26 =	sadd.s32 $0x3020, s8;
	s28 =	simm.s32 $0x12CD0  }
0x1d5: {  	[hbm4b:s26+s3] =	stream.linear.scatter [tilespmem:s28], [sflag:$0xB], $0x80, $0x38;
	[tilespmem:$0x14100] =	vst v63  }
0x1d6: {  	s26 =	sadd.s32 $0x3030, s8;
	s28 =	simm.s32 $0x12D58  }
0x1d7: {  	[hbm4b:s26+s3] =	stream.linear.scatter [tilespmem:s28], [sflag:$0xB], $0x80, $0x38;
	[tilespmem:$0x14100] =	vst v63  }
0x1d8: {  	s26 =	sadd.s32 $0x3040, s8;
	s28 =	simm.s32 $0x12DE0  }
0x1d9: {  	[hbm4b:s26+s3] =	stream.linear.scatter [tilespmem:s28], [sflag:$0xB], $0x80, $0x38;
	[tilespmem:$0x14100] =	vst v63  }
0x1da: {  	s26 =	sadd.s32 $0x3050, s8;
	s28 =	simm.s32 $0x12E68  }
0x1db: {  	[hbm4b:s26+s3] =	stream.linear.scatter [tilespmem:s28], [sflag:$0xB], $0x80, $0x38;
	[tilespmem:$0x14100] =	vst v63  }
0x1dc: {  	s26 =	sadd.s32 $0x3060, s8;
	s28 =	simm.s32 $0x12EF0  }
0x1dd: {  	[hbm4b:s26+s3] =	stream.linear.scatter [tilespmem:s28], [sflag:$0xB], $0x80, $0x38;
	[tilespmem:$0x14100] =	vst v63  }
0x1de: {  	p0 =	seq.s32 s18, $0x18;
	s23 =	simm.s32 $0x12F78;
	s8 =	sadd.s32 $0x3070, s8  }
0x1df: {  	[hbm4b:s8+s3] =	stream.linear.scatter [tilespmem:s23], [sflag:$0xB], $0x80, $0x38;
	[tilespmem:$0x14100] =	vst v63  }
0x1e0: {  	s11 =	simm.s32 @!p0 $0x80;
	s8 =	sadd.s32 @!p0 $0x400, s19;
	s23 =	simm.s32 @!p0 $0x7D00  }
0x1e1: {  	[tilespmem:s23], [sflag:$0x1] =	stream.indirect.gather @!p0 [hbm4b:s5+s11], $0x20, s8, s11, $0xb8;
	[tilespmem:$0x14100] =	vst v63  }
0x1e2: {  	s8 =	sor.u32 $0x3, s7;
	_ =	swait.ge [sflag:s12], $0x1000  }
0x1e3: {  	s26 =	sshll.u32 s8, $0x5;
	[sflag:s12] =	ssyncset.done $0x0  }
0x1e4: {  	s11 =	sand.u32 $0x3FFFFFE0, s26;
	[sflag:s12] =	ssyncadd.s32 $0xFFFFF000  }
0x1e5: {  	s28 =	simm.s32 $0x0;
	v17 =	vld [tilespmem:s11+$0x6400]  }
0x1e6: {  	v19 =	vmov s28;
	s28 =	simm.s32 $0x4;
	v18 =	vld [tilespmem:s11+$0x6410];
	s11 =	simm.s32 @!p1 $0xC  }
0x1e7: {  	v23 =	vmov s28;
	s28 =	simm.s32 $0x7;
	v19 =	vshrl.u32 v19, $0x3;
	_ =	swait.ge @!p1 [sflag:s11], $0x1000  }
0x1e8: {  	v25 =	vmov s28;
	s28 =	simm.s32 $0x6;
	v19 =	vshll.u32 v19, v1;
	v23 =	vshrl.u32 v23, $0x3;
	[sflag:s11] =	ssyncset.done @!p1 $0x0  }
0x1e9: {  	s23 =	simm.s32 $0x2;
	v26 =	vmov s28;
	v25 =	vshrl.u32 v25, $0x3;
	v19 =	vbroadcast v19, $0x0;
	[sflag:s11] =	ssyncadd.s32 @!p1 $0xFFFFF000;
	s11 =	simm.s32 $0xADF0  }
0x1ea: {  	v23 =	vshll.u32 v23, v1;
	v21 =	vmov s23;
	v25 =	vshll.u32 v25, v1;
	v27 =	vld [tilespmem:s11+$0xFFFFFFF0]  }
0x1eb: {  	v26 =	vshrl.u32 v26, $0x3;
	v23 =	vbroadcast v23, $0x0;
	v21 =	vshrl.u32 v21, $0x3;
	v28 =	vld [tilespmem:s11+$0x0]  }
0x1ec: {  	s26 =	simm.s32 $0x1;
	v25 =	vbroadcast v25, $0x0;
	v50 =	vadd.s32 v0, v19;
	v19 =	vadd.s32 v2, v19;
	v29 =	vld [tilespmem:s11+$0xFFFFFF10]  }
0x1ed: {  	v26 =	vshll.u32 v26, v1;
	v20 =	vmov s26;
	v21 =	vshll.u32 v21, v1;
	v31 =	vld [tilespmem:s11+$0xFFFFFF20]  }
0x1ee: {  	s26 =	simm.s32 $0x3;
	v58 =	vadd.s32 v9, v23;
	v20 =	vshrl.u32 v20, $0x3;
	v30 =	vadd.s32 v15, v25;
	v51 =	vld [tilespmem:s11+$0xFFFFFF30]  }
0x1ef: {  	v22 =	vmov s26;
	v25 =	vadd.s32 v16, v25;
	v20 =	vshll.u32 v20, v1;
	v52 =	vld [tilespmem:s11+$0xFFFFFF40]  }
0x1f0: {  	s26 =	simm.s32 $0x5;
	v21 =	vbroadcast v21, $0x0;
	v22 =	vshrl.u32 v22, $0x3;
	v20 =	vbroadcast v20, $0x0;
	v54 =	vld [tilespmem:s11+$0xFFFFFF50]  }
0x1f1: {  	v24 =	vmov s26;
	v22 =	vshll.u32 v22, v1;
	v55 =	vld [tilespmem:s11+$0xFFFFFF60];
	v27 =	vadd.f32 v27, v17  }
0x1f2: {  	v53 =	vadd.s32 v3, v20;
	v20 =	vadd.s32 v4, v20;
	v59 =	vld [tilespmem:s11+$0xFFFFFFB0];
	v29 =	vadd.f32 v29, v17  }
0x1f3: {  	v24 =	vshrl.u32 v24, $0x3;
	v28 =	vadd.f32 v28, v18;
	[tilespmem:v30+s14+$0x0] =	vst.idx.msk $0xffff, v27;
	v27 =	vadd.f32 v31, v18;
	v31 =	vld [tilespmem:s11+$0xFFFFFF70]  }
0x1f4: {  	v24 =	vshll.u32 v24, v1;
	v22 =	vbroadcast v22, $0x0;
	v30 =	vadd.s32 v5, v21;
	[tilespmem:v50+s14+$0x0] =	vst.idx.msk $0xffff, v29;
	v29 =	vld [tilespmem:s11+$0xFFFFFF90]  }
0x1f5: {  	v21 =	vadd.s32 v6, v21;
	[tilespmem:v25+s14+$0x0] =	vst.idx.msk $0xffff, v28;
	v25 =	vadd.f32 v51, v17;
	v28 =	vld [tilespmem:s11+$0xFFFFFF80]  }
0x1f6: {  	v60 =	vbroadcast v24, $0x0;
	[tilespmem:v19+s14+$0x0] =	vst.idx.msk $0xffff, v27;
	v19 =	vadd.f32 v52, v18;
	v27 =	vadd.s32 v7, v22  }
0x1f7: {  	v22 =	vadd.s32 v8, v22;
	[tilespmem:v53+s14+$0x0] =	vst.idx.msk $0xffff, v25;
	v25 =	vadd.f32 v54, v17  }
0x1f8: {  	v57 =	vld [tilespmem:s11+$0xFFFFFFA0];
	v61 =	vadd.s32 v11, v60;
	[tilespmem:v20+s14+$0x0] =	vst.idx.msk $0xffff, v19;
	v20 =	vadd.f32 v55, v18  }
0x1f9: {  	v63 =	vadd.f32 v59, v17;
	[tilespmem:v30+s14+$0x0] =	vst.idx.msk $0xffff, v25;
	v24 =	vadd.f32 v31, v17  }
0x1fa: {  	v31 =	vld [tilespmem:s11+$0xFFFFFFC0];
	[tilespmem:v21+s14+$0x0] =	vst.idx.msk $0xffff, v20;
	v20 =	vadd.f32 v28, v18;
	v28 =	vadd.f32 v29, v17;
	v29 =	vbroadcast v26, $0x0  }
0x1fb: {  	v38 =	vld [tilespmem:s11+$0xFFFFFFD0];
	v30 =	vadd.s32 v10, v23;
	v25 =	vadd.s32 v12, v60;
	[tilespmem:v27+s14+$0x0] =	vst.idx.msk $0xffff, v24  }
0x1fc: {  	s28 =	simm.s32 $0x9;
	s26 =	simm.s32 $0x8;
	[tilespmem:v22+s14+$0x0] =	vst.idx.msk $0xffff, v20;
	v22 =	vadd.s32 v13, v29;
	v20 =	vadd.s32 v14, v29;
	v29 =	vld [tilespmem:s11+$0xFFFFFFE0]  }
0x1fd: {  	v56 =	vmov s26;
	s26 =	simm.s32 $0xA;
	v62 =	vadd.f32 v57, v18;
	v19 =	vmov s28;
	s28 =	simm.s32 $0xB  }
0x1fe: {  	v23 =	vmov s26;
	s26 =	simm.s32 $0xC;
	[tilespmem:v61+s14+$0x0] =	vst.idx.msk $0xffff, v63;
	v21 =	vshrl.u32 v56, $0x3;
	v24 =	vmov s28;
	s28 =	simm.s32 $0xD  }
0x1ff: {  	v27 =	vmov s26;
	s26 =	simm.s32 $0xE;
	[tilespmem:v58+s14+$0x0] =	vst.idx.msk $0xffff, v28;
	v26 =	vmov s28;
	s28 =	simm.s32 $0xF;
	v31 =	vadd.f32 v31, v18  }
0x200: {  	s23 =	simm.s32 $0x10;
	v28 =	vmov s26;
	v32 =	vmov s28;
	[tilespmem:v30+s14+$0x0] =	vst.idx.msk $0xffff, v62;
	v30 =	vadd.f32 v38, v17  }
.LBB2_9:
0x201: {  	p1 =	slt.u32 s23, $0x78;
	v21 =	vshll.u32 v21, v1;
	v32 =	vshrl.u32 v32, $0x3;
	[tilespmem:v25+s14+$0x0] =	vst.idx.msk $0xffff, v31;
	v25 =	vadd.f32 v29, v18  }
0x202: {  	v19 =	vshrl.u32 v19, $0x3;
	v23 =	vshrl.u32 v23, $0x3;
	s11 =	sadd.s32 $0x100, s11;
	v29 =	vshll.u32 v32, v1;
	[tilespmem:v22+s14+$0x0] =	vst.idx.msk $0xffff, v30  }
0x203: {  	v22 =	vshrl.u32 v24, $0x3;
	v24 =	vshrl.u32 v27, $0x3;
	v27 =	vld [tilespmem:s11+$0xFFFFFFF0];
	v29 =	vbroadcast v29, $0x0;
	[tilespmem:v20+s14+$0x0] =	vst.idx.msk $0xffff, v25  }
0x204: {  	v20 =	vbroadcast v21, $0x0;
	v21 =	vshrl.u32 v26, $0x3;
	v25 =	vshrl.u32 v28, $0x3;
	v26 =	vld [tilespmem:s11+$0x0]  }
0x205: {  	v19 =	vshll.u32 v19, v1;
	v23 =	vshll.u32 v23, v1;
	v28 =	vld [tilespmem:s11+$0xFFFFFF10];
	v30 =	vadd.s32 v15, v29  }
0x206: {  	v22 =	vshll.u32 v22, v1;
	v24 =	vshll.u32 v24, v1;
	v29 =	vadd.s32 v16, v29;
	v31 =	vld [tilespmem:s11+$0xFFFFFF20]  }
0x207: {  	v19 =	vbroadcast v19, $0x0;
	v21 =	vshll.u32 v21, v1;
	v32 =	vadd.s32 v0, v20;
	v33 =	vld [tilespmem:s11+$0xFFFFFF30]  }
0x208: {  	v25 =	vshll.u32 v25, v1;
	v20 =	vadd.s32 v2, v20;
	v34 =	vld [tilespmem:s11+$0xFFFFFF40];
	v27 =	vadd.f32 v27, v17  }
0x209: {  	v23 =	vbroadcast v23, $0x0;
	v35 =	vadd.s32 v3, v19;
	v36 =	vld [tilespmem:s11+$0xFFFFFF50];
	v26 =	vadd.f32 v26, v18  }
0x20a: {  	v19 =	vadd.s32 v4, v19;
	v28 =	vadd.f32 v28, v17;
	v37 =	vld [tilespmem:s11+$0xFFFFFF60];
	[tilespmem:v30+s14+$0x0] =	vst.idx.msk $0xffff, v27  }
0x20b: {  	v22 =	vbroadcast v22, $0x0;
	v30 =	vadd.s32 v5, v23;
	v27 =	vadd.f32 v31, v18;
	v31 =	vld [tilespmem:s11+$0xFFFFFF70];
	[tilespmem:v29+s14+$0x0] =	vst.idx.msk $0xffff, v26  }
0x20c: {  	v23 =	vadd.s32 v6, v23;
	[tilespmem:v32+s14+$0x0] =	vst.idx.msk $0xffff, v28;
	v26 =	vadd.f32 v33, v17;
	v28 =	vld [tilespmem:s11+$0xFFFFFF80]  }
0x20d: {  	v24 =	vbroadcast v24, $0x0;
	[tilespmem:v20+s14+$0x0] =	vst.idx.msk $0xffff, v27;
	v20 =	vadd.f32 v34, v18;
	v27 =	vadd.s32 v7, v22;
	v29 =	vld [tilespmem:s11+$0xFFFFFF90]  }
0x20e: {  	v32 =	vmov s23;
	v22 =	vadd.s32 v8, v22;
	[tilespmem:v35+s14+$0x0] =	vst.idx.msk $0xffff, v26;
	v26 =	vadd.f32 v36, v17;
	v33 =	vld [tilespmem:s11+$0xFFFFFFA0]  }
0x20f: {  	v35 =	vbroadcast v21, $0x0;
	[tilespmem:v19+s14+$0x0] =	vst.idx.msk $0xffff, v20;
	v19 =	vadd.f32 v37, v18;
	v20 =	vadd.s32 v9, v24;
	v34 =	vld [tilespmem:s11+$0xFFFFFFB0]  }
0x210: {  	v21 =	vshrl.u32 v32, $0x3;
	[tilespmem:v30+s14+$0x0] =	vst.idx.msk $0xffff, v26;
	v26 =	vadd.f32 v31, v17;
	v30 =	vadd.s32 v10, v24;
	v31 =	vld [tilespmem:s11+$0xFFFFFFC0]  }
0x211: {  	s26 =	sadd.s32 $0x1, s23;
	v36 =	vadd.s32 v11, v35;
	[tilespmem:v23+s14+$0x0] =	vst.idx.msk $0xffff, v19;
	v24 =	vadd.f32 v28, v18;
	v37 =	vld [tilespmem:s11+$0xFFFFFFD0];
	v28 =	vbroadcast v25, $0x0  }
.Ltmp5:
0x212: {  	v19 =	vmov s26;
	s26 =	sadd.s32 $0x2, s23;
	v25 =	vadd.s32 v12, v35;
	[tilespmem:v27+s14+$0x0] =	vst.idx.msk $0xffff, v26;
	v26 =	vadd.f32 v29, v17;
	v29 =	vld [tilespmem:s11+$0xFFFFFFE0];
	(pc) =	sbr.rel @p1 .LBB2_9-.Ltmp5, $4  }
0x213: {  	v23 =	vmov s26;
	s26 =	sadd.s32 $0x3, s23;
	[tilespmem:v22+s14+$0x0] =	vst.idx.msk $0xffff, v24;
	v32 =	vadd.f32 v33, v18;
	v22 =	vadd.s32 v13, v28  }
0x214: {  	s28 =	sadd.s32 $0x5, s23;
	v24 =	vmov s26;
	s26 =	sadd.s32 $0x4, s23;
	[tilespmem:v20+s14+$0x0] =	vst.idx.msk $0xffff, v26;
	v33 =	vadd.f32 v34, v17;
	v20 =	vadd.s32 v14, v28  }
0x215: {  	v27 =	vmov s26;
	v26 =	vmov s28;
	s26 =	sadd.s32 $0x6, s23;
	s28 =	sadd.s32 $0x7, s23;
	[tilespmem:v30+s14+$0x0] =	vst.idx.msk $0xffff, v32;
	v31 =	vadd.f32 v31, v18  }
0x216: {  	s23 =	sadd.s32 $0x8, s23;
	v28 =	vmov s26;
	v32 =	vmov s28;
	[tilespmem:v36+s14+$0x0] =	vst.idx.msk $0xffff, v33;
	v30 =	vadd.f32 v37, v17  }
0x217: {  	_ =	sdelay $0x1  }
0x218: {  	v21 =	vshll.u32 v21, v1;
	v32 =	vshrl.u32 v32, $0x3;
	v29 =	vadd.f32 v29, v18  }
0x219: {  	v19 =	vshrl.u32 v19, $0x3;
	v23 =	vshrl.u32 v23, $0x3;
	s11 =	sadd.s32 $0x100, s11;
	v24 =	vshrl.u32 v24, $0x3  }
0x21a: {  	v27 =	vshrl.u32 v27, $0x3;
	[tilespmem:v25+s14+$0x0] =	vst.idx.msk $0xffff, v31;
	v32 =	vshll.u32 v32, v1;
	v21 =	vbroadcast v21, $0x0;
	v31 =	vld [tilespmem:s11+$0xFFFFFF10]  }
0x21b: {  	v25 =	vshrl.u32 v26, $0x3;
	v33 =	vld [tilespmem:s11+$0xFFFFFFF0];
	v19 =	vshll.u32 v19, v1;
	v32 =	vbroadcast v32, $0x0  }
0x21c: {  	v26 =	vshrl.u32 v28, $0x3;
	v28 =	vld [tilespmem:s11+$0x0];
	v23 =	vshll.u32 v23, v1;
	[tilespmem:v22+s14+$0x0] =	vst.idx.msk $0xffff, v30;
	v22 =	vadd.s32 v0, v21  }
0x21d: {  	v35 =	vld [tilespmem:s11+$0xFFFFFF20];
	v24 =	vshll.u32 v24, v1;
	v27 =	vshll.u32 v27, v1;
	v34 =	vadd.s32 v15, v32  }
0x21e: {  	v30 =	vld [tilespmem:s11+$0xFFFFFF30];
	v25 =	vshll.u32 v25, v1;
	v19 =	vbroadcast v19, $0x0;
	v32 =	vadd.s32 v16, v32  }
0x21f: {  	v36 =	vld [tilespmem:s11+$0xFFFFFF40];
	v26 =	vshll.u32 v26, v1;
	v21 =	vadd.s32 v2, v21;
	v31 =	vadd.f32 v31, v17  }
0x220: {  	[tilespmem:v20+s14+$0x0] =	vst.idx.msk $0xffff, v29;
	v29 =	vld [tilespmem:s11+$0xFFFFFF50];
	v23 =	vbroadcast v23, $0x0;
	v20 =	vadd.s32 v3, v19;
	v33 =	vadd.f32 v33, v17  }
0x221: {  	v37 =	vld [tilespmem:s11+$0xFFFFFF60];
	v19 =	vadd.s32 v4, v19;
	v28 =	vadd.f32 v28, v18;
	[tilespmem:v22+s14+$0x0] =	vst.idx.msk $0xffff, v31  }
0x222: {  	v48 =	vld [tilespmem:s11+$0xFFFFFF70];
	v24 =	vbroadcast v24, $0x0;
	v47 =	vadd.s32 v5, v23;
	v46 =	vadd.f32 v35, v18;
	[tilespmem:v34+s14+$0x0] =	vst.idx.msk $0xffff, v33  }
0x223: {  	v23 =	vadd.s32 v6, v23;
	v22 =	vadd.f32 v30, v17;
	[tilespmem:v32+s14+$0x0] =	vst.idx.msk $0xffff, v28;
	v28 =	vld [tilespmem:s11+$0xFFFFFF80]  }
0x224: {  	v27 =	vbroadcast v27, $0x0;
	v30 =	vadd.s32 v7, v24;
	v31 =	vld [tilespmem:s11+$0xFFFFFF90];
	[tilespmem:v21+s14+$0x0] =	vst.idx.msk $0xffff, v46;
	v21 =	vadd.f32 v36, v18  }
0x225: {  	[tilespmem:v20+s14+$0x0] =	vst.idx.msk $0xffff, v22;
	v20 =	vadd.f32 v29, v17;
	v22 =	vadd.s32 v8, v24;
	v24 =	vld [tilespmem:s11+$0xFFFFFFA0]  }
0x226: {  	v25 =	vbroadcast v25, $0x0;
	v29 =	vld [tilespmem:s11+$0xFFFFFFB0];
	[tilespmem:v19+s14+$0x0] =	vst.idx.msk $0xffff, v21;
	v19 =	vadd.f32 v37, v18;
	v21 =	vadd.s32 v9, v27  }
0x227: {  	v49 =	vld [tilespmem:s11+$0xFFFFFFC0];
	v27 =	vadd.s32 v10, v27;
	[tilespmem:v47+s14+$0x0] =	vst.idx.msk $0xffff, v20;
	v20 =	vadd.f32 v48, v17  }
0x228: {  	v26 =	vbroadcast v26, $0x0;
	[tilespmem:v23+s14+$0x0] =	vst.idx.msk $0xffff, v19;
	v23 =	vadd.s32 v11, v25;
	v19 =	vadd.f32 v28, v18;
	v28 =	vld [tilespmem:s11+$0xFFFFFFD0]  }
0x229: {  	v25 =	vadd.s32 v12, v25;
	[tilespmem:v30+s14+$0x0] =	vst.idx.msk $0xffff, v20;
	v20 =	vadd.f32 v31, v17;
	v30 =	vld [tilespmem:s11+$0xFFFFFFE0]  }
0x22a: {  	[tilespmem:v22+s14+$0x0] =	vst.idx.msk $0xffff, v19;
	v19 =	vadd.f32 v24, v18;
	v22 =	vadd.s32 v13, v26  }
0x22b: {  	[tilespmem:v21+s14+$0x0] =	vst.idx.msk $0xffff, v20;
	v20 =	vadd.f32 v29, v17;
	v21 =	vadd.s32 v14, v26  }
0x22c: {  	[tilespmem:v27+s14+$0x0] =	vst.idx.msk $0xffff, v19;
	v19 =	vadd.f32 v49, v18  }
0x22d: {  	s8 =	sshll.u32 s8, $0x11;
	[tilespmem:v23+s14+$0x0] =	vst.idx.msk $0xffff, v20;
	v17 =	vadd.f32 v28, v17  }
0x22e: {  	s8 =	sor.u32 s4, s8;
	v18 =	vadd.f32 v30, v18;
	[tilespmem:v25+s14+$0x0] =	vst.idx.msk $0xffff, v19  }
0x22f: {  	s8 =	sshrl.u32 s8, $0x3;
	[tilespmem:v22+s14+$0x0] =	vst.idx.msk $0xffff, v17  }
0x230: {  	s8 =	sadd.s32 s2, s8;
	[tilespmem:v21+s14+$0x0] =	vst.idx.msk $0xffff, v18  }
0x231: {  	[hbm4b:s8+s3] =	stream.linear.scatter [tilespmem:s14], [sflag:$0xC], $0x80, $0x38;
	[tilespmem:$0x14100] =	vst v63  }
0x232: {  	s23 =	simm.s32 $0x13088;
	s28 =	sadd.s32 $0x10, s8  }
0x233: {  	[hbm4b:s28+s3] =	stream.linear.scatter [tilespmem:s23], [sflag:$0xC], $0x80, $0x38;
	[tilespmem:$0x14100] =	vst v63  }
0x234: {  	s26 =	sadd.s32 $0x20, s8;
	s28 =	simm.s32 $0x13110  }
0x235: {  	[hbm4b:s26+s3] =	stream.linear.scatter [tilespmem:s28], [sflag:$0xC], $0x80, $0x38;
	[tilespmem:$0x14100] =	vst v63  }
0x236: {  	s26 =	sadd.s32 $0x30, s8;
	s28 =	simm.s32 $0x13198  }
0x237: {  	[hbm4b:s26+s3] =	stream.linear.scatter [tilespmem:s28], [sflag:$0xC], $0x80, $0x38;
	[tilespmem:$0x14100] =	vst v63  }
0x238: {  	s26 =	sadd.s32 $0x40, s8;
	s28 =	simm.s32 $0x13220  }
0x239: {  	[hbm4b:s26+s3] =	stream.linear.scatter [tilespmem:s28], [sflag:$0xC], $0x80, $0x38;
	[tilespmem:$0x14100] =	vst v63  }
0x23a: {  	s26 =	sadd.s32 $0x50, s8;
	s28 =	simm.s32 $0x132A8  }
0x23b: {  	[hbm4b:s26+s3] =	stream.linear.scatter [tilespmem:s28], [sflag:$0xC], $0x80, $0x38;
	[tilespmem:$0x14100] =	vst v63  }
0x23c: {  	s26 =	sadd.s32 $0x60, s8;
	s28 =	simm.s32 $0x13330  }
0x23d: {  	[hbm4b:s26+s3] =	stream.linear.scatter [tilespmem:s28], [sflag:$0xC], $0x80, $0x38;
	[tilespmem:$0x14100] =	vst v63  }
0x23e: {  	s26 =	sadd.s32 $0x70, s8;
	s28 =	simm.s32 $0x133B8  }
0x23f: {  	[hbm4b:s26+s3] =	stream.linear.scatter [tilespmem:s28], [sflag:$0xC], $0x80, $0x38;
	[tilespmem:$0x14100] =	vst v63  }
0x240: {  	s26 =	sadd.s32 $0x1000, s8;
	s28 =	simm.s32 $0x13440  }
0x241: {  	[hbm4b:s26+s3] =	stream.linear.scatter [tilespmem:s28], [sflag:$0xC], $0x80, $0x38;
	[tilespmem:$0x14100] =	vst v63  }
0x242: {  	s26 =	sadd.s32 $0x1010, s8;
	s28 =	simm.s32 $0x134C8  }
0x243: {  	[hbm4b:s26+s3] =	stream.linear.scatter [tilespmem:s28], [sflag:$0xC], $0x80, $0x38;
	[tilespmem:$0x14100] =	vst v63  }
0x244: {  	s26 =	sadd.s32 $0x1020, s8;
	s28 =	simm.s32 $0x13550  }
0x245: {  	[hbm4b:s26+s3] =	stream.linear.scatter [tilespmem:s28], [sflag:$0xC], $0x80, $0x38;
	[tilespmem:$0x14100] =	vst v63  }
0x246: {  	s26 =	sadd.s32 $0x1030, s8;
	s28 =	simm.s32 $0x135D8  }
0x247: {  	[hbm4b:s26+s3] =	stream.linear.scatter [tilespmem:s28], [sflag:$0xC], $0x80, $0x38;
	[tilespmem:$0x14100] =	vst v63  }
0x248: {  	s26 =	sadd.s32 $0x1040, s8;
	s28 =	simm.s32 $0x13660  }
0x249: {  	[hbm4b:s26+s3] =	stream.linear.scatter [tilespmem:s28], [sflag:$0xC], $0x80, $0x38;
	[tilespmem:$0x14100] =	vst v63  }
0x24a: {  	s26 =	sadd.s32 $0x1050, s8;
	s28 =	simm.s32 $0x136E8  }
0x24b: {  	[hbm4b:s26+s3] =	stream.linear.scatter [tilespmem:s28], [sflag:$0xC], $0x80, $0x38;
	[tilespmem:$0x14100] =	vst v63  }
0x24c: {  	s26 =	sadd.s32 $0x1060, s8;
	s28 =	simm.s32 $0x13770  }
0x24d: {  	[hbm4b:s26+s3] =	stream.linear.scatter [tilespmem:s28], [sflag:$0xC], $0x80, $0x38;
	[tilespmem:$0x14100] =	vst v63  }
0x24e: {  	s26 =	sadd.s32 $0x1070, s8;
	s28 =	simm.s32 $0x137F8  }
0x24f: {  	[hbm4b:s26+s3] =	stream.linear.scatter [tilespmem:s28], [sflag:$0xC], $0x80, $0x38;
	[tilespmem:$0x14100] =	vst v63  }
0x250: {  	s26 =	sadd.s32 $0x2000, s8;
	s28 =	simm.s32 $0x13880  }
0x251: {  	[hbm4b:s26+s3] =	stream.linear.scatter [tilespmem:s28], [sflag:$0xC], $0x80, $0x38;
	[tilespmem:$0x14100] =	vst v63  }
0x252: {  	s26 =	sadd.s32 $0x2010, s8;
	s28 =	simm.s32 $0x13908  }
0x253: {  	[hbm4b:s26+s3] =	stream.linear.scatter [tilespmem:s28], [sflag:$0xC], $0x80, $0x38;
	[tilespmem:$0x14100] =	vst v63  }
0x254: {  	s26 =	sadd.s32 $0x2020, s8;
	s28 =	simm.s32 $0x13990  }
0x255: {  	[hbm4b:s26+s3] =	stream.linear.scatter [tilespmem:s28], [sflag:$0xC], $0x80, $0x38;
	[tilespmem:$0x14100] =	vst v63  }
0x256: {  	s26 =	sadd.s32 $0x2030, s8;
	s28 =	simm.s32 $0x13A18  }
0x257: {  	[hbm4b:s26+s3] =	stream.linear.scatter [tilespmem:s28], [sflag:$0xC], $0x80, $0x38;
	[tilespmem:$0x14100] =	vst v63  }
0x258: {  	s26 =	sadd.s32 $0x2040, s8;
	s28 =	simm.s32 $0x13AA0  }
0x259: {  	[hbm4b:s26+s3] =	stream.linear.scatter [tilespmem:s28], [sflag:$0xC], $0x80, $0x38;
	[tilespmem:$0x14100] =	vst v63  }
0x25a: {  	s26 =	sadd.s32 $0x2050, s8;
	s28 =	simm.s32 $0x13B28  }
0x25b: {  	[hbm4b:s26+s3] =	stream.linear.scatter [tilespmem:s28], [sflag:$0xC], $0x80, $0x38;
	[tilespmem:$0x14100] =	vst v63  }
0x25c: {  	s26 =	sadd.s32 $0x2060, s8;
	s28 =	simm.s32 $0x13BB0  }
0x25d: {  	[hbm4b:s26+s3] =	stream.linear.scatter [tilespmem:s28], [sflag:$0xC], $0x80, $0x38;
	[tilespmem:$0x14100] =	vst v63  }
0x25e: {  	s26 =	sadd.s32 $0x2070, s8;
	s28 =	simm.s32 $0x13C38  }
0x25f: {  	[hbm4b:s26+s3] =	stream.linear.scatter [tilespmem:s28], [sflag:$0xC], $0x80, $0x38;
	[tilespmem:$0x14100] =	vst v63  }
0x260: {  	s26 =	sadd.s32 $0x3000, s8;
	s28 =	simm.s32 $0x13CC0  }
0x261: {  	[hbm4b:s26+s3] =	stream.linear.scatter [tilespmem:s28], [sflag:$0xC], $0x80, $0x38;
	[tilespmem:$0x14100] =	vst v63  }
0x262: {  	s26 =	sadd.s32 $0x3010, s8;
	s28 =	simm.s32 $0x13D48  }
0x263: {  	[hbm4b:s26+s3] =	stream.linear.scatter [tilespmem:s28], [sflag:$0xC], $0x80, $0x38;
	[tilespmem:$0x14100] =	vst v63  }
0x264: {  	s26 =	sadd.s32 $0x3020, s8;
	s28 =	simm.s32 $0x13DD0  }
0x265: {  	[hbm4b:s26+s3] =	stream.linear.scatter [tilespmem:s28], [sflag:$0xC], $0x80, $0x38;
	[tilespmem:$0x14100] =	vst v63  }
0x266: {  	s26 =	sadd.s32 $0x3030, s8;
	s28 =	simm.s32 $0x13E58  }
0x267: {  	[hbm4b:s26+s3] =	stream.linear.scatter [tilespmem:s28], [sflag:$0xC], $0x80, $0x38;
	[tilespmem:$0x14100] =	vst v63  }
0x268: {  	s26 =	sadd.s32 $0x3040, s8;
	s28 =	simm.s32 $0x13EE0  }
0x269: {  	[hbm4b:s26+s3] =	stream.linear.scatter [tilespmem:s28], [sflag:$0xC], $0x80, $0x38;
	[tilespmem:$0x14100] =	vst v63  }
0x26a: {  	s26 =	sadd.s32 $0x3050, s8;
	s28 =	simm.s32 $0x13F68  }
0x26b: {  	[hbm4b:s26+s3] =	stream.linear.scatter [tilespmem:s28], [sflag:$0xC], $0x80, $0x38;
	[tilespmem:$0x14100] =	vst v63  }
0x26c: {  	s26 =	sadd.s32 $0x3060, s8;
	s28 =	simm.s32 $0x13FF0  }
0x26d: {  	[hbm4b:s26+s3] =	stream.linear.scatter [tilespmem:s28], [sflag:$0xC], $0x80, $0x38;
	[tilespmem:$0x14100] =	vst v63  }
0x26e: {  	s23 =	simm.s32 $0x14078;
	s8 =	sadd.s32 $0x3070, s8  }
0x26f: {  	[hbm4b:s8+s3] =	stream.linear.scatter [tilespmem:s23], [sflag:$0xC], $0x80, $0x38;
	[tilespmem:$0x14100] =	vst v63  }
0x270: {  	s11 =	simm.s32 @!p0 $0x80;
	s8 =	sadd.s32 @!p0 $0x480, s19;
	s23 =	simm.s32 @!p0 $0x8D00  }
0x271: {  	[tilespmem:s23], [sflag:$0x2] =	stream.indirect.gather @!p0 [hbm4b:s5+s11], $0x20, s8, s11, $0xb8;
	[tilespmem:$0x14100] =	vst v63  }
0x272: {  	s8 =	sor.u32 $0x4, s7;
	_ =	swait.ge [sflag:s29], $0x1000  }
0x273: {  	s28 =	simm.s32 $0x0;
	s26 =	sshll.u32 s8, $0x5;
	[sflag:s29] =	ssyncset.done $0x0  }
0x274: {  	v19 =	vmov s28;
	s28 =	simm.s32 $0x4;
	s11 =	sand.u32 $0x3FFFFFE0, s26;
	[sflag:s29] =	ssyncadd.s32 $0xFFFFF000  }
0x275: {  	v23 =	vmov s28;
	s28 =	simm.s32 $0x6;
	v17 =	vld [tilespmem:s11+$0x6400]  }
0x276: {  	v19 =	vshrl.u32 v19, $0x3;
	v26 =	vmov s28;
	s26 =	simm.s32 $0x1;
	v18 =	vld [tilespmem:s11+$0x6410];
	_ =	swait.ge [sflag:s30], $0x1000  }
0x277: {  	v19 =	vshll.u32 v19, v1;
	v23 =	vshrl.u32 v23, $0x3;
	s23 =	simm.s32 $0x2;
	v20 =	vmov s26;
	s26 =	simm.s32 $0x3;
	[sflag:s30] =	ssyncset.done $0x0  }
0x278: {  	v19 =	vbroadcast v19, $0x0;
	v26 =	vshrl.u32 v26, $0x3;
	v22 =	vmov s26;
	s26 =	simm.s32 $0x7;
	s11 =	simm.s32 $0xBDF0;
	[sflag:s30] =	ssyncadd.s32 $0xFFFFF000  }
0x279: {  	v23 =	vshll.u32 v23, v1;
	v21 =	vmov s23;
	v25 =	vmov s26;
	v27 =	vld [tilespmem:s11+$0xFFFFFFF0]  }
0x27a: {  	s23 =	simm.s32 $0x5;
	v26 =	vshll.u32 v26, v1;
	v23 =	vbroadcast v23, $0x0;
	v25 =	vshrl.u32 v25, $0x3;
	v28 =	vld [tilespmem:s11+$0x0]  }
0x27b: {  	v24 =	vmov s23;
	v21 =	vshrl.u32 v21, $0x3;
	v25 =	vshll.u32 v25, v1;
	v29 =	vld [tilespmem:s11+$0xFFFFFF10]  }
0x27c: {  	v50 =	vadd.s32 v0, v19;
	v19 =	vadd.s32 v2, v19;
	v31 =	vld [tilespmem:s11+$0xFFFFFF20];
	v25 =	vbroadcast v25, $0x0  }
0x27d: {  	v24 =	vshrl.u32 v24, $0x3;
	v21 =	vshll.u32 v21, v1;
	v20 =	vshrl.u32 v20, $0x3;
	v51 =	vld [tilespmem:s11+$0xFFFFFF30]  }
0x27e: {  	v58 =	vadd.s32 v9, v23;
	v20 =	vshll.u32 v20, v1;
	v52 =	vld [tilespmem:s11+$0xFFFFFF40];
	v30 =	vadd.s32 v15, v25  }
0x27f: {  	v24 =	vshll.u32 v24, v1;
	v20 =	vbroadcast v20, $0x0;
	v54 =	vld [tilespmem:s11+$0xFFFFFF50];
	v25 =	vadd.s32 v16, v25  }
0x280: {  	v21 =	vbroadcast v21, $0x0;
	v22 =	vshrl.u32 v22, $0x3;
	v55 =	vld [tilespmem:s11+$0xFFFFFF60];
	v29 =	vadd.f32 v29, v17  }
0x281: {  	v22 =	vshll.u32 v22, v1;
	v59 =	vld [tilespmem:s11+$0xFFFFFFB0];
	v53 =	vadd.s32 v3, v20;
	v27 =	vadd.f32 v27, v17  }
0x282: {  	v20 =	vadd.s32 v4, v20;
	v28 =	vadd.f32 v28, v18;
	[tilespmem:v50+s25+$0x0] =	vst.idx.msk $0xffff, v29;
	v29 =	vld [tilespmem:s11+$0xFFFFFF90]  }
0x283: {  	v22 =	vbroadcast v22, $0x0;
	[tilespmem:v30+s25+$0x0] =	vst.idx.msk $0xffff, v27;
	v27 =	vadd.f32 v31, v18;
	v30 =	vadd.s32 v5, v21;
	v31 =	vld [tilespmem:s11+$0xFFFFFF70]  }
0x284: {  	v21 =	vadd.s32 v6, v21;
	[tilespmem:v25+s25+$0x0] =	vst.idx.msk $0xffff, v28;
	v25 =	vadd.f32 v51, v17;
	v28 =	vld [tilespmem:s11+$0xFFFFFF80]  }
0x285: {  	v60 =	vbroadcast v24, $0x0;
	[tilespmem:v19+s25+$0x0] =	vst.idx.msk $0xffff, v27;
	v19 =	vadd.f32 v52, v18;
	v27 =	vadd.s32 v7, v22  }
0x286: {  	v22 =	vadd.s32 v8, v22;
	[tilespmem:v53+s25+$0x0] =	vst.idx.msk $0xffff, v25;
	v25 =	vadd.f32 v54, v17  }
0x287: {  	v57 =	vld [tilespmem:s11+$0xFFFFFFA0];
	v61 =	vadd.s32 v11, v60;
	[tilespmem:v20+s25+$0x0] =	vst.idx.msk $0xffff, v19;
	v20 =	vadd.f32 v55, v18  }
0x288: {  	v63 =	vadd.f32 v59, v17;
	[tilespmem:v30+s25+$0x0] =	vst.idx.msk $0xffff, v25;
	v24 =	vadd.f32 v31, v17  }
0x289: {  	v31 =	vld [tilespmem:s11+$0xFFFFFFC0];
	[tilespmem:v21+s25+$0x0] =	vst.idx.msk $0xffff, v20;
	v20 =	vadd.f32 v28, v18;
	v28 =	vadd.f32 v29, v17;
	v29 =	vbroadcast v26, $0x0  }
0x28a: {  	v38 =	vld [tilespmem:s11+$0xFFFFFFD0];
	v30 =	vadd.s32 v10, v23;
	v25 =	vadd.s32 v12, v60;
	[tilespmem:v27+s25+$0x0] =	vst.idx.msk $0xffff, v24  }
0x28b: {  	s28 =	simm.s32 $0x9;
	s26 =	simm.s32 $0x8;
	[tilespmem:v22+s25+$0x0] =	vst.idx.msk $0xffff, v20;
	v22 =	vadd.s32 v13, v29;
	v20 =	vadd.s32 v14, v29;
	v29 =	vld [tilespmem:s11+$0xFFFFFFE0]  }
0x28c: {  	v56 =	vmov s26;
	s26 =	simm.s32 $0xA;
	v62 =	vadd.f32 v57, v18;
	v19 =	vmov s28;
	s28 =	simm.s32 $0xB  }
0x28d: {  	v23 =	vmov s26;
	s26 =	simm.s32 $0xC;
	[tilespmem:v61+s25+$0x0] =	vst.idx.msk $0xffff, v63;
	v21 =	vshrl.u32 v56, $0x3;
	v24 =	vmov s28;
	s28 =	simm.s32 $0xD  }
0x28e: {  	v27 =	vmov s26;
	s26 =	simm.s32 $0xE;
	[tilespmem:v58+s25+$0x0] =	vst.idx.msk $0xffff, v28;
	v26 =	vmov s28;
	s28 =	simm.s32 $0xF;
	v31 =	vadd.f32 v31, v18  }
0x28f: {  	s23 =	simm.s32 $0x10;
	v28 =	vmov s26;
	v32 =	vmov s28;
	[tilespmem:v30+s25+$0x0] =	vst.idx.msk $0xffff, v62;
	v30 =	vadd.f32 v38, v17  }
.LBB2_11:
0x290: {  	p1 =	slt.u32 s23, $0x78;
	v21 =	vshll.u32 v21, v1;
	v32 =	vshrl.u32 v32, $0x3;
	[tilespmem:v25+s25+$0x0] =	vst.idx.msk $0xffff, v31;
	v25 =	vadd.f32 v29, v18  }
0x291: {  	v19 =	vshrl.u32 v19, $0x3;
	v23 =	vshrl.u32 v23, $0x3;
	s11 =	sadd.s32 $0x100, s11;
	v29 =	vshll.u32 v32, v1;
	[tilespmem:v22+s25+$0x0] =	vst.idx.msk $0xffff, v30  }
0x292: {  	v22 =	vshrl.u32 v24, $0x3;
	v24 =	vshrl.u32 v27, $0x3;
	v27 =	vld [tilespmem:s11+$0xFFFFFFF0];
	v29 =	vbroadcast v29, $0x0;
	[tilespmem:v20+s25+$0x0] =	vst.idx.msk $0xffff, v25  }
0x293: {  	v20 =	vbroadcast v21, $0x0;
	v21 =	vshrl.u32 v26, $0x3;
	v25 =	vshrl.u32 v28, $0x3;
	v26 =	vld [tilespmem:s11+$0x0]  }
0x294: {  	v19 =	vshll.u32 v19, v1;
	v23 =	vshll.u32 v23, v1;
	v28 =	vld [tilespmem:s11+$0xFFFFFF10];
	v30 =	vadd.s32 v15, v29  }
0x295: {  	v22 =	vshll.u32 v22, v1;
	v24 =	vshll.u32 v24, v1;
	v29 =	vadd.s32 v16, v29;
	v31 =	vld [tilespmem:s11+$0xFFFFFF20]  }
0x296: {  	v19 =	vbroadcast v19, $0x0;
	v21 =	vshll.u32 v21, v1;
	v32 =	vadd.s32 v0, v20;
	v33 =	vld [tilespmem:s11+$0xFFFFFF30]  }
0x297: {  	v25 =	vshll.u32 v25, v1;
	v20 =	vadd.s32 v2, v20;
	v34 =	vld [tilespmem:s11+$0xFFFFFF40];
	v27 =	vadd.f32 v27, v17  }
0x298: {  	v23 =	vbroadcast v23, $0x0;
	v35 =	vadd.s32 v3, v19;
	v36 =	vld [tilespmem:s11+$0xFFFFFF50];
	v26 =	vadd.f32 v26, v18  }
0x299: {  	v19 =	vadd.s32 v4, v19;
	v28 =	vadd.f32 v28, v17;
	v37 =	vld [tilespmem:s11+$0xFFFFFF60];
	[tilespmem:v30+s25+$0x0] =	vst.idx.msk $0xffff, v27  }
0x29a: {  	v22 =	vbroadcast v22, $0x0;
	v30 =	vadd.s32 v5, v23;
	v27 =	vadd.f32 v31, v18;
	v31 =	vld [tilespmem:s11+$0xFFFFFF70];
	[tilespmem:v29+s25+$0x0] =	vst.idx.msk $0xffff, v26  }
0x29b: {  	v23 =	vadd.s32 v6, v23;
	[tilespmem:v32+s25+$0x0] =	vst.idx.msk $0xffff, v28;
	v26 =	vadd.f32 v33, v17;
	v28 =	vld [tilespmem:s11+$0xFFFFFF80]  }
0x29c: {  	v24 =	vbroadcast v24, $0x0;
	[tilespmem:v20+s25+$0x0] =	vst.idx.msk $0xffff, v27;
	v20 =	vadd.f32 v34, v18;
	v27 =	vadd.s32 v7, v22;
	v29 =	vld [tilespmem:s11+$0xFFFFFF90]  }
0x29d: {  	v32 =	vmov s23;
	v22 =	vadd.s32 v8, v22;
	[tilespmem:v35+s25+$0x0] =	vst.idx.msk $0xffff, v26;
	v26 =	vadd.f32 v36, v17;
	v33 =	vld [tilespmem:s11+$0xFFFFFFA0]  }
0x29e: {  	v35 =	vbroadcast v21, $0x0;
	[tilespmem:v19+s25+$0x0] =	vst.idx.msk $0xffff, v20;
	v19 =	vadd.f32 v37, v18;
	v20 =	vadd.s32 v9, v24;
	v34 =	vld [tilespmem:s11+$0xFFFFFFB0]  }
0x29f: {  	v21 =	vshrl.u32 v32, $0x3;
	[tilespmem:v30+s25+$0x0] =	vst.idx.msk $0xffff, v26;
	v26 =	vadd.f32 v31, v17;
	v30 =	vadd.s32 v10, v24;
	v31 =	vld [tilespmem:s11+$0xFFFFFFC0]  }
0x2a0: {  	s26 =	sadd.s32 $0x1, s23;
	v36 =	vadd.s32 v11, v35;
	[tilespmem:v23+s25+$0x0] =	vst.idx.msk $0xffff, v19;
	v24 =	vadd.f32 v28, v18;
	v37 =	vld [tilespmem:s11+$0xFFFFFFD0];
	v28 =	vbroadcast v25, $0x0  }
.Ltmp6:
0x2a1: {  	v19 =	vmov s26;
	s26 =	sadd.s32 $0x2, s23;
	v25 =	vadd.s32 v12, v35;
	[tilespmem:v27+s25+$0x0] =	vst.idx.msk $0xffff, v26;
	v26 =	vadd.f32 v29, v17;
	v29 =	vld [tilespmem:s11+$0xFFFFFFE0];
	(pc) =	sbr.rel @p1 .LBB2_11-.Ltmp6, $4  }
0x2a2: {  	v23 =	vmov s26;
	s26 =	sadd.s32 $0x3, s23;
	[tilespmem:v22+s25+$0x0] =	vst.idx.msk $0xffff, v24;
	v32 =	vadd.f32 v33, v18;
	v22 =	vadd.s32 v13, v28  }
0x2a3: {  	s28 =	sadd.s32 $0x5, s23;
	v24 =	vmov s26;
	s26 =	sadd.s32 $0x4, s23;
	[tilespmem:v20+s25+$0x0] =	vst.idx.msk $0xffff, v26;
	v33 =	vadd.f32 v34, v17;
	v20 =	vadd.s32 v14, v28  }
0x2a4: {  	v27 =	vmov s26;
	v26 =	vmov s28;
	s26 =	sadd.s32 $0x6, s23;
	s28 =	sadd.s32 $0x7, s23;
	[tilespmem:v30+s25+$0x0] =	vst.idx.msk $0xffff, v32;
	v31 =	vadd.f32 v31, v18  }
0x2a5: {  	s23 =	sadd.s32 $0x8, s23;
	v28 =	vmov s26;
	v32 =	vmov s28;
	[tilespmem:v36+s25+$0x0] =	vst.idx.msk $0xffff, v33;
	v30 =	vadd.f32 v37, v17  }
0x2a6: {  	_ =	sdelay $0x1  }
0x2a7: {  	v21 =	vshll.u32 v21, v1;
	v32 =	vshrl.u32 v32, $0x3;
	v29 =	vadd.f32 v29, v18  }
0x2a8: {  	v19 =	vshrl.u32 v19, $0x3;
	v23 =	vshrl.u32 v23, $0x3;
	s11 =	sadd.s32 $0x100, s11;
	v24 =	vshrl.u32 v24, $0x3  }
0x2a9: {  	v27 =	vshrl.u32 v27, $0x3;
	[tilespmem:v25+s25+$0x0] =	vst.idx.msk $0xffff, v31;
	v32 =	vshll.u32 v32, v1;
	v21 =	vbroadcast v21, $0x0;
	v31 =	vld [tilespmem:s11+$0xFFFFFF10]  }
0x2aa: {  	v25 =	vshrl.u32 v26, $0x3;
	v33 =	vld [tilespmem:s11+$0xFFFFFFF0];
	v19 =	vshll.u32 v19, v1;
	v32 =	vbroadcast v32, $0x0  }
0x2ab: {  	v26 =	vshrl.u32 v28, $0x3;
	v28 =	vld [tilespmem:s11+$0x0];
	v23 =	vshll.u32 v23, v1;
	[tilespmem:v22+s25+$0x0] =	vst.idx.msk $0xffff, v30;
	v22 =	vadd.s32 v0, v21  }
0x2ac: {  	v35 =	vld [tilespmem:s11+$0xFFFFFF20];
	v24 =	vshll.u32 v24, v1;
	v27 =	vshll.u32 v27, v1;
	v34 =	vadd.s32 v15, v32  }
0x2ad: {  	v30 =	vld [tilespmem:s11+$0xFFFFFF30];
	v25 =	vshll.u32 v25, v1;
	v19 =	vbroadcast v19, $0x0;
	v32 =	vadd.s32 v16, v32  }
0x2ae: {  	v36 =	vld [tilespmem:s11+$0xFFFFFF40];
	v26 =	vshll.u32 v26, v1;
	v21 =	vadd.s32 v2, v21;
	v31 =	vadd.f32 v31, v17  }
0x2af: {  	[tilespmem:v20+s25+$0x0] =	vst.idx.msk $0xffff, v29;
	v29 =	vld [tilespmem:s11+$0xFFFFFF50];
	v23 =	vbroadcast v23, $0x0;
	v20 =	vadd.s32 v3, v19;
	v33 =	vadd.f32 v33, v17  }
0x2b0: {  	v37 =	vld [tilespmem:s11+$0xFFFFFF60];
	v19 =	vadd.s32 v4, v19;
	v28 =	vadd.f32 v28, v18;
	[tilespmem:v22+s25+$0x0] =	vst.idx.msk $0xffff, v31  }
0x2b1: {  	v48 =	vld [tilespmem:s11+$0xFFFFFF70];
	v24 =	vbroadcast v24, $0x0;
	v47 =	vadd.s32 v5, v23;
	v46 =	vadd.f32 v35, v18;
	[tilespmem:v34+s25+$0x0] =	vst.idx.msk $0xffff, v33  }
0x2b2: {  	v23 =	vadd.s32 v6, v23;
	v22 =	vadd.f32 v30, v17;
	[tilespmem:v32+s25+$0x0] =	vst.idx.msk $0xffff, v28;
	v28 =	vld [tilespmem:s11+$0xFFFFFF80]  }
0x2b3: {  	v27 =	vbroadcast v27, $0x0;
	v30 =	vadd.s32 v7, v24;
	v31 =	vld [tilespmem:s11+$0xFFFFFF90];
	[tilespmem:v21+s25+$0x0] =	vst.idx.msk $0xffff, v46;
	v21 =	vadd.f32 v36, v18  }
0x2b4: {  	[tilespmem:v20+s25+$0x0] =	vst.idx.msk $0xffff, v22;
	v20 =	vadd.f32 v29, v17;
	v22 =	vadd.s32 v8, v24;
	v24 =	vld [tilespmem:s11+$0xFFFFFFA0]  }
0x2b5: {  	v25 =	vbroadcast v25, $0x0;
	v29 =	vld [tilespmem:s11+$0xFFFFFFB0];
	[tilespmem:v19+s25+$0x0] =	vst.idx.msk $0xffff, v21;
	v19 =	vadd.f32 v37, v18;
	v21 =	vadd.s32 v9, v27  }
0x2b6: {  	v49 =	vld [tilespmem:s11+$0xFFFFFFC0];
	v27 =	vadd.s32 v10, v27;
	[tilespmem:v47+s25+$0x0] =	vst.idx.msk $0xffff, v20;
	v20 =	vadd.f32 v48, v17  }
0x2b7: {  	v26 =	vbroadcast v26, $0x0;
	[tilespmem:v23+s25+$0x0] =	vst.idx.msk $0xffff, v19;
	v23 =	vadd.s32 v11, v25;
	v19 =	vadd.f32 v28, v18;
	v28 =	vld [tilespmem:s11+$0xFFFFFFD0]  }
0x2b8: {  	v25 =	vadd.s32 v12, v25;
	[tilespmem:v30+s25+$0x0] =	vst.idx.msk $0xffff, v20;
	v20 =	vadd.f32 v31, v17;
	v30 =	vld [tilespmem:s11+$0xFFFFFFE0]  }
0x2b9: {  	[tilespmem:v22+s25+$0x0] =	vst.idx.msk $0xffff, v19;
	v19 =	vadd.f32 v24, v18;
	v22 =	vadd.s32 v13, v26  }
0x2ba: {  	[tilespmem:v21+s25+$0x0] =	vst.idx.msk $0xffff, v20;
	v20 =	vadd.f32 v29, v17;
	v21 =	vadd.s32 v14, v26  }
0x2bb: {  	[tilespmem:v27+s25+$0x0] =	vst.idx.msk $0xffff, v19;
	v19 =	vadd.f32 v49, v18  }
0x2bc: {  	s8 =	sshll.u32 s8, $0x11;
	[tilespmem:v23+s25+$0x0] =	vst.idx.msk $0xffff, v20;
	v17 =	vadd.f32 v28, v17  }
0x2bd: {  	s8 =	sor.u32 s4, s8;
	v18 =	vadd.f32 v30, v18;
	[tilespmem:v25+s25+$0x0] =	vst.idx.msk $0xffff, v19  }
0x2be: {  	s8 =	sshrl.u32 s8, $0x3;
	[tilespmem:v22+s25+$0x0] =	vst.idx.msk $0xffff, v17  }
0x2bf: {  	s8 =	sadd.s32 s2, s8;
	[tilespmem:v21+s25+$0x0] =	vst.idx.msk $0xffff, v18  }
0x2c0: {  	[hbm4b:s8+s3] =	stream.linear.scatter [tilespmem:s25], [sflag:$0x9], $0x80, $0x38;
	[tilespmem:$0x14100] =	vst v63  }
0x2c1: {  	s28 =	simm.s32 $0xFD88;
	s23 =	sadd.s32 $0x10, s8  }
0x2c2: {  	[hbm4b:s23+s3] =	stream.linear.scatter [tilespmem:s28], [sflag:$0x9], $0x80, $0x38;
	[tilespmem:$0x14100] =	vst v63  }
0x2c3: {  	s26 =	sadd.s32 $0x20, s8;
	s23 =	simm.s32 $0xFE10  }
0x2c4: {  	[hbm4b:s26+s3] =	stream.linear.scatter [tilespmem:s23], [sflag:$0x9], $0x80, $0x38;
	[tilespmem:$0x14100] =	vst v63  }
0x2c5: {  	s23 =	sadd.s32 $0x30, s8;
	s26 =	simm.s32 $0xFE98  }
0x2c6: {  	[hbm4b:s23+s3] =	stream.linear.scatter [tilespmem:s26], [sflag:$0x9], $0x80, $0x38;
	[tilespmem:$0x14100] =	vst v63  }
0x2c7: {  	s23 =	sadd.s32 $0x40, s8;
	s26 =	simm.s32 $0xFF20  }
0x2c8: {  	[hbm4b:s23+s3] =	stream.linear.scatter [tilespmem:s26], [sflag:$0x9], $0x80, $0x38;
	[tilespmem:$0x14100] =	vst v63  }
0x2c9: {  	s23 =	sadd.s32 $0x50, s8;
	s26 =	simm.s32 $0xFFA8  }
0x2ca: {  	[hbm4b:s23+s3] =	stream.linear.scatter [tilespmem:s26], [sflag:$0x9], $0x80, $0x38;
	[tilespmem:$0x14100] =	vst v63  }
0x2cb: {  	s23 =	sadd.s32 $0x60, s8;
	s26 =	simm.s32 $0x10030  }
0x2cc: {  	[hbm4b:s23+s3] =	stream.linear.scatter [tilespmem:s26], [sflag:$0x9], $0x80, $0x38;
	[tilespmem:$0x14100] =	vst v63  }
0x2cd: {  	s23 =	sadd.s32 $0x70, s8;
	s26 =	simm.s32 $0x100B8  }
0x2ce: {  	[hbm4b:s23+s3] =	stream.linear.scatter [tilespmem:s26], [sflag:$0x9], $0x80, $0x38;
	[tilespmem:$0x14100] =	vst v63  }
0x2cf: {  	s23 =	sadd.s32 $0x1000, s8;
	s26 =	simm.s32 $0x10140  }
0x2d0: {  	[hbm4b:s23+s3] =	stream.linear.scatter [tilespmem:s26], [sflag:$0x9], $0x80, $0x38;
	[tilespmem:$0x14100] =	vst v63  }
0x2d1: {  	s23 =	sadd.s32 $0x1010, s8;
	s26 =	simm.s32 $0x101C8  }
0x2d2: {  	[hbm4b:s23+s3] =	stream.linear.scatter [tilespmem:s26], [sflag:$0x9], $0x80, $0x38;
	[tilespmem:$0x14100] =	vst v63  }
0x2d3: {  	s23 =	sadd.s32 $0x1020, s8;
	s26 =	simm.s32 $0x10250  }
0x2d4: {  	[hbm4b:s23+s3] =	stream.linear.scatter [tilespmem:s26], [sflag:$0x9], $0x80, $0x38;
	[tilespmem:$0x14100] =	vst v63  }
0x2d5: {  	s23 =	sadd.s32 $0x1030, s8;
	s26 =	simm.s32 $0x102D8  }
0x2d6: {  	[hbm4b:s23+s3] =	stream.linear.scatter [tilespmem:s26], [sflag:$0x9], $0x80, $0x38;
	[tilespmem:$0x14100] =	vst v63  }
0x2d7: {  	s23 =	sadd.s32 $0x1040, s8;
	s26 =	simm.s32 $0x10360  }
0x2d8: {  	[hbm4b:s23+s3] =	stream.linear.scatter [tilespmem:s26], [sflag:$0x9], $0x80, $0x38;
	[tilespmem:$0x14100] =	vst v63  }
0x2d9: {  	s23 =	sadd.s32 $0x1050, s8;
	s26 =	simm.s32 $0x103E8  }
0x2da: {  	[hbm4b:s23+s3] =	stream.linear.scatter [tilespmem:s26], [sflag:$0x9], $0x80, $0x38;
	[tilespmem:$0x14100] =	vst v63  }
0x2db: {  	s23 =	sadd.s32 $0x1060, s8;
	s26 =	simm.s32 $0x10470  }
0x2dc: {  	[hbm4b:s23+s3] =	stream.linear.scatter [tilespmem:s26], [sflag:$0x9], $0x80, $0x38;
	[tilespmem:$0x14100] =	vst v63  }
0x2dd: {  	s23 =	sadd.s32 $0x1070, s8;
	s26 =	simm.s32 $0x104F8  }
0x2de: {  	[hbm4b:s23+s3] =	stream.linear.scatter [tilespmem:s26], [sflag:$0x9], $0x80, $0x38;
	[tilespmem:$0x14100] =	vst v63  }
0x2df: {  	s23 =	sadd.s32 $0x2000, s8;
	s26 =	simm.s32 $0x10580  }
0x2e0: {  	[hbm4b:s23+s3] =	stream.linear.scatter [tilespmem:s26], [sflag:$0x9], $0x80, $0x38;
	[tilespmem:$0x14100] =	vst v63  }
0x2e1: {  	s23 =	sadd.s32 $0x2010, s8;
	s26 =	simm.s32 $0x10608  }
0x2e2: {  	[hbm4b:s23+s3] =	stream.linear.scatter [tilespmem:s26], [sflag:$0x9], $0x80, $0x38;
	[tilespmem:$0x14100] =	vst v63  }
0x2e3: {  	s23 =	sadd.s32 $0x2020, s8;
	s26 =	simm.s32 $0x10690  }
0x2e4: {  	[hbm4b:s23+s3] =	stream.linear.scatter [tilespmem:s26], [sflag:$0x9], $0x80, $0x38;
	[tilespmem:$0x14100] =	vst v63  }
0x2e5: {  	s23 =	sadd.s32 $0x2030, s8;
	s26 =	simm.s32 $0x10718  }
0x2e6: {  	[hbm4b:s23+s3] =	stream.linear.scatter [tilespmem:s26], [sflag:$0x9], $0x80, $0x38;
	[tilespmem:$0x14100] =	vst v63  }
0x2e7: {  	s23 =	sadd.s32 $0x2040, s8;
	s26 =	simm.s32 $0x107A0  }
0x2e8: {  	[hbm4b:s23+s3] =	stream.linear.scatter [tilespmem:s26], [sflag:$0x9], $0x80, $0x38;
	[tilespmem:$0x14100] =	vst v63  }
0x2e9: {  	s23 =	sadd.s32 $0x2050, s8;
	s26 =	simm.s32 $0x10828  }
0x2ea: {  	[hbm4b:s23+s3] =	stream.linear.scatter [tilespmem:s26], [sflag:$0x9], $0x80, $0x38;
	[tilespmem:$0x14100] =	vst v63  }
0x2eb: {  	s23 =	sadd.s32 $0x2060, s8;
	s26 =	simm.s32 $0x108B0  }
0x2ec: {  	[hbm4b:s23+s3] =	stream.linear.scatter [tilespmem:s26], [sflag:$0x9], $0x80, $0x38;
	[tilespmem:$0x14100] =	vst v63  }
0x2ed: {  	s23 =	sadd.s32 $0x2070, s8;
	s26 =	simm.s32 $0x10938  }
0x2ee: {  	[hbm4b:s23+s3] =	stream.linear.scatter [tilespmem:s26], [sflag:$0x9], $0x80, $0x38;
	[tilespmem:$0x14100] =	vst v63  }
0x2ef: {  	s23 =	sadd.s32 $0x3000, s8;
	s26 =	simm.s32 $0x109C0  }
0x2f0: {  	[hbm4b:s23+s3] =	stream.linear.scatter [tilespmem:s26], [sflag:$0x9], $0x80, $0x38;
	[tilespmem:$0x14100] =	vst v63  }
0x2f1: {  	s23 =	sadd.s32 $0x3010, s8;
	s26 =	simm.s32 $0x10A48  }
0x2f2: {  	[hbm4b:s23+s3] =	stream.linear.scatter [tilespmem:s26], [sflag:$0x9], $0x80, $0x38;
	[tilespmem:$0x14100] =	vst v63  }
0x2f3: {  	s23 =	sadd.s32 $0x3020, s8;
	s26 =	simm.s32 $0x10AD0  }
0x2f4: {  	[hbm4b:s23+s3] =	stream.linear.scatter [tilespmem:s26], [sflag:$0x9], $0x80, $0x38;
	[tilespmem:$0x14100] =	vst v63  }
0x2f5: {  	s23 =	sadd.s32 $0x3030, s8;
	s26 =	simm.s32 $0x10B58  }
0x2f6: {  	[hbm4b:s23+s3] =	stream.linear.scatter [tilespmem:s26], [sflag:$0x9], $0x80, $0x38;
	[tilespmem:$0x14100] =	vst v63  }
0x2f7: {  	s23 =	sadd.s32 $0x3040, s8;
	s26 =	simm.s32 $0x10BE0  }
0x2f8: {  	[hbm4b:s23+s3] =	stream.linear.scatter [tilespmem:s26], [sflag:$0x9], $0x80, $0x38;
	[tilespmem:$0x14100] =	vst v63  }
0x2f9: {  	s23 =	sadd.s32 $0x3050, s8;
	s26 =	simm.s32 $0x10C68  }
0x2fa: {  	[hbm4b:s23+s3] =	stream.linear.scatter [tilespmem:s26], [sflag:$0x9], $0x80, $0x38;
	[tilespmem:$0x14100] =	vst v63  }
0x2fb: {  	s23 =	sadd.s32 $0x3060, s8;
	s26 =	simm.s32 $0x10CF0  }
0x2fc: {  	[hbm4b:s23+s3] =	stream.linear.scatter [tilespmem:s26], [sflag:$0x9], $0x80, $0x38;
	[tilespmem:$0x14100] =	vst v63  }
0x2fd: {  	s8 =	sadd.s32 $0x3070, s8;
	s26 =	simm.s32 $0x10D78  }
0x2fe: {  	[hbm4b:s8+s3] =	stream.linear.scatter [tilespmem:s26], [sflag:$0x9], $0x80, $0x38;
	[tilespmem:$0x14100] =	vst v63  }
0x2ff: {  	s11 =	simm.s32 @!p0 $0x80;
	s23 =	simm.s32 @!p0 $0x9D00;
	s8 =	sadd.s32 @!p0 $0x500, s19  }
0x300: {  	[tilespmem:s23], [sflag:$0x3] =	stream.indirect.gather @!p0 [hbm4b:s5+s11], $0x20, s8, s11, $0xb8;
	[tilespmem:$0x14100] =	vst v63  }
0x301: {  	s7 =	sor.u32 $0x5, s7;
	_ =	swait.ge [sflag:s31], $0x1000  }
0x302: {  	s11 =	sshll.u32 s7, $0x5;
	[sflag:s31] =	ssyncset.done $0x0  }
0x303: {  	s26 =	simm.s32 $0x1;
	s8 =	sand.u32 $0x3FFFFFE0, s11;
	[sflag:s31] =	ssyncadd.s32 $0xFFFFF000  }
0x304: {  	v20 =	vmov s26;
	s26 =	simm.s32 $0x4;
	s23 =	simm.s32 $0x0;
	v17 =	vld [tilespmem:s8+$0x6400]  }
0x305: {  	v23 =	vmov s26;
	s26 =	simm.s32 $0x6;
	v20 =	vshrl.u32 v20, $0x3;
	v19 =	vmov s23;
	s23 =	simm.s32 $0x3;
	v18 =	vld [tilespmem:s8+$0x6410];
	_ =	swait.ge [sflag:s0], $0x1000  }
0x306: {  	s11 =	simm.s32 $0x2;
	v26 =	vmov s26;
	v23 =	vshrl.u32 v23, $0x3;
	v22 =	vmov s23;
	s23 =	simm.s32 $0x7;
	[sflag:s0] =	ssyncset.done $0x0  }
0x307: {  	v20 =	vshll.u32 v20, v1;
	v21 =	vmov s11;
	v25 =	vmov s23;
	s8 =	simm.s32 $0xCDF0;
	[sflag:s0] =	ssyncadd.s32 $0xFFFFF000  }
0x308: {  	v19 =	vshrl.u32 v19, $0x3;
	v26 =	vshrl.u32 v26, $0x3;
	v25 =	vshrl.u32 v25, $0x3;
	v27 =	vld [tilespmem:s8+$0xFFFFFFF0]  }
0x309: {  	s11 =	simm.s32 $0x5;
	v23 =	vshll.u32 v23, v1;
	v20 =	vbroadcast v20, $0x0;
	v25 =	vshll.u32 v25, v1;
	v28 =	vld [tilespmem:s8+$0x0]  }
0x30a: {  	v24 =	vmov s11;
	v19 =	vshll.u32 v19, v1;
	v25 =	vbroadcast v25, $0x0;
	v29 =	vld [tilespmem:s8+$0xFFFFFF10]  }
0x30b: {  	v21 =	vshrl.u32 v21, $0x3;
	v22 =	vshrl.u32 v22, $0x3;
	v19 =	vbroadcast v19, $0x0;
	v31 =	vld [tilespmem:s8+$0xFFFFFF20]  }
0x30c: {  	v26 =	vshll.u32 v26, v1;
	v23 =	vbroadcast v23, $0x0;
	v51 =	vld [tilespmem:s8+$0xFFFFFF30];
	v30 =	vadd.s32 v15, v25  }
0x30d: {  	v24 =	vshrl.u32 v24, $0x3;
	v21 =	vshll.u32 v21, v1;
	v50 =	vadd.s32 v0, v19;
	v52 =	vld [tilespmem:s8+$0xFFFFFF40]  }
0x30e: {  	v22 =	vshll.u32 v22, v1;
	v53 =	vadd.s32 v3, v20;
	v54 =	vld [tilespmem:s8+$0xFFFFFF50];
	v25 =	vadd.s32 v16, v25  }
0x30f: {  	v20 =	vadd.s32 v4, v20;
	v19 =	vadd.s32 v2, v19;
	v55 =	vld [tilespmem:s8+$0xFFFFFF60];
	v27 =	vadd.f32 v27, v17  }
0x310: {  	v24 =	vshll.u32 v24, v1;
	v21 =	vbroadcast v21, $0x0;
	v59 =	vld [tilespmem:s8+$0xFFFFFFB0];
	v29 =	vadd.f32 v29, v17  }
0x311: {  	v28 =	vadd.f32 v28, v18;
	[tilespmem:v30+s10+$0x0] =	vst.idx.msk $0xffff, v27;
	v27 =	vadd.f32 v31, v18;
	v31 =	vld [tilespmem:s8+$0xFFFFFF70]  }
0x312: {  	v22 =	vbroadcast v22, $0x0;
	v58 =	vadd.s32 v9, v23;
	v30 =	vadd.s32 v5, v21;
	[tilespmem:v50+s10+$0x0] =	vst.idx.msk $0xffff, v29;
	v29 =	vld [tilespmem:s8+$0xFFFFFF90]  }
0x313: {  	v21 =	vadd.s32 v6, v21;
	[tilespmem:v25+s10+$0x0] =	vst.idx.msk $0xffff, v28;
	v25 =	vadd.f32 v51, v17;
	v28 =	vld [tilespmem:s8+$0xFFFFFF80]  }
0x314: {  	v60 =	vbroadcast v24, $0x0;
	[tilespmem:v19+s10+$0x0] =	vst.idx.msk $0xffff, v27;
	v19 =	vadd.f32 v52, v18;
	v27 =	vadd.s32 v7, v22  }
0x315: {  	v22 =	vadd.s32 v8, v22;
	[tilespmem:v53+s10+$0x0] =	vst.idx.msk $0xffff, v25;
	v25 =	vadd.f32 v54, v17  }
0x316: {  	v57 =	vld [tilespmem:s8+$0xFFFFFFA0];
	v61 =	vadd.s32 v11, v60;
	[tilespmem:v20+s10+$0x0] =	vst.idx.msk $0xffff, v19;
	v20 =	vadd.f32 v55, v18  }
0x317: {  	v63 =	vadd.f32 v59, v17;
	[tilespmem:v30+s10+$0x0] =	vst.idx.msk $0xffff, v25;
	v24 =	vadd.f32 v31, v17  }
0x318: {  	v31 =	vld [tilespmem:s8+$0xFFFFFFC0];
	[tilespmem:v21+s10+$0x0] =	vst.idx.msk $0xffff, v20;
	v20 =	vadd.f32 v28, v18;
	v28 =	vadd.f32 v29, v17;
	v29 =	vbroadcast v26, $0x0  }
0x319: {  	v38 =	vld [tilespmem:s8+$0xFFFFFFD0];
	v30 =	vadd.s32 v10, v23;
	v25 =	vadd.s32 v12, v60;
	[tilespmem:v27+s10+$0x0] =	vst.idx.msk $0xffff, v24  }
0x31a: {  	s26 =	simm.s32 $0x9;
	s23 =	simm.s32 $0x8;
	[tilespmem:v22+s10+$0x0] =	vst.idx.msk $0xffff, v20;
	v22 =	vadd.s32 v13, v29;
	v20 =	vadd.s32 v14, v29;
	v29 =	vld [tilespmem:s8+$0xFFFFFFE0]  }
0x31b: {  	v56 =	vmov s23;
	s23 =	simm.s32 $0xA;
	v62 =	vadd.f32 v57, v18;
	v19 =	vmov s26;
	s26 =	simm.s32 $0xB  }
0x31c: {  	v23 =	vmov s23;
	s23 =	simm.s32 $0xC;
	[tilespmem:v61+s10+$0x0] =	vst.idx.msk $0xffff, v63;
	v21 =	vshrl.u32 v56, $0x3;
	v24 =	vmov s26;
	s26 =	simm.s32 $0xD  }
0x31d: {  	v27 =	vmov s23;
	s23 =	simm.s32 $0xE;
	[tilespmem:v58+s10+$0x0] =	vst.idx.msk $0xffff, v28;
	v26 =	vmov s26;
	s26 =	simm.s32 $0xF;
	v31 =	vadd.f32 v31, v18  }
0x31e: {  	s11 =	simm.s32 $0x10;
	v28 =	vmov s23;
	v32 =	vmov s26;
	[tilespmem:v30+s10+$0x0] =	vst.idx.msk $0xffff, v62;
	v30 =	vadd.f32 v38, v17  }
.LBB2_13:
0x31f: {  	p1 =	slt.u32 s11, $0x78;
	v21 =	vshll.u32 v21, v1;
	v32 =	vshrl.u32 v32, $0x3;
	[tilespmem:v25+s10+$0x0] =	vst.idx.msk $0xffff, v31;
	v25 =	vadd.f32 v29, v18  }
0x320: {  	v19 =	vshrl.u32 v19, $0x3;
	v23 =	vshrl.u32 v23, $0x3;
	s8 =	sadd.s32 $0x100, s8;
	v29 =	vshll.u32 v32, v1;
	[tilespmem:v22+s10+$0x0] =	vst.idx.msk $0xffff, v30  }
0x321: {  	v22 =	vshrl.u32 v24, $0x3;
	v24 =	vshrl.u32 v27, $0x3;
	v27 =	vld [tilespmem:s8+$0xFFFFFFF0];
	v29 =	vbroadcast v29, $0x0;
	[tilespmem:v20+s10+$0x0] =	vst.idx.msk $0xffff, v25  }
0x322: {  	v20 =	vbroadcast v21, $0x0;
	v21 =	vshrl.u32 v26, $0x3;
	v25 =	vshrl.u32 v28, $0x3;
	v26 =	vld [tilespmem:s8+$0x0]  }
0x323: {  	v19 =	vshll.u32 v19, v1;
	v23 =	vshll.u32 v23, v1;
	v28 =	vld [tilespmem:s8+$0xFFFFFF10];
	v30 =	vadd.s32 v15, v29  }
0x324: {  	v22 =	vshll.u32 v22, v1;
	v24 =	vshll.u32 v24, v1;
	v29 =	vadd.s32 v16, v29;
	v31 =	vld [tilespmem:s8+$0xFFFFFF20]  }
0x325: {  	v19 =	vbroadcast v19, $0x0;
	v21 =	vshll.u32 v21, v1;
	v32 =	vadd.s32 v0, v20;
	v33 =	vld [tilespmem:s8+$0xFFFFFF30]  }
0x326: {  	v25 =	vshll.u32 v25, v1;
	v20 =	vadd.s32 v2, v20;
	v34 =	vld [tilespmem:s8+$0xFFFFFF40];
	v27 =	vadd.f32 v27, v17  }
0x327: {  	v23 =	vbroadcast v23, $0x0;
	v35 =	vadd.s32 v3, v19;
	v36 =	vld [tilespmem:s8+$0xFFFFFF50];
	v26 =	vadd.f32 v26, v18  }
0x328: {  	v19 =	vadd.s32 v4, v19;
	v28 =	vadd.f32 v28, v17;
	v37 =	vld [tilespmem:s8+$0xFFFFFF60];
	[tilespmem:v30+s10+$0x0] =	vst.idx.msk $0xffff, v27  }
0x329: {  	v22 =	vbroadcast v22, $0x0;
	v30 =	vadd.s32 v5, v23;
	v27 =	vadd.f32 v31, v18;
	v31 =	vld [tilespmem:s8+$0xFFFFFF70];
	[tilespmem:v29+s10+$0x0] =	vst.idx.msk $0xffff, v26  }
0x32a: {  	v23 =	vadd.s32 v6, v23;
	[tilespmem:v32+s10+$0x0] =	vst.idx.msk $0xffff, v28;
	v26 =	vadd.f32 v33, v17;
	v28 =	vld [tilespmem:s8+$0xFFFFFF80]  }
0x32b: {  	v24 =	vbroadcast v24, $0x0;
	[tilespmem:v20+s10+$0x0] =	vst.idx.msk $0xffff, v27;
	v20 =	vadd.f32 v34, v18;
	v27 =	vadd.s32 v7, v22;
	v29 =	vld [tilespmem:s8+$0xFFFFFF90]  }
0x32c: {  	v32 =	vmov s11;
	v22 =	vadd.s32 v8, v22;
	[tilespmem:v35+s10+$0x0] =	vst.idx.msk $0xffff, v26;
	v26 =	vadd.f32 v36, v17;
	v33 =	vld [tilespmem:s8+$0xFFFFFFA0]  }
0x32d: {  	v35 =	vbroadcast v21, $0x0;
	[tilespmem:v19+s10+$0x0] =	vst.idx.msk $0xffff, v20;
	v19 =	vadd.f32 v37, v18;
	v20 =	vadd.s32 v9, v24;
	v34 =	vld [tilespmem:s8+$0xFFFFFFB0]  }
0x32e: {  	v21 =	vshrl.u32 v32, $0x3;
	[tilespmem:v30+s10+$0x0] =	vst.idx.msk $0xffff, v26;
	v26 =	vadd.f32 v31, v17;
	v30 =	vadd.s32 v10, v24;
	v31 =	vld [tilespmem:s8+$0xFFFFFFC0]  }
0x32f: {  	s23 =	sadd.s32 $0x1, s11;
	v36 =	vadd.s32 v11, v35;
	[tilespmem:v23+s10+$0x0] =	vst.idx.msk $0xffff, v19;
	v24 =	vadd.f32 v28, v18;
	v37 =	vld [tilespmem:s8+$0xFFFFFFD0];
	v28 =	vbroadcast v25, $0x0  }
.Ltmp7:
0x330: {  	v19 =	vmov s23;
	s23 =	sadd.s32 $0x2, s11;
	v25 =	vadd.s32 v12, v35;
	[tilespmem:v27+s10+$0x0] =	vst.idx.msk $0xffff, v26;
	v26 =	vadd.f32 v29, v17;
	v29 =	vld [tilespmem:s8+$0xFFFFFFE0];
	(pc) =	sbr.rel @p1 .LBB2_13-.Ltmp7, $4  }
0x331: {  	v23 =	vmov s23;
	s23 =	sadd.s32 $0x3, s11;
	[tilespmem:v22+s10+$0x0] =	vst.idx.msk $0xffff, v24;
	v32 =	vadd.f32 v33, v18;
	v22 =	vadd.s32 v13, v28  }
0x332: {  	s26 =	sadd.s32 $0x5, s11;
	v24 =	vmov s23;
	s23 =	sadd.s32 $0x4, s11;
	[tilespmem:v20+s10+$0x0] =	vst.idx.msk $0xffff, v26;
	v33 =	vadd.f32 v34, v17;
	v20 =	vadd.s32 v14, v28  }
0x333: {  	v27 =	vmov s23;
	v26 =	vmov s26;
	s23 =	sadd.s32 $0x6, s11;
	s26 =	sadd.s32 $0x7, s11;
	[tilespmem:v30+s10+$0x0] =	vst.idx.msk $0xffff, v32;
	v31 =	vadd.f32 v31, v18  }
0x334: {  	s11 =	sadd.s32 $0x8, s11;
	v28 =	vmov s23;
	v32 =	vmov s26;
	[tilespmem:v36+s10+$0x0] =	vst.idx.msk $0xffff, v33;
	v30 =	vadd.f32 v37, v17  }
0x335: {  	_ =	sdelay $0x1  }
0x336: {  	v21 =	vshll.u32 v21, v1;
	v32 =	vshrl.u32 v32, $0x3;
	v29 =	vadd.f32 v29, v18  }
0x337: {  	v19 =	vshrl.u32 v19, $0x3;
	v23 =	vshrl.u32 v23, $0x3;
	s8 =	sadd.s32 $0x100, s8;
	v24 =	vshrl.u32 v24, $0x3  }
0x338: {  	v27 =	vshrl.u32 v27, $0x3;
	[tilespmem:v25+s10+$0x0] =	vst.idx.msk $0xffff, v31;
	v32 =	vshll.u32 v32, v1;
	v21 =	vbroadcast v21, $0x0;
	v31 =	vld [tilespmem:s8+$0xFFFFFF10]  }
0x339: {  	v25 =	vshrl.u32 v26, $0x3;
	v33 =	vld [tilespmem:s8+$0xFFFFFFF0];
	v19 =	vshll.u32 v19, v1;
	v32 =	vbroadcast v32, $0x0  }
0x33a: {  	v26 =	vshrl.u32 v28, $0x3;
	v28 =	vld [tilespmem:s8+$0x0];
	v23 =	vshll.u32 v23, v1;
	[tilespmem:v22+s10+$0x0] =	vst.idx.msk $0xffff, v30;
	v22 =	vadd.s32 v0, v21  }
0x33b: {  	v35 =	vld [tilespmem:s8+$0xFFFFFF20];
	v24 =	vshll.u32 v24, v1;
	v27 =	vshll.u32 v27, v1;
	v34 =	vadd.s32 v15, v32  }
0x33c: {  	v30 =	vld [tilespmem:s8+$0xFFFFFF30];
	v25 =	vshll.u32 v25, v1;
	v19 =	vbroadcast v19, $0x0;
	v32 =	vadd.s32 v16, v32  }
0x33d: {  	v36 =	vld [tilespmem:s8+$0xFFFFFF40];
	v26 =	vshll.u32 v26, v1;
	v21 =	vadd.s32 v2, v21;
	v31 =	vadd.f32 v31, v17  }
0x33e: {  	[tilespmem:v20+s10+$0x0] =	vst.idx.msk $0xffff, v29;
	v29 =	vld [tilespmem:s8+$0xFFFFFF50];
	v23 =	vbroadcast v23, $0x0;
	v20 =	vadd.s32 v3, v19;
	v33 =	vadd.f32 v33, v17  }
0x33f: {  	v37 =	vld [tilespmem:s8+$0xFFFFFF60];
	v19 =	vadd.s32 v4, v19;
	v28 =	vadd.f32 v28, v18;
	[tilespmem:v22+s10+$0x0] =	vst.idx.msk $0xffff, v31  }
0x340: {  	v48 =	vld [tilespmem:s8+$0xFFFFFF70];
	v24 =	vbroadcast v24, $0x0;
	v47 =	vadd.s32 v5, v23;
	v46 =	vadd.f32 v35, v18;
	[tilespmem:v34+s10+$0x0] =	vst.idx.msk $0xffff, v33  }
0x341: {  	v23 =	vadd.s32 v6, v23;
	v22 =	vadd.f32 v30, v17;
	[tilespmem:v32+s10+$0x0] =	vst.idx.msk $0xffff, v28;
	v28 =	vld [tilespmem:s8+$0xFFFFFF80]  }
0x342: {  	v27 =	vbroadcast v27, $0x0;
	v30 =	vadd.s32 v7, v24;
	v31 =	vld [tilespmem:s8+$0xFFFFFF90];
	[tilespmem:v21+s10+$0x0] =	vst.idx.msk $0xffff, v46;
	v21 =	vadd.f32 v36, v18  }
0x343: {  	[tilespmem:v20+s10+$0x0] =	vst.idx.msk $0xffff, v22;
	v20 =	vadd.f32 v29, v17;
	v22 =	vadd.s32 v8, v24;
	v24 =	vld [tilespmem:s8+$0xFFFFFFA0]  }
0x344: {  	v25 =	vbroadcast v25, $0x0;
	v29 =	vld [tilespmem:s8+$0xFFFFFFB0];
	[tilespmem:v19+s10+$0x0] =	vst.idx.msk $0xffff, v21;
	v19 =	vadd.f32 v37, v18;
	v21 =	vadd.s32 v9, v27  }
0x345: {  	v49 =	vld [tilespmem:s8+$0xFFFFFFC0];
	v27 =	vadd.s32 v10, v27;
	[tilespmem:v47+s10+$0x0] =	vst.idx.msk $0xffff, v20;
	v20 =	vadd.f32 v48, v17  }
0x346: {  	v26 =	vbroadcast v26, $0x0;
	[tilespmem:v23+s10+$0x0] =	vst.idx.msk $0xffff, v19;
	v23 =	vadd.s32 v11, v25;
	v19 =	vadd.f32 v28, v18;
	v28 =	vld [tilespmem:s8+$0xFFFFFFD0]  }
0x347: {  	v25 =	vadd.s32 v12, v25;
	[tilespmem:v30+s10+$0x0] =	vst.idx.msk $0xffff, v20;
	v20 =	vadd.f32 v31, v17;
	v30 =	vld [tilespmem:s8+$0xFFFFFFE0]  }
0x348: {  	[tilespmem:v22+s10+$0x0] =	vst.idx.msk $0xffff, v19;
	v19 =	vadd.f32 v24, v18;
	v22 =	vadd.s32 v13, v26  }
0x349: {  	[tilespmem:v21+s10+$0x0] =	vst.idx.msk $0xffff, v20;
	v20 =	vadd.f32 v29, v17;
	v21 =	vadd.s32 v14, v26  }
0x34a: {  	[tilespmem:v27+s10+$0x0] =	vst.idx.msk $0xffff, v19;
	v19 =	vadd.f32 v49, v18  }
0x34b: {  	s7 =	sshll.u32 s7, $0x11;
	[tilespmem:v23+s10+$0x0] =	vst.idx.msk $0xffff, v20;
	v17 =	vadd.f32 v28, v17  }
0x34c: {  	s7 =	sor.u32 s4, s7;
	v18 =	vadd.f32 v30, v18;
	[tilespmem:v25+s10+$0x0] =	vst.idx.msk $0xffff, v19  }
0x34d: {  	s7 =	sshrl.u32 s7, $0x3;
	[tilespmem:v22+s10+$0x0] =	vst.idx.msk $0xffff, v17  }
0x34e: {  	s7 =	sadd.s32 s2, s7;
	[tilespmem:v21+s10+$0x0] =	vst.idx.msk $0xffff, v18  }
0x34f: {  	[hbm4b:s7+s3] =	stream.linear.scatter [tilespmem:s10], [sflag:$0xA], $0x80, $0x38;
	[tilespmem:$0x14100] =	vst v63  }
0x350: {  	s11 =	simm.s32 $0x10E88;
	s26 =	sadd.s32 $0x10, s7  }
0x351: {  	[hbm4b:s26+s3] =	stream.linear.scatter [tilespmem:s11], [sflag:$0xA], $0x80, $0x38;
	[tilespmem:$0x14100] =	vst v63  }
0x352: {  	s23 =	sadd.s32 $0x20, s7;
	s26 =	simm.s32 $0x10F10  }
0x353: {  	[hbm4b:s23+s3] =	stream.linear.scatter [tilespmem:s26], [sflag:$0xA], $0x80, $0x38;
	[tilespmem:$0x14100] =	vst v63  }
0x354: {  	s23 =	sadd.s32 $0x30, s7;
	s26 =	simm.s32 $0x10F98  }
0x355: {  	[hbm4b:s23+s3] =	stream.linear.scatter [tilespmem:s26], [sflag:$0xA], $0x80, $0x38;
	[tilespmem:$0x14100] =	vst v63  }
0x356: {  	s23 =	sadd.s32 $0x40, s7;
	s26 =	simm.s32 $0x11020  }
0x357: {  	[hbm4b:s23+s3] =	stream.linear.scatter [tilespmem:s26], [sflag:$0xA], $0x80, $0x38;
	[tilespmem:$0x14100] =	vst v63  }
0x358: {  	s23 =	sadd.s32 $0x50, s7;
	s26 =	simm.s32 $0x110A8  }
0x359: {  	[hbm4b:s23+s3] =	stream.linear.scatter [tilespmem:s26], [sflag:$0xA], $0x80, $0x38;
	[tilespmem:$0x14100] =	vst v63  }
0x35a: {  	s23 =	sadd.s32 $0x60, s7;
	s26 =	simm.s32 $0x11130  }
0x35b: {  	[hbm4b:s23+s3] =	stream.linear.scatter [tilespmem:s26], [sflag:$0xA], $0x80, $0x38;
	[tilespmem:$0x14100] =	vst v63  }
0x35c: {  	s23 =	sadd.s32 $0x70, s7;
	s26 =	simm.s32 $0x111B8  }
0x35d: {  	[hbm4b:s23+s3] =	stream.linear.scatter [tilespmem:s26], [sflag:$0xA], $0x80, $0x38;
	[tilespmem:$0x14100] =	vst v63  }
0x35e: {  	s23 =	sadd.s32 $0x1000, s7;
	s26 =	simm.s32 $0x11240  }
0x35f: {  	[hbm4b:s23+s3] =	stream.linear.scatter [tilespmem:s26], [sflag:$0xA], $0x80, $0x38;
	[tilespmem:$0x14100] =	vst v63  }
0x360: {  	s23 =	sadd.s32 $0x1010, s7;
	s26 =	simm.s32 $0x112C8  }
0x361: {  	[hbm4b:s23+s3] =	stream.linear.scatter [tilespmem:s26], [sflag:$0xA], $0x80, $0x38;
	[tilespmem:$0x14100] =	vst v63  }
0x362: {  	s23 =	sadd.s32 $0x1020, s7;
	s26 =	simm.s32 $0x11350  }
0x363: {  	[hbm4b:s23+s3] =	stream.linear.scatter [tilespmem:s26], [sflag:$0xA], $0x80, $0x38;
	[tilespmem:$0x14100] =	vst v63  }
0x364: {  	s23 =	sadd.s32 $0x1030, s7;
	s26 =	simm.s32 $0x113D8  }
0x365: {  	[hbm4b:s23+s3] =	stream.linear.scatter [tilespmem:s26], [sflag:$0xA], $0x80, $0x38;
	[tilespmem:$0x14100] =	vst v63  }
0x366: {  	s23 =	sadd.s32 $0x1040, s7;
	s26 =	simm.s32 $0x11460  }
0x367: {  	[hbm4b:s23+s3] =	stream.linear.scatter [tilespmem:s26], [sflag:$0xA], $0x80, $0x38;
	[tilespmem:$0x14100] =	vst v63  }
0x368: {  	s23 =	sadd.s32 $0x1050, s7;
	s26 =	simm.s32 $0x114E8  }
0x369: {  	[hbm4b:s23+s3] =	stream.linear.scatter [tilespmem:s26], [sflag:$0xA], $0x80, $0x38;
	[tilespmem:$0x14100] =	vst v63  }
0x36a: {  	s23 =	sadd.s32 $0x1060, s7;
	s26 =	simm.s32 $0x11570  }
0x36b: {  	[hbm4b:s23+s3] =	stream.linear.scatter [tilespmem:s26], [sflag:$0xA], $0x80, $0x38;
	[tilespmem:$0x14100] =	vst v63  }
0x36c: {  	s23 =	sadd.s32 $0x1070, s7;
	s26 =	simm.s32 $0x115F8  }
0x36d: {  	[hbm4b:s23+s3] =	stream.linear.scatter [tilespmem:s26], [sflag:$0xA], $0x80, $0x38;
	[tilespmem:$0x14100] =	vst v63  }
0x36e: {  	s23 =	sadd.s32 $0x2000, s7;
	s26 =	simm.s32 $0x11680  }
0x36f: {  	[hbm4b:s23+s3] =	stream.linear.scatter [tilespmem:s26], [sflag:$0xA], $0x80, $0x38;
	[tilespmem:$0x14100] =	vst v63  }
0x370: {  	s23 =	sadd.s32 $0x2010, s7;
	s26 =	simm.s32 $0x11708  }
0x371: {  	[hbm4b:s23+s3] =	stream.linear.scatter [tilespmem:s26], [sflag:$0xA], $0x80, $0x38;
	[tilespmem:$0x14100] =	vst v63  }
0x372: {  	s23 =	sadd.s32 $0x2020, s7;
	s26 =	simm.s32 $0x11790  }
0x373: {  	[hbm4b:s23+s3] =	stream.linear.scatter [tilespmem:s26], [sflag:$0xA], $0x80, $0x38;
	[tilespmem:$0x14100] =	vst v63  }
0x374: {  	s23 =	sadd.s32 $0x2030, s7;
	s26 =	simm.s32 $0x11818  }
0x375: {  	[hbm4b:s23+s3] =	stream.linear.scatter [tilespmem:s26], [sflag:$0xA], $0x80, $0x38;
	[tilespmem:$0x14100] =	vst v63  }
0x376: {  	s23 =	sadd.s32 $0x2040, s7;
	s26 =	simm.s32 $0x118A0  }
0x377: {  	[hbm4b:s23+s3] =	stream.linear.scatter [tilespmem:s26], [sflag:$0xA], $0x80, $0x38;
	[tilespmem:$0x14100] =	vst v63  }
0x378: {  	s23 =	sadd.s32 $0x2050, s7;
	s26 =	simm.s32 $0x11928  }
0x379: {  	[hbm4b:s23+s3] =	stream.linear.scatter [tilespmem:s26], [sflag:$0xA], $0x80, $0x38;
	[tilespmem:$0x14100] =	vst v63  }
0x37a: {  	s23 =	sadd.s32 $0x2060, s7;
	s26 =	simm.s32 $0x119B0  }
0x37b: {  	[hbm4b:s23+s3] =	stream.linear.scatter [tilespmem:s26], [sflag:$0xA], $0x80, $0x38;
	[tilespmem:$0x14100] =	vst v63  }
0x37c: {  	s23 =	sadd.s32 $0x2070, s7;
	s26 =	simm.s32 $0x11A38  }
0x37d: {  	[hbm4b:s23+s3] =	stream.linear.scatter [tilespmem:s26], [sflag:$0xA], $0x80, $0x38;
	[tilespmem:$0x14100] =	vst v63  }
0x37e: {  	s23 =	sadd.s32 $0x3000, s7;
	s26 =	simm.s32 $0x11AC0  }
0x37f: {  	[hbm4b:s23+s3] =	stream.linear.scatter [tilespmem:s26], [sflag:$0xA], $0x80, $0x38;
	[tilespmem:$0x14100] =	vst v63  }
0x380: {  	s23 =	sadd.s32 $0x3010, s7;
	s26 =	simm.s32 $0x11B48  }
0x381: {  	[hbm4b:s23+s3] =	stream.linear.scatter [tilespmem:s26], [sflag:$0xA], $0x80, $0x38;
	[tilespmem:$0x14100] =	vst v63  }
0x382: {  	s23 =	sadd.s32 $0x3020, s7;
	s26 =	simm.s32 $0x11BD0  }
0x383: {  	[hbm4b:s23+s3] =	stream.linear.scatter [tilespmem:s26], [sflag:$0xA], $0x80, $0x38;
	[tilespmem:$0x14100] =	vst v63  }
0x384: {  	s23 =	sadd.s32 $0x3030, s7;
	s26 =	simm.s32 $0x11C58  }
0x385: {  	[hbm4b:s23+s3] =	stream.linear.scatter [tilespmem:s26], [sflag:$0xA], $0x80, $0x38;
	[tilespmem:$0x14100] =	vst v63  }
0x386: {  	s23 =	sadd.s32 $0x3040, s7;
	s26 =	simm.s32 $0x11CE0  }
0x387: {  	[hbm4b:s23+s3] =	stream.linear.scatter [tilespmem:s26], [sflag:$0xA], $0x80, $0x38;
	[tilespmem:$0x14100] =	vst v63  }
0x388: {  	s23 =	sadd.s32 $0x3050, s7;
	s26 =	simm.s32 $0x11D68  }
0x389: {  	[hbm4b:s23+s3] =	stream.linear.scatter [tilespmem:s26], [sflag:$0xA], $0x80, $0x38;
	[tilespmem:$0x14100] =	vst v63  }
0x38a: {  	s11 =	sadd.s32 $0x3060, s7;
	s23 =	simm.s32 $0x11DF0  }
0x38b: {  	[hbm4b:s11+s3] =	stream.linear.scatter [tilespmem:s23], [sflag:$0xA], $0x80, $0x38;
	[tilespmem:$0x14100] =	vst v63  }
0x38c: {  	s7 =	sadd.s32 $0x3070, s7;
	s26 =	simm.s32 $0x11E78  }
0x38d: {  	[hbm4b:s7+s3] =	stream.linear.scatter [tilespmem:s26], [sflag:$0xA], $0x80, $0x38;
	[tilespmem:$0x14100] =	vst v63  }
0x38e: {  	s8 =	simm.s32 @!p0 $0x80;
	s11 =	simm.s32 @!p0 $0xAD00;
	s7 =	sadd.s32 @!p0 $0x580, s19  }
0x38f: {  	[tilespmem:s11], [sflag:$0x4] =	stream.indirect.gather @!p0 [hbm4b:s5+s8], $0x20, s7, s8, $0xb8;
	[tilespmem:$0x14100] =	vst v63  }
0x390: {  	_ =	swait.ge [sflag:s1], $0x1000  }
0x391: {  	s11 =	sshll.u32 s20, $0x5;
	[sflag:s1] =	ssyncset.done $0x0  }
0x392: {  	s23 =	simm.s32 $0x0;
	s7 =	sand.u32 $0x3FFFFFE0, s11;
	[sflag:s1] =	ssyncadd.s32 $0xFFFFF000  }
0x393: {  	v19 =	vmov s23;
	s26 =	simm.s32 $0x1;
	v17 =	vld [tilespmem:s7+$0x6400]  }
0x394: {  	s23 =	simm.s32 $0x4;
	v19 =	vshrl.u32 v19, $0x3;
	v20 =	vmov s26;
	s26 =	simm.s32 $0x3;
	v18 =	vld [tilespmem:s7+$0x6410];
	_ =	swait.ge [sflag:s15], $0x1000  }
0x395: {  	v23 =	vmov s23;
	v19 =	vshll.u32 v19, v1;
	v22 =	vmov s26;
	s26 =	simm.s32 $0x7;
	[sflag:s15] =	ssyncset.done $0x0  }
0x396: {  	v23 =	vshrl.u32 v23, $0x3;
	v20 =	vshrl.u32 v20, $0x3;
	v25 =	vmov s26;
	s7 =	simm.s32 $0xDDF0;
	[sflag:s15] =	ssyncadd.s32 $0xFFFFF000  }
0x397: {  	v19 =	vbroadcast v19, $0x0;
	v23 =	vshll.u32 v23, v1;
	v25 =	vshrl.u32 v25, $0x3;
	v27 =	vld [tilespmem:s7+$0xFFFFFFF0]  }
0x398: {  	s11 =	simm.s32 $0x2;
	v22 =	vshrl.u32 v22, $0x3;
	v20 =	vshll.u32 v20, v1;
	v25 =	vshll.u32 v25, v1;
	v28 =	vld [tilespmem:s7+$0x0]  }
0x399: {  	v23 =	vbroadcast v23, $0x0;
	v21 =	vmov s11;
	v25 =	vbroadcast v25, $0x0;
	v29 =	vld [tilespmem:s7+$0xFFFFFF10]  }
0x39a: {  	s11 =	simm.s32 $0x5;
	v22 =	vshll.u32 v22, v1;
	v50 =	vadd.s32 v0, v19;
	v20 =	vbroadcast v20, $0x0;
	v31 =	vld [tilespmem:s7+$0xFFFFFF20]  }
0x39b: {  	v19 =	vadd.s32 v2, v19;
	v24 =	vmov s11;
	s11 =	simm.s32 $0x6;
	v30 =	vadd.s32 v15, v25;
	v51 =	vld [tilespmem:s7+$0xFFFFFF30]  }
0x39c: {  	v21 =	vshrl.u32 v21, $0x3;
	v58 =	vadd.s32 v9, v23;
	v26 =	vmov s11;
	v52 =	vld [tilespmem:s7+$0xFFFFFF40]  }
0x39d: {  	v24 =	vshrl.u32 v24, $0x3;
	v21 =	vshll.u32 v21, v1;
	v25 =	vadd.s32 v16, v25;
	v54 =	vld [tilespmem:s7+$0xFFFFFF50]  }
0x39e: {  	v53 =	vadd.s32 v3, v20;
	v20 =	vadd.s32 v4, v20;
	v55 =	vld [tilespmem:s7+$0xFFFFFF60];
	v27 =	vadd.f32 v27, v17  }
0x39f: {  	v24 =	vshll.u32 v24, v1;
	v21 =	vbroadcast v21, $0x0;
	v59 =	vld [tilespmem:s7+$0xFFFFFFB0];
	v29 =	vadd.f32 v29, v17  }
0x3a0: {  	v26 =	vshrl.u32 v26, $0x3;
	v28 =	vadd.f32 v28, v18;
	[tilespmem:v30+s6+$0x0] =	vst.idx.msk $0xffff, v27;
	v27 =	vadd.f32 v31, v18;
	v31 =	vld [tilespmem:s7+$0xFFFFFF70]  }
0x3a1: {  	v22 =	vbroadcast v22, $0x0;
	v26 =	vshll.u32 v26, v1;
	v30 =	vadd.s32 v5, v21;
	[tilespmem:v50+s6+$0x0] =	vst.idx.msk $0xffff, v29;
	v29 =	vld [tilespmem:s7+$0xFFFFFF90]  }
0x3a2: {  	v21 =	vadd.s32 v6, v21;
	[tilespmem:v25+s6+$0x0] =	vst.idx.msk $0xffff, v28;
	v25 =	vadd.f32 v51, v17;
	v28 =	vld [tilespmem:s7+$0xFFFFFF80]  }
0x3a3: {  	v60 =	vbroadcast v24, $0x0;
	[tilespmem:v19+s6+$0x0] =	vst.idx.msk $0xffff, v27;
	v19 =	vadd.f32 v52, v18;
	v27 =	vadd.s32 v7, v22  }
0x3a4: {  	v22 =	vadd.s32 v8, v22;
	[tilespmem:v53+s6+$0x0] =	vst.idx.msk $0xffff, v25;
	v25 =	vadd.f32 v54, v17  }
0x3a5: {  	v57 =	vld [tilespmem:s7+$0xFFFFFFA0];
	v61 =	vadd.s32 v11, v60;
	[tilespmem:v20+s6+$0x0] =	vst.idx.msk $0xffff, v19;
	v20 =	vadd.f32 v55, v18  }
0x3a6: {  	v63 =	vadd.f32 v59, v17;
	[tilespmem:v30+s6+$0x0] =	vst.idx.msk $0xffff, v25;
	v24 =	vadd.f32 v31, v17  }
0x3a7: {  	v31 =	vld [tilespmem:s7+$0xFFFFFFC0];
	[tilespmem:v21+s6+$0x0] =	vst.idx.msk $0xffff, v20;
	v20 =	vadd.f32 v28, v18;
	v28 =	vadd.f32 v29, v17;
	v29 =	vbroadcast v26, $0x0  }
0x3a8: {  	v38 =	vld [tilespmem:s7+$0xFFFFFFD0];
	v30 =	vadd.s32 v10, v23;
	v25 =	vadd.s32 v12, v60;
	[tilespmem:v27+s6+$0x0] =	vst.idx.msk $0xffff, v24  }
0x3a9: {  	s23 =	simm.s32 $0x8;
	s11 =	simm.s32 $0xA;
	[tilespmem:v22+s6+$0x0] =	vst.idx.msk $0xffff, v20;
	v22 =	vadd.s32 v13, v29;
	v20 =	vadd.s32 v14, v29;
	v29 =	vld [tilespmem:s7+$0xFFFFFFE0]  }
0x3aa: {  	v56 =	vmov s23;
	s26 =	simm.s32 $0x9;
	v62 =	vadd.f32 v57, v18;
	v23 =	vmov s11;
	s11 =	simm.s32 $0xD  }
0x3ab: {  	s23 =	simm.s32 $0xB;
	v19 =	vmov s26;
	s26 =	simm.s32 $0xC;
	[tilespmem:v61+s6+$0x0] =	vst.idx.msk $0xffff, v63;
	v21 =	vshrl.u32 v56, $0x3;
	v26 =	vmov s11  }
0x3ac: {  	v24 =	vmov s23;
	v27 =	vmov s26;
	s23 =	simm.s32 $0xE;
	s26 =	simm.s32 $0xF;
	[tilespmem:v58+s6+$0x0] =	vst.idx.msk $0xffff, v28;
	v31 =	vadd.f32 v31, v18  }
0x3ad: {  	s8 =	simm.s32 $0x10;
	v28 =	vmov s23;
	v32 =	vmov s26;
	[tilespmem:v30+s6+$0x0] =	vst.idx.msk $0xffff, v62;
	v30 =	vadd.f32 v38, v17  }
.LBB2_15:
0x3ae: {  	p1 =	slt.u32 s8, $0x78;
	v21 =	vshll.u32 v21, v1;
	v32 =	vshrl.u32 v32, $0x3;
	[tilespmem:v25+s6+$0x0] =	vst.idx.msk $0xffff, v31;
	v25 =	vadd.f32 v29, v18  }
0x3af: {  	v19 =	vshrl.u32 v19, $0x3;
	v23 =	vshrl.u32 v23, $0x3;
	s7 =	sadd.s32 $0x100, s7;
	v29 =	vshll.u32 v32, v1;
	[tilespmem:v22+s6+$0x0] =	vst.idx.msk $0xffff, v30  }
0x3b0: {  	v22 =	vshrl.u32 v24, $0x3;
	v24 =	vshrl.u32 v27, $0x3;
	v27 =	vld [tilespmem:s7+$0xFFFFFFF0];
	v29 =	vbroadcast v29, $0x0;
	[tilespmem:v20+s6+$0x0] =	vst.idx.msk $0xffff, v25  }
0x3b1: {  	v20 =	vbroadcast v21, $0x0;
	v21 =	vshrl.u32 v26, $0x3;
	v25 =	vshrl.u32 v28, $0x3;
	v26 =	vld [tilespmem:s7+$0x0]  }
0x3b2: {  	v19 =	vshll.u32 v19, v1;
	v23 =	vshll.u32 v23, v1;
	v28 =	vld [tilespmem:s7+$0xFFFFFF10];
	v30 =	vadd.s32 v15, v29  }
0x3b3: {  	v22 =	vshll.u32 v22, v1;
	v24 =	vshll.u32 v24, v1;
	v29 =	vadd.s32 v16, v29;
	v31 =	vld [tilespmem:s7+$0xFFFFFF20]  }
0x3b4: {  	v19 =	vbroadcast v19, $0x0;
	v21 =	vshll.u32 v21, v1;
	v32 =	vadd.s32 v0, v20;
	v33 =	vld [tilespmem:s7+$0xFFFFFF30]  }
0x3b5: {  	v25 =	vshll.u32 v25, v1;
	v20 =	vadd.s32 v2, v20;
	v34 =	vld [tilespmem:s7+$0xFFFFFF40];
	v27 =	vadd.f32 v27, v17  }
0x3b6: {  	v23 =	vbroadcast v23, $0x0;
	v35 =	vadd.s32 v3, v19;
	v36 =	vld [tilespmem:s7+$0xFFFFFF50];
	v26 =	vadd.f32 v26, v18  }
0x3b7: {  	v19 =	vadd.s32 v4, v19;
	v28 =	vadd.f32 v28, v17;
	v37 =	vld [tilespmem:s7+$0xFFFFFF60];
	[tilespmem:v30+s6+$0x0] =	vst.idx.msk $0xffff, v27  }
0x3b8: {  	v22 =	vbroadcast v22, $0x0;
	v30 =	vadd.s32 v5, v23;
	v27 =	vadd.f32 v31, v18;
	v31 =	vld [tilespmem:s7+$0xFFFFFF70];
	[tilespmem:v29+s6+$0x0] =	vst.idx.msk $0xffff, v26  }
0x3b9: {  	v23 =	vadd.s32 v6, v23;
	[tilespmem:v32+s6+$0x0] =	vst.idx.msk $0xffff, v28;
	v26 =	vadd.f32 v33, v17;
	v28 =	vld [tilespmem:s7+$0xFFFFFF80]  }
0x3ba: {  	v24 =	vbroadcast v24, $0x0;
	[tilespmem:v20+s6+$0x0] =	vst.idx.msk $0xffff, v27;
	v20 =	vadd.f32 v34, v18;
	v27 =	vadd.s32 v7, v22;
	v29 =	vld [tilespmem:s7+$0xFFFFFF90]  }
0x3bb: {  	v32 =	vmov s8;
	v22 =	vadd.s32 v8, v22;
	[tilespmem:v35+s6+$0x0] =	vst.idx.msk $0xffff, v26;
	v26 =	vadd.f32 v36, v17;
	v33 =	vld [tilespmem:s7+$0xFFFFFFA0]  }
0x3bc: {  	v35 =	vbroadcast v21, $0x0;
	[tilespmem:v19+s6+$0x0] =	vst.idx.msk $0xffff, v20;
	v19 =	vadd.f32 v37, v18;
	v20 =	vadd.s32 v9, v24;
	v34 =	vld [tilespmem:s7+$0xFFFFFFB0]  }
0x3bd: {  	v21 =	vshrl.u32 v32, $0x3;
	[tilespmem:v30+s6+$0x0] =	vst.idx.msk $0xffff, v26;
	v26 =	vadd.f32 v31, v17;
	v30 =	vadd.s32 v10, v24;
	v31 =	vld [tilespmem:s7+$0xFFFFFFC0]  }
0x3be: {  	s11 =	sadd.s32 $0x1, s8;
	v36 =	vadd.s32 v11, v35;
	[tilespmem:v23+s6+$0x0] =	vst.idx.msk $0xffff, v19;
	v24 =	vadd.f32 v28, v18;
	v37 =	vld [tilespmem:s7+$0xFFFFFFD0];
	v28 =	vbroadcast v25, $0x0  }
.Ltmp8:
0x3bf: {  	v19 =	vmov s11;
	s11 =	sadd.s32 $0x2, s8;
	v25 =	vadd.s32 v12, v35;
	[tilespmem:v27+s6+$0x0] =	vst.idx.msk $0xffff, v26;
	v26 =	vadd.f32 v29, v17;
	v29 =	vld [tilespmem:s7+$0xFFFFFFE0];
	(pc) =	sbr.rel @p1 .LBB2_15-.Ltmp8, $4  }
0x3c0: {  	v23 =	vmov s11;
	s11 =	sadd.s32 $0x3, s8;
	[tilespmem:v22+s6+$0x0] =	vst.idx.msk $0xffff, v24;
	v32 =	vadd.f32 v33, v18;
	v22 =	vadd.s32 v13, v28  }
0x3c1: {  	s23 =	sadd.s32 $0x5, s8;
	v24 =	vmov s11;
	s11 =	sadd.s32 $0x4, s8;
	[tilespmem:v20+s6+$0x0] =	vst.idx.msk $0xffff, v26;
	v33 =	vadd.f32 v34, v17;
	v20 =	vadd.s32 v14, v28  }
0x3c2: {  	v27 =	vmov s11;
	v26 =	vmov s23;
	s11 =	sadd.s32 $0x6, s8;
	s23 =	sadd.s32 $0x7, s8;
	[tilespmem:v30+s6+$0x0] =	vst.idx.msk $0xffff, v32;
	v31 =	vadd.f32 v31, v18  }
0x3c3: {  	s8 =	sadd.s32 $0x8, s8;
	v28 =	vmov s11;
	v32 =	vmov s23;
	[tilespmem:v36+s6+$0x0] =	vst.idx.msk $0xffff, v33;
	v30 =	vadd.f32 v37, v17  }
0x3c4: {  	_ =	sdelay $0x1  }
0x3c5: {  	v21 =	vshll.u32 v21, v1;
	v32 =	vshrl.u32 v32, $0x3;
	v29 =	vadd.f32 v29, v18  }
0x3c6: {  	v19 =	vshrl.u32 v19, $0x3;
	v23 =	vshrl.u32 v23, $0x3;
	s7 =	sadd.s32 $0x100, s7;
	v24 =	vshrl.u32 v24, $0x3  }
0x3c7: {  	v27 =	vshrl.u32 v27, $0x3;
	[tilespmem:v25+s6+$0x0] =	vst.idx.msk $0xffff, v31;
	v32 =	vshll.u32 v32, v1;
	v21 =	vbroadcast v21, $0x0;
	v31 =	vld [tilespmem:s7+$0xFFFFFF10]  }
0x3c8: {  	v25 =	vshrl.u32 v26, $0x3;
	v33 =	vld [tilespmem:s7+$0xFFFFFFF0];
	v19 =	vshll.u32 v19, v1;
	v32 =	vbroadcast v32, $0x0  }
0x3c9: {  	v26 =	vshrl.u32 v28, $0x3;
	v28 =	vld [tilespmem:s7+$0x0];
	v23 =	vshll.u32 v23, v1;
	[tilespmem:v22+s6+$0x0] =	vst.idx.msk $0xffff, v30;
	v22 =	vadd.s32 v0, v21  }
0x3ca: {  	v35 =	vld [tilespmem:s7+$0xFFFFFF20];
	v24 =	vshll.u32 v24, v1;
	v27 =	vshll.u32 v27, v1;
	v34 =	vadd.s32 v15, v32  }
0x3cb: {  	v30 =	vld [tilespmem:s7+$0xFFFFFF30];
	v25 =	vshll.u32 v25, v1;
	v19 =	vbroadcast v19, $0x0;
	v32 =	vadd.s32 v16, v32  }
0x3cc: {  	v36 =	vld [tilespmem:s7+$0xFFFFFF40];
	v26 =	vshll.u32 v26, v1;
	v21 =	vadd.s32 v2, v21;
	v31 =	vadd.f32 v31, v17  }
0x3cd: {  	[tilespmem:v20+s6+$0x0] =	vst.idx.msk $0xffff, v29;
	v29 =	vld [tilespmem:s7+$0xFFFFFF50];
	v23 =	vbroadcast v23, $0x0;
	v20 =	vadd.s32 v3, v19;
	v33 =	vadd.f32 v33, v17  }
0x3ce: {  	v37 =	vld [tilespmem:s7+$0xFFFFFF60];
	v19 =	vadd.s32 v4, v19;
	v28 =	vadd.f32 v28, v18;
	[tilespmem:v22+s6+$0x0] =	vst.idx.msk $0xffff, v31  }
0x3cf: {  	v48 =	vld [tilespmem:s7+$0xFFFFFF70];
	v24 =	vbroadcast v24, $0x0;
	v47 =	vadd.s32 v5, v23;
	v46 =	vadd.f32 v35, v18;
	[tilespmem:v34+s6+$0x0] =	vst.idx.msk $0xffff, v33  }
0x3d0: {  	v23 =	vadd.s32 v6, v23;
	v22 =	vadd.f32 v30, v17;
	[tilespmem:v32+s6+$0x0] =	vst.idx.msk $0xffff, v28;
	v28 =	vld [tilespmem:s7+$0xFFFFFF80]  }
0x3d1: {  	v27 =	vbroadcast v27, $0x0;
	v30 =	vadd.s32 v7, v24;
	v31 =	vld [tilespmem:s7+$0xFFFFFF90];
	[tilespmem:v21+s6+$0x0] =	vst.idx.msk $0xffff, v46;
	v21 =	vadd.f32 v36, v18  }
0x3d2: {  	[tilespmem:v20+s6+$0x0] =	vst.idx.msk $0xffff, v22;
	v20 =	vadd.f32 v29, v17;
	v22 =	vadd.s32 v8, v24;
	v24 =	vld [tilespmem:s7+$0xFFFFFFA0]  }
0x3d3: {  	v25 =	vbroadcast v25, $0x0;
	v29 =	vld [tilespmem:s7+$0xFFFFFFB0];
	[tilespmem:v19+s6+$0x0] =	vst.idx.msk $0xffff, v21;
	v19 =	vadd.f32 v37, v18;
	v21 =	vadd.s32 v9, v27  }
0x3d4: {  	v49 =	vld [tilespmem:s7+$0xFFFFFFC0];
	v27 =	vadd.s32 v10, v27;
	[tilespmem:v47+s6+$0x0] =	vst.idx.msk $0xffff, v20;
	v20 =	vadd.f32 v48, v17  }
0x3d5: {  	v26 =	vbroadcast v26, $0x0;
	[tilespmem:v23+s6+$0x0] =	vst.idx.msk $0xffff, v19;
	v23 =	vadd.s32 v11, v25;
	v19 =	vadd.f32 v28, v18;
	v28 =	vld [tilespmem:s7+$0xFFFFFFD0]  }
0x3d6: {  	v25 =	vadd.s32 v12, v25;
	[tilespmem:v30+s6+$0x0] =	vst.idx.msk $0xffff, v20;
	v20 =	vadd.f32 v31, v17;
	v30 =	vld [tilespmem:s7+$0xFFFFFFE0]  }
0x3d7: {  	[tilespmem:v22+s6+$0x0] =	vst.idx.msk $0xffff, v19;
	v19 =	vadd.f32 v24, v18;
	v22 =	vadd.s32 v13, v26  }
0x3d8: {  	[tilespmem:v21+s6+$0x0] =	vst.idx.msk $0xffff, v20;
	v20 =	vadd.f32 v29, v17;
	v21 =	vadd.s32 v14, v26  }
0x3d9: {  	[tilespmem:v27+s6+$0x0] =	vst.idx.msk $0xffff, v19;
	v19 =	vadd.f32 v49, v18  }
0x3da: {  	s20 =	sshll.u32 s20, $0x11;
	[tilespmem:v23+s6+$0x0] =	vst.idx.msk $0xffff, v20;
	v17 =	vadd.f32 v28, v17  }
0x3db: {  	s7 =	sor.u32 s4, s20;
	v18 =	vadd.f32 v30, v18;
	[tilespmem:v25+s6+$0x0] =	vst.idx.msk $0xffff, v19  }
0x3dc: {  	s7 =	sshrl.u32 s7, $0x3;
	[tilespmem:v22+s6+$0x0] =	vst.idx.msk $0xffff, v17  }
0x3dd: {  	s7 =	sadd.s32 s2, s7;
	[tilespmem:v21+s6+$0x0] =	vst.idx.msk $0xffff, v18  }
0x3de: {  	[hbm4b:s7+s3] =	stream.linear.scatter [tilespmem:s6], [sflag:$0xB], $0x80, $0x38;
	[tilespmem:$0x14100] =	vst v63  }
0x3df: {  	s11 =	simm.s32 $0x11F88;
	s8 =	sadd.s32 $0x10, s7  }
0x3e0: {  	[hbm4b:s8+s3] =	stream.linear.scatter [tilespmem:s11], [sflag:$0xB], $0x80, $0x38;
	[tilespmem:$0x14100] =	vst v63  }
0x3e1: {  	s26 =	simm.s32 $0x12010;
	s23 =	sadd.s32 $0x20, s7  }
0x3e2: {  	[hbm4b:s23+s3] =	stream.linear.scatter [tilespmem:s26], [sflag:$0xB], $0x80, $0x38;
	[tilespmem:$0x14100] =	vst v63  }
0x3e3: {  	s20 =	simm.s32 $0x12098;
	s11 =	sadd.s32 $0x30, s7  }
0x3e4: {  	[hbm4b:s11+s3] =	stream.linear.scatter [tilespmem:s20], [sflag:$0xB], $0x80, $0x38;
	[tilespmem:$0x14100] =	vst v63  }
0x3e5: {  	s23 =	sadd.s32 $0x40, s7;
	s26 =	simm.s32 $0x12120  }
0x3e6: {  	[hbm4b:s23+s3] =	stream.linear.scatter [tilespmem:s26], [sflag:$0xB], $0x80, $0x38;
	[tilespmem:$0x14100] =	vst v63  }
0x3e7: {  	s11 =	sadd.s32 $0x50, s7;
	s20 =	simm.s32 $0x121A8  }
0x3e8: {  	[hbm4b:s11+s3] =	stream.linear.scatter [tilespmem:s20], [sflag:$0xB], $0x80, $0x38;
	[tilespmem:$0x14100] =	vst v63  }
0x3e9: {  	s23 =	sadd.s32 $0x60, s7;
	s26 =	simm.s32 $0x12230  }
0x3ea: {  	[hbm4b:s23+s3] =	stream.linear.scatter [tilespmem:s26], [sflag:$0xB], $0x80, $0x38;
	[tilespmem:$0x14100] =	vst v63  }
0x3eb: {  	s11 =	sadd.s32 $0x70, s7;
	s20 =	simm.s32 $0x122B8  }
0x3ec: {  	[hbm4b:s11+s3] =	stream.linear.scatter [tilespmem:s20], [sflag:$0xB], $0x80, $0x38;
	[tilespmem:$0x14100] =	vst v63  }
0x3ed: {  	s23 =	sadd.s32 $0x1000, s7;
	s26 =	simm.s32 $0x12340  }
0x3ee: {  	[hbm4b:s23+s3] =	stream.linear.scatter [tilespmem:s26], [sflag:$0xB], $0x80, $0x38;
	[tilespmem:$0x14100] =	vst v63  }
0x3ef: {  	s11 =	sadd.s32 $0x1010, s7;
	s20 =	simm.s32 $0x123C8  }
0x3f0: {  	[hbm4b:s11+s3] =	stream.linear.scatter [tilespmem:s20], [sflag:$0xB], $0x80, $0x38;
	[tilespmem:$0x14100] =	vst v63  }
0x3f1: {  	s23 =	sadd.s32 $0x1020, s7;
	s26 =	simm.s32 $0x12450  }
0x3f2: {  	[hbm4b:s23+s3] =	stream.linear.scatter [tilespmem:s26], [sflag:$0xB], $0x80, $0x38;
	[tilespmem:$0x14100] =	vst v63  }
0x3f3: {  	s11 =	sadd.s32 $0x1030, s7;
	s20 =	simm.s32 $0x124D8  }
0x3f4: {  	[hbm4b:s11+s3] =	stream.linear.scatter [tilespmem:s20], [sflag:$0xB], $0x80, $0x38;
	[tilespmem:$0x14100] =	vst v63  }
0x3f5: {  	s23 =	sadd.s32 $0x1040, s7;
	s26 =	simm.s32 $0x12560  }
0x3f6: {  	[hbm4b:s23+s3] =	stream.linear.scatter [tilespmem:s26], [sflag:$0xB], $0x80, $0x38;
	[tilespmem:$0x14100] =	vst v63  }
0x3f7: {  	s11 =	sadd.s32 $0x1050, s7;
	s20 =	simm.s32 $0x125E8  }
0x3f8: {  	[hbm4b:s11+s3] =	stream.linear.scatter [tilespmem:s20], [sflag:$0xB], $0x80, $0x38;
	[tilespmem:$0x14100] =	vst v63  }
0x3f9: {  	s23 =	sadd.s32 $0x1060, s7;
	s26 =	simm.s32 $0x12670  }
0x3fa: {  	[hbm4b:s23+s3] =	stream.linear.scatter [tilespmem:s26], [sflag:$0xB], $0x80, $0x38;
	[tilespmem:$0x14100] =	vst v63  }
0x3fb: {  	s11 =	sadd.s32 $0x1070, s7;
	s20 =	simm.s32 $0x126F8  }
0x3fc: {  	[hbm4b:s11+s3] =	stream.linear.scatter [tilespmem:s20], [sflag:$0xB], $0x80, $0x38;
	[tilespmem:$0x14100] =	vst v63  }
0x3fd: {  	s23 =	sadd.s32 $0x2000, s7;
	s26 =	simm.s32 $0x12780  }
0x3fe: {  	[hbm4b:s23+s3] =	stream.linear.scatter [tilespmem:s26], [sflag:$0xB], $0x80, $0x38;
	[tilespmem:$0x14100] =	vst v63  }
0x3ff: {  	s11 =	sadd.s32 $0x2010, s7;
	s20 =	simm.s32 $0x12808  }
0x400: {  	[hbm4b:s11+s3] =	stream.linear.scatter [tilespmem:s20], [sflag:$0xB], $0x80, $0x38;
	[tilespmem:$0x14100] =	vst v63  }
0x401: {  	s23 =	sadd.s32 $0x2020, s7;
	s26 =	simm.s32 $0x12890  }
0x402: {  	[hbm4b:s23+s3] =	stream.linear.scatter [tilespmem:s26], [sflag:$0xB], $0x80, $0x38;
	[tilespmem:$0x14100] =	vst v63  }
0x403: {  	s11 =	sadd.s32 $0x2030, s7;
	s20 =	simm.s32 $0x12918  }
0x404: {  	[hbm4b:s11+s3] =	stream.linear.scatter [tilespmem:s20], [sflag:$0xB], $0x80, $0x38;
	[tilespmem:$0x14100] =	vst v63  }
0x405: {  	s23 =	sadd.s32 $0x2040, s7;
	s26 =	simm.s32 $0x129A0  }
0x406: {  	[hbm4b:s23+s3] =	stream.linear.scatter [tilespmem:s26], [sflag:$0xB], $0x80, $0x38;
	[tilespmem:$0x14100] =	vst v63  }
0x407: {  	s11 =	sadd.s32 $0x2050, s7;
	s20 =	simm.s32 $0x12A28  }
0x408: {  	[hbm4b:s11+s3] =	stream.linear.scatter [tilespmem:s20], [sflag:$0xB], $0x80, $0x38;
	[tilespmem:$0x14100] =	vst v63  }
0x409: {  	s23 =	sadd.s32 $0x2060, s7;
	s26 =	simm.s32 $0x12AB0  }
0x40a: {  	[hbm4b:s23+s3] =	stream.linear.scatter [tilespmem:s26], [sflag:$0xB], $0x80, $0x38;
	[tilespmem:$0x14100] =	vst v63  }
0x40b: {  	s11 =	sadd.s32 $0x2070, s7;
	s20 =	simm.s32 $0x12B38  }
0x40c: {  	[hbm4b:s11+s3] =	stream.linear.scatter [tilespmem:s20], [sflag:$0xB], $0x80, $0x38;
	[tilespmem:$0x14100] =	vst v63  }
0x40d: {  	s23 =	sadd.s32 $0x3000, s7;
	s26 =	simm.s32 $0x12BC0  }
0x40e: {  	[hbm4b:s23+s3] =	stream.linear.scatter [tilespmem:s26], [sflag:$0xB], $0x80, $0x38;
	[tilespmem:$0x14100] =	vst v63  }
0x40f: {  	s11 =	sadd.s32 $0x3010, s7;
	s20 =	simm.s32 $0x12C48  }
0x410: {  	[hbm4b:s11+s3] =	stream.linear.scatter [tilespmem:s20], [sflag:$0xB], $0x80, $0x38;
	[tilespmem:$0x14100] =	vst v63  }
0x411: {  	s23 =	sadd.s32 $0x3020, s7;
	s26 =	simm.s32 $0x12CD0  }
0x412: {  	[hbm4b:s23+s3] =	stream.linear.scatter [tilespmem:s26], [sflag:$0xB], $0x80, $0x38;
	[tilespmem:$0x14100] =	vst v63  }
0x413: {  	s11 =	sadd.s32 $0x3030, s7;
	s20 =	simm.s32 $0x12D58  }
0x414: {  	[hbm4b:s11+s3] =	stream.linear.scatter [tilespmem:s20], [sflag:$0xB], $0x80, $0x38;
	[tilespmem:$0x14100] =	vst v63  }
0x415: {  	s23 =	sadd.s32 $0x3040, s7;
	s26 =	simm.s32 $0x12DE0  }
0x416: {  	[hbm4b:s23+s3] =	stream.linear.scatter [tilespmem:s26], [sflag:$0xB], $0x80, $0x38;
	[tilespmem:$0x14100] =	vst v63  }
0x417: {  	s11 =	sadd.s32 $0x3050, s7;
	s20 =	simm.s32 $0x12E68  }
0x418: {  	[hbm4b:s11+s3] =	stream.linear.scatter [tilespmem:s20], [sflag:$0xB], $0x80, $0x38;
	[tilespmem:$0x14100] =	vst v63  }
0x419: {  	s23 =	sadd.s32 $0x3060, s7;
	s26 =	simm.s32 $0x12EF0  }
0x41a: {  	[hbm4b:s23+s3] =	stream.linear.scatter [tilespmem:s26], [sflag:$0xB], $0x80, $0x38;
	[tilespmem:$0x14100] =	vst v63  }
0x41b: {  	s7 =	sadd.s32 $0x3070, s7;
	s11 =	simm.s32 $0x12F78  }
0x41c: {  	[hbm4b:s7+s3] =	stream.linear.scatter [tilespmem:s11], [sflag:$0xB], $0x80, $0x38;
	[tilespmem:$0x14100] =	vst v63  }
0x41d: {  	s8 =	simm.s32 @!p0 $0x80;
	s7 =	sadd.s32 @!p0 $0x600, s19;
	s11 =	simm.s32 @!p0 $0xBD00  }
0x41e: {  	[tilespmem:s11], [sflag:$0x5] =	stream.indirect.gather @!p0 [hbm4b:s5+s8], $0x20, s7, s8, $0xb8;
	[tilespmem:$0x14100] =	vst v63  }
0x41f: {  	_ =	swait.ge [sflag:s16], $0x1000  }
0x420: {  	s20 =	sshll.u32 s21, $0x5;
	s23 =	simm.s32 $0x0;
	[sflag:s16] =	ssyncset.done $0x0  }
0x421: {  	s26 =	simm.s32 $0x1;
	s7 =	sand.u32 $0x3FFFFFE0, s20;
	[sflag:s16] =	ssyncadd.s32 $0xFFFFF000  }
0x422: {  	v19 =	vmov s23;
	v20 =	vmov s26;
	s23 =	simm.s32 $0x3;
	s26 =	simm.s32 $0x4;
	v17 =	vld [tilespmem:s7+$0x6400]  }
0x423: {  	v22 =	vmov s23;
	v23 =	vmov s26;
	s23 =	simm.s32 $0x7;
	v18 =	vld [tilespmem:s7+$0x6410];
	_ =	swait.ge [sflag:s17], $0x1000  }
0x424: {  	v19 =	vshrl.u32 v19, $0x3;
	s26 =	simm.s32 $0x6;
	v20 =	vshrl.u32 v20, $0x3;
	v25 =	vmov s23;
	[sflag:s17] =	ssyncset.done $0x0  }
0x425: {  	v26 =	vmov s26;
	v19 =	vshll.u32 v19, v1;
	v22 =	vshrl.u32 v22, $0x3;
	s7 =	simm.s32 $0xEDF0;
	[sflag:s17] =	ssyncadd.s32 $0xFFFFF000  }
0x426: {  	v23 =	vshrl.u32 v23, $0x3;
	v20 =	vshll.u32 v20, v1;
	v25 =	vshrl.u32 v25, $0x3;
	v27 =	vld [tilespmem:s7+$0xFFFFFFF0]  }
0x427: {  	v19 =	vbroadcast v19, $0x0;
	v26 =	vshrl.u32 v26, $0x3;
	v25 =	vshll.u32 v25, v1;
	v28 =	vld [tilespmem:s7+$0x0]  }
0x428: {  	s20 =	simm.s32 $0x2;
	s11 =	simm.s32 $0x5;
	v22 =	vshll.u32 v22, v1;
	v23 =	vshll.u32 v23, v1;
	v25 =	vbroadcast v25, $0x0;
	v29 =	vld [tilespmem:s7+$0xFFFFFF10]  }
0x429: {  	v20 =	vbroadcast v20, $0x0;
	v21 =	vmov s20;
	v24 =	vmov s11;
	v31 =	vld [tilespmem:s7+$0xFFFFFF20]  }
0x42a: {  	v26 =	vshll.u32 v26, v1;
	v23 =	vbroadcast v23, $0x0;
	v30 =	vadd.s32 v15, v25;
	v51 =	vld [tilespmem:s7+$0xFFFFFF30]  }
0x42b: {  	v21 =	vshrl.u32 v21, $0x3;
	v24 =	vshrl.u32 v24, $0x3;
	v50 =	vadd.s32 v0, v19;
	v52 =	vld [tilespmem:s7+$0xFFFFFF40]  }
0x42c: {  	v19 =	vadd.s32 v2, v19;
	v53 =	vadd.s32 v3, v20;
	v25 =	vadd.s32 v16, v25;
	v54 =	vld [tilespmem:s7+$0xFFFFFF50]  }
0x42d: {  	v20 =	vadd.s32 v4, v20;
	v21 =	vshll.u32 v21, v1;
	v55 =	vld [tilespmem:s7+$0xFFFFFF60];
	v27 =	vadd.f32 v27, v17  }
0x42e: {  	v24 =	vshll.u32 v24, v1;
	v21 =	vbroadcast v21, $0x0;
	v59 =	vld [tilespmem:s7+$0xFFFFFFB0];
	v29 =	vadd.f32 v29, v17  }
0x42f: {  	v28 =	vadd.f32 v28, v18;
	[tilespmem:v30+s14+$0x0] =	vst.idx.msk $0xffff, v27;
	v27 =	vadd.f32 v31, v18;
	v31 =	vld [tilespmem:s7+$0xFFFFFF70]  }
0x430: {  	v22 =	vbroadcast v22, $0x0;
	v58 =	vadd.s32 v9, v23;
	v30 =	vadd.s32 v5, v21;
	[tilespmem:v50+s14+$0x0] =	vst.idx.msk $0xffff, v29;
	v29 =	vld [tilespmem:s7+$0xFFFFFF90]  }
0x431: {  	v21 =	vadd.s32 v6, v21;
	[tilespmem:v25+s14+$0x0] =	vst.idx.msk $0xffff, v28;
	v25 =	vadd.f32 v51, v17;
	v28 =	vld [tilespmem:s7+$0xFFFFFF80]  }
0x432: {  	v60 =	vbroadcast v24, $0x0;
	[tilespmem:v19+s14+$0x0] =	vst.idx.msk $0xffff, v27;
	v19 =	vadd.f32 v52, v18;
	v27 =	vadd.s32 v7, v22  }
0x433: {  	v22 =	vadd.s32 v8, v22;
	[tilespmem:v53+s14+$0x0] =	vst.idx.msk $0xffff, v25;
	v25 =	vadd.f32 v54, v17  }
0x434: {  	v61 =	vadd.s32 v11, v60;
	v57 =	vld [tilespmem:s7+$0xFFFFFFA0];
	[tilespmem:v20+s14+$0x0] =	vst.idx.msk $0xffff, v19;
	v20 =	vadd.f32 v55, v18  }
0x435: {  	v63 =	vadd.f32 v59, v17;
	[tilespmem:v30+s14+$0x0] =	vst.idx.msk $0xffff, v25;
	v24 =	vadd.f32 v31, v17  }
0x436: {  	v31 =	vld [tilespmem:s7+$0xFFFFFFC0];
	[tilespmem:v21+s14+$0x0] =	vst.idx.msk $0xffff, v20;
	v20 =	vadd.f32 v28, v18;
	v28 =	vadd.f32 v29, v17;
	v29 =	vbroadcast v26, $0x0  }
0x437: {  	v38 =	vld [tilespmem:s7+$0xFFFFFFD0];
	v30 =	vadd.s32 v10, v23;
	v25 =	vadd.s32 v12, v60;
	[tilespmem:v27+s14+$0x0] =	vst.idx.msk $0xffff, v24  }
0x438: {  	s11 =	simm.s32 $0x8;
	s20 =	simm.s32 $0x9;
	[tilespmem:v22+s14+$0x0] =	vst.idx.msk $0xffff, v20;
	v22 =	vadd.s32 v13, v29;
	v20 =	vadd.s32 v14, v29;
	v29 =	vld [tilespmem:s7+$0xFFFFFFE0]  }
0x439: {  	s23 =	simm.s32 $0xA;
	v56 =	vmov s11;
	v62 =	vadd.f32 v57, v18;
	v19 =	vmov s20;
	s20 =	simm.s32 $0xD  }
0x43a: {  	s26 =	simm.s32 $0xB;
	s11 =	simm.s32 $0xC;
	v23 =	vmov s23;
	[tilespmem:v61+s14+$0x0] =	vst.idx.msk $0xffff, v63;
	v21 =	vshrl.u32 v56, $0x3;
	v26 =	vmov s20  }
0x43b: {  	s23 =	simm.s32 $0xE;
	v24 =	vmov s26;
	v27 =	vmov s11;
	s26 =	simm.s32 $0xF;
	[tilespmem:v58+s14+$0x0] =	vst.idx.msk $0xffff, v28;
	v31 =	vadd.f32 v31, v18  }
0x43c: {  	s8 =	simm.s32 $0x10;
	v28 =	vmov s23;
	v32 =	vmov s26;
	[tilespmem:v30+s14+$0x0] =	vst.idx.msk $0xffff, v62;
	v30 =	vadd.f32 v38, v17  }
.LBB2_17:
0x43d: {  	p1 =	slt.u32 s8, $0x78;
	v21 =	vshll.u32 v21, v1;
	v32 =	vshrl.u32 v32, $0x3;
	[tilespmem:v25+s14+$0x0] =	vst.idx.msk $0xffff, v31;
	v25 =	vadd.f32 v29, v18  }
0x43e: {  	v19 =	vshrl.u32 v19, $0x3;
	v23 =	vshrl.u32 v23, $0x3;
	s7 =	sadd.s32 $0x100, s7;
	v29 =	vshll.u32 v32, v1;
	[tilespmem:v22+s14+$0x0] =	vst.idx.msk $0xffff, v30  }
0x43f: {  	v22 =	vshrl.u32 v24, $0x3;
	v24 =	vshrl.u32 v27, $0x3;
	v27 =	vld [tilespmem:s7+$0xFFFFFFF0];
	v29 =	vbroadcast v29, $0x0;
	[tilespmem:v20+s14+$0x0] =	vst.idx.msk $0xffff, v25  }
0x440: {  	v20 =	vbroadcast v21, $0x0;
	v21 =	vshrl.u32 v26, $0x3;
	v25 =	vshrl.u32 v28, $0x3;
	v26 =	vld [tilespmem:s7+$0x0]  }
0x441: {  	v19 =	vshll.u32 v19, v1;
	v23 =	vshll.u32 v23, v1;
	v28 =	vld [tilespmem:s7+$0xFFFFFF10];
	v30 =	vadd.s32 v15, v29  }
0x442: {  	v22 =	vshll.u32 v22, v1;
	v24 =	vshll.u32 v24, v1;
	v29 =	vadd.s32 v16, v29;
	v31 =	vld [tilespmem:s7+$0xFFFFFF20]  }
0x443: {  	v19 =	vbroadcast v19, $0x0;
	v21 =	vshll.u32 v21, v1;
	v32 =	vadd.s32 v0, v20;
	v33 =	vld [tilespmem:s7+$0xFFFFFF30]  }
0x444: {  	v25 =	vshll.u32 v25, v1;
	v20 =	vadd.s32 v2, v20;
	v34 =	vld [tilespmem:s7+$0xFFFFFF40];
	v27 =	vadd.f32 v27, v17  }
0x445: {  	v23 =	vbroadcast v23, $0x0;
	v35 =	vadd.s32 v3, v19;
	v36 =	vld [tilespmem:s7+$0xFFFFFF50];
	v26 =	vadd.f32 v26, v18  }
0x446: {  	v19 =	vadd.s32 v4, v19;
	v28 =	vadd.f32 v28, v17;
	v37 =	vld [tilespmem:s7+$0xFFFFFF60];
	[tilespmem:v30+s14+$0x0] =	vst.idx.msk $0xffff, v27  }
0x447: {  	v22 =	vbroadcast v22, $0x0;
	v30 =	vadd.s32 v5, v23;
	v27 =	vadd.f32 v31, v18;
	v31 =	vld [tilespmem:s7+$0xFFFFFF70];
	[tilespmem:v29+s14+$0x0] =	vst.idx.msk $0xffff, v26  }
0x448: {  	v23 =	vadd.s32 v6, v23;
	[tilespmem:v32+s14+$0x0] =	vst.idx.msk $0xffff, v28;
	v26 =	vadd.f32 v33, v17;
	v28 =	vld [tilespmem:s7+$0xFFFFFF80]  }
0x449: {  	v24 =	vbroadcast v24, $0x0;
	[tilespmem:v20+s14+$0x0] =	vst.idx.msk $0xffff, v27;
	v20 =	vadd.f32 v34, v18;
	v27 =	vadd.s32 v7, v22;
	v29 =	vld [tilespmem:s7+$0xFFFFFF90]  }
0x44a: {  	v32 =	vmov s8;
	v22 =	vadd.s32 v8, v22;
	[tilespmem:v35+s14+$0x0] =	vst.idx.msk $0xffff, v26;
	v26 =	vadd.f32 v36, v17;
	v33 =	vld [tilespmem:s7+$0xFFFFFFA0]  }
0x44b: {  	v35 =	vbroadcast v21, $0x0;
	[tilespmem:v19+s14+$0x0] =	vst.idx.msk $0xffff, v20;
	v19 =	vadd.f32 v37, v18;
	v20 =	vadd.s32 v9, v24;
	v34 =	vld [tilespmem:s7+$0xFFFFFFB0]  }
0x44c: {  	v21 =	vshrl.u32 v32, $0x3;
	[tilespmem:v30+s14+$0x0] =	vst.idx.msk $0xffff, v26;
	v26 =	vadd.f32 v31, v17;
	v30 =	vadd.s32 v10, v24;
	v31 =	vld [tilespmem:s7+$0xFFFFFFC0]  }
0x44d: {  	s11 =	sadd.s32 $0x1, s8;
	v36 =	vadd.s32 v11, v35;
	[tilespmem:v23+s14+$0x0] =	vst.idx.msk $0xffff, v19;
	v24 =	vadd.f32 v28, v18;
	v37 =	vld [tilespmem:s7+$0xFFFFFFD0];
	v28 =	vbroadcast v25, $0x0  }
.Ltmp9:
0x44e: {  	v19 =	vmov s11;
	s11 =	sadd.s32 $0x2, s8;
	v25 =	vadd.s32 v12, v35;
	[tilespmem:v27+s14+$0x0] =	vst.idx.msk $0xffff, v26;
	v26 =	vadd.f32 v29, v17;
	v29 =	vld [tilespmem:s7+$0xFFFFFFE0];
	(pc) =	sbr.rel @p1 .LBB2_17-.Ltmp9, $4  }
0x44f: {  	v23 =	vmov s11;
	s11 =	sadd.s32 $0x3, s8;
	[tilespmem:v22+s14+$0x0] =	vst.idx.msk $0xffff, v24;
	v32 =	vadd.f32 v33, v18;
	v22 =	vadd.s32 v13, v28  }
0x450: {  	s20 =	sadd.s32 $0x5, s8;
	v24 =	vmov s11;
	s11 =	sadd.s32 $0x4, s8;
	[tilespmem:v20+s14+$0x0] =	vst.idx.msk $0xffff, v26;
	v33 =	vadd.f32 v34, v17;
	v20 =	vadd.s32 v14, v28  }
0x451: {  	v27 =	vmov s11;
	v26 =	vmov s20;
	s11 =	sadd.s32 $0x6, s8;
	s20 =	sadd.s32 $0x7, s8;
	[tilespmem:v30+s14+$0x0] =	vst.idx.msk $0xffff, v32;
	v31 =	vadd.f32 v31, v18  }
0x452: {  	s8 =	sadd.s32 $0x8, s8;
	v28 =	vmov s11;
	v32 =	vmov s20;
	[tilespmem:v36+s14+$0x0] =	vst.idx.msk $0xffff, v33;
	v30 =	vadd.f32 v37, v17  }
0x453: {  	v21 =	vshll.u32 v21, v1;
	v32 =	vshrl.u32 v32, $0x3  }
0x454: {  	v29 =	vadd.f32 v29, v18;
	v19 =	vshrl.u32 v19, $0x3;
	v23 =	vshrl.u32 v23, $0x3;
	s7 =	sadd.s32 $0x100, s7  }
0x455: {  	v24 =	vshrl.u32 v24, $0x3;
	v27 =	vshrl.u32 v27, $0x3;
	v58 =	vshrl.u32 v26, $0x3;
	v33 =	vld [tilespmem:s7+$0xFFFFFFF0]  }
0x456: {  	v59 =	vshrl.u32 v28, $0x3;
	v32 =	vshll.u32 v32, v1;
	v21 =	vbroadcast v21, $0x0;
	v61 =	vld [tilespmem:s7+$0xFFFFFF10]  }
0x457: {  	v60 =	vld [tilespmem:s7+$0x0];
	v19 =	vshll.u32 v19, v1;
	v23 =	vshll.u32 v23, v1;
	v32 =	vbroadcast v32, $0x0  }
0x458: {  	v35 =	vld [tilespmem:s7+$0xFFFFFF20];
	v24 =	vshll.u32 v24, v1;
	v27 =	vshll.u32 v27, v1;
	v62 =	vadd.s32 v0, v21  }
0x459: {  	[tilespmem:v25+s14+$0x0] =	vst.idx.msk $0xffff, v31;
	v63 =	vld [tilespmem:s7+$0xFFFFFF30];
	v25 =	vshll.u32 v58, v1;
	v19 =	vbroadcast v19, $0x0;
	v34 =	vadd.s32 v15, v32  }
0x45a: {  	v26 =	vshll.u32 v59, v1;
	v41 =	vld [tilespmem:s7+$0xFFFFFF50];
	v23 =	vbroadcast v23, $0x0;
	v21 =	vadd.s32 v2, v21  }
0x45b: {  	[tilespmem:v22+s14+$0x0] =	vst.idx.msk $0xffff, v30;
	v44 =	vld [tilespmem:s7+$0xFFFFFF70];
	v24 =	vbroadcast v24, $0x0;
	v40 =	vadd.s32 v3, v19;
	v31 =	vadd.f32 v61, v17  }
0x45c: {  	v36 =	vld [tilespmem:s7+$0xFFFFFF40];
	[tilespmem:v20+s14+$0x0] =	vst.idx.msk $0xffff, v29;
	v43 =	vadd.s32 v5, v23;
	v33 =	vadd.f32 v33, v17  }
0x45d: {  	v49 =	vld [tilespmem:s7+$0xFFFFFF90];
	v27 =	vbroadcast v27, $0x0;
	v48 =	vadd.s32 v7, v24;
	v42 =	vadd.f32 v35, v18;
	[tilespmem:v62+s14+$0x0] =	vst.idx.msk $0xffff, v31  }
0x45e: {  	v37 =	vld [tilespmem:s7+$0xFFFFFF60];
	v19 =	vadd.s32 v4, v19;
	v45 =	vadd.f32 v63, v17;
	[tilespmem:v34+s14+$0x0] =	vst.idx.msk $0xffff, v33  }
0x45f: {  	v53 =	vadd.s32 v9, v27;
	v50 =	vadd.f32 v41, v17;
	[tilespmem:v21+s14+$0x0] =	vst.idx.msk $0xffff, v42  }
0x460: {  	v46 =	vld [tilespmem:s7+$0xFFFFFF80];
	v23 =	vadd.s32 v6, v23;
	v55 =	vadd.f32 v44, v17;
	[tilespmem:v40+s14+$0x0] =	vst.idx.msk $0xffff, v45  }
0x461: {  	v54 =	vld [tilespmem:s7+$0xFFFFFFB0];
	v25 =	vbroadcast v25, $0x0;
	v32 =	vadd.s32 v16, v32;
	v47 =	vadd.f32 v36, v18;
	[tilespmem:v43+s14+$0x0] =	vst.idx.msk $0xffff, v50  }
0x462: {  	v52 =	vld [tilespmem:s7+$0xFFFFFFA0];
	v51 =	vadd.s32 v8, v24;
	v59 =	vadd.f32 v49, v17;
	[tilespmem:v48+s14+$0x0] =	vst.idx.msk $0xffff, v55  }
0x463: {  	v58 =	vld [tilespmem:s7+$0xFFFFFFD0];
	v26 =	vbroadcast v26, $0x0;
	v57 =	vadd.s32 v11, v25;
	[tilespmem:v19+s14+$0x0] =	vst.idx.msk $0xffff, v47;
	v19 =	vadd.f32 v37, v18  }
0x464: {  	v56 =	vld [tilespmem:s7+$0xFFFFFFC0];
	v27 =	vadd.s32 v10, v27;
	v28 =	vadd.f32 v60, v18;
	[tilespmem:v53+s14+$0x0] =	vst.idx.msk $0xffff, v59  }
0x465: {  	v60 =	vld [tilespmem:s7+$0xFFFFFFE0];
	v61 =	vadd.s32 v13, v26;
	[tilespmem:v23+s14+$0x0] =	vst.idx.msk $0xffff, v19;
	v19 =	vadd.f32 v46, v18  }
0x466: {  	v25 =	vadd.s32 v12, v25;
	v62 =	vadd.f32 v54, v17;
	[tilespmem:v32+s14+$0x0] =	vst.idx.msk $0xffff, v28  }
0x467: {  	v63 =	vadd.s32 v14, v26;
	[tilespmem:v51+s14+$0x0] =	vst.idx.msk $0xffff, v19;
	v19 =	vadd.f32 v52, v18  }
0x468: {  	v17 =	vadd.f32 v58, v17;
	[tilespmem:v57+s14+$0x0] =	vst.idx.msk $0xffff, v62  }
0x469: {  	s21 =	sshll.u32 s21, $0x11;
	[tilespmem:v27+s14+$0x0] =	vst.idx.msk $0xffff, v19;
	v19 =	vadd.f32 v56, v18  }
0x46a: {  	s7 =	sor.u32 s4, s21;
	[tilespmem:v61+s14+$0x0] =	vst.idx.msk $0xffff, v17;
	v18 =	vadd.f32 v60, v18  }
0x46b: {  	s7 =	sshrl.u32 s7, $0x3;
	[tilespmem:v25+s14+$0x0] =	vst.idx.msk $0xffff, v19  }
0x46c: {  	s7 =	sadd.s32 s2, s7;
	[tilespmem:v63+s14+$0x0] =	vst.idx.msk $0xffff, v18  }
0x46d: {  	[hbm4b:s7+s3] =	stream.linear.scatter [tilespmem:s14], [sflag:$0xC], $0x80, $0x38;
	[tilespmem:$0x14100] =	vst v63  }
0x46e: {  	s11 =	simm.s32 $0x13088;
	s8 =	sadd.s32 $0x10, s7  }
0x46f: {  	[hbm4b:s8+s3] =	stream.linear.scatter [tilespmem:s11], [sflag:$0xC], $0x80, $0x38;
	[tilespmem:$0x14100] =	vst v63  }
0x470: {  	s26 =	simm.s32 $0x13110;
	s23 =	sadd.s32 $0x20, s7  }
0x471: {  	[hbm4b:s23+s3] =	stream.linear.scatter [tilespmem:s26], [sflag:$0xC], $0x80, $0x38;
	[tilespmem:$0x14100] =	vst v63  }
0x472: {  	s21 =	simm.s32 $0x13198;
	s20 =	sadd.s32 $0x30, s7  }
0x473: {  	[hbm4b:s20+s3] =	stream.linear.scatter [tilespmem:s21], [sflag:$0xC], $0x80, $0x38;
	[tilespmem:$0x14100] =	vst v63  }
0x474: {  	s23 =	sadd.s32 $0x40, s7;
	s26 =	simm.s32 $0x13220  }
0x475: {  	[hbm4b:s23+s3] =	stream.linear.scatter [tilespmem:s26], [sflag:$0xC], $0x80, $0x38;
	[tilespmem:$0x14100] =	vst v63  }
0x476: {  	s20 =	sadd.s32 $0x50, s7;
	s21 =	simm.s32 $0x132A8  }
0x477: {  	[hbm4b:s20+s3] =	stream.linear.scatter [tilespmem:s21], [sflag:$0xC], $0x80, $0x38;
	[tilespmem:$0x14100] =	vst v63  }
0x478: {  	s23 =	sadd.s32 $0x60, s7;
	s26 =	simm.s32 $0x13330  }
0x479: {  	[hbm4b:s23+s3] =	stream.linear.scatter [tilespmem:s26], [sflag:$0xC], $0x80, $0x38;
	[tilespmem:$0x14100] =	vst v63  }
0x47a: {  	s20 =	sadd.s32 $0x70, s7;
	s21 =	simm.s32 $0x133B8  }
0x47b: {  	[hbm4b:s20+s3] =	stream.linear.scatter [tilespmem:s21], [sflag:$0xC], $0x80, $0x38;
	[tilespmem:$0x14100] =	vst v63  }
0x47c: {  	s23 =	sadd.s32 $0x1000, s7;
	s26 =	simm.s32 $0x13440  }
0x47d: {  	[hbm4b:s23+s3] =	stream.linear.scatter [tilespmem:s26], [sflag:$0xC], $0x80, $0x38;
	[tilespmem:$0x14100] =	vst v63  }
0x47e: {  	s20 =	sadd.s32 $0x1010, s7;
	s21 =	simm.s32 $0x134C8  }
0x47f: {  	[hbm4b:s20+s3] =	stream.linear.scatter [tilespmem:s21], [sflag:$0xC], $0x80, $0x38;
	[tilespmem:$0x14100] =	vst v63  }
0x480: {  	s23 =	sadd.s32 $0x1020, s7;
	s26 =	simm.s32 $0x13550  }
0x481: {  	[hbm4b:s23+s3] =	stream.linear.scatter [tilespmem:s26], [sflag:$0xC], $0x80, $0x38;
	[tilespmem:$0x14100] =	vst v63  }
0x482: {  	s20 =	sadd.s32 $0x1030, s7;
	s21 =	simm.s32 $0x135D8  }
0x483: {  	[hbm4b:s20+s3] =	stream.linear.scatter [tilespmem:s21], [sflag:$0xC], $0x80, $0x38;
	[tilespmem:$0x14100] =	vst v63  }
0x484: {  	s23 =	sadd.s32 $0x1040, s7;
	s26 =	simm.s32 $0x13660  }
0x485: {  	[hbm4b:s23+s3] =	stream.linear.scatter [tilespmem:s26], [sflag:$0xC], $0x80, $0x38;
	[tilespmem:$0x14100] =	vst v63  }
0x486: {  	s20 =	sadd.s32 $0x1050, s7;
	s21 =	simm.s32 $0x136E8  }
0x487: {  	[hbm4b:s20+s3] =	stream.linear.scatter [tilespmem:s21], [sflag:$0xC], $0x80, $0x38;
	[tilespmem:$0x14100] =	vst v63  }
0x488: {  	s23 =	sadd.s32 $0x1060, s7;
	s26 =	simm.s32 $0x13770  }
0x489: {  	[hbm4b:s23+s3] =	stream.linear.scatter [tilespmem:s26], [sflag:$0xC], $0x80, $0x38;
	[tilespmem:$0x14100] =	vst v63  }
0x48a: {  	s20 =	sadd.s32 $0x1070, s7;
	s21 =	simm.s32 $0x137F8  }
0x48b: {  	[hbm4b:s20+s3] =	stream.linear.scatter [tilespmem:s21], [sflag:$0xC], $0x80, $0x38;
	[tilespmem:$0x14100] =	vst v63  }
0x48c: {  	s23 =	sadd.s32 $0x2000, s7;
	s26 =	simm.s32 $0x13880  }
0x48d: {  	[hbm4b:s23+s3] =	stream.linear.scatter [tilespmem:s26], [sflag:$0xC], $0x80, $0x38;
	[tilespmem:$0x14100] =	vst v63  }
0x48e: {  	s20 =	sadd.s32 $0x2010, s7;
	s21 =	simm.s32 $0x13908  }
0x48f: {  	[hbm4b:s20+s3] =	stream.linear.scatter [tilespmem:s21], [sflag:$0xC], $0x80, $0x38;
	[tilespmem:$0x14100] =	vst v63  }
0x490: {  	s23 =	sadd.s32 $0x2020, s7;
	s26 =	simm.s32 $0x13990  }
0x491: {  	[hbm4b:s23+s3] =	stream.linear.scatter [tilespmem:s26], [sflag:$0xC], $0x80, $0x38;
	[tilespmem:$0x14100] =	vst v63  }
0x492: {  	s20 =	sadd.s32 $0x2030, s7;
	s21 =	simm.s32 $0x13A18  }
0x493: {  	[hbm4b:s20+s3] =	stream.linear.scatter [tilespmem:s21], [sflag:$0xC], $0x80, $0x38;
	[tilespmem:$0x14100] =	vst v63  }
0x494: {  	s23 =	sadd.s32 $0x2040, s7;
	s26 =	simm.s32 $0x13AA0  }
0x495: {  	[hbm4b:s23+s3] =	stream.linear.scatter [tilespmem:s26], [sflag:$0xC], $0x80, $0x38;
	[tilespmem:$0x14100] =	vst v63  }
0x496: {  	s20 =	sadd.s32 $0x2050, s7;
	s21 =	simm.s32 $0x13B28  }
0x497: {  	[hbm4b:s20+s3] =	stream.linear.scatter [tilespmem:s21], [sflag:$0xC], $0x80, $0x38;
	[tilespmem:$0x14100] =	vst v63  }
0x498: {  	s23 =	sadd.s32 $0x2060, s7;
	s26 =	simm.s32 $0x13BB0  }
0x499: {  	[hbm4b:s23+s3] =	stream.linear.scatter [tilespmem:s26], [sflag:$0xC], $0x80, $0x38;
	[tilespmem:$0x14100] =	vst v63  }
0x49a: {  	s20 =	sadd.s32 $0x2070, s7;
	s21 =	simm.s32 $0x13C38  }
0x49b: {  	[hbm4b:s20+s3] =	stream.linear.scatter [tilespmem:s21], [sflag:$0xC], $0x80, $0x38;
	[tilespmem:$0x14100] =	vst v63  }
0x49c: {  	s23 =	sadd.s32 $0x3000, s7;
	s26 =	simm.s32 $0x13CC0  }
0x49d: {  	[hbm4b:s23+s3] =	stream.linear.scatter [tilespmem:s26], [sflag:$0xC], $0x80, $0x38;
	[tilespmem:$0x14100] =	vst v63  }
0x49e: {  	s20 =	sadd.s32 $0x3010, s7;
	s21 =	simm.s32 $0x13D48  }
0x49f: {  	[hbm4b:s20+s3] =	stream.linear.scatter [tilespmem:s21], [sflag:$0xC], $0x80, $0x38;
	[tilespmem:$0x14100] =	vst v63  }
0x4a0: {  	s23 =	sadd.s32 $0x3020, s7;
	s26 =	simm.s32 $0x13DD0  }
0x4a1: {  	[hbm4b:s23+s3] =	stream.linear.scatter [tilespmem:s26], [sflag:$0xC], $0x80, $0x38;
	[tilespmem:$0x14100] =	vst v63  }
0x4a2: {  	s20 =	sadd.s32 $0x3030, s7;
	s21 =	simm.s32 $0x13E58  }
0x4a3: {  	[hbm4b:s20+s3] =	stream.linear.scatter [tilespmem:s21], [sflag:$0xC], $0x80, $0x38;
	[tilespmem:$0x14100] =	vst v63  }
0x4a4: {  	s23 =	sadd.s32 $0x3040, s7;
	s26 =	simm.s32 $0x13EE0  }
0x4a5: {  	[hbm4b:s23+s3] =	stream.linear.scatter [tilespmem:s26], [sflag:$0xC], $0x80, $0x38;
	[tilespmem:$0x14100] =	vst v63  }
0x4a6: {  	s11 =	sadd.s32 $0x3050, s7;
	s20 =	simm.s32 $0x13F68  }
0x4a7: {  	[hbm4b:s11+s3] =	stream.linear.scatter [tilespmem:s20], [sflag:$0xC], $0x80, $0x38;
	[tilespmem:$0x14100] =	vst v63  }
.Ltmp10:
0x4a8: {  	_ = 	snop;
	(pc) =	sbr.rel @p0 .LBB2_20-.Ltmp10, $4  }
0x4a9: {  	s21 =	sadd.s32 $0x3060, s7;
	s23 =	simm.s32 $0x13FF0  }
0x4aa: {  	[hbm4b:s21+s3] =	stream.linear.scatter [tilespmem:s23], [sflag:$0xC], $0x80, $0x38;
	[tilespmem:$0x14100] =	vst v63  }
0x4ab: {  	s7 =	sadd.s32 $0x3070, s7;
	s26 =	simm.s32 $0x14078  }
0x4ac: {  	[hbm4b:s7+s3] =	stream.linear.scatter [tilespmem:s26], [sflag:$0xC], $0x80, $0x38;
	[tilespmem:$0x14100] =	vst v63  }
.Ltmp11:
0x4ad: {  	(pc) =	sbr.rel .LBB2_2-.Ltmp11, $3  }
0x4ae: {  	_ =	sdelay $0x1  }
0x4af: {  	s7 =	sadd.s32 $0x680, s19;
	s8 =	simm.s32 $0xCD00;
	s18 =	sadd.s32 $0x1, s18  }
0x4b0: {  	[tilespmem:s8], [sflag:$0x6] =	stream.indirect.gather [hbm4b:s5+s13], $0x20, s7, s13, $0xb8;
	[tilespmem:$0x14100] =	vst v63  }
.LBB2_21:
0x4b1: {  	_ =	sfence.sel $0x180000  }
0x4b2: {  	[bflag:$0x0] =	sbarrier.arrive $0xFFFF  }
0x4b3: {  	_ =	strace $0x90000047  }
0x4b4: {  	s0 =	stileid.u32;
	[bflag:$0x2] =	sbarrier.arrive $0xFFFF  }
0x4b5: {  	p0 =	sne.s32 s0, $0x0;
	s0 =	rddreg [dreg:$0x3]  }
0x4b6: {  	s0 =	sadd.s32 @!p0 $0x100000, s0  }
0x4b7: {  	[sflag:s0] =	ssyncadd.tile.s32 @!p0 $0x1;
	_ =	shalt  }
.Lfunc_end2:
_tile_overlayer_lowered:
.L_overlay_start_2:
0x4b8: {  	(tag) =	ssettag $0x2  }
0x4b9: {  	s0 =	rddreg [dreg:$0x0];
	s2 =	stileid.u32  }
0x4ba: {  	s1 =	rddreg [dreg:$0x1];
	p0 =	sne.s32 s2, $0x0  }
0x4bb: {  	s3 =	rddreg [dreg:$0x2];
	[bflag:$0x3] =	sbarrier.arrive $0xFFFF;
	s2 =	simm.s32 @!p0 $0x1C0D  }
0x4bc: {  	[timem:s3], [sflag:s2] =	dma.local @!p0 [hbm:s0], s1  }
0x4bd: {  	s0 =	simm.s32 @!p0 $0xD  }
0x4be: {  	_ =	swait.ge @!p0 [sflag:s0], s1  }
0x4bf: {  	s1 =	ssub.s32 @!p0 $0x0, s1;
	[sflag:s0] =	ssyncset.done @!p0 $0x0  }
0x4c0: {  	[sflag:s0] =	ssyncadd.s32 @!p0 s1  }
0x4c1: {  	[bflag:$0x3] =	sbarrier.arrive $0xFFFF  }
0x4c2: {  	_ =	shalt  }

</sc_bundles>
